<compile_context>
chip_gen: v7x
topology: tpu7x:2x2x1
jax: 0.10.2.dev20260603
libtpu: 0.0.44.dev20260713+nightly
codegen_flags: <defaults>
</compile_context>

<pallas_src>
import jax
import jax.numpy as jnp
from jax import lax
from jax.experimental import pallas as pl
from jax.experimental.pallas import tpu as pltpu
from jax.experimental.pallas import tpu_sc as plsc

BATCH = 64
CIN = 128
C = 256
V = 256
K = 16

NSPLIT = 2
HALF = BATCH // NSPLIT
NSUB = 32
SLAB = 128


def _pairwise_kernel(x_ref, w_ref, b_ref, a1_ref, a2_ref,
                     p_ref, t1_ref, t2_ref):
    x_b = x_ref[0]
    pre = jnp.dot(w_ref[...], x_b, preferred_element_type=jnp.float32)
    pre = pre + b_ref[...]
    g = jax.lax.dot_general(pre, pre, (((0,), (0,)), ((), ())),
                            preferred_element_type=jnp.float32)
    d = jnp.sum(pre * pre, axis=0, keepdims=True)
    inner = -2.0 * g
    p_ref[0] = (-d - inner) - jnp.transpose(d)
    t1_ref[0] = jnp.dot(a1_ref[...], pre, preferred_element_type=jnp.float32)
    t2_ref[0] = jnp.dot(a2_ref[...], pre, preferred_element_type=jnp.float32)


def _merge16(ak, av, bk, bv):
    rbk = lax.rev(bk, (0,))
    rbv = lax.rev(bv, (0,))
    cm = ak >= rbk
    mk = jnp.where(cm, ak, rbk)
    mv = jnp.where(cm, av, rbv)
    return plsc.sort_key_val(mk, mv, descending=True)


def _make_sc_topk(rows):
    rpw = rows // NSUB
    nslab = rpw // SLAB

    def _sc_topk_body(p_hbm, t2_hbm, out_hbm, slab_buf, t2_buf, out_buf):
        wid = lax.axis_index("s") * 2 + lax.axis_index("c")
        base_row = wid * rpw
        pltpu.sync_copy(t2_hbm.at[pl.ds(base_row, rpw)], t2_buf)
        iota16 = lax.broadcasted_iota(jnp.int32, (16,), 0)
        for slab in range(nslab):
            row0 = base_row + slab * SLAB
            pltpu.sync_copy(p_hbm.at[pl.ds(row0, SLAB)], slab_buf)

            @plsc.parallel_loop(0, SLAB, unroll=2)
            def row_body(r, slab=slab):
                lists = []
                for c in range(V // 16):
                    vals = slab_buf[r, pl.ds(16 * c, 16)]
                    kk, vv = plsc.sort_key_val(vals, iota16 + 16 * c,
                                               descending=True)
                    lists.append((kk, vv))
                while len(lists) > 1:
                    nxt = []
                    for i in range(0, len(lists), 2):
                        ak, av = lists[i]
                        bk, bv = lists[i + 1]
                        nxt.append(_merge16(ak, av, bk, bv))
                    lists = nxt
                top_idx = lists[0][1]
                rsub = slab * SLAB + r
                adj = top_idx + jnp.bitwise_and(rsub, 256)
                tvals = plsc.load_gather(t2_buf, [adj])
                out_buf[r, :] = tvals

            pltpu.sync_copy(out_buf, out_hbm.at[pl.ds(row0, SLAB)])

    return pl.kernel(
        _sc_topk_body,
        out_type=jax.ShapeDtypeStruct((rows, K), jnp.float32),
        mesh=plsc.VectorSubcoreMesh(core_axis_name="c", subcore_axis_name="s"),
        scratch_types=[
            pltpu.VMEM((SLAB, V), jnp.float32),
            pltpu.VMEM((rpw,), jnp.float32),
            pltpu.VMEM((SLAB, K), jnp.float32),
        ],
        compiler_params=pltpu.CompilerParams(needs_layout_passes=False),
    )


def _softmax0_kernel(*refs):
    s_refs = refs[:NSPLIT]
    t_refs = refs[NSPLIT:2 * NSPLIT]
    out_ref = refs[-1]
    parts = []
    for s_ref, t_ref in zip(s_refs, t_refs):
        parts.append(s_ref[...] + jnp.concatenate([t_ref[...]] * K, axis=1))
    s = jnp.concatenate(parts, axis=0)
    m = jnp.max(s, axis=0, keepdims=True)
    e = jnp.exp(s - m)
    out_ref[...] = e / jnp.sum(e, axis=0, keepdims=True)


def kernel(x, W, b, a):
    a1 = a[:C, 0].reshape(1, C)
    a2 = a[C:, 0].reshape(1, C)
    b2 = b.reshape(C, 1)
    sc_topk = _make_sc_topk(HALF * V)

    def half(x_half):
        rows = HALF * V
        p, t1, t2 = pl.pallas_call(
            _pairwise_kernel,
            grid=(HALF,),
            in_specs=[
                pl.BlockSpec((1, CIN, V), lambda i: (i, 0, 0)),
                pl.BlockSpec((C, CIN), lambda i: (0, 0)),
                pl.BlockSpec((C, 1), lambda i: (0, 0)),
                pl.BlockSpec((1, C), lambda i: (0, 0)),
                pl.BlockSpec((1, C), lambda i: (0, 0)),
            ],
            out_specs=[
                pl.BlockSpec((1, V, V), lambda i: (i, 0, 0)),
                pl.BlockSpec((1, 1, V), lambda i: (i, 0, 0)),
                pl.BlockSpec((1, 1, V), lambda i: (i, 0, 0)),
            ],
            out_shape=[
                jax.ShapeDtypeStruct((HALF, V, V), jnp.float32),
                jax.ShapeDtypeStruct((HALF, 1, V), jnp.float32),
                jax.ShapeDtypeStruct((HALF, 1, V), jnp.float32),
            ],
        )(x_half, W, b2, a1, a2)
        s2 = sc_topk(p.reshape(rows, V), t2.reshape(rows))
        return s2, t1

    s2s, t1s = [], []
    for i in range(NSPLIT):
        s2_i, t1_i = half(x[i * HALF:(i + 1) * HALF])
        s2s.append(s2_i.reshape(HALF, V * K))
        t1s.append(t1_i.reshape(HALF, V))
    h = pl.pallas_call(
        _softmax0_kernel,
        out_shape=jax.ShapeDtypeStruct((BATCH, V * K), jnp.float32),
    )(*s2s, *t1s)
    return h.reshape(BATCH, V, K)

# --- scband reference (transcript-rebuilt; emitter-appended) ---
"""Pipeline reference for scband-hgat-5025111736685 (READ-ONLY COPY).

The authoritative reference and input builder live on the scoring server;
editing this copy changes nothing except your own understanding.
"""

import jax, jax.numpy as jnp
import numpy as np

BATCH = 64
IN_CHANNELS = 128
ALPHA = 2
REL = IN_CHANNELS * ALPHA
NUM_POINT = 256
NUM_HYPEREDGE = 16


def setup_inputs(seed: int = 0) -> dict:
    key = jax.random.key(seed)
    k1, k2, k3, k4 = jax.random.split(key, 4)
    x = jax.random.normal(k1, (BATCH, IN_CHANNELS, NUM_POINT), dtype=jnp.float32)
    # Conv1d(in_channels, rel_channels, kernel=1) == pointwise linear over channel dim
    W = jax.random.normal(k2, (REL, IN_CHANNELS), dtype=jnp.float32) * (1.0 / np.sqrt(IN_CHANNELS))
    b = jax.random.normal(k3, (REL,), dtype=jnp.float32) * 0.01
    a = jax.random.normal(k4, (REL * 2, 1), dtype=jnp.float32)
    return {"x": x, "W": W, "b": b, "a": a}


def reference(x, W, b, a):
    k = NUM_HYPEREDGE
    # pre = self.em(x): Conv1d with kernel size 1
    pre = jnp.einsum('bcv,oc->bov', x, W) + b[None, :, None]  # (B, C, V)
    B, C, V = pre.shape
    # knn(pre, k): negative squared pairwise distance, topk indices
    inner = -2.0 * jnp.einsum('bcv,bcw->bvw', pre, pre)
    xx = jnp.sum(pre ** 2, axis=1, keepdims=True)  # (B, 1, V)
    pairwise = -xx - inner - jnp.transpose(xx, (0, 2, 1))  # (B, V, V)
    _, idx = jax.lax.top_k(pairwise, k)  # (B, V, k) int32
    # get_graph_feature: gather neighbor features
    x_t = jnp.transpose(pre, (0, 2, 1))  # (B, V, C)
    idx_flat = idx.reshape(B, V * k)
    feature = jnp.take_along_axis(x_t, idx_flat[:, :, None], axis=1)  # (B, V*k, C)
    feature = feature.reshape(B, V, k, C)
    # pre.repeat(1,1,k).transpose(-1,-2).reshape(b,v,k,c)  (faithful: tile then reshape)
    pre_rep = jnp.tile(pre, (1, 1, k))  # (B, C, V*k)
    pre_rep = jnp.transpose(pre_rep, (0, 2, 1)).reshape(B, V, k, C)
    s = jnp.concatenate([pre_rep, feature], axis=-1)  # (B, V, k, 2C)
    s = jnp.einsum('bvkc,co->bvko', s, a).mean(-1)  # (B, V, k)
    # torch F.softmax with no dim on a 3-D tensor defaults to dim=0
    H = jax.nn.softmax(s, axis=0)
    return H

if __name__ == "__main__":
    import jax
    _d = setup_inputs()
    print(jax.jit(kernel)(*tuple(_d.values())))

</pallas_src>

<mosaic_0001>
#map = affine_map<(d0, d1) -> (0, 0)>
#map1 = affine_map<(d0, d1) -> (0)>
module attributes {stable_mosaic.version = 14 : i64} {
  func.func @_sc_topk_body(%arg0: i32, %arg1: i32, %arg2: memref<8192x256xf32, #tpu.memory_space<hbm>>, %arg3: memref<8192xf32, #tpu.memory_space<hbm>>, %arg4: memref<8192x16xf32, #tpu.memory_space<hbm>>, %arg5: memref<128x256xf32, #tpu.memory_space<vmem>>, %arg6: memref<256xf32, #tpu.memory_space<vmem>>, %arg7: memref<128x16xf32, #tpu.memory_space<vmem>>) attributes {dimension_semantics = [#tpu.dimension_semantics<core_parallel>, #tpu.dimension_semantics<subcore_parallel>], iteration_bounds = array<i64: 2, 16>, scalar_prefetch = 0 : i64, scratch_operands = 3 : i64, tpu.core_type = #tpu.core_type<sc_vector_subcore>, window_params = [{transform_indices = #map}, {transform_indices = #map1}, {transform_indices = #map}]} {
    %mul3A = arith.constant 2 : i32
    %mul3A_0 = arith.muli %arg1, %mul3A : i32
    %add3A = arith.addi %mul3A_0, %arg0 : i32
    %mul3A_1 = arith.constant 256 : i32
    %mul3A_2 = arith.muli %add3A, %mul3A_1 : i32
    "tpu.region"() ({
      %run_scoped3A = tpu.sem_alloc : memref<!tpu.dma_semaphore, #tpu.memory_space<semaphore_mem>>
      %dma_start3A = tpu.memref_slice %arg3[%mul3A_2] : memref<8192xf32, #tpu.memory_space<hbm>> -> memref<256xf32, #tpu.memory_space<hbm>>
      %dma_start3A_12 = tpu.memref_slice %arg3[%mul3A_2] : memref<8192xf32, #tpu.memory_space<hbm>> -> memref<256xf32, #tpu.memory_space<hbm>>
      tpu.enqueue_dma source(%dma_start3A_12 : memref<256xf32, #tpu.memory_space<hbm>>) target(%arg6 : memref<256xf32, #tpu.memory_space<vmem>>) target_semaphore(%run_scoped3A : memref<!tpu.dma_semaphore, #tpu.memory_space<semaphore_mem>>)
      %dma_wait3A = tpu.memref_slice %arg3[%mul3A_2] : memref<8192xf32, #tpu.memory_space<hbm>> -> memref<256xf32, #tpu.memory_space<hbm>>
      %dma_wait3A_13 = tpu.memref_slice %arg3[%mul3A_2] : memref<8192xf32, #tpu.memory_space<hbm>> -> memref<256xf32, #tpu.memory_space<hbm>>
      tpu.wait_dma2 semaphore(%run_scoped3A : memref<!tpu.dma_semaphore, #tpu.memory_space<semaphore_mem>>) src(%dma_wait3A_13 : memref<256xf32, #tpu.memory_space<hbm>>) dst(%arg6 : memref<256xf32, #tpu.memory_space<vmem>>)
      tpu.yield
    }) : () -> ()
    %iota3A = tpu.iota {dimensions = array<i32: 0>} : vector<16xi32>
    %add3A_3 = arith.constant 0 : i32
    %add3A_4 = arith.addi %mul3A_2, %add3A_3 : i32
    "tpu.region"() ({
      %run_scoped3A = tpu.sem_alloc : memref<!tpu.dma_semaphore, #tpu.memory_space<semaphore_mem>>
      %dma_start3A = arith.constant 0 : i32
      %dma_start3A_12 = tpu.memref_slice %arg2[%add3A_4, %dma_start3A] : memref<8192x256xf32, #tpu.memory_space<hbm>> -> memref<128x256xf32, #tpu.memory_space<hbm>>
      %dma_start3A_13 = arith.constant 0 : i32
      %dma_start3A_14 = tpu.memref_slice %arg2[%add3A_4, %dma_start3A_13] : memref<8192x256xf32, #tpu.memory_space<hbm>> -> memref<128x256xf32, #tpu.memory_space<hbm>>
      tpu.enqueue_dma source(%dma_start3A_14 : memref<128x256xf32, #tpu.memory_space<hbm>>) target(%arg5 : memref<128x256xf32, #tpu.memory_space<vmem>>) target_semaphore(%run_scoped3A : memref<!tpu.dma_semaphore, #tpu.memory_space<semaphore_mem>>)
      %dma_wait3A = arith.constant 0 : i32
      %dma_wait3A_15 = tpu.memref_slice %arg2[%add3A_4, %dma_wait3A] : memref<8192x256xf32, #tpu.memory_space<hbm>> -> memref<128x256xf32, #tpu.memory_space<hbm>>
      %dma_wait3A_16 = arith.constant 0 : i32
      %dma_wait3A_17 = tpu.memref_slice %arg2[%add3A_4, %dma_wait3A_16] : memref<8192x256xf32, #tpu.memory_space<hbm>> -> memref<128x256xf32, #tpu.memory_space<hbm>>
      tpu.wait_dma2 semaphore(%run_scoped3A : memref<!tpu.dma_semaphore, #tpu.memory_space<semaphore_mem>>) src(%dma_wait3A_17 : memref<128x256xf32, #tpu.memory_space<hbm>>) dst(%arg5 : memref<128x256xf32, #tpu.memory_space<vmem>>)
      tpu.yield
    }) : () -> ()
    %parallel_loop3A = arith.constant 0 : i32
    %parallel_loop3A_5 = arith.constant 128 : i32
    %parallel_loop3A_6 = arith.constant 1 : i32
    scf.for %parallel_loop3A_12 = %parallel_loop3A to %parallel_loop3A_5 step %parallel_loop3A_6  : i32 {
      %parallel_loop3A_13 = arith.index_cast %parallel_loop3A_12 : i32 to index
      %parallel_loop3A_14 = arith.constant 0 : index
      %parallel_loop3A_15 = tpu.vector_load %arg5[%parallel_loop3A_13, %parallel_loop3A_14] {strides = array<i32>} : memref<128x256xf32, #tpu.memory_space<vmem>>, vector<16xf32>,
      %parallel_loop3A_16 = arith.constant 0 : i32
      %parallel_loop3A_17 = vector.broadcast %parallel_loop3A_16 : i32 to vector<16xi32>
      %parallel_loop3A_18 = arith.addi %iota3A, %parallel_loop3A_17 : vector<16xi32>
      %parallel_loop3A_19 = arith.constant dense<true> : vector<16xi1>
      %parallel_loop3A_20, %parallel_loop3A_21, %parallel_loop3A_22 = tpu.sort %parallel_loop3A_15, %parallel_loop3A_18 masked %parallel_loop3A_19 {descending = true} : (vector<16xf32>, vector<16xi32>, vector<16xi1>) -> (vector<16xi1>, vector<16xf32>, vector<16xi32>)
      %parallel_loop3A_23 = arith.index_cast %parallel_loop3A_12 : i32 to index
      %parallel_loop3A_24 = arith.constant 16 : index
      %parallel_loop3A_25 = tpu.vector_load %arg5[%parallel_loop3A_23, %parallel_loop3A_24] {strides = array<i32>} : memref<128x256xf32, #tpu.memory_space<vmem>>, vector<16xf32>,
      %parallel_loop3A_26 = arith.constant 16 : i32
      %parallel_loop3A_27 = vector.broadcast %parallel_loop3A_26 : i32 to vector<16xi32>
      %parallel_loop3A_28 = arith.addi %iota3A, %parallel_loop3A_27 : vector<16xi32>
      %parallel_loop3A_29 = arith.constant dense<true> : vector<16xi1>
      %parallel_loop3A_30, %parallel_loop3A_31, %parallel_loop3A_32 = tpu.sort %parallel_loop3A_25, %parallel_loop3A_28 masked %parallel_loop3A_29 {descending = true} : (vector<16xf32>, vector<16xi32>, vector<16xi1>) -> (vector<16xi1>, vector<16xf32>, vector<16xi32>)
      %parallel_loop3A_33 = arith.index_cast %parallel_loop3A_12 : i32 to index
      %parallel_loop3A_34 = arith.constant 32 : index
      %parallel_loop3A_35 = tpu.vector_load %arg5[%parallel_loop3A_33, %parallel_loop3A_34] {strides = array<i32>} : memref<128x256xf32, #tpu.memory_space<vmem>>, vector<16xf32>,
      %parallel_loop3A_36 = arith.constant 32 : i32
      %parallel_loop3A_37 = vector.broadcast %parallel_loop3A_36 : i32 to vector<16xi32>
      %parallel_loop3A_38 = arith.addi %iota3A, %parallel_loop3A_37 : vector<16xi32>
      %parallel_loop3A_39 = arith.constant dense<true> : vector<16xi1>
      %parallel_loop3A_40, %parallel_loop3A_41, %parallel_loop3A_42 = tpu.sort %parallel_loop3A_35, %parallel_loop3A_38 masked %parallel_loop3A_39 {descending = true} : (vector<16xf32>, vector<16xi32>, vector<16xi1>) -> (vector<16xi1>, vector<16xf32>, vector<16xi32>)
      %parallel_loop3A_43 = arith.index_cast %parallel_loop3A_12 : i32 to index
      %parallel_loop3A_44 = arith.constant 48 : index
      %parallel_loop3A_45 = tpu.vector_load %arg5[%parallel_loop3A_43, %parallel_loop3A_44] {strides = array<i32>} : memref<128x256xf32, #tpu.memory_space<vmem>>, vector<16xf32>,
      %parallel_loop3A_46 = arith.constant 48 : i32
      %parallel_loop3A_47 = vector.broadcast %parallel_loop3A_46 : i32 to vector<16xi32>
      %parallel_loop3A_48 = arith.addi %iota3A, %parallel_loop3A_47 : vector<16xi32>
      %parallel_loop3A_49 = arith.constant dense<true> : vector<16xi1>
      %parallel_loop3A_50, %parallel_loop3A_51, %parallel_loop3A_52 = tpu.sort %parallel_loop3A_45, %parallel_loop3A_48 masked %parallel_loop3A_49 {descending = true} : (vector<16xf32>, vector<16xi32>, vector<16xi1>) -> (vector<16xi1>, vector<16xf32>, vector<16xi32>)
      %parallel_loop3A_53 = arith.index_cast %parallel_loop3A_12 : i32 to index
      %parallel_loop3A_54 = arith.constant 64 : index
      %parallel_loop3A_55 = tpu.vector_load %arg5[%parallel_loop3A_53, %parallel_loop3A_54] {strides = array<i32>} : memref<128x256xf32, #tpu.memory_space<vmem>>, vector<16xf32>,
      %parallel_loop3A_56 = arith.constant 64 : i32
      %parallel_loop3A_57 = vector.broadcast %parallel_loop3A_56 : i32 to vector<16xi32>
      %parallel_loop3A_58 = arith.addi %iota3A, %parallel_loop3A_57 : vector<16xi32>
      %parallel_loop3A_59 = arith.constant dense<true> : vector<16xi1>
      %parallel_loop3A_60, %parallel_loop3A_61, %parallel_loop3A_62 = tpu.sort %parallel_loop3A_55, %parallel_loop3A_58 masked %parallel_loop3A_59 {descending = true} : (vector<16xf32>, vector<16xi32>, vector<16xi1>) -> (vector<16xi1>, vector<16xf32>, vector<16xi32>)
      %parallel_loop3A_63 = arith.index_cast %parallel_loop3A_12 : i32 to index
      %parallel_loop3A_64 = arith.constant 80 : index
      %parallel_loop3A_65 = tpu.vector_load %arg5[%parallel_loop3A_63, %parallel_loop3A_64] {strides = array<i32>} : memref<128x256xf32, #tpu.memory_space<vmem>>, vector<16xf32>,
      %parallel_loop3A_66 = arith.constant 80 : i32
      %parallel_loop3A_67 = vector.broadcast %parallel_loop3A_66 : i32 to vector<16xi32>
      %parallel_loop3A_68 = arith.addi %iota3A, %parallel_loop3A_67 : vector<16xi32>
      %parallel_loop3A_69 = arith.constant dense<true> : vector<16xi1>
      %parallel_loop3A_70, %parallel_loop3A_71, %parallel_loop3A_72 = tpu.sort %parallel_loop3A_65, %parallel_loop3A_68 masked %parallel_loop3A_69 {descending = true} : (vector<16xf32>, vector<16xi32>, vector<16xi1>) -> (vector<16xi1>, vector<16xf32>, vector<16xi32>)
      %parallel_loop3A_73 = arith.index_cast %parallel_loop3A_12 : i32 to index
      %parallel_loop3A_74 = arith.constant 96 : index
      %parallel_loop3A_75 = tpu.vector_load %arg5[%parallel_loop3A_73, %parallel_loop3A_74] {strides = array<i32>} : memref<128x256xf32, #tpu.memory_space<vmem>>, vector<16xf32>,
      %parallel_loop3A_76 = arith.constant 96 : i32
      %parallel_loop3A_77 = vector.broadcast %parallel_loop3A_76 : i32 to vector<16xi32>
      %parallel_loop3A_78 = arith.addi %iota3A, %parallel_loop3A_77 : vector<16xi32>
      %parallel_loop3A_79 = arith.constant dense<true> : vector<16xi1>
      %parallel_loop3A_80, %parallel_loop3A_81, %parallel_loop3A_82 = tpu.sort %parallel_loop3A_75, %parallel_loop3A_78 masked %parallel_loop3A_79 {descending = true} : (vector<16xf32>, vector<16xi32>, vector<16xi1>) -> (vector<16xi1>, vector<16xf32>, vector<16xi32>)
      %parallel_loop3A_83 = arith.index_cast %parallel_loop3A_12 : i32 to index
      %parallel_loop3A_84 = arith.constant 112 : index
      %parallel_loop3A_85 = tpu.vector_load %arg5[%parallel_loop3A_83, %parallel_loop3A_84] {strides = array<i32>} : memref<128x256xf32, #tpu.memory_space<vmem>>, vector<16xf32>,
      %parallel_loop3A_86 = arith.constant 112 : i32
      %parallel_loop3A_87 = vector.broadcast %parallel_loop3A_86 : i32 to vector<16xi32>
      %parallel_loop3A_88 = arith.addi %iota3A, %parallel_loop3A_87 : vector<16xi32>
      %parallel_loop3A_89 = arith.constant dense<true> : vector<16xi1>
      %parallel_loop3A_90, %parallel_loop3A_91, %parallel_loop3A_92 = tpu.sort %parallel_loop3A_85, %parallel_loop3A_88 masked %parallel_loop3A_89 {descending = true} : (vector<16xf32>, vector<16xi32>, vector<16xi1>) -> (vector<16xi1>, vector<16xf32>, vector<16xi32>)
      %parallel_loop3A_93 = arith.index_cast %parallel_loop3A_12 : i32 to index
      %parallel_loop3A_94 = arith.constant 128 : index
      %parallel_loop3A_95 = tpu.vector_load %arg5[%parallel_loop3A_93, %parallel_loop3A_94] {strides = array<i32>} : memref<128x256xf32, #tpu.memory_space<vmem>>, vector<16xf32>,
      %parallel_loop3A_96 = arith.constant 128 : i32
      %parallel_loop3A_97 = vector.broadcast %parallel_loop3A_96 : i32 to vector<16xi32>
      %parallel_loop3A_98 = arith.addi %iota3A, %parallel_loop3A_97 : vector<16xi32>
      %parallel_loop3A_99 = arith.constant dense<true> : vector<16xi1>
      %parallel_loop3A_100, %parallel_loop3A_101, %parallel_loop3A_102 = tpu.sort %parallel_loop3A_95, %parallel_loop3A_98 masked %parallel_loop3A_99 {descending = true} : (vector<16xf32>, vector<16xi32>, vector<16xi1>) -> (vector<16xi1>, vector<16xf32>, vector<16xi32>)
      %parallel_loop3A_103 = arith.index_cast %parallel_loop3A_12 : i32 to index
      %parallel_loop3A_104 = arith.constant 144 : index
      %parallel_loop3A_105 = tpu.vector_load %arg5[%parallel_loop3A_103, %parallel_loop3A_104] {strides = array<i32>} : memref<128x256xf32, #tpu.memory_space<vmem>>, vector<16xf32>,
      %parallel_loop3A_106 = arith.constant 144 : i32
      %parallel_loop3A_107 = vector.broadcast %parallel_loop3A_106 : i32 to vector<16xi32>
      %parallel_loop3A_108 = arith.addi %iota3A, %parallel_loop3A_107 : vector<16xi32>
      %parallel_loop3A_109 = arith.constant dense<true> : vector<16xi1>
      %parallel_loop3A_110, %parallel_loop3A_111, %parallel_loop3A_112 = tpu.sort %parallel_loop3A_105, %parallel_loop3A_108 masked %parallel_loop3A_109 {descending = true} : (vector<16xf32>, vector<16xi32>, vector<16xi1>) -> (vector<16xi1>, vector<16xf32>, vector<16xi32>)
      %parallel_loop3A_113 = arith.index_cast %parallel_loop3A_12 : i32 to index
      %parallel_loop3A_114 = arith.constant 160 : index
      %parallel_loop3A_115 = tpu.vector_load %arg5[%parallel_loop3A_113, %parallel_loop3A_114] {strides = array<i32>} : memref<128x256xf32, #tpu.memory_space<vmem>>, vector<16xf32>,
      %parallel_loop3A_116 = arith.constant 160 : i32
      %parallel_loop3A_117 = vector.broadcast %parallel_loop3A_116 : i32 to vector<16xi32>
      %parallel_loop3A_118 = arith.addi %iota3A, %parallel_loop3A_117 : vector<16xi32>
      %parallel_loop3A_119 = arith.constant dense<true> : vector<16xi1>
      %parallel_loop3A_120, %parallel_loop3A_121, %parallel_loop3A_122 = tpu.sort %parallel_loop3A_115, %parallel_loop3A_118 masked %parallel_loop3A_119 {descending = true} : (vector<16xf32>, vector<16xi32>, vector<16xi1>) -> (vector<16xi1>, vector<16xf32>, vector<16xi32>)
      %parallel_loop3A_123 = arith.index_cast %parallel_loop3A_12 : i32 to index
      %parallel_loop3A_124 = arith.constant 176 : index
      %parallel_loop3A_125 = tpu.vector_load %arg5[%parallel_loop3A_123, %parallel_loop3A_124] {strides = array<i32>} : memref<128x256xf32, #tpu.memory_space<vmem>>, vector<16xf32>,
      %parallel_loop3A_126 = arith.constant 176 : i32
      %parallel_loop3A_127 = vector.broadcast %parallel_loop3A_126 : i32 to vector<16xi32>
      %parallel_loop3A_128 = arith.addi %iota3A, %parallel_loop3A_127 : vector<16xi32>
      %parallel_loop3A_129 = arith.constant dense<true> : vector<16xi1>
      %parallel_loop3A_130, %parallel_loop3A_131, %parallel_loop3A_132 = tpu.sort %parallel_loop3A_125, %parallel_loop3A_128 masked %parallel_loop3A_129 {descending = true} : (vector<16xf32>, vector<16xi32>, vector<16xi1>) -> (vector<16xi1>, vector<16xf32>, vector<16xi32>)
      %parallel_loop3A_133 = arith.index_cast %parallel_loop3A_12 : i32 to index
      %parallel_loop3A_134 = arith.constant 192 : index
      %parallel_loop3A_135 = tpu.vector_load %arg5[%parallel_loop3A_133, %parallel_loop3A_134] {strides = array<i32>} : memref<128x256xf32, #tpu.memory_space<vmem>>, vector<16xf32>,
      %parallel_loop3A_136 = arith.constant 192 : i32
      %parallel_loop3A_137 = vector.broadcast %parallel_loop3A_136 : i32 to vector<16xi32>
      %parallel_loop3A_138 = arith.addi %iota3A, %parallel_loop3A_137 : vector<16xi32>
      %parallel_loop3A_139 = arith.constant dense<true> : vector<16xi1>
      %parallel_loop3A_140, %parallel_loop3A_141, %parallel_loop3A_142 = tpu.sort %parallel_loop3A_135, %parallel_loop3A_138 masked %parallel_loop3A_139 {descending = true} : (vector<16xf32>, vector<16xi32>, vector<16xi1>) -> (vector<16xi1>, vector<16xf32>, vector<16xi32>)
      %parallel_loop3A_143 = arith.index_cast %parallel_loop3A_12 : i32 to index
      %parallel_loop3A_144 = arith.constant 208 : index
      %parallel_loop3A_145 = tpu.vector_load %arg5[%parallel_loop3A_143, %parallel_loop3A_144] {strides = array<i32>} : memref<128x256xf32, #tpu.memory_space<vmem>>, vector<16xf32>,
      %parallel_loop3A_146 = arith.constant 208 : i32
      %parallel_loop3A_147 = vector.broadcast %parallel_loop3A_146 : i32 to vector<16xi32>
      %parallel_loop3A_148 = arith.addi %iota3A, %parallel_loop3A_147 : vector<16xi32>
      %parallel_loop3A_149 = arith.constant dense<true> : vector<16xi1>
      %parallel_loop3A_150, %parallel_loop3A_151, %parallel_loop3A_152 = tpu.sort %parallel_loop3A_145, %parallel_loop3A_148 masked %parallel_loop3A_149 {descending = true} : (vector<16xf32>, vector<16xi32>, vector<16xi1>) -> (vector<16xi1>, vector<16xf32>, vector<16xi32>)
      %parallel_loop3A_153 = arith.index_cast %parallel_loop3A_12 : i32 to index
      %parallel_loop3A_154 = arith.constant 224 : index
      %parallel_loop3A_155 = tpu.vector_load %arg5[%parallel_loop3A_153, %parallel_loop3A_154] {strides = array<i32>} : memref<128x256xf32, #tpu.memory_space<vmem>>, vector<16xf32>,
      %parallel_loop3A_156 = arith.constant 224 : i32
      %parallel_loop3A_157 = vector.broadcast %parallel_loop3A_156 : i32 to vector<16xi32>
      %parallel_loop3A_158 = arith.addi %iota3A, %parallel_loop3A_157 : vector<16xi32>
      %parallel_loop3A_159 = arith.constant dense<true> : vector<16xi1>
      %parallel_loop3A_160, %parallel_loop3A_161, %parallel_loop3A_162 = tpu.sort %parallel_loop3A_155, %parallel_loop3A_158 masked %parallel_loop3A_159 {descending = true} : (vector<16xf32>, vector<16xi32>, vector<16xi1>) -> (vector<16xi1>, vector<16xf32>, vector<16xi32>)
      %parallel_loop3A_163 = arith.index_cast %parallel_loop3A_12 : i32 to index
      %parallel_loop3A_164 = arith.constant 240 : index
      %parallel_loop3A_165 = tpu.vector_load %arg5[%parallel_loop3A_163, %parallel_loop3A_164] {strides = array<i32>} : memref<128x256xf32, #tpu.memory_space<vmem>>, vector<16xf32>,
      %parallel_loop3A_166 = arith.constant 240 : i32
      %parallel_loop3A_167 = vector.broadcast %parallel_loop3A_166 : i32 to vector<16xi32>
      %parallel_loop3A_168 = arith.addi %iota3A, %parallel_loop3A_167 : vector<16xi32>
      %parallel_loop3A_169 = arith.constant dense<true> : vector<16xi1>
      %parallel_loop3A_170, %parallel_loop3A_171, %parallel_loop3A_172 = tpu.sort %parallel_loop3A_165, %parallel_loop3A_168 masked %parallel_loop3A_169 {descending = true} : (vector<16xf32>, vector<16xi32>, vector<16xi1>) -> (vector<16xi1>, vector<16xf32>, vector<16xi32>)
      %parallel_loop3A_173 = arith.constant 15 : i32
      %parallel_loop3A_174 = vector.broadcast %parallel_loop3A_173 : i32 to vector<16xi32>
      %parallel_loop3A_175 = tpu.iota {dimensions = array<i32: 0>} : vector<16xi32>
      %parallel_loop3A_176 = arith.subi %parallel_loop3A_174, %parallel_loop3A_175 : vector<16xi32>
      %parallel_loop3A_177 = tpu.dynamic_gather %parallel_loop3A_31[%parallel_loop3A_176] in [0] : vector<16xf32>, vector<16xi32> -> vector<16xf32>
      %parallel_loop3A_178 = arith.constant 15 : i32
      %parallel_loop3A_179 = vector.broadcast %parallel_loop3A_178 : i32 to vector<16xi32>
      %parallel_loop3A_180 = tpu.iota {dimensions = array<i32: 0>} : vector<16xi32>
      %parallel_loop3A_181 = arith.subi %parallel_loop3A_179, %parallel_loop3A_180 : vector<16xi32>
      %parallel_loop3A_182 = tpu.dynamic_gather %parallel_loop3A_32[%parallel_loop3A_181] in [0] : vector<16xi32>, vector<16xi32> -> vector<16xi32>
      %parallel_loop3A_183 = arith.cmpf oge, %parallel_loop3A_21, %parallel_loop3A_177 : vector<16xf32>
      %parallel_loop3A_184 = arith.select %parallel_loop3A_183, %parallel_loop3A_21, %parallel_loop3A_177 : vector<16xi1>, vector<16xf32>
      %parallel_loop3A_185 = arith.select %parallel_loop3A_183, %parallel_loop3A_22, %parallel_loop3A_182 : vector<16xi1>, vector<16xi32>
      %parallel_loop3A_186 = arith.constant dense<true> : vector<16xi1>
      %parallel_loop3A_187, %parallel_loop3A_188, %parallel_loop3A_189 = tpu.sort %parallel_loop3A_184, %parallel_loop3A_185 masked %parallel_loop3A_186 {descending = true} : (vector<16xf32>, vector<16xi32>, vector<16xi1>) -> (vector<16xi1>, vector<16xf32>, vector<16xi32>)
      %parallel_loop3A_190 = arith.constant 15 : i32
      %parallel_loop3A_191 = vector.broadcast %parallel_loop3A_190 : i32 to vector<16xi32>
      %parallel_loop3A_192 = tpu.iota {dimensions = array<i32: 0>} : vector<16xi32>
      %parallel_loop3A_193 = arith.subi %parallel_loop3A_191, %parallel_loop3A_192 : vector<16xi32>
      %parallel_loop3A_194 = tpu.dynamic_gather %parallel_loop3A_51[%parallel_loop3A_193] in [0] : vector<16xf32>, vector<16xi32> -> vector<16xf32>
      %parallel_loop3A_195 = arith.constant 15 : i32
      %parallel_loop3A_196 = vector.broadcast %parallel_loop3A_195 : i32 to vector<16xi32>
      %parallel_loop3A_197 = tpu.iota {dimensions = array<i32: 0>} : vector<16xi32>
      %parallel_loop3A_198 = arith.subi %parallel_loop3A_196, %parallel_loop3A_197 : vector<16xi32>
      %parallel_loop3A_199 = tpu.dynamic_gather %parallel_loop3A_52[%parallel_loop3A_198] in [0] : vector<16xi32>, vector<16xi32> -> vector<16xi32>
      %parallel_loop3A_200 = arith.cmpf oge, %parallel_loop3A_41, %parallel_loop3A_194 : vector<16xf32>
      %parallel_loop3A_201 = arith.select %parallel_loop3A_200, %parallel_loop3A_41, %parallel_loop3A_194 : vector<16xi1>, vector<16xf32>
      %parallel_loop3A_202 = arith.select %parallel_loop3A_200, %parallel_loop3A_42, %parallel_loop3A_199 : vector<16xi1>, vector<16xi32>
      %parallel_loop3A_203 = arith.constant dense<true> : vector<16xi1>
      %parallel_loop3A_204, %parallel_loop3A_205, %parallel_loop3A_206 = tpu.sort %parallel_loop3A_201, %parallel_loop3A_202 masked %parallel_loop3A_203 {descending = true} : (vector<16xf32>, vector<16xi32>, vector<16xi1>) -> (vector<16xi1>, vector<16xf32>, vector<16xi32>)
      %parallel_loop3A_207 = arith.constant 15 : i32
      %parallel_loop3A_208 = vector.broadcast %parallel_loop3A_207 : i32 to vector<16xi32>
      %parallel_loop3A_209 = tpu.iota {dimensions = array<i32: 0>} : vector<16xi32>
      %parallel_loop3A_210 = arith.subi %parallel_loop3A_208, %parallel_loop3A_209 : vector<16xi32>
      %parallel_loop3A_211 = tpu.dynamic_gather %parallel_loop3A_71[%parallel_loop3A_210] in [0] : vector<16xf32>, vector<16xi32> -> vector<16xf32>
      %parallel_loop3A_212 = arith.constant 15 : i32
      %parallel_loop3A_213 = vector.broadcast %parallel_loop3A_212 : i32 to vector<16xi32>
      %parallel_loop3A_214 = tpu.iota {dimensions = array<i32: 0>} : vector<16xi32>
      %parallel_loop3A_215 = arith.subi %parallel_loop3A_213, %parallel_loop3A_214 : vector<16xi32>
      %parallel_loop3A_216 = tpu.dynamic_gather %parallel_loop3A_72[%parallel_loop3A_215] in [0] : vector<16xi32>, vector<16xi32> -> vector<16xi32>
      %parallel_loop3A_217 = arith.cmpf oge, %parallel_loop3A_61, %parallel_loop3A_211 : vector<16xf32>
      %parallel_loop3A_218 = arith.select %parallel_loop3A_217, %parallel_loop3A_61, %parallel_loop3A_211 : vector<16xi1>, vector<16xf32>
      %parallel_loop3A_219 = arith.select %parallel_loop3A_217, %parallel_loop3A_62, %parallel_loop3A_216 : vector<16xi1>, vector<16xi32>
      %parallel_loop3A_220 = arith.constant dense<true> : vector<16xi1>
      %parallel_loop3A_221, %parallel_loop3A_222, %parallel_loop3A_223 = tpu.sort %parallel_loop3A_218, %parallel_loop3A_219 masked %parallel_loop3A_220 {descending = true} : (vector<16xf32>, vector<16xi32>, vector<16xi1>) -> (vector<16xi1>, vector<16xf32>, vector<16xi32>)
      %parallel_loop3A_224 = arith.constant 15 : i32
      %parallel_loop3A_225 = vector.broadcast %parallel_loop3A_224 : i32 to vector<16xi32>
      %parallel_loop3A_226 = tpu.iota {dimensions = array<i32: 0>} : vector<16xi32>
      %parallel_loop3A_227 = arith.subi %parallel_loop3A_225, %parallel_loop3A_226 : vector<16xi32>
      %parallel_loop3A_228 = tpu.dynamic_gather %parallel_loop3A_91[%parallel_loop3A_227] in [0] : vector<16xf32>, vector<16xi32> -> vector<16xf32>
      %parallel_loop3A_229 = arith.constant 15 : i32
      %parallel_loop3A_230 = vector.broadcast %parallel_loop3A_229 : i32 to vector<16xi32>
      %parallel_loop3A_231 = tpu.iota {dimensions = array<i32: 0>} : vector<16xi32>
      %parallel_loop3A_232 = arith.subi %parallel_loop3A_230, %parallel_loop3A_231 : vector<16xi32>
      %parallel_loop3A_233 = tpu.dynamic_gather %parallel_loop3A_92[%parallel_loop3A_232] in [0] : vector<16xi32>, vector<16xi32> -> vector<16xi32>
      %parallel_loop3A_234 = arith.cmpf oge, %parallel_loop3A_81, %parallel_loop3A_228 : vector<16xf32>
      %parallel_loop3A_235 = arith.select %parallel_loop3A_234, %parallel_loop3A_81, %parallel_loop3A_228 : vector<16xi1>, vector<16xf32>
      %parallel_loop3A_236 = arith.select %parallel_loop3A_234, %parallel_loop3A_82, %parallel_loop3A_233 : vector<16xi1>, vector<16xi32>
      %parallel_loop3A_237 = arith.constant dense<true> : vector<16xi1>
      %parallel_loop3A_238, %parallel_loop3A_239, %parallel_loop3A_240 = tpu.sort %parallel_loop3A_235, %parallel_loop3A_236 masked %parallel_loop3A_237 {descending = true} : (vector<16xf32>, vector<16xi32>, vector<16xi1>) -> (vector<16xi1>, vector<16xf32>, vector<16xi32>)
      %parallel_loop3A_241 = arith.constant 15 : i32
      %parallel_loop3A_242 = vector.broadcast %parallel_loop3A_241 : i32 to vector<16xi32>
      %parallel_loop3A_243 = tpu.iota {dimensions = array<i32: 0>} : vector<16xi32>
      %parallel_loop3A_244 = arith.subi %parallel_loop3A_242, %parallel_loop3A_243 : vector<16xi32>
      %parallel_loop3A_245 = tpu.dynamic_gather %parallel_loop3A_111[%parallel_loop3A_244] in [0] : vector<16xf32>, vector<16xi32> -> vector<16xf32>
      %parallel_loop3A_246 = arith.constant 15 : i32
      %parallel_loop3A_247 = vector.broadcast %parallel_loop3A_246 : i32 to vector<16xi32>
      %parallel_loop3A_248 = tpu.iota {dimensions = array<i32: 0>} : vector<16xi32>
      %parallel_loop3A_249 = arith.subi %parallel_loop3A_247, %parallel_loop3A_248 : vector<16xi32>
      %parallel_loop3A_250 = tpu.dynamic_gather %parallel_loop3A_112[%parallel_loop3A_249] in [0] : vector<16xi32>, vector<16xi32> -> vector<16xi32>
      %parallel_loop3A_251 = arith.cmpf oge, %parallel_loop3A_101, %parallel_loop3A_245 : vector<16xf32>
      %parallel_loop3A_252 = arith.select %parallel_loop3A_251, %parallel_loop3A_101, %parallel_loop3A_245 : vector<16xi1>, vector<16xf32>
      %parallel_loop3A_253 = arith.select %parallel_loop3A_251, %parallel_loop3A_102, %parallel_loop3A_250 : vector<16xi1>, vector<16xi32>
      %parallel_loop3A_254 = arith.constant dense<true> : vector<16xi1>
      %parallel_loop3A_255, %parallel_loop3A_256, %parallel_loop3A_257 = tpu.sort %parallel_loop3A_252, %parallel_loop3A_253 masked %parallel_loop3A_254 {descending = true} : (vector<16xf32>, vector<16xi32>, vector<16xi1>) -> (vector<16xi1>, vector<16xf32>, vector<16xi32>)
      %parallel_loop3A_258 = arith.constant 15 : i32
      %parallel_loop3A_259 = vector.broadcast %parallel_loop3A_258 : i32 to vector<16xi32>
      %parallel_loop3A_260 = tpu.iota {dimensions = array<i32: 0>} : vector<16xi32>
      %parallel_loop3A_261 = arith.subi %parallel_loop3A_259, %parallel_loop3A_260 : vector<16xi32>
      %parallel_loop3A_262 = tpu.dynamic_gather %parallel_loop3A_131[%parallel_loop3A_261] in [0] : vector<16xf32>, vector<16xi32> -> vector<16xf32>
      %parallel_loop3A_263 = arith.constant 15 : i32
      %parallel_loop3A_264 = vector.broadcast %parallel_loop3A_263 : i32 to vector<16xi32>
      %parallel_loop3A_265 = tpu.iota {dimensions = array<i32: 0>} : vector<16xi32>
      %parallel_loop3A_266 = arith.subi %parallel_loop3A_264, %parallel_loop3A_265 : vector<16xi32>
      %parallel_loop3A_267 = tpu.dynamic_gather %parallel_loop3A_132[%parallel_loop3A_266] in [0] : vector<16xi32>, vector<16xi32> -> vector<16xi32>
      %parallel_loop3A_268 = arith.cmpf oge, %parallel_loop3A_121, %parallel_loop3A_262 : vector<16xf32>
      %parallel_loop3A_269 = arith.select %parallel_loop3A_268, %parallel_loop3A_121, %parallel_loop3A_262 : vector<16xi1>, vector<16xf32>
      %parallel_loop3A_270 = arith.select %parallel_loop3A_268, %parallel_loop3A_122, %parallel_loop3A_267 : vector<16xi1>, vector<16xi32>
      %parallel_loop3A_271 = arith.constant dense<true> : vector<16xi1>
      %parallel_loop3A_272, %parallel_loop3A_273, %parallel_loop3A_274 = tpu.sort %parallel_loop3A_269, %parallel_loop3A_270 masked %parallel_loop3A_271 {descending = true} : (vector<16xf32>, vector<16xi32>, vector<16xi1>) -> (vector<16xi1>, vector<16xf32>, vector<16xi32>)
      %parallel_loop3A_275 = arith.constant 15 : i32
      %parallel_loop3A_276 = vector.broadcast %parallel_loop3A_275 : i32 to vector<16xi32>
      %parallel_loop3A_277 = tpu.iota {dimensions = array<i32: 0>} : vector<16xi32>
      %parallel_loop3A_278 = arith.subi %parallel_loop3A_276, %parallel_loop3A_277 : vector<16xi32>
      %parallel_loop3A_279 = tpu.dynamic_gather %parallel_loop3A_151[%parallel_loop3A_278] in [0] : vector<16xf32>, vector<16xi32> -> vector<16xf32>
      %parallel_loop3A_280 = arith.constant 15 : i32
      %parallel_loop3A_281 = vector.broadcast %parallel_loop3A_280 : i32 to vector<16xi32>
      %parallel_loop3A_282 = tpu.iota {dimensions = array<i32: 0>} : vector<16xi32>
      %parallel_loop3A_283 = arith.subi %parallel_loop3A_281, %parallel_loop3A_282 : vector<16xi32>
      %parallel_loop3A_284 = tpu.dynamic_gather %parallel_loop3A_152[%parallel_loop3A_283] in [0] : vector<16xi32>, vector<16xi32> -> vector<16xi32>
      %parallel_loop3A_285 = arith.cmpf oge, %parallel_loop3A_141, %parallel_loop3A_279 : vector<16xf32>
      %parallel_loop3A_286 = arith.select %parallel_loop3A_285, %parallel_loop3A_141, %parallel_loop3A_279 : vector<16xi1>, vector<16xf32>
      %parallel_loop3A_287 = arith.select %parallel_loop3A_285, %parallel_loop3A_142, %parallel_loop3A_284 : vector<16xi1>, vector<16xi32>
      %parallel_loop3A_288 = arith.constant dense<true> : vector<16xi1>
      %parallel_loop3A_289, %parallel_loop3A_290, %parallel_loop3A_291 = tpu.sort %parallel_loop3A_286, %parallel_loop3A_287 masked %parallel_loop3A_288 {descending = true} : (vector<16xf32>, vector<16xi32>, vector<16xi1>) -> (vector<16xi1>, vector<16xf32>, vector<16xi32>)
      %parallel_loop3A_292 = arith.constant 15 : i32
      %parallel_loop3A_293 = vector.broadcast %parallel_loop3A_292 : i32 to vector<16xi32>
      %parallel_loop3A_294 = tpu.iota {dimensions = array<i32: 0>} : vector<16xi32>
      %parallel_loop3A_295 = arith.subi %parallel_loop3A_293, %parallel_loop3A_294 : vector<16xi32>
      %parallel_loop3A_296 = tpu.dynamic_gather %parallel_loop3A_171[%parallel_loop3A_295] in [0] : vector<16xf32>, vector<16xi32> -> vector<16xf32>
      %parallel_loop3A_297 = arith.constant 15 : i32
      %parallel_loop3A_298 = vector.broadcast %parallel_loop3A_297 : i32 to vector<16xi32>
      %parallel_loop3A_299 = tpu.iota {dimensions = array<i32: 0>} : vector<16xi32>
      %parallel_loop3A_300 = arith.subi %parallel_loop3A_298, %parallel_loop3A_299 : vector<16xi32>
      %parallel_loop3A_301 = tpu.dynamic_gather %parallel_loop3A_172[%parallel_loop3A_300] in [0] : vector<16xi32>, vector<16xi32> -> vector<16xi32>
      %parallel_loop3A_302 = arith.cmpf oge, %parallel_loop3A_161, %parallel_loop3A_296 : vector<16xf32>
      %parallel_loop3A_303 = arith.select %parallel_loop3A_302, %parallel_loop3A_161, %parallel_loop3A_296 : vector<16xi1>, vector<16xf32>
      %parallel_loop3A_304 = arith.select %parallel_loop3A_302, %parallel_loop3A_162, %parallel_loop3A_301 : vector<16xi1>, vector<16xi32>
      %parallel_loop3A_305 = arith.constant dense<true> : vector<16xi1>
      %parallel_loop3A_306, %parallel_loop3A_307, %parallel_loop3A_308 = tpu.sort %parallel_loop3A_303, %parallel_loop3A_304 masked %parallel_loop3A_305 {descending = true} : (vector<16xf32>, vector<16xi32>, vector<16xi1>) -> (vector<16xi1>, vector<16xf32>, vector<16xi32>)
      %parallel_loop3A_309 = arith.constant 15 : i32
      %parallel_loop3A_310 = vector.broadcast %parallel_loop3A_309 : i32 to vector<16xi32>
      %parallel_loop3A_311 = tpu.iota {dimensions = array<i32: 0>} : vector<16xi32>
      %parallel_loop3A_312 = arith.subi %parallel_loop3A_310, %parallel_loop3A_311 : vector<16xi32>
      %parallel_loop3A_313 = tpu.dynamic_gather %parallel_loop3A_205[%parallel_loop3A_312] in [0] : vector<16xf32>, vector<16xi32> -> vector<16xf32>
      %parallel_loop3A_314 = arith.constant 15 : i32
      %parallel_loop3A_315 = vector.broadcast %parallel_loop3A_314 : i32 to vector<16xi32>
      %parallel_loop3A_316 = tpu.iota {dimensions = array<i32: 0>} : vector<16xi32>
      %parallel_loop3A_317 = arith.subi %parallel_loop3A_315, %parallel_loop3A_316 : vector<16xi32>
      %parallel_loop3A_318 = tpu.dynamic_gather %parallel_loop3A_206[%parallel_loop3A_317] in [0] : vector<16xi32>, vector<16xi32> -> vector<16xi32>
      %parallel_loop3A_319 = arith.cmpf oge, %parallel_loop3A_188, %parallel_loop3A_313 : vector<16xf32>
      %parallel_loop3A_320 = arith.select %parallel_loop3A_319, %parallel_loop3A_188, %parallel_loop3A_313 : vector<16xi1>, vector<16xf32>
      %parallel_loop3A_321 = arith.select %parallel_loop3A_319, %parallel_loop3A_189, %parallel_loop3A_318 : vector<16xi1>, vector<16xi32>
      %parallel_loop3A_322 = arith.constant dense<true> : vector<16xi1>
      %parallel_loop3A_323, %parallel_loop3A_324, %parallel_loop3A_325 = tpu.sort %parallel_loop3A_320, %parallel_loop3A_321 masked %parallel_loop3A_322 {descending = true} : (vector<16xf32>, vector<16xi32>, vector<16xi1>) -> (vector<16xi1>, vector<16xf32>, vector<16xi32>)
      %parallel_loop3A_326 = arith.constant 15 : i32
      %parallel_loop3A_327 = vector.broadcast %parallel_loop3A_326 : i32 to vector<16xi32>
      %parallel_loop3A_328 = tpu.iota {dimensions = array<i32: 0>} : vector<16xi32>
      %parallel_loop3A_329 = arith.subi %parallel_loop3A_327, %parallel_loop3A_328 : vector<16xi32>
      %parallel_loop3A_330 = tpu.dynamic_gather %parallel_loop3A_239[%parallel_loop3A_329] in [0] : vector<16xf32>, vector<16xi32> -> vector<16xf32>
      %parallel_loop3A_331 = arith.constant 15 : i32
      %parallel_loop3A_332 = vector.broadcast %parallel_loop3A_331 : i32 to vector<16xi32>
      %parallel_loop3A_333 = tpu.iota {dimensions = array<i32: 0>} : vector<16xi32>
      %parallel_loop3A_334 = arith.subi %parallel_loop3A_332, %parallel_loop3A_333 : vector<16xi32>
      %parallel_loop3A_335 = tpu.dynamic_gather %parallel_loop3A_240[%parallel_loop3A_334] in [0] : vector<16xi32>, vector<16xi32> -> vector<16xi32>
      %parallel_loop3A_336 = arith.cmpf oge, %parallel_loop3A_222, %parallel_loop3A_330 : vector<16xf32>
      %parallel_loop3A_337 = arith.select %parallel_loop3A_336, %parallel_loop3A_222, %parallel_loop3A_330 : vector<16xi1>, vector<16xf32>
      %parallel_loop3A_338 = arith.select %parallel_loop3A_336, %parallel_loop3A_223, %parallel_loop3A_335 : vector<16xi1>, vector<16xi32>
      %parallel_loop3A_339 = arith.constant dense<true> : vector<16xi1>
      %parallel_loop3A_340, %parallel_loop3A_341, %parallel_loop3A_342 = tpu.sort %parallel_loop3A_337, %parallel_loop3A_338 masked %parallel_loop3A_339 {descending = true} : (vector<16xf32>, vector<16xi32>, vector<16xi1>) -> (vector<16xi1>, vector<16xf32>, vector<16xi32>)
      %parallel_loop3A_343 = arith.constant 15 : i32
      %parallel_loop3A_344 = vector.broadcast %parallel_loop3A_343 : i32 to vector<16xi32>
      %parallel_loop3A_345 = tpu.iota {dimensions = array<i32: 0>} : vector<16xi32>
      %parallel_loop3A_346 = arith.subi %parallel_loop3A_344, %parallel_loop3A_345 : vector<16xi32>
      %parallel_loop3A_347 = tpu.dynamic_gather %parallel_loop3A_273[%parallel_loop3A_346] in [0] : vector<16xf32>, vector<16xi32> -> vector<16xf32>
      %parallel_loop3A_348 = arith.constant 15 : i32
      %parallel_loop3A_349 = vector.broadcast %parallel_loop3A_348 : i32 to vector<16xi32>
      %parallel_loop3A_350 = tpu.iota {dimensions = array<i32: 0>} : vector<16xi32>
      %parallel_loop3A_351 = arith.subi %parallel_loop3A_349, %parallel_loop3A_350 : vector<16xi32>
      %parallel_loop3A_352 = tpu.dynamic_gather %parallel_loop3A_274[%parallel_loop3A_351] in [0] : vector<16xi32>, vector<16xi32> -> vector<16xi32>
      %parallel_loop3A_353 = arith.cmpf oge, %parallel_loop3A_256, %parallel_loop3A_347 : vector<16xf32>
      %parallel_loop3A_354 = arith.select %parallel_loop3A_353, %parallel_loop3A_256, %parallel_loop3A_347 : vector<16xi1>, vector<16xf32>
      %parallel_loop3A_355 = arith.select %parallel_loop3A_353, %parallel_loop3A_257, %parallel_loop3A_352 : vector<16xi1>, vector<16xi32>
      %parallel_loop3A_356 = arith.constant dense<true> : vector<16xi1>
      %parallel_loop3A_357, %parallel_loop3A_358, %parallel_loop3A_359 = tpu.sort %parallel_loop3A_354, %parallel_loop3A_355 masked %parallel_loop3A_356 {descending = true} : (vector<16xf32>, vector<16xi32>, vector<16xi1>) -> (vector<16xi1>, vector<16xf32>, vector<16xi32>)
      %parallel_loop3A_360 = arith.constant 15 : i32
      %parallel_loop3A_361 = vector.broadcast %parallel_loop3A_360 : i32 to vector<16xi32>
      %parallel_loop3A_362 = tpu.iota {dimensions = array<i32: 0>} : vector<16xi32>
      %parallel_loop3A_363 = arith.subi %parallel_loop3A_361, %parallel_loop3A_362 : vector<16xi32>
      %parallel_loop3A_364 = tpu.dynamic_gather %parallel_loop3A_307[%parallel_loop3A_363] in [0] : vector<16xf32>, vector<16xi32> -> vector<16xf32>
      %parallel_loop3A_365 = arith.constant 15 : i32
      %parallel_loop3A_366 = vector.broadcast %parallel_loop3A_365 : i32 to vector<16xi32>
      %parallel_loop3A_367 = tpu.iota {dimensions = array<i32: 0>} : vector<16xi32>
      %parallel_loop3A_368 = arith.subi %parallel_loop3A_366, %parallel_loop3A_367 : vector<16xi32>
      %parallel_loop3A_369 = tpu.dynamic_gather %parallel_loop3A_308[%parallel_loop3A_368] in [0] : vector<16xi32>, vector<16xi32> -> vector<16xi32>
      %parallel_loop3A_370 = arith.cmpf oge, %parallel_loop3A_290, %parallel_loop3A_364 : vector<16xf32>
      %parallel_loop3A_371 = arith.select %parallel_loop3A_370, %parallel_loop3A_290, %parallel_loop3A_364 : vector<16xi1>, vector<16xf32>
      %parallel_loop3A_372 = arith.select %parallel_loop3A_370, %parallel_loop3A_291, %parallel_loop3A_369 : vector<16xi1>, vector<16xi32>
      %parallel_loop3A_373 = arith.constant dense<true> : vector<16xi1>
      %parallel_loop3A_374, %parallel_loop3A_375, %parallel_loop3A_376 = tpu.sort %parallel_loop3A_371, %parallel_loop3A_372 masked %parallel_loop3A_373 {descending = true} : (vector<16xf32>, vector<16xi32>, vector<16xi1>) -> (vector<16xi1>, vector<16xf32>, vector<16xi32>)
      %parallel_loop3A_377 = arith.constant 15 : i32
      %parallel_loop3A_378 = vector.broadcast %parallel_loop3A_377 : i32 to vector<16xi32>
      %parallel_loop3A_379 = tpu.iota {dimensions = array<i32: 0>} : vector<16xi32>
      %parallel_loop3A_380 = arith.subi %parallel_loop3A_378, %parallel_loop3A_379 : vector<16xi32>
      %parallel_loop3A_381 = tpu.dynamic_gather %parallel_loop3A_341[%parallel_loop3A_380] in [0] : vector<16xf32>, vector<16xi32> -> vector<16xf32>
      %parallel_loop3A_382 = arith.constant 15 : i32
      %parallel_loop3A_383 = vector.broadcast %parallel_loop3A_382 : i32 to vector<16xi32>
      %parallel_loop3A_384 = tpu.iota {dimensions = array<i32: 0>} : vector<16xi32>
      %parallel_loop3A_385 = arith.subi %parallel_loop3A_383, %parallel_loop3A_384 : vector<16xi32>
      %parallel_loop3A_386 = tpu.dynamic_gather %parallel_loop3A_342[%parallel_loop3A_385] in [0] : vector<16xi32>, vector<16xi32> -> vector<16xi32>
      %parallel_loop3A_387 = arith.cmpf oge, %parallel_loop3A_324, %parallel_loop3A_381 : vector<16xf32>
      %parallel_loop3A_388 = arith.select %parallel_loop3A_387, %parallel_loop3A_324, %parallel_loop3A_381 : vector<16xi1>, vector<16xf32>
      %parallel_loop3A_389 = arith.select %parallel_loop3A_387, %parallel_loop3A_325, %parallel_loop3A_386 : vector<16xi1>, vector<16xi32>
      %parallel_loop3A_390 = arith.constant dense<true> : vector<16xi1>
      %parallel_loop3A_391, %parallel_loop3A_392, %parallel_loop3A_393 = tpu.sort %parallel_loop3A_388, %parallel_loop3A_389 masked %parallel_loop3A_390 {descending = true} : (vector<16xf32>, vector<16xi32>, vector<16xi1>) -> (vector<16xi1>, vector<16xf32>, vector<16xi32>)
      %parallel_loop3A_394 = arith.constant 15 : i32
      %parallel_loop3A_395 = vector.broadcast %parallel_loop3A_394 : i32 to vector<16xi32>
      %parallel_loop3A_396 = tpu.iota {dimensions = array<i32: 0>} : vector<16xi32>
      %parallel_loop3A_397 = arith.subi %parallel_loop3A_395, %parallel_loop3A_396 : vector<16xi32>
      %parallel_loop3A_398 = tpu.dynamic_gather %parallel_loop3A_375[%parallel_loop3A_397] in [0] : vector<16xf32>, vector<16xi32> -> vector<16xf32>
      %parallel_loop3A_399 = arith.constant 15 : i32
      %parallel_loop3A_400 = vector.broadcast %parallel_loop3A_399 : i32 to vector<16xi32>
      %parallel_loop3A_401 = tpu.iota {dimensions = array<i32: 0>} : vector<16xi32>
      %parallel_loop3A_402 = arith.subi %parallel_loop3A_400, %parallel_loop3A_401 : vector<16xi32>
      %parallel_loop3A_403 = tpu.dynamic_gather %parallel_loop3A_376[%parallel_loop3A_402] in [0] : vector<16xi32>, vector<16xi32> -> vector<16xi32>
      %parallel_loop3A_404 = arith.cmpf oge, %parallel_loop3A_358, %parallel_loop3A_398 : vector<16xf32>
      %parallel_loop3A_405 = arith.select %parallel_loop3A_404, %parallel_loop3A_358, %parallel_loop3A_398 : vector<16xi1>, vector<16xf32>
      %parallel_loop3A_406 = arith.select %parallel_loop3A_404, %parallel_loop3A_359, %parallel_loop3A_403 : vector<16xi1>, vector<16xi32>
      %parallel_loop3A_407 = arith.constant dense<true> : vector<16xi1>
      %parallel_loop3A_408, %parallel_loop3A_409, %parallel_loop3A_410 = tpu.sort %parallel_loop3A_405, %parallel_loop3A_406 masked %parallel_loop3A_407 {descending = true} : (vector<16xf32>, vector<16xi32>, vector<16xi1>) -> (vector<16xi1>, vector<16xf32>, vector<16xi32>)
      %parallel_loop3A_411 = arith.constant 15 : i32
      %parallel_loop3A_412 = vector.broadcast %parallel_loop3A_411 : i32 to vector<16xi32>
      %parallel_loop3A_413 = tpu.iota {dimensions = array<i32: 0>} : vector<16xi32>
      %parallel_loop3A_414 = arith.subi %parallel_loop3A_412, %parallel_loop3A_413 : vector<16xi32>
      %parallel_loop3A_415 = tpu.dynamic_gather %parallel_loop3A_409[%parallel_loop3A_414] in [0] : vector<16xf32>, vector<16xi32> -> vector<16xf32>
      %parallel_loop3A_416 = arith.constant 15 : i32
      %parallel_loop3A_417 = vector.broadcast %parallel_loop3A_416 : i32 to vector<16xi32>
      %parallel_loop3A_418 = tpu.iota {dimensions = array<i32: 0>} : vector<16xi32>
      %parallel_loop3A_419 = arith.subi %parallel_loop3A_417, %parallel_loop3A_418 : vector<16xi32>
      %parallel_loop3A_420 = tpu.dynamic_gather %parallel_loop3A_410[%parallel_loop3A_419] in [0] : vector<16xi32>, vector<16xi32> -> vector<16xi32>
      %parallel_loop3A_421 = arith.cmpf oge, %parallel_loop3A_392, %parallel_loop3A_415 : vector<16xf32>
      %parallel_loop3A_422 = arith.select %parallel_loop3A_421, %parallel_loop3A_392, %parallel_loop3A_415 : vector<16xi1>, vector<16xf32>
      %parallel_loop3A_423 = arith.select %parallel_loop3A_421, %parallel_loop3A_393, %parallel_loop3A_420 : vector<16xi1>, vector<16xi32>
      %parallel_loop3A_424 = arith.constant dense<true> : vector<16xi1>
      %parallel_loop3A_425, %parallel_loop3A_426, %parallel_loop3A_427 = tpu.sort %parallel_loop3A_422, %parallel_loop3A_423 masked %parallel_loop3A_424 {descending = true} : (vector<16xf32>, vector<16xi32>, vector<16xi1>) -> (vector<16xi1>, vector<16xf32>, vector<16xi32>)
      %parallel_loop3A_428 = arith.constant 0 : i32
      %parallel_loop3A_429 = arith.addi %parallel_loop3A_428, %parallel_loop3A_12 : i32
      %parallel_loop3A_430 = arith.constant 256 : i32
      %parallel_loop3A_431 = arith.andi %parallel_loop3A_429, %parallel_loop3A_430 : i32
      %parallel_loop3A_432 = vector.broadcast %parallel_loop3A_431 : i32 to vector<16xi32>
      %parallel_loop3A_433 = arith.addi %parallel_loop3A_427, %parallel_loop3A_432 : vector<16xi32>
      %parallel_loop3A_434 = tpu.vector_load_idx %arg6[%parallel_loop3A_433] : memref<256xf32, #tpu.memory_space<vmem>>[vector<16xi32>], vector<16xf32>,
      %parallel_loop3A_435 = arith.index_cast %parallel_loop3A_12 : i32 to index
      %parallel_loop3A_436 = arith.constant 0 : index
      %parallel_loop3A_437 = tpu.vector_load %arg7[%parallel_loop3A_435, %parallel_loop3A_436] {strides = array<i32>} : memref<128x16xf32, #tpu.memory_space<vmem>>, vector<16xf32>,
      tpu.vector_store %arg7[%parallel_loop3A_435, %parallel_loop3A_436], %parallel_loop3A_434 {strides = array<i32>} : memref<128x16xf32, #tpu.memory_space<vmem>>, vector<16xf32>,
    } {sc.loop_unroll_factor = 2 : i64, sc.parallel_access}
    "tpu.region"() ({
      %run_scoped3A = tpu.sem_alloc : memref<!tpu.dma_semaphore, #tpu.memory_space<semaphore_mem>>
      %dma_start3A = arith.constant 0 : i32
      %dma_start3A_12 = tpu.memref_slice %arg4[%add3A_4, %dma_start3A] : memref<8192x16xf32, #tpu.memory_space<hbm>> -> memref<128x16xf32, #tpu.memory_space<hbm>>
      %dma_start3A_13 = arith.constant 0 : i32
      %dma_start3A_14 = tpu.memref_slice %arg4[%add3A_4, %dma_start3A_13] : memref<8192x16xf32, #tpu.memory_space<hbm>> -> memref<128x16xf32, #tpu.memory_space<hbm>>
      tpu.enqueue_dma source(%arg7 : memref<128x16xf32, #tpu.memory_space<vmem>>) target(%dma_start3A_14 : memref<128x16xf32, #tpu.memory_space<hbm>>) target_semaphore(%run_scoped3A : memref<!tpu.dma_semaphore, #tpu.memory_space<semaphore_mem>>)
      %dma_wait3A = arith.constant 0 : i32
      %dma_wait3A_15 = tpu.memref_slice %arg4[%add3A_4, %dma_wait3A] : memref<8192x16xf32, #tpu.memory_space<hbm>> -> memref<128x16xf32, #tpu.memory_space<hbm>>
      %dma_wait3A_16 = arith.constant 0 : i32
      %dma_wait3A_17 = tpu.memref_slice %arg4[%add3A_4, %dma_wait3A_16] : memref<8192x16xf32, #tpu.memory_space<hbm>> -> memref<128x16xf32, #tpu.memory_space<hbm>>
      tpu.wait_dma2 semaphore(%run_scoped3A : memref<!tpu.dma_semaphore, #tpu.memory_space<semaphore_mem>>) src(%arg7 : memref<128x16xf32, #tpu.memory_space<vmem>>) dst(%dma_wait3A_17 : memref<128x16xf32, #tpu.memory_space<hbm>>)
      tpu.yield
    }) : () -> ()
    %add3A_7 = arith.constant 128 : i32
    %add3A_8 = arith.addi %mul3A_2, %add3A_7 : i32
    "tpu.region"() ({
      %run_scoped3A = tpu.sem_alloc : memref<!tpu.dma_semaphore, #tpu.memory_space<semaphore_mem>>
      %dma_start3A = arith.constant 0 : i32
      %dma_start3A_12 = tpu.memref_slice %arg2[%add3A_8, %dma_start3A] : memref<8192x256xf32, #tpu.memory_space<hbm>> -> memref<128x256xf32, #tpu.memory_space<hbm>>
      %dma_start3A_13 = arith.constant 0 : i32
      %dma_start3A_14 = tpu.memref_slice %arg2[%add3A_8, %dma_start3A_13] : memref<8192x256xf32, #tpu.memory_space<hbm>> -> memref<128x256xf32, #tpu.memory_space<hbm>>
      tpu.enqueue_dma source(%dma_start3A_14 : memref<128x256xf32, #tpu.memory_space<hbm>>) target(%arg5 : memref<128x256xf32, #tpu.memory_space<vmem>>) target_semaphore(%run_scoped3A : memref<!tpu.dma_semaphore, #tpu.memory_space<semaphore_mem>>)
      %dma_wait3A = arith.constant 0 : i32
      %dma_wait3A_15 = tpu.memref_slice %arg2[%add3A_8, %dma_wait3A] : memref<8192x256xf32, #tpu.memory_space<hbm>> -> memref<128x256xf32, #tpu.memory_space<hbm>>
      %dma_wait3A_16 = arith.constant 0 : i32
      %dma_wait3A_17 = tpu.memref_slice %arg2[%add3A_8, %dma_wait3A_16] : memref<8192x256xf32, #tpu.memory_space<hbm>> -> memref<128x256xf32, #tpu.memory_space<hbm>>
      tpu.wait_dma2 semaphore(%run_scoped3A : memref<!tpu.dma_semaphore, #tpu.memory_space<semaphore_mem>>) src(%dma_wait3A_17 : memref<128x256xf32, #tpu.memory_space<hbm>>) dst(%arg5 : memref<128x256xf32, #tpu.memory_space<vmem>>)
      tpu.yield
    }) : () -> ()
    %parallel_loop3A_9 = arith.constant 0 : i32
    %parallel_loop3A_10 = arith.constant 128 : i32
    %parallel_loop3A_11 = arith.constant 1 : i32
    scf.for %parallel_loop3A_12 = %parallel_loop3A_9 to %parallel_loop3A_10 step %parallel_loop3A_11  : i32 {
      %parallel_loop3A_13 = arith.index_cast %parallel_loop3A_12 : i32 to index
      %parallel_loop3A_14 = arith.constant 0 : index
      %parallel_loop3A_15 = tpu.vector_load %arg5[%parallel_loop3A_13, %parallel_loop3A_14] {strides = array<i32>} : memref<128x256xf32, #tpu.memory_space<vmem>>, vector<16xf32>,
      %parallel_loop3A_16 = arith.constant 0 : i32
      %parallel_loop3A_17 = vector.broadcast %parallel_loop3A_16 : i32 to vector<16xi32>
      %parallel_loop3A_18 = arith.addi %iota3A, %parallel_loop3A_17 : vector<16xi32>
      %parallel_loop3A_19 = arith.constant dense<true> : vector<16xi1>
      %parallel_loop3A_20, %parallel_loop3A_21, %parallel_loop3A_22 = tpu.sort %parallel_loop3A_15, %parallel_loop3A_18 masked %parallel_loop3A_19 {descending = true} : (vector<16xf32>, vector<16xi32>, vector<16xi1>) -> (vector<16xi1>, vector<16xf32>, vector<16xi32>)
      %parallel_loop3A_23 = arith.index_cast %parallel_loop3A_12 : i32 to index
      %parallel_loop3A_24 = arith.constant 16 : index
      %parallel_loop3A_25 = tpu.vector_load %arg5[%parallel_loop3A_23, %parallel_loop3A_24] {strides = array<i32>} : memref<128x256xf32, #tpu.memory_space<vmem>>, vector<16xf32>,
      %parallel_loop3A_26 = arith.constant 16 : i32
      %parallel_loop3A_27 = vector.broadcast %parallel_loop3A_26 : i32 to vector<16xi32>
      %parallel_loop3A_28 = arith.addi %iota3A, %parallel_loop3A_27 : vector<16xi32>
      %parallel_loop3A_29 = arith.constant dense<true> : vector<16xi1>
      %parallel_loop3A_30, %parallel_loop3A_31, %parallel_loop3A_32 = tpu.sort %parallel_loop3A_25, %parallel_loop3A_28 masked %parallel_loop3A_29 {descending = true} : (vector<16xf32>, vector<16xi32>, vector<16xi1>) -> (vector<16xi1>, vector<16xf32>, vector<16xi32>)
      %parallel_loop3A_33 = arith.index_cast %parallel_loop3A_12 : i32 to index
      %parallel_loop3A_34 = arith.constant 32 : index
      %parallel_loop3A_35 = tpu.vector_load %arg5[%parallel_loop3A_33, %parallel_loop3A_34] {strides = array<i32>} : memref<128x256xf32, #tpu.memory_space<vmem>>, vector<16xf32>,
      %parallel_loop3A_36 = arith.constant 32 : i32
      %parallel_loop3A_37 = vector.broadcast %parallel_loop3A_36 : i32 to vector<16xi32>
      %parallel_loop3A_38 = arith.addi %iota3A, %parallel_loop3A_37 : vector<16xi32>
      %parallel_loop3A_39 = arith.constant dense<true> : vector<16xi1>
      %parallel_loop3A_40, %parallel_loop3A_41, %parallel_loop3A_42 = tpu.sort %parallel_loop3A_35, %parallel_loop3A_38 masked %parallel_loop3A_39 {descending = true} : (vector<16xf32>, vector<16xi32>, vector<16xi1>) -> (vector<16xi1>, vector<16xf32>, vector<16xi32>)
      %parallel_loop3A_43 = arith.index_cast %parallel_loop3A_12 : i32 to index
      %parallel_loop3A_44 = arith.constant 48 : index
      %parallel_loop3A_45 = tpu.vector_load %arg5[%parallel_loop3A_43, %parallel_loop3A_44] {strides = array<i32>} : memref<128x256xf32, #tpu.memory_space<vmem>>, vector<16xf32>,
      %parallel_loop3A_46 = arith.constant 48 : i32
      %parallel_loop3A_47 = vector.broadcast %parallel_loop3A_46 : i32 to vector<16xi32>
      %parallel_loop3A_48 = arith.addi %iota3A, %parallel_loop3A_47 : vector<16xi32>
      %parallel_loop3A_49 = arith.constant dense<true> : vector<16xi1>
      %parallel_loop3A_50, %parallel_loop3A_51, %parallel_loop3A_52 = tpu.sort %parallel_loop3A_45, %parallel_loop3A_48 masked %parallel_loop3A_49 {descending = true} : (vector<16xf32>, vector<16xi32>, vector<16xi1>) -> (vector<16xi1>, vector<16xf32>, vector<16xi32>)
      %parallel_loop3A_53 = arith.index_cast %parallel_loop3A_12 : i32 to index
      %parallel_loop3A_54 = arith.constant 64 : index
      %parallel_loop3A_55 = tpu.vector_load %arg5[%parallel_loop3A_53, %parallel_loop3A_54] {strides = array<i32>} : memref<128x256xf32, #tpu.memory_space<vmem>>, vector<16xf32>,
      %parallel_loop3A_56 = arith.constant 64 : i32
      %parallel_loop3A_57 = vector.broadcast %parallel_loop3A_56 : i32 to vector<16xi32>
      %parallel_loop3A_58 = arith.addi %iota3A, %parallel_loop3A_57 : vector<16xi32>
      %parallel_loop3A_59 = arith.constant dense<true> : vector<16xi1>
      %parallel_loop3A_60, %parallel_loop3A_61, %parallel_loop3A_62 = tpu.sort %parallel_loop3A_55, %parallel_loop3A_58 masked %parallel_loop3A_59 {descending = true} : (vector<16xf32>, vector<16xi32>, vector<16xi1>) -> (vector<16xi1>, vector<16xf32>, vector<16xi32>)
      %parallel_loop3A_63 = arith.index_cast %parallel_loop3A_12 : i32 to index
      %parallel_loop3A_64 = arith.constant 80 : index
      %parallel_loop3A_65 = tpu.vector_load %arg5[%parallel_loop3A_63, %parallel_loop3A_64] {strides = array<i32>} : memref<128x256xf32, #tpu.memory_space<vmem>>, vector<16xf32>,
      %parallel_loop3A_66 = arith.constant 80 : i32
      %parallel_loop3A_67 = vector.broadcast %parallel_loop3A_66 : i32 to vector<16xi32>
      %parallel_loop3A_68 = arith.addi %iota3A, %parallel_loop3A_67 : vector<16xi32>
      %parallel_loop3A_69 = arith.constant dense<true> : vector<16xi1>
      %parallel_loop3A_70, %parallel_loop3A_71, %parallel_loop3A_72 = tpu.sort %parallel_loop3A_65, %parallel_loop3A_68 masked %parallel_loop3A_69 {descending = true} : (vector<16xf32>, vector<16xi32>, vector<16xi1>) -> (vector<16xi1>, vector<16xf32>, vector<16xi32>)
      %parallel_loop3A_73 = arith.index_cast %parallel_loop3A_12 : i32 to index
      %parallel_loop3A_74 = arith.constant 96 : index
      %parallel_loop3A_75 = tpu.vector_load %arg5[%parallel_loop3A_73, %parallel_loop3A_74] {strides = array<i32>} : memref<128x256xf32, #tpu.memory_space<vmem>>, vector<16xf32>,
      %parallel_loop3A_76 = arith.constant 96 : i32
      %parallel_loop3A_77 = vector.broadcast %parallel_loop3A_76 : i32 to vector<16xi32>
      %parallel_loop3A_78 = arith.addi %iota3A, %parallel_loop3A_77 : vector<16xi32>
      %parallel_loop3A_79 = arith.constant dense<true> : vector<16xi1>
      %parallel_loop3A_80, %parallel_loop3A_81, %parallel_loop3A_82 = tpu.sort %parallel_loop3A_75, %parallel_loop3A_78 masked %parallel_loop3A_79 {descending = true} : (vector<16xf32>, vector<16xi32>, vector<16xi1>) -> (vector<16xi1>, vector<16xf32>, vector<16xi32>)
      %parallel_loop3A_83 = arith.index_cast %parallel_loop3A_12 : i32 to index
      %parallel_loop3A_84 = arith.constant 112 : index
      %parallel_loop3A_85 = tpu.vector_load %arg5[%parallel_loop3A_83, %parallel_loop3A_84] {strides = array<i32>} : memref<128x256xf32, #tpu.memory_space<vmem>>, vector<16xf32>,
      %parallel_loop3A_86 = arith.constant 112 : i32
      %parallel_loop3A_87 = vector.broadcast %parallel_loop3A_86 : i32 to vector<16xi32>
      %parallel_loop3A_88 = arith.addi %iota3A, %parallel_loop3A_87 : vector<16xi32>
      %parallel_loop3A_89 = arith.constant dense<true> : vector<16xi1>
      %parallel_loop3A_90, %parallel_loop3A_91, %parallel_loop3A_92 = tpu.sort %parallel_loop3A_85, %parallel_loop3A_88 masked %parallel_loop3A_89 {descending = true} : (vector<16xf32>, vector<16xi32>, vector<16xi1>) -> (vector<16xi1>, vector<16xf32>, vector<16xi32>)
      %parallel_loop3A_93 = arith.index_cast %parallel_loop3A_12 : i32 to index
      %parallel_loop3A_94 = arith.constant 128 : index
      %parallel_loop3A_95 = tpu.vector_load %arg5[%parallel_loop3A_93, %parallel_loop3A_94] {strides = array<i32>} : memref<128x256xf32, #tpu.memory_space<vmem>>, vector<16xf32>,
      %parallel_loop3A_96 = arith.constant 128 : i32
      %parallel_loop3A_97 = vector.broadcast %parallel_loop3A_96 : i32 to vector<16xi32>
      %parallel_loop3A_98 = arith.addi %iota3A, %parallel_loop3A_97 : vector<16xi32>
      %parallel_loop3A_99 = arith.constant dense<true> : vector<16xi1>
      %parallel_loop3A_100, %parallel_loop3A_101, %parallel_loop3A_102 = tpu.sort %parallel_loop3A_95, %parallel_loop3A_98 masked %parallel_loop3A_99 {descending = true} : (vector<16xf32>, vector<16xi32>, vector<16xi1>) -> (vector<16xi1>, vector<16xf32>, vector<16xi32>)
      %parallel_loop3A_103 = arith.index_cast %parallel_loop3A_12 : i32 to index
      %parallel_loop3A_104 = arith.constant 144 : index
      %parallel_loop3A_105 = tpu.vector_load %arg5[%parallel_loop3A_103, %parallel_loop3A_104] {strides = array<i32>} : memref<128x256xf32, #tpu.memory_space<vmem>>, vector<16xf32>,
      %parallel_loop3A_106 = arith.constant 144 : i32
      %parallel_loop3A_107 = vector.broadcast %parallel_loop3A_106 : i32 to vector<16xi32>
      %parallel_loop3A_108 = arith.addi %iota3A, %parallel_loop3A_107 : vector<16xi32>
      %parallel_loop3A_109 = arith.constant dense<true> : vector<16xi1>
      %parallel_loop3A_110, %parallel_loop3A_111, %parallel_loop3A_112 = tpu.sort %parallel_loop3A_105, %parallel_loop3A_108 masked %parallel_loop3A_109 {descending = true} : (vector<16xf32>, vector<16xi32>, vector<16xi1>) -> (vector<16xi1>, vector<16xf32>, vector<16xi32>)
      %parallel_loop3A_113 = arith.index_cast %parallel_loop3A_12 : i32 to index
      %parallel_loop3A_114 = arith.constant 160 : index
      %parallel_loop3A_115 = tpu.vector_load %arg5[%parallel_loop3A_113, %parallel_loop3A_114] {strides = array<i32>} : memref<128x256xf32, #tpu.memory_space<vmem>>, vector<16xf32>,
      %parallel_loop3A_116 = arith.constant 160 : i32
      %parallel_loop3A_117 = vector.broadcast %parallel_loop3A_116 : i32 to vector<16xi32>
      %parallel_loop3A_118 = arith.addi %iota3A, %parallel_loop3A_117 : vector<16xi32>
      %parallel_loop3A_119 = arith.constant dense<true> : vector<16xi1>
      %parallel_loop3A_120, %parallel_loop3A_121, %parallel_loop3A_122 = tpu.sort %parallel_loop3A_115, %parallel_loop3A_118 masked %parallel_loop3A_119 {descending = true} : (vector<16xf32>, vector<16xi32>, vector<16xi1>) -> (vector<16xi1>, vector<16xf32>, vector<16xi32>)
      %parallel_loop3A_123 = arith.index_cast %parallel_loop3A_12 : i32 to index
      %parallel_loop3A_124 = arith.constant 176 : index
      %parallel_loop3A_125 = tpu.vector_load %arg5[%parallel_loop3A_123, %parallel_loop3A_124] {strides = array<i32>} : memref<128x256xf32, #tpu.memory_space<vmem>>, vector<16xf32>,
      %parallel_loop3A_126 = arith.constant 176 : i32
      %parallel_loop3A_127 = vector.broadcast %parallel_loop3A_126 : i32 to vector<16xi32>
      %parallel_loop3A_128 = arith.addi %iota3A, %parallel_loop3A_127 : vector<16xi32>
      %parallel_loop3A_129 = arith.constant dense<true> : vector<16xi1>
      %parallel_loop3A_130, %parallel_loop3A_131, %parallel_loop3A_132 = tpu.sort %parallel_loop3A_125, %parallel_loop3A_128 masked %parallel_loop3A_129 {descending = true} : (vector<16xf32>, vector<16xi32>, vector<16xi1>) -> (vector<16xi1>, vector<16xf32>, vector<16xi32>)
      %parallel_loop3A_133 = arith.index_cast %parallel_loop3A_12 : i32 to index
      %parallel_loop3A_134 = arith.constant 192 : index
      %parallel_loop3A_135 = tpu.vector_load %arg5[%parallel_loop3A_133, %parallel_loop3A_134] {strides = array<i32>} : memref<128x256xf32, #tpu.memory_space<vmem>>, vector<16xf32>,
      %parallel_loop3A_136 = arith.constant 192 : i32
      %parallel_loop3A_137 = vector.broadcast %parallel_loop3A_136 : i32 to vector<16xi32>
      %parallel_loop3A_138 = arith.addi %iota3A, %parallel_loop3A_137 : vector<16xi32>
      %parallel_loop3A_139 = arith.constant dense<true> : vector<16xi1>
      %parallel_loop3A_140, %parallel_loop3A_141, %parallel_loop3A_142 = tpu.sort %parallel_loop3A_135, %parallel_loop3A_138 masked %parallel_loop3A_139 {descending = true} : (vector<16xf32>, vector<16xi32>, vector<16xi1>) -> (vector<16xi1>, vector<16xf32>, vector<16xi32>)
      %parallel_loop3A_143 = arith.index_cast %parallel_loop3A_12 : i32 to index
      %parallel_loop3A_144 = arith.constant 208 : index
      %parallel_loop3A_145 = tpu.vector_load %arg5[%parallel_loop3A_143, %parallel_loop3A_144] {strides = array<i32>} : memref<128x256xf32, #tpu.memory_space<vmem>>, vector<16xf32>,
      %parallel_loop3A_146 = arith.constant 208 : i32
      %parallel_loop3A_147 = vector.broadcast %parallel_loop3A_146 : i32 to vector<16xi32>
      %parallel_loop3A_148 = arith.addi %iota3A, %parallel_loop3A_147 : vector<16xi32>
      %parallel_loop3A_149 = arith.constant dense<true> : vector<16xi1>
      %parallel_loop3A_150, %parallel_loop3A_151, %parallel_loop3A_152 = tpu.sort %parallel_loop3A_145, %parallel_loop3A_148 masked %parallel_loop3A_149 {descending = true} : (vector<16xf32>, vector<16xi32>, vector<16xi1>) -> (vector<16xi1>, vector<16xf32>, vector<16xi32>)
      %parallel_loop3A_153 = arith.index_cast %parallel_loop3A_12 : i32 to index
      %parallel_loop3A_154 = arith.constant 224 : index
      %parallel_loop3A_155 = tpu.vector_load %arg5[%parallel_loop3A_153, %parallel_loop3A_154] {strides = array<i32>} : memref<128x256xf32, #tpu.memory_space<vmem>>, vector<16xf32>,
      %parallel_loop3A_156 = arith.constant 224 : i32
      %parallel_loop3A_157 = vector.broadcast %parallel_loop3A_156 : i32 to vector<16xi32>
      %parallel_loop3A_158 = arith.addi %iota3A, %parallel_loop3A_157 : vector<16xi32>
      %parallel_loop3A_159 = arith.constant dense<true> : vector<16xi1>
      %parallel_loop3A_160, %parallel_loop3A_161, %parallel_loop3A_162 = tpu.sort %parallel_loop3A_155, %parallel_loop3A_158 masked %parallel_loop3A_159 {descending = true} : (vector<16xf32>, vector<16xi32>, vector<16xi1>) -> (vector<16xi1>, vector<16xf32>, vector<16xi32>)
      %parallel_loop3A_163 = arith.index_cast %parallel_loop3A_12 : i32 to index
      %parallel_loop3A_164 = arith.constant 240 : index
      %parallel_loop3A_165 = tpu.vector_load %arg5[%parallel_loop3A_163, %parallel_loop3A_164] {strides = array<i32>} : memref<128x256xf32, #tpu.memory_space<vmem>>, vector<16xf32>,
      %parallel_loop3A_166 = arith.constant 240 : i32
      %parallel_loop3A_167 = vector.broadcast %parallel_loop3A_166 : i32 to vector<16xi32>
      %parallel_loop3A_168 = arith.addi %iota3A, %parallel_loop3A_167 : vector<16xi32>
      %parallel_loop3A_169 = arith.constant dense<true> : vector<16xi1>
      %parallel_loop3A_170, %parallel_loop3A_171, %parallel_loop3A_172 = tpu.sort %parallel_loop3A_165, %parallel_loop3A_168 masked %parallel_loop3A_169 {descending = true} : (vector<16xf32>, vector<16xi32>, vector<16xi1>) -> (vector<16xi1>, vector<16xf32>, vector<16xi32>)
      %parallel_loop3A_173 = arith.constant 15 : i32
      %parallel_loop3A_174 = vector.broadcast %parallel_loop3A_173 : i32 to vector<16xi32>
      %parallel_loop3A_175 = tpu.iota {dimensions = array<i32: 0>} : vector<16xi32>
      %parallel_loop3A_176 = arith.subi %parallel_loop3A_174, %parallel_loop3A_175 : vector<16xi32>
      %parallel_loop3A_177 = tpu.dynamic_gather %parallel_loop3A_31[%parallel_loop3A_176] in [0] : vector<16xf32>, vector<16xi32> -> vector<16xf32>
      %parallel_loop3A_178 = arith.constant 15 : i32
      %parallel_loop3A_179 = vector.broadcast %parallel_loop3A_178 : i32 to vector<16xi32>
      %parallel_loop3A_180 = tpu.iota {dimensions = array<i32: 0>} : vector<16xi32>
      %parallel_loop3A_181 = arith.subi %parallel_loop3A_179, %parallel_loop3A_180 : vector<16xi32>
      %parallel_loop3A_182 = tpu.dynamic_gather %parallel_loop3A_32[%parallel_loop3A_181] in [0] : vector<16xi32>, vector<16xi32> -> vector<16xi32>
      %parallel_loop3A_183 = arith.cmpf oge, %parallel_loop3A_21, %parallel_loop3A_177 : vector<16xf32>
      %parallel_loop3A_184 = arith.select %parallel_loop3A_183, %parallel_loop3A_21, %parallel_loop3A_177 : vector<16xi1>, vector<16xf32>
      %parallel_loop3A_185 = arith.select %parallel_loop3A_183, %parallel_loop3A_22, %parallel_loop3A_182 : vector<16xi1>, vector<16xi32>
      %parallel_loop3A_186 = arith.constant dense<true> : vector<16xi1>
      %parallel_loop3A_187, %parallel_loop3A_188, %parallel_loop3A_189 = tpu.sort %parallel_loop3A_184, %parallel_loop3A_185 masked %parallel_loop3A_186 {descending = true} : (vector<16xf32>, vector<16xi32>, vector<16xi1>) -> (vector<16xi1>, vector<16xf32>, vector<16xi32>)
      %parallel_loop3A_190 = arith.constant 15 : i32
      %parallel_loop3A_191 = vector.broadcast %parallel_loop3A_190 : i32 to vector<16xi32>
      %parallel_loop3A_192 = tpu.iota {dimensions = array<i32: 0>} : vector<16xi32>
      %parallel_loop3A_193 = arith.subi %parallel_loop3A_191, %parallel_loop3A_192 : vector<16xi32>
      %parallel_loop3A_194 = tpu.dynamic_gather %parallel_loop3A_51[%parallel_loop3A_193] in [0] : vector<16xf32>, vector<16xi32> -> vector<16xf32>
      %parallel_loop3A_195 = arith.constant 15 : i32
      %parallel_loop3A_196 = vector.broadcast %parallel_loop3A_195 : i32 to vector<16xi32>
      %parallel_loop3A_197 = tpu.iota {dimensions = array<i32: 0>} : vector<16xi32>
      %parallel_loop3A_198 = arith.subi %parallel_loop3A_196, %parallel_loop3A_197 : vector<16xi32>
      %parallel_loop3A_199 = tpu.dynamic_gather %parallel_loop3A_52[%parallel_loop3A_198] in [0] : vector<16xi32>, vector<16xi32> -> vector<16xi32>
      %parallel_loop3A_200 = arith.cmpf oge, %parallel_loop3A_41, %parallel_loop3A_194 : vector<16xf32>
      %parallel_loop3A_201 = arith.select %parallel_loop3A_200, %parallel_loop3A_41, %parallel_loop3A_194 : vector<16xi1>, vector<16xf32>
      %parallel_loop3A_202 = arith.select %parallel_loop3A_200, %parallel_loop3A_42, %parallel_loop3A_199 : vector<16xi1>, vector<16xi32>
      %parallel_loop3A_203 = arith.constant dense<true> : vector<16xi1>
      %parallel_loop3A_204, %parallel_loop3A_205, %parallel_loop3A_206 = tpu.sort %parallel_loop3A_201, %parallel_loop3A_202 masked %parallel_loop3A_203 {descending = true} : (vector<16xf32>, vector<16xi32>, vector<16xi1>) -> (vector<16xi1>, vector<16xf32>, vector<16xi32>)
      %parallel_loop3A_207 = arith.constant 15 : i32
      %parallel_loop3A_208 = vector.broadcast %parallel_loop3A_207 : i32 to vector<16xi32>
      %parallel_loop3A_209 = tpu.iota {dimensions = array<i32: 0>} : vector<16xi32>
      %parallel_loop3A_210 = arith.subi %parallel_loop3A_208, %parallel_loop3A_209 : vector<16xi32>
      %parallel_loop3A_211 = tpu.dynamic_gather %parallel_loop3A_71[%parallel_loop3A_210] in [0] : vector<16xf32>, vector<16xi32> -> vector<16xf32>
      %parallel_loop3A_212 = arith.constant 15 : i32
      %parallel_loop3A_213 = vector.broadcast %parallel_loop3A_212 : i32 to vector<16xi32>
      %parallel_loop3A_214 = tpu.iota {dimensions = array<i32: 0>} : vector<16xi32>
      %parallel_loop3A_215 = arith.subi %parallel_loop3A_213, %parallel_loop3A_214 : vector<16xi32>
      %parallel_loop3A_216 = tpu.dynamic_gather %parallel_loop3A_72[%parallel_loop3A_215] in [0] : vector<16xi32>, vector<16xi32> -> vector<16xi32>
      %parallel_loop3A_217 = arith.cmpf oge, %parallel_loop3A_61, %parallel_loop3A_211 : vector<16xf32>
      %parallel_loop3A_218 = arith.select %parallel_loop3A_217, %parallel_loop3A_61, %parallel_loop3A_211 : vector<16xi1>, vector<16xf32>
      %parallel_loop3A_219 = arith.select %parallel_loop3A_217, %parallel_loop3A_62, %parallel_loop3A_216 : vector<16xi1>, vector<16xi32>
      %parallel_loop3A_220 = arith.constant dense<true> : vector<16xi1>
      %parallel_loop3A_221, %parallel_loop3A_222, %parallel_loop3A_223 = tpu.sort %parallel_loop3A_218, %parallel_loop3A_219 masked %parallel_loop3A_220 {descending = true} : (vector<16xf32>, vector<16xi32>, vector<16xi1>) -> (vector<16xi1>, vector<16xf32>, vector<16xi32>)
      %parallel_loop3A_224 = arith.constant 15 : i32
      %parallel_loop3A_225 = vector.broadcast %parallel_loop3A_224 : i32 to vector<16xi32>
      %parallel_loop3A_226 = tpu.iota {dimensions = array<i32: 0>} : vector<16xi32>
      %parallel_loop3A_227 = arith.subi %parallel_loop3A_225, %parallel_loop3A_226 : vector<16xi32>
      %parallel_loop3A_228 = tpu.dynamic_gather %parallel_loop3A_91[%parallel_loop3A_227] in [0] : vector<16xf32>, vector<16xi32> -> vector<16xf32>
      %parallel_loop3A_229 = arith.constant 15 : i32
      %parallel_loop3A_230 = vector.broadcast %parallel_loop3A_229 : i32 to vector<16xi32>
      %parallel_loop3A_231 = tpu.iota {dimensions = array<i32: 0>} : vector<16xi32>
      %parallel_loop3A_232 = arith.subi %parallel_loop3A_230, %parallel_loop3A_231 : vector<16xi32>
      %parallel_loop3A_233 = tpu.dynamic_gather %parallel_loop3A_92[%parallel_loop3A_232] in [0] : vector<16xi32>, vector<16xi32> -> vector<16xi32>
      %parallel_loop3A_234 = arith.cmpf oge, %parallel_loop3A_81, %parallel_loop3A_228 : vector<16xf32>
      %parallel_loop3A_235 = arith.select %parallel_loop3A_234, %parallel_loop3A_81, %parallel_loop3A_228 : vector<16xi1>, vector<16xf32>
      %parallel_loop3A_236 = arith.select %parallel_loop3A_234, %parallel_loop3A_82, %parallel_loop3A_233 : vector<16xi1>, vector<16xi32>
      %parallel_loop3A_237 = arith.constant dense<true> : vector<16xi1>
      %parallel_loop3A_238, %parallel_loop3A_239, %parallel_loop3A_240 = tpu.sort %parallel_loop3A_235, %parallel_loop3A_236 masked %parallel_loop3A_237 {descending = true} : (vector<16xf32>, vector<16xi32>, vector<16xi1>) -> (vector<16xi1>, vector<16xf32>, vector<16xi32>)
      %parallel_loop3A_241 = arith.constant 15 : i32
      %parallel_loop3A_242 = vector.broadcast %parallel_loop3A_241 : i32 to vector<16xi32>
      %parallel_loop3A_243 = tpu.iota {dimensions = array<i32: 0>} : vector<16xi32>
      %parallel_loop3A_244 = arith.subi %parallel_loop3A_242, %parallel_loop3A_243 : vector<16xi32>
      %parallel_loop3A_245 = tpu.dynamic_gather %parallel_loop3A_111[%parallel_loop3A_244] in [0] : vector<16xf32>, vector<16xi32> -> vector<16xf32>
      %parallel_loop3A_246 = arith.constant 15 : i32
      %parallel_loop3A_247 = vector.broadcast %parallel_loop3A_246 : i32 to vector<16xi32>
      %parallel_loop3A_248 = tpu.iota {dimensions = array<i32: 0>} : vector<16xi32>
      %parallel_loop3A_249 = arith.subi %parallel_loop3A_247, %parallel_loop3A_248 : vector<16xi32>
      %parallel_loop3A_250 = tpu.dynamic_gather %parallel_loop3A_112[%parallel_loop3A_249] in [0] : vector<16xi32>, vector<16xi32> -> vector<16xi32>
      %parallel_loop3A_251 = arith.cmpf oge, %parallel_loop3A_101, %parallel_loop3A_245 : vector<16xf32>
      %parallel_loop3A_252 = arith.select %parallel_loop3A_251, %parallel_loop3A_101, %parallel_loop3A_245 : vector<16xi1>, vector<16xf32>
      %parallel_loop3A_253 = arith.select %parallel_loop3A_251, %parallel_loop3A_102, %parallel_loop3A_250 : vector<16xi1>, vector<16xi32>
      %parallel_loop3A_254 = arith.constant dense<true> : vector<16xi1>
      %parallel_loop3A_255, %parallel_loop3A_256, %parallel_loop3A_257 = tpu.sort %parallel_loop3A_252, %parallel_loop3A_253 masked %parallel_loop3A_254 {descending = true} : (vector<16xf32>, vector<16xi32>, vector<16xi1>) -> (vector<16xi1>, vector<16xf32>, vector<16xi32>)
      %parallel_loop3A_258 = arith.constant 15 : i32
      %parallel_loop3A_259 = vector.broadcast %parallel_loop3A_258 : i32 to vector<16xi32>
      %parallel_loop3A_260 = tpu.iota {dimensions = array<i32: 0>} : vector<16xi32>
      %parallel_loop3A_261 = arith.subi %parallel_loop3A_259, %parallel_loop3A_260 : vector<16xi32>
      %parallel_loop3A_262 = tpu.dynamic_gather %parallel_loop3A_131[%parallel_loop3A_261] in [0] : vector<16xf32>, vector<16xi32> -> vector<16xf32>
      %parallel_loop3A_263 = arith.constant 15 : i32
      %parallel_loop3A_264 = vector.broadcast %parallel_loop3A_263 : i32 to vector<16xi32>
      %parallel_loop3A_265 = tpu.iota {dimensions = array<i32: 0>} : vector<16xi32>
      %parallel_loop3A_266 = arith.subi %parallel_loop3A_264, %parallel_loop3A_265 : vector<16xi32>
      %parallel_loop3A_267 = tpu.dynamic_gather %parallel_loop3A_132[%parallel_loop3A_266] in [0] : vector<16xi32>, vector<16xi32> -> vector<16xi32>
      %parallel_loop3A_268 = arith.cmpf oge, %parallel_loop3A_121, %parallel_loop3A_262 : vector<16xf32>
      %parallel_loop3A_269 = arith.select %parallel_loop3A_268, %parallel_loop3A_121, %parallel_loop3A_262 : vector<16xi1>, vector<16xf32>
      %parallel_loop3A_270 = arith.select %parallel_loop3A_268, %parallel_loop3A_122, %parallel_loop3A_267 : vector<16xi1>, vector<16xi32>
      %parallel_loop3A_271 = arith.constant dense<true> : vector<16xi1>
      %parallel_loop3A_272, %parallel_loop3A_273, %parallel_loop3A_274 = tpu.sort %parallel_loop3A_269, %parallel_loop3A_270 masked %parallel_loop3A_271 {descending = true} : (vector<16xf32>, vector<16xi32>, vector<16xi1>) -> (vector<16xi1>, vector<16xf32>, vector<16xi32>)
      %parallel_loop3A_275 = arith.constant 15 : i32
      %parallel_loop3A_276 = vector.broadcast %parallel_loop3A_275 : i32 to vector<16xi32>
      %parallel_loop3A_277 = tpu.iota {dimensions = array<i32: 0>} : vector<16xi32>
      %parallel_loop3A_278 = arith.subi %parallel_loop3A_276, %parallel_loop3A_277 : vector<16xi32>
      %parallel_loop3A_279 = tpu.dynamic_gather %parallel_loop3A_151[%parallel_loop3A_278] in [0] : vector<16xf32>, vector<16xi32> -> vector<16xf32>
      %parallel_loop3A_280 = arith.constant 15 : i32
      %parallel_loop3A_281 = vector.broadcast %parallel_loop3A_280 : i32 to vector<16xi32>
      %parallel_loop3A_282 = tpu.iota {dimensions = array<i32: 0>} : vector<16xi32>
      %parallel_loop3A_283 = arith.subi %parallel_loop3A_281, %parallel_loop3A_282 : vector<16xi32>
      %parallel_loop3A_284 = tpu.dynamic_gather %parallel_loop3A_152[%parallel_loop3A_283] in [0] : vector<16xi32>, vector<16xi32> -> vector<16xi32>
      %parallel_loop3A_285 = arith.cmpf oge, %parallel_loop3A_141, %parallel_loop3A_279 : vector<16xf32>
      %parallel_loop3A_286 = arith.select %parallel_loop3A_285, %parallel_loop3A_141, %parallel_loop3A_279 : vector<16xi1>, vector<16xf32>
      %parallel_loop3A_287 = arith.select %parallel_loop3A_285, %parallel_loop3A_142, %parallel_loop3A_284 : vector<16xi1>, vector<16xi32>
      %parallel_loop3A_288 = arith.constant dense<true> : vector<16xi1>
      %parallel_loop3A_289, %parallel_loop3A_290, %parallel_loop3A_291 = tpu.sort %parallel_loop3A_286, %parallel_loop3A_287 masked %parallel_loop3A_288 {descending = true} : (vector<16xf32>, vector<16xi32>, vector<16xi1>) -> (vector<16xi1>, vector<16xf32>, vector<16xi32>)
      %parallel_loop3A_292 = arith.constant 15 : i32
      %parallel_loop3A_293 = vector.broadcast %parallel_loop3A_292 : i32 to vector<16xi32>
      %parallel_loop3A_294 = tpu.iota {dimensions = array<i32: 0>} : vector<16xi32>
      %parallel_loop3A_295 = arith.subi %parallel_loop3A_293, %parallel_loop3A_294 : vector<16xi32>
      %parallel_loop3A_296 = tpu.dynamic_gather %parallel_loop3A_171[%parallel_loop3A_295] in [0] : vector<16xf32>, vector<16xi32> -> vector<16xf32>
      %parallel_loop3A_297 = arith.constant 15 : i32
      %parallel_loop3A_298 = vector.broadcast %parallel_loop3A_297 : i32 to vector<16xi32>
      %parallel_loop3A_299 = tpu.iota {dimensions = array<i32: 0>} : vector<16xi32>
      %parallel_loop3A_300 = arith.subi %parallel_loop3A_298, %parallel_loop3A_299 : vector<16xi32>
      %parallel_loop3A_301 = tpu.dynamic_gather %parallel_loop3A_172[%parallel_loop3A_300] in [0] : vector<16xi32>, vector<16xi32> -> vector<16xi32>
      %parallel_loop3A_302 = arith.cmpf oge, %parallel_loop3A_161, %parallel_loop3A_296 : vector<16xf32>
      %parallel_loop3A_303 = arith.select %parallel_loop3A_302, %parallel_loop3A_161, %parallel_loop3A_296 : vector<16xi1>, vector<16xf32>
      %parallel_loop3A_304 = arith.select %parallel_loop3A_302, %parallel_loop3A_162, %parallel_loop3A_301 : vector<16xi1>, vector<16xi32>
      %parallel_loop3A_305 = arith.constant dense<true> : vector<16xi1>
      %parallel_loop3A_306, %parallel_loop3A_307, %parallel_loop3A_308 = tpu.sort %parallel_loop3A_303, %parallel_loop3A_304 masked %parallel_loop3A_305 {descending = true} : (vector<16xf32>, vector<16xi32>, vector<16xi1>) -> (vector<16xi1>, vector<16xf32>, vector<16xi32>)
      %parallel_loop3A_309 = arith.constant 15 : i32
      %parallel_loop3A_310 = vector.broadcast %parallel_loop3A_309 : i32 to vector<16xi32>
      %parallel_loop3A_311 = tpu.iota {dimensions = array<i32: 0>} : vector<16xi32>
      %parallel_loop3A_312 = arith.subi %parallel_loop3A_310, %parallel_loop3A_311 : vector<16xi32>
      %parallel_loop3A_313 = tpu.dynamic_gather %parallel_loop3A_205[%parallel_loop3A_312] in [0] : vector<16xf32>, vector<16xi32> -> vector<16xf32>
      %parallel_loop3A_314 = arith.constant 15 : i32
      %parallel_loop3A_315 = vector.broadcast %parallel_loop3A_314 : i32 to vector<16xi32>
      %parallel_loop3A_316 = tpu.iota {dimensions = array<i32: 0>} : vector<16xi32>
      %parallel_loop3A_317 = arith.subi %parallel_loop3A_315, %parallel_loop3A_316 : vector<16xi32>
      %parallel_loop3A_318 = tpu.dynamic_gather %parallel_loop3A_206[%parallel_loop3A_317] in [0] : vector<16xi32>, vector<16xi32> -> vector<16xi32>
      %parallel_loop3A_319 = arith.cmpf oge, %parallel_loop3A_188, %parallel_loop3A_313 : vector<16xf32>
      %parallel_loop3A_320 = arith.select %parallel_loop3A_319, %parallel_loop3A_188, %parallel_loop3A_313 : vector<16xi1>, vector<16xf32>
      %parallel_loop3A_321 = arith.select %parallel_loop3A_319, %parallel_loop3A_189, %parallel_loop3A_318 : vector<16xi1>, vector<16xi32>
      %parallel_loop3A_322 = arith.constant dense<true> : vector<16xi1>
      %parallel_loop3A_323, %parallel_loop3A_324, %parallel_loop3A_325 = tpu.sort %parallel_loop3A_320, %parallel_loop3A_321 masked %parallel_loop3A_322 {descending = true} : (vector<16xf32>, vector<16xi32>, vector<16xi1>) -> (vector<16xi1>, vector<16xf32>, vector<16xi32>)
      %parallel_loop3A_326 = arith.constant 15 : i32
      %parallel_loop3A_327 = vector.broadcast %parallel_loop3A_326 : i32 to vector<16xi32>
      %parallel_loop3A_328 = tpu.iota {dimensions = array<i32: 0>} : vector<16xi32>
      %parallel_loop3A_329 = arith.subi %parallel_loop3A_327, %parallel_loop3A_328 : vector<16xi32>
      %parallel_loop3A_330 = tpu.dynamic_gather %parallel_loop3A_239[%parallel_loop3A_329] in [0] : vector<16xf32>, vector<16xi32> -> vector<16xf32>
      %parallel_loop3A_331 = arith.constant 15 : i32
      %parallel_loop3A_332 = vector.broadcast %parallel_loop3A_331 : i32 to vector<16xi32>
      %parallel_loop3A_333 = tpu.iota {dimensions = array<i32: 0>} : vector<16xi32>
      %parallel_loop3A_334 = arith.subi %parallel_loop3A_332, %parallel_loop3A_333 : vector<16xi32>
      %parallel_loop3A_335 = tpu.dynamic_gather %parallel_loop3A_240[%parallel_loop3A_334] in [0] : vector<16xi32>, vector<16xi32> -> vector<16xi32>
      %parallel_loop3A_336 = arith.cmpf oge, %parallel_loop3A_222, %parallel_loop3A_330 : vector<16xf32>
      %parallel_loop3A_337 = arith.select %parallel_loop3A_336, %parallel_loop3A_222, %parallel_loop3A_330 : vector<16xi1>, vector<16xf32>
      %parallel_loop3A_338 = arith.select %parallel_loop3A_336, %parallel_loop3A_223, %parallel_loop3A_335 : vector<16xi1>, vector<16xi32>
      %parallel_loop3A_339 = arith.constant dense<true> : vector<16xi1>
      %parallel_loop3A_340, %parallel_loop3A_341, %parallel_loop3A_342 = tpu.sort %parallel_loop3A_337, %parallel_loop3A_338 masked %parallel_loop3A_339 {descending = true} : (vector<16xf32>, vector<16xi32>, vector<16xi1>) -> (vector<16xi1>, vector<16xf32>, vector<16xi32>)
      %parallel_loop3A_343 = arith.constant 15 : i32
      %parallel_loop3A_344 = vector.broadcast %parallel_loop3A_343 : i32 to vector<16xi32>
      %parallel_loop3A_345 = tpu.iota {dimensions = array<i32: 0>} : vector<16xi32>
      %parallel_loop3A_346 = arith.subi %parallel_loop3A_344, %parallel_loop3A_345 : vector<16xi32>
      %parallel_loop3A_347 = tpu.dynamic_gather %parallel_loop3A_273[%parallel_loop3A_346] in [0] : vector<16xf32>, vector<16xi32> -> vector<16xf32>
      %parallel_loop3A_348 = arith.constant 15 : i32
      %parallel_loop3A_349 = vector.broadcast %parallel_loop3A_348 : i32 to vector<16xi32>
      %parallel_loop3A_350 = tpu.iota {dimensions = array<i32: 0>} : vector<16xi32>
      %parallel_loop3A_351 = arith.subi %parallel_loop3A_349, %parallel_loop3A_350 : vector<16xi32>
      %parallel_loop3A_352 = tpu.dynamic_gather %parallel_loop3A_274[%parallel_loop3A_351] in [0] : vector<16xi32>, vector<16xi32> -> vector<16xi32>
      %parallel_loop3A_353 = arith.cmpf oge, %parallel_loop3A_256, %parallel_loop3A_347 : vector<16xf32>
      %parallel_loop3A_354 = arith.select %parallel_loop3A_353, %parallel_loop3A_256, %parallel_loop3A_347 : vector<16xi1>, vector<16xf32>
      %parallel_loop3A_355 = arith.select %parallel_loop3A_353, %parallel_loop3A_257, %parallel_loop3A_352 : vector<16xi1>, vector<16xi32>
      %parallel_loop3A_356 = arith.constant dense<true> : vector<16xi1>
      %parallel_loop3A_357, %parallel_loop3A_358, %parallel_loop3A_359 = tpu.sort %parallel_loop3A_354, %parallel_loop3A_355 masked %parallel_loop3A_356 {descending = true} : (vector<16xf32>, vector<16xi32>, vector<16xi1>) -> (vector<16xi1>, vector<16xf32>, vector<16xi32>)
      %parallel_loop3A_360 = arith.constant 15 : i32
      %parallel_loop3A_361 = vector.broadcast %parallel_loop3A_360 : i32 to vector<16xi32>
      %parallel_loop3A_362 = tpu.iota {dimensions = array<i32: 0>} : vector<16xi32>
      %parallel_loop3A_363 = arith.subi %parallel_loop3A_361, %parallel_loop3A_362 : vector<16xi32>
      %parallel_loop3A_364 = tpu.dynamic_gather %parallel_loop3A_307[%parallel_loop3A_363] in [0] : vector<16xf32>, vector<16xi32> -> vector<16xf32>
      %parallel_loop3A_365 = arith.constant 15 : i32
      %parallel_loop3A_366 = vector.broadcast %parallel_loop3A_365 : i32 to vector<16xi32>
      %parallel_loop3A_367 = tpu.iota {dimensions = array<i32: 0>} : vector<16xi32>
      %parallel_loop3A_368 = arith.subi %parallel_loop3A_366, %parallel_loop3A_367 : vector<16xi32>
      %parallel_loop3A_369 = tpu.dynamic_gather %parallel_loop3A_308[%parallel_loop3A_368] in [0] : vector<16xi32>, vector<16xi32> -> vector<16xi32>
      %parallel_loop3A_370 = arith.cmpf oge, %parallel_loop3A_290, %parallel_loop3A_364 : vector<16xf32>
      %parallel_loop3A_371 = arith.select %parallel_loop3A_370, %parallel_loop3A_290, %parallel_loop3A_364 : vector<16xi1>, vector<16xf32>
      %parallel_loop3A_372 = arith.select %parallel_loop3A_370, %parallel_loop3A_291, %parallel_loop3A_369 : vector<16xi1>, vector<16xi32>
      %parallel_loop3A_373 = arith.constant dense<true> : vector<16xi1>
      %parallel_loop3A_374, %parallel_loop3A_375, %parallel_loop3A_376 = tpu.sort %parallel_loop3A_371, %parallel_loop3A_372 masked %parallel_loop3A_373 {descending = true} : (vector<16xf32>, vector<16xi32>, vector<16xi1>) -> (vector<16xi1>, vector<16xf32>, vector<16xi32>)
      %parallel_loop3A_377 = arith.constant 15 : i32
      %parallel_loop3A_378 = vector.broadcast %parallel_loop3A_377 : i32 to vector<16xi32>
      %parallel_loop3A_379 = tpu.iota {dimensions = array<i32: 0>} : vector<16xi32>
      %parallel_loop3A_380 = arith.subi %parallel_loop3A_378, %parallel_loop3A_379 : vector<16xi32>
      %parallel_loop3A_381 = tpu.dynamic_gather %parallel_loop3A_341[%parallel_loop3A_380] in [0] : vector<16xf32>, vector<16xi32> -> vector<16xf32>
      %parallel_loop3A_382 = arith.constant 15 : i32
      %parallel_loop3A_383 = vector.broadcast %parallel_loop3A_382 : i32 to vector<16xi32>
      %parallel_loop3A_384 = tpu.iota {dimensions = array<i32: 0>} : vector<16xi32>
      %parallel_loop3A_385 = arith.subi %parallel_loop3A_383, %parallel_loop3A_384 : vector<16xi32>
      %parallel_loop3A_386 = tpu.dynamic_gather %parallel_loop3A_342[%parallel_loop3A_385] in [0] : vector<16xi32>, vector<16xi32> -> vector<16xi32>
      %parallel_loop3A_387 = arith.cmpf oge, %parallel_loop3A_324, %parallel_loop3A_381 : vector<16xf32>
      %parallel_loop3A_388 = arith.select %parallel_loop3A_387, %parallel_loop3A_324, %parallel_loop3A_381 : vector<16xi1>, vector<16xf32>
      %parallel_loop3A_389 = arith.select %parallel_loop3A_387, %parallel_loop3A_325, %parallel_loop3A_386 : vector<16xi1>, vector<16xi32>
      %parallel_loop3A_390 = arith.constant dense<true> : vector<16xi1>
      %parallel_loop3A_391, %parallel_loop3A_392, %parallel_loop3A_393 = tpu.sort %parallel_loop3A_388, %parallel_loop3A_389 masked %parallel_loop3A_390 {descending = true} : (vector<16xf32>, vector<16xi32>, vector<16xi1>) -> (vector<16xi1>, vector<16xf32>, vector<16xi32>)
      %parallel_loop3A_394 = arith.constant 15 : i32
      %parallel_loop3A_395 = vector.broadcast %parallel_loop3A_394 : i32 to vector<16xi32>
      %parallel_loop3A_396 = tpu.iota {dimensions = array<i32: 0>} : vector<16xi32>
      %parallel_loop3A_397 = arith.subi %parallel_loop3A_395, %parallel_loop3A_396 : vector<16xi32>
      %parallel_loop3A_398 = tpu.dynamic_gather %parallel_loop3A_375[%parallel_loop3A_397] in [0] : vector<16xf32>, vector<16xi32> -> vector<16xf32>
      %parallel_loop3A_399 = arith.constant 15 : i32
      %parallel_loop3A_400 = vector.broadcast %parallel_loop3A_399 : i32 to vector<16xi32>
      %parallel_loop3A_401 = tpu.iota {dimensions = array<i32: 0>} : vector<16xi32>
      %parallel_loop3A_402 = arith.subi %parallel_loop3A_400, %parallel_loop3A_401 : vector<16xi32>
      %parallel_loop3A_403 = tpu.dynamic_gather %parallel_loop3A_376[%parallel_loop3A_402] in [0] : vector<16xi32>, vector<16xi32> -> vector<16xi32>
      %parallel_loop3A_404 = arith.cmpf oge, %parallel_loop3A_358, %parallel_loop3A_398 : vector<16xf32>
      %parallel_loop3A_405 = arith.select %parallel_loop3A_404, %parallel_loop3A_358, %parallel_loop3A_398 : vector<16xi1>, vector<16xf32>
      %parallel_loop3A_406 = arith.select %parallel_loop3A_404, %parallel_loop3A_359, %parallel_loop3A_403 : vector<16xi1>, vector<16xi32>
      %parallel_loop3A_407 = arith.constant dense<true> : vector<16xi1>
      %parallel_loop3A_408, %parallel_loop3A_409, %parallel_loop3A_410 = tpu.sort %parallel_loop3A_405, %parallel_loop3A_406 masked %parallel_loop3A_407 {descending = true} : (vector<16xf32>, vector<16xi32>, vector<16xi1>) -> (vector<16xi1>, vector<16xf32>, vector<16xi32>)
      %parallel_loop3A_411 = arith.constant 15 : i32
      %parallel_loop3A_412 = vector.broadcast %parallel_loop3A_411 : i32 to vector<16xi32>
      %parallel_loop3A_413 = tpu.iota {dimensions = array<i32: 0>} : vector<16xi32>
      %parallel_loop3A_414 = arith.subi %parallel_loop3A_412, %parallel_loop3A_413 : vector<16xi32>
      %parallel_loop3A_415 = tpu.dynamic_gather %parallel_loop3A_409[%parallel_loop3A_414] in [0] : vector<16xf32>, vector<16xi32> -> vector<16xf32>
      %parallel_loop3A_416 = arith.constant 15 : i32
      %parallel_loop3A_417 = vector.broadcast %parallel_loop3A_416 : i32 to vector<16xi32>
      %parallel_loop3A_418 = tpu.iota {dimensions = array<i32: 0>} : vector<16xi32>
      %parallel_loop3A_419 = arith.subi %parallel_loop3A_417, %parallel_loop3A_418 : vector<16xi32>
      %parallel_loop3A_420 = tpu.dynamic_gather %parallel_loop3A_410[%parallel_loop3A_419] in [0] : vector<16xi32>, vector<16xi32> -> vector<16xi32>
      %parallel_loop3A_421 = arith.cmpf oge, %parallel_loop3A_392, %parallel_loop3A_415 : vector<16xf32>
      %parallel_loop3A_422 = arith.select %parallel_loop3A_421, %parallel_loop3A_392, %parallel_loop3A_415 : vector<16xi1>, vector<16xf32>
      %parallel_loop3A_423 = arith.select %parallel_loop3A_421, %parallel_loop3A_393, %parallel_loop3A_420 : vector<16xi1>, vector<16xi32>
      %parallel_loop3A_424 = arith.constant dense<true> : vector<16xi1>
      %parallel_loop3A_425, %parallel_loop3A_426, %parallel_loop3A_427 = tpu.sort %parallel_loop3A_422, %parallel_loop3A_423 masked %parallel_loop3A_424 {descending = true} : (vector<16xf32>, vector<16xi32>, vector<16xi1>) -> (vector<16xi1>, vector<16xf32>, vector<16xi32>)
      %parallel_loop3A_428 = arith.constant 128 : i32
      %parallel_loop3A_429 = arith.addi %parallel_loop3A_428, %parallel_loop3A_12 : i32
      %parallel_loop3A_430 = arith.constant 256 : i32
      %parallel_loop3A_431 = arith.andi %parallel_loop3A_429, %parallel_loop3A_430 : i32
      %parallel_loop3A_432 = vector.broadcast %parallel_loop3A_431 : i32 to vector<16xi32>
      %parallel_loop3A_433 = arith.addi %parallel_loop3A_427, %parallel_loop3A_432 : vector<16xi32>
      %parallel_loop3A_434 = tpu.vector_load_idx %arg6[%parallel_loop3A_433] : memref<256xf32, #tpu.memory_space<vmem>>[vector<16xi32>], vector<16xf32>,
      %parallel_loop3A_435 = arith.index_cast %parallel_loop3A_12 : i32 to index
      %parallel_loop3A_436 = arith.constant 0 : index
      %parallel_loop3A_437 = tpu.vector_load %arg7[%parallel_loop3A_435, %parallel_loop3A_436] {strides = array<i32>} : memref<128x16xf32, #tpu.memory_space<vmem>>, vector<16xf32>,
      tpu.vector_store %arg7[%parallel_loop3A_435, %parallel_loop3A_436], %parallel_loop3A_434 {strides = array<i32>} : memref<128x16xf32, #tpu.memory_space<vmem>>, vector<16xf32>,
    } {sc.loop_unroll_factor = 2 : i64, sc.parallel_access}
    "tpu.region"() ({
      %run_scoped3A = tpu.sem_alloc : memref<!tpu.dma_semaphore, #tpu.memory_space<semaphore_mem>>
      %dma_start3A = arith.constant 0 : i32
      %dma_start3A_12 = tpu.memref_slice %arg4[%add3A_8, %dma_start3A] : memref<8192x16xf32, #tpu.memory_space<hbm>> -> memref<128x16xf32, #tpu.memory_space<hbm>>
      %dma_start3A_13 = arith.constant 0 : i32
      %dma_start3A_14 = tpu.memref_slice %arg4[%add3A_8, %dma_start3A_13] : memref<8192x16xf32, #tpu.memory_space<hbm>> -> memref<128x16xf32, #tpu.memory_space<hbm>>
      tpu.enqueue_dma source(%arg7 : memref<128x16xf32, #tpu.memory_space<vmem>>) target(%dma_start3A_14 : memref<128x16xf32, #tpu.memory_space<hbm>>) target_semaphore(%run_scoped3A : memref<!tpu.dma_semaphore, #tpu.memory_space<semaphore_mem>>)
      %dma_wait3A = arith.constant 0 : i32
      %dma_wait3A_15 = tpu.memref_slice %arg4[%add3A_8, %dma_wait3A] : memref<8192x16xf32, #tpu.memory_space<hbm>> -> memref<128x16xf32, #tpu.memory_space<hbm>>
      %dma_wait3A_16 = arith.constant 0 : i32
      %dma_wait3A_17 = tpu.memref_slice %arg4[%add3A_8, %dma_wait3A_16] : memref<8192x16xf32, #tpu.memory_space<hbm>> -> memref<128x16xf32, #tpu.memory_space<hbm>>
      tpu.wait_dma2 semaphore(%run_scoped3A : memref<!tpu.dma_semaphore, #tpu.memory_space<semaphore_mem>>) src(%arg7 : memref<128x16xf32, #tpu.memory_space<vmem>>) dst(%dma_wait3A_17 : memref<128x16xf32, #tpu.memory_space<hbm>>)
      tpu.yield
    }) : () -> ()
    return
  }
}

#map = affine_map<(d0, d1) -> (0, 0)>
#map1 = affine_map<(d0, d1) -> (0)>
module attributes {stable_mosaic.version = 14 : i64} {
  func.func @_sc_topk_body(%arg0: i32, %arg1: i32, %arg2: memref<8192x256xf32, #tpu.memory_space<hbm>>, %arg3: memref<8192xf32, #tpu.memory_space<hbm>>, %arg4: memref<8192x16xf32, #tpu.memory_space<hbm>>, %arg5: memref<128x256xf32, #tpu.memory_space<vmem>>, %arg6: memref<256xf32, #tpu.memory_space<vmem>>, %arg7: memref<128x16xf32, #tpu.memory_space<vmem>>) attributes {dimension_semantics = [#tpu.dimension_semantics<core_parallel>, #tpu.dimension_semantics<subcore_parallel>], iteration_bounds = array<i64: 2, 16>, scalar_prefetch = 0 : i64, scratch_operands = 3 : i64, tpu.core_type = #tpu.core_type<sc_vector_subcore>, window_params = [{transform_indices = #map}, {transform_indices = #map1}, {transform_indices = #map}]} {
    %mul3A = arith.constant 2 : i32
    %mul3A_0 = arith.muli %arg1, %mul3A : i32
    %add3A = arith.addi %mul3A_0, %arg0 : i32
    %mul3A_1 = arith.constant 256 : i32
    %mul3A_2 = arith.muli %add3A, %mul3A_1 : i32
    "tpu.region"() ({
      %run_scoped3A = tpu.sem_alloc : memref<!tpu.dma_semaphore, #tpu.memory_space<semaphore_mem>>
      %dma_start3A = tpu.memref_slice %arg3[%mul3A_2] : memref<8192xf32, #tpu.memory_space<hbm>> -> memref<256xf32, #tpu.memory_space<hbm>>
      %dma_start3A_12 = tpu.memref_slice %arg3[%mul3A_2] : memref<8192xf32, #tpu.memory_space<hbm>> -> memref<256xf32, #tpu.memory_space<hbm>>
      tpu.enqueue_dma source(%dma_start3A_12 : memref<256xf32, #tpu.memory_space<hbm>>) target(%arg6 : memref<256xf32, #tpu.memory_space<vmem>>) target_semaphore(%run_scoped3A : memref<!tpu.dma_semaphore, #tpu.memory_space<semaphore_mem>>)
      %dma_wait3A = tpu.memref_slice %arg3[%mul3A_2] : memref<8192xf32, #tpu.memory_space<hbm>> -> memref<256xf32, #tpu.memory_space<hbm>>
      %dma_wait3A_13 = tpu.memref_slice %arg3[%mul3A_2] : memref<8192xf32, #tpu.memory_space<hbm>> -> memref<256xf32, #tpu.memory_space<hbm>>
      tpu.wait_dma2 semaphore(%run_scoped3A : memref<!tpu.dma_semaphore, #tpu.memory_space<semaphore_mem>>) src(%dma_wait3A_13 : memref<256xf32, #tpu.memory_space<hbm>>) dst(%arg6 : memref<256xf32, #tpu.memory_space<vmem>>)
      tpu.yield
    }) : () -> ()
    %iota3A = tpu.iota {dimensions = array<i32: 0>} : vector<16xi32>
    %add3A_3 = arith.constant 0 : i32
    %add3A_4 = arith.addi %mul3A_2, %add3A_3 : i32
    "tpu.region"() ({
      %run_scoped3A = tpu.sem_alloc : memref<!tpu.dma_semaphore, #tpu.memory_space<semaphore_mem>>
      %dma_start3A = arith.constant 0 : i32
      %dma_start3A_12 = tpu.memref_slice %arg2[%add3A_4, %dma_start3A] : memref<8192x256xf32, #tpu.memory_space<hbm>> -> memref<128x256xf32, #tpu.memory_space<hbm>>
      %dma_start3A_13 = arith.constant 0 : i32
      %dma_start3A_14 = tpu.memref_slice %arg2[%add3A_4, %dma_start3A_13] : memref<8192x256xf32, #tpu.memory_space<hbm>> -> memref<128x256xf32, #tpu.memory_space<hbm>>
      tpu.enqueue_dma source(%dma_start3A_14 : memref<128x256xf32, #tpu.memory_space<hbm>>) target(%arg5 : memref<128x256xf32, #tpu.memory_space<vmem>>) target_semaphore(%run_scoped3A : memref<!tpu.dma_semaphore, #tpu.memory_space<semaphore_mem>>)
      %dma_wait3A = arith.constant 0 : i32
      %dma_wait3A_15 = tpu.memref_slice %arg2[%add3A_4, %dma_wait3A] : memref<8192x256xf32, #tpu.memory_space<hbm>> -> memref<128x256xf32, #tpu.memory_space<hbm>>
      %dma_wait3A_16 = arith.constant 0 : i32
      %dma_wait3A_17 = tpu.memref_slice %arg2[%add3A_4, %dma_wait3A_16] : memref<8192x256xf32, #tpu.memory_space<hbm>> -> memref<128x256xf32, #tpu.memory_space<hbm>>
      tpu.wait_dma2 semaphore(%run_scoped3A : memref<!tpu.dma_semaphore, #tpu.memory_space<semaphore_mem>>) src(%dma_wait3A_17 : memref<128x256xf32, #tpu.memory_space<hbm>>) dst(%arg5 : memref<128x256xf32, #tpu.memory_space<vmem>>)
      tpu.yield
    }) : () -> ()
    %parallel_loop3A = arith.constant 0 : i32
    %parallel_loop3A_5 = arith.constant 128 : i32
    %parallel_loop3A_6 = arith.constant 1 : i32
    scf.for %parallel_loop3A_12 = %parallel_loop3A to %parallel_loop3A_5 step %parallel_loop3A_6  : i32 {
      %parallel_loop3A_13 = arith.index_cast %parallel_loop3A_12 : i32 to index
      %parallel_loop3A_14 = arith.constant 0 : index
      %parallel_loop3A_15 = tpu.vector_load %arg5[%parallel_loop3A_13, %parallel_loop3A_14] {strides = array<i32>} : memref<128x256xf32, #tpu.memory_space<vmem>>, vector<16xf32>,
      %parallel_loop3A_16 = arith.constant 0 : i32
      %parallel_loop3A_17 = vector.broadcast %parallel_loop3A_16 : i32 to vector<16xi32>
      %parallel_loop3A_18 = arith.addi %iota3A, %parallel_loop3A_17 : vector<16xi32>
      %parallel_loop3A_19 = arith.constant dense<true> : vector<16xi1>
      %parallel_loop3A_20, %parallel_loop3A_21, %parallel_loop3A_22 = tpu.sort %parallel_loop3A_15, %parallel_loop3A_18 masked %parallel_loop3A_19 {descending = true} : (vector<16xf32>, vector<16xi32>, vector<16xi1>) -> (vector<16xi1>, vector<16xf32>, vector<16xi32>)
      %parallel_loop3A_23 = arith.index_cast %parallel_loop3A_12 : i32 to index
      %parallel_loop3A_24 = arith.constant 16 : index
      %parallel_loop3A_25 = tpu.vector_load %arg5[%parallel_loop3A_23, %parallel_loop3A_24] {strides = array<i32>} : memref<128x256xf32, #tpu.memory_space<vmem>>, vector<16xf32>,
      %parallel_loop3A_26 = arith.constant 16 : i32
      %parallel_loop3A_27 = vector.broadcast %parallel_loop3A_26 : i32 to vector<16xi32>
      %parallel_loop3A_28 = arith.addi %iota3A, %parallel_loop3A_27 : vector<16xi32>
      %parallel_loop3A_29 = arith.constant dense<true> : vector<16xi1>
      %parallel_loop3A_30, %parallel_loop3A_31, %parallel_loop3A_32 = tpu.sort %parallel_loop3A_25, %parallel_loop3A_28 masked %parallel_loop3A_29 {descending = true} : (vector<16xf32>, vector<16xi32>, vector<16xi1>) -> (vector<16xi1>, vector<16xf32>, vector<16xi32>)
      %parallel_loop3A_33 = arith.index_cast %parallel_loop3A_12 : i32 to index
      %parallel_loop3A_34 = arith.constant 32 : index
      %parallel_loop3A_35 = tpu.vector_load %arg5[%parallel_loop3A_33, %parallel_loop3A_34] {strides = array<i32>} : memref<128x256xf32, #tpu.memory_space<vmem>>, vector<16xf32>,
      %parallel_loop3A_36 = arith.constant 32 : i32
      %parallel_loop3A_37 = vector.broadcast %parallel_loop3A_36 : i32 to vector<16xi32>
      %parallel_loop3A_38 = arith.addi %iota3A, %parallel_loop3A_37 : vector<16xi32>
      %parallel_loop3A_39 = arith.constant dense<true> : vector<16xi1>
      %parallel_loop3A_40, %parallel_loop3A_41, %parallel_loop3A_42 = tpu.sort %parallel_loop3A_35, %parallel_loop3A_38 masked %parallel_loop3A_39 {descending = true} : (vector<16xf32>, vector<16xi32>, vector<16xi1>) -> (vector<16xi1>, vector<16xf32>, vector<16xi32>)
      %parallel_loop3A_43 = arith.index_cast %parallel_loop3A_12 : i32 to index
      %parallel_loop3A_44 = arith.constant 48 : index
      %parallel_loop3A_45 = tpu.vector_load %arg5[%parallel_loop3A_43, %parallel_loop3A_44] {strides = array<i32>} : memref<128x256xf32, #tpu.memory_space<vmem>>, vector<16xf32>,
      %parallel_loop3A_46 = arith.constant 48 : i32
      %parallel_loop3A_47 = vector.broadcast %parallel_loop3A_46 : i32 to vector<16xi32>
      %parallel_loop3A_48 = arith.addi %iota3A, %parallel_loop3A_47 : vector<16xi32>
      %parallel_loop3A_49 = arith.constant dense<true> : vector<16xi1>
      %parallel_loop3A_50, %parallel_loop3A_51, %parallel_loop3A_52 = tpu.sort %parallel_loop3A_45, %parallel_loop3A_48 masked %parallel_loop3A_49 {descending = true} : (vector<16xf32>, vector<16xi32>, vector<16xi1>) -> (vector<16xi1>, vector<16xf32>, vector<16xi32>)
      %parallel_loop3A_53 = arith.index_cast %parallel_loop3A_12 : i32 to index
      %parallel_loop3A_54 = arith.constant 64 : index
      %parallel_loop3A_55 = tpu.vector_load %arg5[%parallel_loop3A_53, %parallel_loop3A_54] {strides = array<i32>} : memref<128x256xf32, #tpu.memory_space<vmem>>, vector<16xf32>,
      %parallel_loop3A_56 = arith.constant 64 : i32
      %parallel_loop3A_57 = vector.broadcast %parallel_loop3A_56 : i32 to vector<16xi32>
      %parallel_loop3A_58 = arith.addi %iota3A, %parallel_loop3A_57 : vector<16xi32>
      %parallel_loop3A_59 = arith.constant dense<true> : vector<16xi1>
      %parallel_loop3A_60, %parallel_loop3A_61, %parallel_loop3A_62 = tpu.sort %parallel_loop3A_55, %parallel_loop3A_58 masked %parallel_loop3A_59 {descending = true} : (vector<16xf32>, vector<16xi32>, vector<16xi1>) -> (vector<16xi1>, vector<16xf32>, vector<16xi32>)
      %parallel_loop3A_63 = arith.index_cast %parallel_loop3A_12 : i32 to index
      %parallel_loop3A_64 = arith.constant 80 : index
      %parallel_loop3A_65 = tpu.vector_load %arg5[%parallel_loop3A_63, %parallel_loop3A_64] {strides = array<i32>} : memref<128x256xf32, #tpu.memory_space<vmem>>, vector<16xf32>,
      %parallel_loop3A_66 = arith.constant 80 : i32
      %parallel_loop3A_67 = vector.broadcast %parallel_loop3A_66 : i32 to vector<16xi32>
      %parallel_loop3A_68 = arith.addi %iota3A, %parallel_loop3A_67 : vector<16xi32>
      %parallel_loop3A_69 = arith.constant dense<true> : vector<16xi1>
      %parallel_loop3A_70, %parallel_loop3A_71, %parallel_loop3A_72 = tpu.sort %parallel_loop3A_65, %parallel_loop3A_68 masked %parallel_loop3A_69 {descending = true} : (vector<16xf32>, vector<16xi32>, vector<16xi1>) -> (vector<16xi1>, vector<16xf32>, vector<16xi32>)
      %parallel_loop3A_73 = arith.index_cast %parallel_loop3A_12 : i32 to index
      %parallel_loop3A_74 = arith.constant 96 : index
      %parallel_loop3A_75 = tpu.vector_load %arg5[%parallel_loop3A_73, %parallel_loop3A_74] {strides = array<i32>} : memref<128x256xf32, #tpu.memory_space<vmem>>, vector<16xf32>,
      %parallel_loop3A_76 = arith.constant 96 : i32
      %parallel_loop3A_77 = vector.broadcast %parallel_loop3A_76 : i32 to vector<16xi32>
      %parallel_loop3A_78 = arith.addi %iota3A, %parallel_loop3A_77 : vector<16xi32>
      %parallel_loop3A_79 = arith.constant dense<true> : vector<16xi1>
      %parallel_loop3A_80, %parallel_loop3A_81, %parallel_loop3A_82 = tpu.sort %parallel_loop3A_75, %parallel_loop3A_78 masked %parallel_loop3A_79 {descending = true} : (vector<16xf32>, vector<16xi32>, vector<16xi1>) -> (vector<16xi1>, vector<16xf32>, vector<16xi32>)
      %parallel_loop3A_83 = arith.index_cast %parallel_loop3A_12 : i32 to index
      %parallel_loop3A_84 = arith.constant 112 : index
      %parallel_loop3A_85 = tpu.vector_load %arg5[%parallel_loop3A_83, %parallel_loop3A_84] {strides = array<i32>} : memref<128x256xf32, #tpu.memory_space<vmem>>, vector<16xf32>,
      %parallel_loop3A_86 = arith.constant 112 : i32
      %parallel_loop3A_87 = vector.broadcast %parallel_loop3A_86 : i32 to vector<16xi32>
      %parallel_loop3A_88 = arith.addi %iota3A, %parallel_loop3A_87 : vector<16xi32>
      %parallel_loop3A_89 = arith.constant dense<true> : vector<16xi1>
      %parallel_loop3A_90, %parallel_loop3A_91, %parallel_loop3A_92 = tpu.sort %parallel_loop3A_85, %parallel_loop3A_88 masked %parallel_loop3A_89 {descending = true} : (vector<16xf32>, vector<16xi32>, vector<16xi1>) -> (vector<16xi1>, vector<16xf32>, vector<16xi32>)
      %parallel_loop3A_93 = arith.index_cast %parallel_loop3A_12 : i32 to index
      %parallel_loop3A_94 = arith.constant 128 : index
      %parallel_loop3A_95 = tpu.vector_load %arg5[%parallel_loop3A_93, %parallel_loop3A_94] {strides = array<i32>} : memref<128x256xf32, #tpu.memory_space<vmem>>, vector<16xf32>,
      %parallel_loop3A_96 = arith.constant 128 : i32
      %parallel_loop3A_97 = vector.broadcast %parallel_loop3A_96 : i32 to vector<16xi32>
      %parallel_loop3A_98 = arith.addi %iota3A, %parallel_loop3A_97 : vector<16xi32>
      %parallel_loop3A_99 = arith.constant dense<true> : vector<16xi1>
      %parallel_loop3A_100, %parallel_loop3A_101, %parallel_loop3A_102 = tpu.sort %parallel_loop3A_95, %parallel_loop3A_98 masked %parallel_loop3A_99 {descending = true} : (vector<16xf32>, vector<16xi32>, vector<16xi1>) -> (vector<16xi1>, vector<16xf32>, vector<16xi32>)
      %parallel_loop3A_103 = arith.index_cast %parallel_loop3A_12 : i32 to index
      %parallel_loop3A_104 = arith.constant 144 : index
      %parallel_loop3A_105 = tpu.vector_load %arg5[%parallel_loop3A_103, %parallel_loop3A_104] {strides = array<i32>} : memref<128x256xf32, #tpu.memory_space<vmem>>, vector<16xf32>,
      %parallel_loop3A_106 = arith.constant 144 : i32
      %parallel_loop3A_107 = vector.broadcast %parallel_loop3A_106 : i32 to vector<16xi32>
      %parallel_loop3A_108 = arith.addi %iota3A, %parallel_loop3A_107 : vector<16xi32>
      %parallel_loop3A_109 = arith.constant dense<true> : vector<16xi1>
      %parallel_loop3A_110, %parallel_loop3A_111, %parallel_loop3A_112 = tpu.sort %parallel_loop3A_105, %parallel_loop3A_108 masked %parallel_loop3A_109 {descending = true} : (vector<16xf32>, vector<16xi32>, vector<16xi1>) -> (vector<16xi1>, vector<16xf32>, vector<16xi32>)
      %parallel_loop3A_113 = arith.index_cast %parallel_loop3A_12 : i32 to index
      %parallel_loop3A_114 = arith.constant 160 : index
      %parallel_loop3A_115 = tpu.vector_load %arg5[%parallel_loop3A_113, %parallel_loop3A_114] {strides = array<i32>} : memref<128x256xf32, #tpu.memory_space<vmem>>, vector<16xf32>,
      %parallel_loop3A_116 = arith.constant 160 : i32
      %parallel_loop3A_117 = vector.broadcast %parallel_loop3A_116 : i32 to vector<16xi32>
      %parallel_loop3A_118 = arith.addi %iota3A, %parallel_loop3A_117 : vector<16xi32>
      %parallel_loop3A_119 = arith.constant dense<true> : vector<16xi1>
      %parallel_loop3A_120, %parallel_loop3A_121, %parallel_loop3A_122 = tpu.sort %parallel_loop3A_115, %parallel_loop3A_118 masked %parallel_loop3A_119 {descending = true} : (vector<16xf32>, vector<16xi32>, vector<16xi1>) -> (vector<16xi1>, vector<16xf32>, vector<16xi32>)
      %parallel_loop3A_123 = arith.index_cast %parallel_loop3A_12 : i32 to index
      %parallel_loop3A_124 = arith.constant 176 : index
      %parallel_loop3A_125 = tpu.vector_load %arg5[%parallel_loop3A_123, %parallel_loop3A_124] {strides = array<i32>} : memref<128x256xf32, #tpu.memory_space<vmem>>, vector<16xf32>,
      %parallel_loop3A_126 = arith.constant 176 : i32
      %parallel_loop3A_127 = vector.broadcast %parallel_loop3A_126 : i32 to vector<16xi32>
      %parallel_loop3A_128 = arith.addi %iota3A, %parallel_loop3A_127 : vector<16xi32>
      %parallel_loop3A_129 = arith.constant dense<true> : vector<16xi1>
      %parallel_loop3A_130, %parallel_loop3A_131, %parallel_loop3A_132 = tpu.sort %parallel_loop3A_125, %parallel_loop3A_128 masked %parallel_loop3A_129 {descending = true} : (vector<16xf32>, vector<16xi32>, vector<16xi1>) -> (vector<16xi1>, vector<16xf32>, vector<16xi32>)
      %parallel_loop3A_133 = arith.index_cast %parallel_loop3A_12 : i32 to index
      %parallel_loop3A_134 = arith.constant 192 : index
      %parallel_loop3A_135 = tpu.vector_load %arg5[%parallel_loop3A_133, %parallel_loop3A_134] {strides = array<i32>} : memref<128x256xf32, #tpu.memory_space<vmem>>, vector<16xf32>,
      %parallel_loop3A_136 = arith.constant 192 : i32
      %parallel_loop3A_137 = vector.broadcast %parallel_loop3A_136 : i32 to vector<16xi32>
      %parallel_loop3A_138 = arith.addi %iota3A, %parallel_loop3A_137 : vector<16xi32>
      %parallel_loop3A_139 = arith.constant dense<true> : vector<16xi1>
      %parallel_loop3A_140, %parallel_loop3A_141, %parallel_loop3A_142 = tpu.sort %parallel_loop3A_135, %parallel_loop3A_138 masked %parallel_loop3A_139 {descending = true} : (vector<16xf32>, vector<16xi32>, vector<16xi1>) -> (vector<16xi1>, vector<16xf32>, vector<16xi32>)
      %parallel_loop3A_143 = arith.index_cast %parallel_loop3A_12 : i32 to index
      %parallel_loop3A_144 = arith.constant 208 : index
      %parallel_loop3A_145 = tpu.vector_load %arg5[%parallel_loop3A_143, %parallel_loop3A_144] {strides = array<i32>} : memref<128x256xf32, #tpu.memory_space<vmem>>, vector<16xf32>,
      %parallel_loop3A_146 = arith.constant 208 : i32
      %parallel_loop3A_147 = vector.broadcast %parallel_loop3A_146 : i32 to vector<16xi32>
      %parallel_loop3A_148 = arith.addi %iota3A, %parallel_loop3A_147 : vector<16xi32>
      %parallel_loop3A_149 = arith.constant dense<true> : vector<16xi1>
      %parallel_loop3A_150, %parallel_loop3A_151, %parallel_loop3A_152 = tpu.sort %parallel_loop3A_145, %parallel_loop3A_148 masked %parallel_loop3A_149 {descending = true} : (vector<16xf32>, vector<16xi32>, vector<16xi1>) -> (vector<16xi1>, vector<16xf32>, vector<16xi32>)
      %parallel_loop3A_153 = arith.index_cast %parallel_loop3A_12 : i32 to index
      %parallel_loop3A_154 = arith.constant 224 : index
      %parallel_loop3A_155 = tpu.vector_load %arg5[%parallel_loop3A_153, %parallel_loop3A_154] {strides = array<i32>} : memref<128x256xf32, #tpu.memory_space<vmem>>, vector<16xf32>,
      %parallel_loop3A_156 = arith.constant 224 : i32
      %parallel_loop3A_157 = vector.broadcast %parallel_loop3A_156 : i32 to vector<16xi32>
      %parallel_loop3A_158 = arith.addi %iota3A, %parallel_loop3A_157 : vector<16xi32>
      %parallel_loop3A_159 = arith.constant dense<true> : vector<16xi1>
      %parallel_loop3A_160, %parallel_loop3A_161, %parallel_loop3A_162 = tpu.sort %parallel_loop3A_155, %parallel_loop3A_158 masked %parallel_loop3A_159 {descending = true} : (vector<16xf32>, vector<16xi32>, vector<16xi1>) -> (vector<16xi1>, vector<16xf32>, vector<16xi32>)
      %parallel_loop3A_163 = arith.index_cast %parallel_loop3A_12 : i32 to index
      %parallel_loop3A_164 = arith.constant 240 : index
      %parallel_loop3A_165 = tpu.vector_load %arg5[%parallel_loop3A_163, %parallel_loop3A_164] {strides = array<i32>} : memref<128x256xf32, #tpu.memory_space<vmem>>, vector<16xf32>,
      %parallel_loop3A_166 = arith.constant 240 : i32
      %parallel_loop3A_167 = vector.broadcast %parallel_loop3A_166 : i32 to vector<16xi32>
      %parallel_loop3A_168 = arith.addi %iota3A, %parallel_loop3A_167 : vector<16xi32>
      %parallel_loop3A_169 = arith.constant dense<true> : vector<16xi1>
      %parallel_loop3A_170, %parallel_loop3A_171, %parallel_loop3A_172 = tpu.sort %parallel_loop3A_165, %parallel_loop3A_168 masked %parallel_loop3A_169 {descending = true} : (vector<16xf32>, vector<16xi32>, vector<16xi1>) -> (vector<16xi1>, vector<16xf32>, vector<16xi32>)
      %parallel_loop3A_173 = arith.constant 15 : i32
      %parallel_loop3A_174 = vector.broadcast %parallel_loop3A_173 : i32 to vector<16xi32>
      %parallel_loop3A_175 = tpu.iota {dimensions = array<i32: 0>} : vector<16xi32>
      %parallel_loop3A_176 = arith.subi %parallel_loop3A_174, %parallel_loop3A_175 : vector<16xi32>
      %parallel_loop3A_177 = tpu.dynamic_gather %parallel_loop3A_31[%parallel_loop3A_176] in [0] : vector<16xf32>, vector<16xi32> -> vector<16xf32>
      %parallel_loop3A_178 = arith.constant 15 : i32
      %parallel_loop3A_179 = vector.broadcast %parallel_loop3A_178 : i32 to vector<16xi32>
      %parallel_loop3A_180 = tpu.iota {dimensions = array<i32: 0>} : vector<16xi32>
      %parallel_loop3A_181 = arith.subi %parallel_loop3A_179, %parallel_loop3A_180 : vector<16xi32>
      %parallel_loop3A_182 = tpu.dynamic_gather %parallel_loop3A_32[%parallel_loop3A_181] in [0] : vector<16xi32>, vector<16xi32> -> vector<16xi32>
      %parallel_loop3A_183 = arith.cmpf oge, %parallel_loop3A_21, %parallel_loop3A_177 : vector<16xf32>
      %parallel_loop3A_184 = arith.select %parallel_loop3A_183, %parallel_loop3A_21, %parallel_loop3A_177 : vector<16xi1>, vector<16xf32>
      %parallel_loop3A_185 = arith.select %parallel_loop3A_183, %parallel_loop3A_22, %parallel_loop3A_182 : vector<16xi1>, vector<16xi32>
      %parallel_loop3A_186 = arith.constant dense<true> : vector<16xi1>
      %parallel_loop3A_187, %parallel_loop3A_188, %parallel_loop3A_189 = tpu.sort %parallel_loop3A_184, %parallel_loop3A_185 masked %parallel_loop3A_186 {descending = true} : (vector<16xf32>, vector<16xi32>, vector<16xi1>) -> (vector<16xi1>, vector<16xf32>, vector<16xi32>)
      %parallel_loop3A_190 = arith.constant 15 : i32
      %parallel_loop3A_191 = vector.broadcast %parallel_loop3A_190 : i32 to vector<16xi32>
      %parallel_loop3A_192 = tpu.iota {dimensions = array<i32: 0>} : vector<16xi32>
      %parallel_loop3A_193 = arith.subi %parallel_loop3A_191, %parallel_loop3A_192 : vector<16xi32>
      %parallel_loop3A_194 = tpu.dynamic_gather %parallel_loop3A_51[%parallel_loop3A_193] in [0] : vector<16xf32>, vector<16xi32> -> vector<16xf32>
      %parallel_loop3A_195 = arith.constant 15 : i32
      %parallel_loop3A_196 = vector.broadcast %parallel_loop3A_195 : i32 to vector<16xi32>
      %parallel_loop3A_197 = tpu.iota {dimensions = array<i32: 0>} : vector<16xi32>
      %parallel_loop3A_198 = arith.subi %parallel_loop3A_196, %parallel_loop3A_197 : vector<16xi32>
      %parallel_loop3A_199 = tpu.dynamic_gather %parallel_loop3A_52[%parallel_loop3A_198] in [0] : vector<16xi32>, vector<16xi32> -> vector<16xi32>
      %parallel_loop3A_200 = arith.cmpf oge, %parallel_loop3A_41, %parallel_loop3A_194 : vector<16xf32>
      %parallel_loop3A_201 = arith.select %parallel_loop3A_200, %parallel_loop3A_41, %parallel_loop3A_194 : vector<16xi1>, vector<16xf32>
      %parallel_loop3A_202 = arith.select %parallel_loop3A_200, %parallel_loop3A_42, %parallel_loop3A_199 : vector<16xi1>, vector<16xi32>
      %parallel_loop3A_203 = arith.constant dense<true> : vector<16xi1>
      %parallel_loop3A_204, %parallel_loop3A_205, %parallel_loop3A_206 = tpu.sort %parallel_loop3A_201, %parallel_loop3A_202 masked %parallel_loop3A_203 {descending = true} : (vector<16xf32>, vector<16xi32>, vector<16xi1>) -> (vector<16xi1>, vector<16xf32>, vector<16xi32>)
      %parallel_loop3A_207 = arith.constant 15 : i32
      %parallel_loop3A_208 = vector.broadcast %parallel_loop3A_207 : i32 to vector<16xi32>
      %parallel_loop3A_209 = tpu.iota {dimensions = array<i32: 0>} : vector<16xi32>
      %parallel_loop3A_210 = arith.subi %parallel_loop3A_208, %parallel_loop3A_209 : vector<16xi32>
      %parallel_loop3A_211 = tpu.dynamic_gather %parallel_loop3A_71[%parallel_loop3A_210] in [0] : vector<16xf32>, vector<16xi32> -> vector<16xf32>
      %parallel_loop3A_212 = arith.constant 15 : i32
      %parallel_loop3A_213 = vector.broadcast %parallel_loop3A_212 : i32 to vector<16xi32>
      %parallel_loop3A_214 = tpu.iota {dimensions = array<i32: 0>} : vector<16xi32>
      %parallel_loop3A_215 = arith.subi %parallel_loop3A_213, %parallel_loop3A_214 : vector<16xi32>
      %parallel_loop3A_216 = tpu.dynamic_gather %parallel_loop3A_72[%parallel_loop3A_215] in [0] : vector<16xi32>, vector<16xi32> -> vector<16xi32>
      %parallel_loop3A_217 = arith.cmpf oge, %parallel_loop3A_61, %parallel_loop3A_211 : vector<16xf32>
      %parallel_loop3A_218 = arith.select %parallel_loop3A_217, %parallel_loop3A_61, %parallel_loop3A_211 : vector<16xi1>, vector<16xf32>
      %parallel_loop3A_219 = arith.select %parallel_loop3A_217, %parallel_loop3A_62, %parallel_loop3A_216 : vector<16xi1>, vector<16xi32>
      %parallel_loop3A_220 = arith.constant dense<true> : vector<16xi1>
      %parallel_loop3A_221, %parallel_loop3A_222, %parallel_loop3A_223 = tpu.sort %parallel_loop3A_218, %parallel_loop3A_219 masked %parallel_loop3A_220 {descending = true} : (vector<16xf32>, vector<16xi32>, vector<16xi1>) -> (vector<16xi1>, vector<16xf32>, vector<16xi32>)
      %parallel_loop3A_224 = arith.constant 15 : i32
      %parallel_loop3A_225 = vector.broadcast %parallel_loop3A_224 : i32 to vector<16xi32>
      %parallel_loop3A_226 = tpu.iota {dimensions = array<i32: 0>} : vector<16xi32>
      %parallel_loop3A_227 = arith.subi %parallel_loop3A_225, %parallel_loop3A_226 : vector<16xi32>
      %parallel_loop3A_228 = tpu.dynamic_gather %parallel_loop3A_91[%parallel_loop3A_227] in [0] : vector<16xf32>, vector<16xi32> -> vector<16xf32>
      %parallel_loop3A_229 = arith.constant 15 : i32
      %parallel_loop3A_230 = vector.broadcast %parallel_loop3A_229 : i32 to vector<16xi32>
      %parallel_loop3A_231 = tpu.iota {dimensions = array<i32: 0>} : vector<16xi32>
      %parallel_loop3A_232 = arith.subi %parallel_loop3A_230, %parallel_loop3A_231 : vector<16xi32>
      %parallel_loop3A_233 = tpu.dynamic_gather %parallel_loop3A_92[%parallel_loop3A_232] in [0] : vector<16xi32>, vector<16xi32> -> vector<16xi32>
      %parallel_loop3A_234 = arith.cmpf oge, %parallel_loop3A_81, %parallel_loop3A_228 : vector<16xf32>
      %parallel_loop3A_235 = arith.select %parallel_loop3A_234, %parallel_loop3A_81, %parallel_loop3A_228 : vector<16xi1>, vector<16xf32>
      %parallel_loop3A_236 = arith.select %parallel_loop3A_234, %parallel_loop3A_82, %parallel_loop3A_233 : vector<16xi1>, vector<16xi32>
      %parallel_loop3A_237 = arith.constant dense<true> : vector<16xi1>
      %parallel_loop3A_238, %parallel_loop3A_239, %parallel_loop3A_240 = tpu.sort %parallel_loop3A_235, %parallel_loop3A_236 masked %parallel_loop3A_237 {descending = true} : (vector<16xf32>, vector<16xi32>, vector<16xi1>) -> (vector<16xi1>, vector<16xf32>, vector<16xi32>)
      %parallel_loop3A_241 = arith.constant 15 : i32
      %parallel_loop3A_242 = vector.broadcast %parallel_loop3A_241 : i32 to vector<16xi32>
      %parallel_loop3A_243 = tpu.iota {dimensions = array<i32: 0>} : vector<16xi32>
      %parallel_loop3A_244 = arith.subi %parallel_loop3A_242, %parallel_loop3A_243 : vector<16xi32>
      %parallel_loop3A_245 = tpu.dynamic_gather %parallel_loop3A_111[%parallel_loop3A_244] in [0] : vector<16xf32>, vector<16xi32> -> vector<16xf32>
      %parallel_loop3A_246 = arith.constant 15 : i32
      %parallel_loop3A_247 = vector.broadcast %parallel_loop3A_246 : i32 to vector<16xi32>
      %parallel_loop3A_248 = tpu.iota {dimensions = array<i32: 0>} : vector<16xi32>
      %parallel_loop3A_249 = arith.subi %parallel_loop3A_247, %parallel_loop3A_248 : vector<16xi32>
      %parallel_loop3A_250 = tpu.dynamic_gather %parallel_loop3A_112[%parallel_loop3A_249] in [0] : vector<16xi32>, vector<16xi32> -> vector<16xi32>
      %parallel_loop3A_251 = arith.cmpf oge, %parallel_loop3A_101, %parallel_loop3A_245 : vector<16xf32>
      %parallel_loop3A_252 = arith.select %parallel_loop3A_251, %parallel_loop3A_101, %parallel_loop3A_245 : vector<16xi1>, vector<16xf32>
      %parallel_loop3A_253 = arith.select %parallel_loop3A_251, %parallel_loop3A_102, %parallel_loop3A_250 : vector<16xi1>, vector<16xi32>
      %parallel_loop3A_254 = arith.constant dense<true> : vector<16xi1>
      %parallel_loop3A_255, %parallel_loop3A_256, %parallel_loop3A_257 = tpu.sort %parallel_loop3A_252, %parallel_loop3A_253 masked %parallel_loop3A_254 {descending = true} : (vector<16xf32>, vector<16xi32>, vector<16xi1>) -> (vector<16xi1>, vector<16xf32>, vector<16xi32>)
      %parallel_loop3A_258 = arith.constant 15 : i32
      %parallel_loop3A_259 = vector.broadcast %parallel_loop3A_258 : i32 to vector<16xi32>
      %parallel_loop3A_260 = tpu.iota {dimensions = array<i32: 0>} : vector<16xi32>
      %parallel_loop3A_261 = arith.subi %parallel_loop3A_259, %parallel_loop3A_260 : vector<16xi32>
      %parallel_loop3A_262 = tpu.dynamic_gather %parallel_loop3A_131[%parallel_loop3A_261] in [0] : vector<16xf32>, vector<16xi32> -> vector<16xf32>
      %parallel_loop3A_263 = arith.constant 15 : i32
      %parallel_loop3A_264 = vector.broadcast %parallel_loop3A_263 : i32 to vector<16xi32>
      %parallel_loop3A_265 = tpu.iota {dimensions = array<i32: 0>} : vector<16xi32>
      %parallel_loop3A_266 = arith.subi %parallel_loop3A_264, %parallel_loop3A_265 : vector<16xi32>
      %parallel_loop3A_267 = tpu.dynamic_gather %parallel_loop3A_132[%parallel_loop3A_266] in [0] : vector<16xi32>, vector<16xi32> -> vector<16xi32>
      %parallel_loop3A_268 = arith.cmpf oge, %parallel_loop3A_121, %parallel_loop3A_262 : vector<16xf32>
      %parallel_loop3A_269 = arith.select %parallel_loop3A_268, %parallel_loop3A_121, %parallel_loop3A_262 : vector<16xi1>, vector<16xf32>
      %parallel_loop3A_270 = arith.select %parallel_loop3A_268, %parallel_loop3A_122, %parallel_loop3A_267 : vector<16xi1>, vector<16xi32>
      %parallel_loop3A_271 = arith.constant dense<true> : vector<16xi1>
      %parallel_loop3A_272, %parallel_loop3A_273, %parallel_loop3A_274 = tpu.sort %parallel_loop3A_269, %parallel_loop3A_270 masked %parallel_loop3A_271 {descending = true} : (vector<16xf32>, vector<16xi32>, vector<16xi1>) -> (vector<16xi1>, vector<16xf32>, vector<16xi32>)
      %parallel_loop3A_275 = arith.constant 15 : i32
      %parallel_loop3A_276 = vector.broadcast %parallel_loop3A_275 : i32 to vector<16xi32>
      %parallel_loop3A_277 = tpu.iota {dimensions = array<i32: 0>} : vector<16xi32>
      %parallel_loop3A_278 = arith.subi %parallel_loop3A_276, %parallel_loop3A_277 : vector<16xi32>
      %parallel_loop3A_279 = tpu.dynamic_gather %parallel_loop3A_151[%parallel_loop3A_278] in [0] : vector<16xf32>, vector<16xi32> -> vector<16xf32>
      %parallel_loop3A_280 = arith.constant 15 : i32
      %parallel_loop3A_281 = vector.broadcast %parallel_loop3A_280 : i32 to vector<16xi32>
      %parallel_loop3A_282 = tpu.iota {dimensions = array<i32: 0>} : vector<16xi32>
      %parallel_loop3A_283 = arith.subi %parallel_loop3A_281, %parallel_loop3A_282 : vector<16xi32>
      %parallel_loop3A_284 = tpu.dynamic_gather %parallel_loop3A_152[%parallel_loop3A_283] in [0] : vector<16xi32>, vector<16xi32> -> vector<16xi32>
      %parallel_loop3A_285 = arith.cmpf oge, %parallel_loop3A_141, %parallel_loop3A_279 : vector<16xf32>
      %parallel_loop3A_286 = arith.select %parallel_loop3A_285, %parallel_loop3A_141, %parallel_loop3A_279 : vector<16xi1>, vector<16xf32>
      %parallel_loop3A_287 = arith.select %parallel_loop3A_285, %parallel_loop3A_142, %parallel_loop3A_284 : vector<16xi1>, vector<16xi32>
      %parallel_loop3A_288 = arith.constant dense<true> : vector<16xi1>
      %parallel_loop3A_289, %parallel_loop3A_290, %parallel_loop3A_291 = tpu.sort %parallel_loop3A_286, %parallel_loop3A_287 masked %parallel_loop3A_288 {descending = true} : (vector<16xf32>, vector<16xi32>, vector<16xi1>) -> (vector<16xi1>, vector<16xf32>, vector<16xi32>)
      %parallel_loop3A_292 = arith.constant 15 : i32
      %parallel_loop3A_293 = vector.broadcast %parallel_loop3A_292 : i32 to vector<16xi32>
      %parallel_loop3A_294 = tpu.iota {dimensions = array<i32: 0>} : vector<16xi32>
      %parallel_loop3A_295 = arith.subi %parallel_loop3A_293, %parallel_loop3A_294 : vector<16xi32>
      %parallel_loop3A_296 = tpu.dynamic_gather %parallel_loop3A_171[%parallel_loop3A_295] in [0] : vector<16xf32>, vector<16xi32> -> vector<16xf32>
      %parallel_loop3A_297 = arith.constant 15 : i32
      %parallel_loop3A_298 = vector.broadcast %parallel_loop3A_297 : i32 to vector<16xi32>
      %parallel_loop3A_299 = tpu.iota {dimensions = array<i32: 0>} : vector<16xi32>
      %parallel_loop3A_300 = arith.subi %parallel_loop3A_298, %parallel_loop3A_299 : vector<16xi32>
      %parallel_loop3A_301 = tpu.dynamic_gather %parallel_loop3A_172[%parallel_loop3A_300] in [0] : vector<16xi32>, vector<16xi32> -> vector<16xi32>
      %parallel_loop3A_302 = arith.cmpf oge, %parallel_loop3A_161, %parallel_loop3A_296 : vector<16xf32>
      %parallel_loop3A_303 = arith.select %parallel_loop3A_302, %parallel_loop3A_161, %parallel_loop3A_296 : vector<16xi1>, vector<16xf32>
      %parallel_loop3A_304 = arith.select %parallel_loop3A_302, %parallel_loop3A_162, %parallel_loop3A_301 : vector<16xi1>, vector<16xi32>
      %parallel_loop3A_305 = arith.constant dense<true> : vector<16xi1>
      %parallel_loop3A_306, %parallel_loop3A_307, %parallel_loop3A_308 = tpu.sort %parallel_loop3A_303, %parallel_loop3A_304 masked %parallel_loop3A_305 {descending = true} : (vector<16xf32>, vector<16xi32>, vector<16xi1>) -> (vector<16xi1>, vector<16xf32>, vector<16xi32>)
      %parallel_loop3A_309 = arith.constant 15 : i32
      %parallel_loop3A_310 = vector.broadcast %parallel_loop3A_309 : i32 to vector<16xi32>
      %parallel_loop3A_311 = tpu.iota {dimensions = array<i32: 0>} : vector<16xi32>
      %parallel_loop3A_312 = arith.subi %parallel_loop3A_310, %parallel_loop3A_311 : vector<16xi32>
      %parallel_loop3A_313 = tpu.dynamic_gather %parallel_loop3A_205[%parallel_loop3A_312] in [0] : vector<16xf32>, vector<16xi32> -> vector<16xf32>
      %parallel_loop3A_314 = arith.constant 15 : i32
      %parallel_loop3A_315 = vector.broadcast %parallel_loop3A_314 : i32 to vector<16xi32>
      %parallel_loop3A_316 = tpu.iota {dimensions = array<i32: 0>} : vector<16xi32>
      %parallel_loop3A_317 = arith.subi %parallel_loop3A_315, %parallel_loop3A_316 : vector<16xi32>
      %parallel_loop3A_318 = tpu.dynamic_gather %parallel_loop3A_206[%parallel_loop3A_317] in [0] : vector<16xi32>, vector<16xi32> -> vector<16xi32>
      %parallel_loop3A_319 = arith.cmpf oge, %parallel_loop3A_188, %parallel_loop3A_313 : vector<16xf32>
      %parallel_loop3A_320 = arith.select %parallel_loop3A_319, %parallel_loop3A_188, %parallel_loop3A_313 : vector<16xi1>, vector<16xf32>
      %parallel_loop3A_321 = arith.select %parallel_loop3A_319, %parallel_loop3A_189, %parallel_loop3A_318 : vector<16xi1>, vector<16xi32>
      %parallel_loop3A_322 = arith.constant dense<true> : vector<16xi1>
      %parallel_loop3A_323, %parallel_loop3A_324, %parallel_loop3A_325 = tpu.sort %parallel_loop3A_320, %parallel_loop3A_321 masked %parallel_loop3A_322 {descending = true} : (vector<16xf32>, vector<16xi32>, vector<16xi1>) -> (vector<16xi1>, vector<16xf32>, vector<16xi32>)
      %parallel_loop3A_326 = arith.constant 15 : i32
      %parallel_loop3A_327 = vector.broadcast %parallel_loop3A_326 : i32 to vector<16xi32>
      %parallel_loop3A_328 = tpu.iota {dimensions = array<i32: 0>} : vector<16xi32>
      %parallel_loop3A_329 = arith.subi %parallel_loop3A_327, %parallel_loop3A_328 : vector<16xi32>
      %parallel_loop3A_330 = tpu.dynamic_gather %parallel_loop3A_239[%parallel_loop3A_329] in [0] : vector<16xf32>, vector<16xi32> -> vector<16xf32>
      %parallel_loop3A_331 = arith.constant 15 : i32
      %parallel_loop3A_332 = vector.broadcast %parallel_loop3A_331 : i32 to vector<16xi32>
      %parallel_loop3A_333 = tpu.iota {dimensions = array<i32: 0>} : vector<16xi32>
      %parallel_loop3A_334 = arith.subi %parallel_loop3A_332, %parallel_loop3A_333 : vector<16xi32>
      %parallel_loop3A_335 = tpu.dynamic_gather %parallel_loop3A_240[%parallel_loop3A_334] in [0] : vector<16xi32>, vector<16xi32> -> vector<16xi32>
      %parallel_loop3A_336 = arith.cmpf oge, %parallel_loop3A_222, %parallel_loop3A_330 : vector<16xf32>
      %parallel_loop3A_337 = arith.select %parallel_loop3A_336, %parallel_loop3A_222, %parallel_loop3A_330 : vector<16xi1>, vector<16xf32>
      %parallel_loop3A_338 = arith.select %parallel_loop3A_336, %parallel_loop3A_223, %parallel_loop3A_335 : vector<16xi1>, vector<16xi32>
      %parallel_loop3A_339 = arith.constant dense<true> : vector<16xi1>
      %parallel_loop3A_340, %parallel_loop3A_341, %parallel_loop3A_342 = tpu.sort %parallel_loop3A_337, %parallel_loop3A_338 masked %parallel_loop3A_339 {descending = true} : (vector<16xf32>, vector<16xi32>, vector<16xi1>) -> (vector<16xi1>, vector<16xf32>, vector<16xi32>)
      %parallel_loop3A_343 = arith.constant 15 : i32
      %parallel_loop3A_344 = vector.broadcast %parallel_loop3A_343 : i32 to vector<16xi32>
      %parallel_loop3A_345 = tpu.iota {dimensions = array<i32: 0>} : vector<16xi32>
      %parallel_loop3A_346 = arith.subi %parallel_loop3A_344, %parallel_loop3A_345 : vector<16xi32>
      %parallel_loop3A_347 = tpu.dynamic_gather %parallel_loop3A_273[%parallel_loop3A_346] in [0] : vector<16xf32>, vector<16xi32> -> vector<16xf32>
      %parallel_loop3A_348 = arith.constant 15 : i32
      %parallel_loop3A_349 = vector.broadcast %parallel_loop3A_348 : i32 to vector<16xi32>
      %parallel_loop3A_350 = tpu.iota {dimensions = array<i32: 0>} : vector<16xi32>
      %parallel_loop3A_351 = arith.subi %parallel_loop3A_349, %parallel_loop3A_350 : vector<16xi32>
      %parallel_loop3A_352 = tpu.dynamic_gather %parallel_loop3A_274[%parallel_loop3A_351] in [0] : vector<16xi32>, vector<16xi32> -> vector<16xi32>
      %parallel_loop3A_353 = arith.cmpf oge, %parallel_loop3A_256, %parallel_loop3A_347 : vector<16xf32>
      %parallel_loop3A_354 = arith.select %parallel_loop3A_353, %parallel_loop3A_256, %parallel_loop3A_347 : vector<16xi1>, vector<16xf32>
      %parallel_loop3A_355 = arith.select %parallel_loop3A_353, %parallel_loop3A_257, %parallel_loop3A_352 : vector<16xi1>, vector<16xi32>
      %parallel_loop3A_356 = arith.constant dense<true> : vector<16xi1>
      %parallel_loop3A_357, %parallel_loop3A_358, %parallel_loop3A_359 = tpu.sort %parallel_loop3A_354, %parallel_loop3A_355 masked %parallel_loop3A_356 {descending = true} : (vector<16xf32>, vector<16xi32>, vector<16xi1>) -> (vector<16xi1>, vector<16xf32>, vector<16xi32>)
      %parallel_loop3A_360 = arith.constant 15 : i32
      %parallel_loop3A_361 = vector.broadcast %parallel_loop3A_360 : i32 to vector<16xi32>
      %parallel_loop3A_362 = tpu.iota {dimensions = array<i32: 0>} : vector<16xi32>
      %parallel_loop3A_363 = arith.subi %parallel_loop3A_361, %parallel_loop3A_362 : vector<16xi32>
      %parallel_loop3A_364 = tpu.dynamic_gather %parallel_loop3A_307[%parallel_loop3A_363] in [0] : vector<16xf32>, vector<16xi32> -> vector<16xf32>
      %parallel_loop3A_365 = arith.constant 15 : i32
      %parallel_loop3A_366 = vector.broadcast %parallel_loop3A_365 : i32 to vector<16xi32>
      %parallel_loop3A_367 = tpu.iota {dimensions = array<i32: 0>} : vector<16xi32>
      %parallel_loop3A_368 = arith.subi %parallel_loop3A_366, %parallel_loop3A_367 : vector<16xi32>
      %parallel_loop3A_369 = tpu.dynamic_gather %parallel_loop3A_308[%parallel_loop3A_368] in [0] : vector<16xi32>, vector<16xi32> -> vector<16xi32>
      %parallel_loop3A_370 = arith.cmpf oge, %parallel_loop3A_290, %parallel_loop3A_364 : vector<16xf32>
      %parallel_loop3A_371 = arith.select %parallel_loop3A_370, %parallel_loop3A_290, %parallel_loop3A_364 : vector<16xi1>, vector<16xf32>
      %parallel_loop3A_372 = arith.select %parallel_loop3A_370, %parallel_loop3A_291, %parallel_loop3A_369 : vector<16xi1>, vector<16xi32>
      %parallel_loop3A_373 = arith.constant dense<true> : vector<16xi1>
      %parallel_loop3A_374, %parallel_loop3A_375, %parallel_loop3A_376 = tpu.sort %parallel_loop3A_371, %parallel_loop3A_372 masked %parallel_loop3A_373 {descending = true} : (vector<16xf32>, vector<16xi32>, vector<16xi1>) -> (vector<16xi1>, vector<16xf32>, vector<16xi32>)
      %parallel_loop3A_377 = arith.constant 15 : i32
      %parallel_loop3A_378 = vector.broadcast %parallel_loop3A_377 : i32 to vector<16xi32>
      %parallel_loop3A_379 = tpu.iota {dimensions = array<i32: 0>} : vector<16xi32>
      %parallel_loop3A_380 = arith.subi %parallel_loop3A_378, %parallel_loop3A_379 : vector<16xi32>
      %parallel_loop3A_381 = tpu.dynamic_gather %parallel_loop3A_341[%parallel_loop3A_380] in [0] : vector<16xf32>, vector<16xi32> -> vector<16xf32>
      %parallel_loop3A_382 = arith.constant 15 : i32
      %parallel_loop3A_383 = vector.broadcast %parallel_loop3A_382 : i32 to vector<16xi32>
      %parallel_loop3A_384 = tpu.iota {dimensions = array<i32: 0>} : vector<16xi32>
      %parallel_loop3A_385 = arith.subi %parallel_loop3A_383, %parallel_loop3A_384 : vector<16xi32>
      %parallel_loop3A_386 = tpu.dynamic_gather %parallel_loop3A_342[%parallel_loop3A_385] in [0] : vector<16xi32>, vector<16xi32> -> vector<16xi32>
      %parallel_loop3A_387 = arith.cmpf oge, %parallel_loop3A_324, %parallel_loop3A_381 : vector<16xf32>
      %parallel_loop3A_388 = arith.select %parallel_loop3A_387, %parallel_loop3A_324, %parallel_loop3A_381 : vector<16xi1>, vector<16xf32>
      %parallel_loop3A_389 = arith.select %parallel_loop3A_387, %parallel_loop3A_325, %parallel_loop3A_386 : vector<16xi1>, vector<16xi32>
      %parallel_loop3A_390 = arith.constant dense<true> : vector<16xi1>
      %parallel_loop3A_391, %parallel_loop3A_392, %parallel_loop3A_393 = tpu.sort %parallel_loop3A_388, %parallel_loop3A_389 masked %parallel_loop3A_390 {descending = true} : (vector<16xf32>, vector<16xi32>, vector<16xi1>) -> (vector<16xi1>, vector<16xf32>, vector<16xi32>)
      %parallel_loop3A_394 = arith.constant 15 : i32
      %parallel_loop3A_395 = vector.broadcast %parallel_loop3A_394 : i32 to vector<16xi32>
      %parallel_loop3A_396 = tpu.iota {dimensions = array<i32: 0>} : vector<16xi32>
      %parallel_loop3A_397 = arith.subi %parallel_loop3A_395, %parallel_loop3A_396 : vector<16xi32>
      %parallel_loop3A_398 = tpu.dynamic_gather %parallel_loop3A_375[%parallel_loop3A_397] in [0] : vector<16xf32>, vector<16xi32> -> vector<16xf32>
      %parallel_loop3A_399 = arith.constant 15 : i32
      %parallel_loop3A_400 = vector.broadcast %parallel_loop3A_399 : i32 to vector<16xi32>
      %parallel_loop3A_401 = tpu.iota {dimensions = array<i32: 0>} : vector<16xi32>
      %parallel_loop3A_402 = arith.subi %parallel_loop3A_400, %parallel_loop3A_401 : vector<16xi32>
      %parallel_loop3A_403 = tpu.dynamic_gather %parallel_loop3A_376[%parallel_loop3A_402] in [0] : vector<16xi32>, vector<16xi32> -> vector<16xi32>
      %parallel_loop3A_404 = arith.cmpf oge, %parallel_loop3A_358, %parallel_loop3A_398 : vector<16xf32>
      %parallel_loop3A_405 = arith.select %parallel_loop3A_404, %parallel_loop3A_358, %parallel_loop3A_398 : vector<16xi1>, vector<16xf32>
      %parallel_loop3A_406 = arith.select %parallel_loop3A_404, %parallel_loop3A_359, %parallel_loop3A_403 : vector<16xi1>, vector<16xi32>
      %parallel_loop3A_407 = arith.constant dense<true> : vector<16xi1>
      %parallel_loop3A_408, %parallel_loop3A_409, %parallel_loop3A_410 = tpu.sort %parallel_loop3A_405, %parallel_loop3A_406 masked %parallel_loop3A_407 {descending = true} : (vector<16xf32>, vector<16xi32>, vector<16xi1>) -> (vector<16xi1>, vector<16xf32>, vector<16xi32>)
      %parallel_loop3A_411 = arith.constant 15 : i32
      %parallel_loop3A_412 = vector.broadcast %parallel_loop3A_411 : i32 to vector<16xi32>
      %parallel_loop3A_413 = tpu.iota {dimensions = array<i32: 0>} : vector<16xi32>
      %parallel_loop3A_414 = arith.subi %parallel_loop3A_412, %parallel_loop3A_413 : vector<16xi32>
      %parallel_loop3A_415 = tpu.dynamic_gather %parallel_loop3A_409[%parallel_loop3A_414] in [0] : vector<16xf32>, vector<16xi32> -> vector<16xf32>
      %parallel_loop3A_416 = arith.constant 15 : i32
      %parallel_loop3A_417 = vector.broadcast %parallel_loop3A_416 : i32 to vector<16xi32>
      %parallel_loop3A_418 = tpu.iota {dimensions = array<i32: 0>} : vector<16xi32>
      %parallel_loop3A_419 = arith.subi %parallel_loop3A_417, %parallel_loop3A_418 : vector<16xi32>
      %parallel_loop3A_420 = tpu.dynamic_gather %parallel_loop3A_410[%parallel_loop3A_419] in [0] : vector<16xi32>, vector<16xi32> -> vector<16xi32>
      %parallel_loop3A_421 = arith.cmpf oge, %parallel_loop3A_392, %parallel_loop3A_415 : vector<16xf32>
      %parallel_loop3A_422 = arith.select %parallel_loop3A_421, %parallel_loop3A_392, %parallel_loop3A_415 : vector<16xi1>, vector<16xf32>
      %parallel_loop3A_423 = arith.select %parallel_loop3A_421, %parallel_loop3A_393, %parallel_loop3A_420 : vector<16xi1>, vector<16xi32>
      %parallel_loop3A_424 = arith.constant dense<true> : vector<16xi1>
      %parallel_loop3A_425, %parallel_loop3A_426, %parallel_loop3A_427 = tpu.sort %parallel_loop3A_422, %parallel_loop3A_423 masked %parallel_loop3A_424 {descending = true} : (vector<16xf32>, vector<16xi32>, vector<16xi1>) -> (vector<16xi1>, vector<16xf32>, vector<16xi32>)
      %parallel_loop3A_428 = arith.constant 0 : i32
      %parallel_loop3A_429 = arith.addi %parallel_loop3A_428, %parallel_loop3A_12 : i32
      %parallel_loop3A_430 = arith.constant 256 : i32
      %parallel_loop3A_431 = arith.andi %parallel_loop3A_429, %parallel_loop3A_430 : i32
      %parallel_loop3A_432 = vector.broadcast %parallel_loop3A_431 : i32 to vector<16xi32>
      %parallel_loop3A_433 = arith.addi %parallel_loop3A_427, %parallel_loop3A_432 : vector<16xi32>
      %parallel_loop3A_434 = tpu.vector_load_idx %arg6[%parallel_loop3A_433] : memref<256xf32, #tpu.memory_space<vmem>>[vector<16xi32>], vector<16xf32>,
      %parallel_loop3A_435 = arith.index_cast %parallel_loop3A_12 : i32 to index
      %parallel_loop3A_436 = arith.constant 0 : index
      %parallel_loop3A_437 = tpu.vector_load %arg7[%parallel_loop3A_435, %parallel_loop3A_436] {strides = array<i32>} : memref<128x16xf32, #tpu.memory_space<vmem>>, vector<16xf32>,
      tpu.vector_store %arg7[%parallel_loop3A_435, %parallel_loop3A_436], %parallel_loop3A_434 {strides = array<i32>} : memref<128x16xf32, #tpu.memory_space<vmem>>, vector<16xf32>,
    } {sc.loop_unroll_factor = 2 : i64, sc.parallel_access}
    "tpu.region"() ({
      %run_scoped3A = tpu.sem_alloc : memref<!tpu.dma_semaphore, #tpu.memory_space<semaphore_mem>>
      %dma_start3A = arith.constant 0 : i32
      %dma_start3A_12 = tpu.memref_slice %arg4[%add3A_4, %dma_start3A] : memref<8192x16xf32, #tpu.memory_space<hbm>> -> memref<128x16xf32, #tpu.memory_space<hbm>>
      %dma_start3A_13 = arith.constant 0 : i32
      %dma_start3A_14 = tpu.memref_slice %arg4[%add3A_4, %dma_start3A_13] : memref<8192x16xf32, #tpu.memory_space<hbm>> -> memref<128x16xf32, #tpu.memory_space<hbm>>
      tpu.enqueue_dma source(%arg7 : memref<128x16xf32, #tpu.memory_space<vmem>>) target(%dma_start3A_14 : memref<128x16xf32, #tpu.memory_space<hbm>>) target_semaphore(%run_scoped3A : memref<!tpu.dma_semaphore, #tpu.memory_space<semaphore_mem>>)
      %dma_wait3A = arith.constant 0 : i32
      %dma_wait3A_15 = tpu.memref_slice %arg4[%add3A_4, %dma_wait3A] : memref<8192x16xf32, #tpu.memory_space<hbm>> -> memref<128x16xf32, #tpu.memory_space<hbm>>
      %dma_wait3A_16 = arith.constant 0 : i32
      %dma_wait3A_17 = tpu.memref_slice %arg4[%add3A_4, %dma_wait3A_16] : memref<8192x16xf32, #tpu.memory_space<hbm>> -> memref<128x16xf32, #tpu.memory_space<hbm>>
      tpu.wait_dma2 semaphore(%run_scoped3A : memref<!tpu.dma_semaphore, #tpu.memory_space<semaphore_mem>>) src(%arg7 : memref<128x16xf32, #tpu.memory_space<vmem>>) dst(%dma_wait3A_17 : memref<128x16xf32, #tpu.memory_space<hbm>>)
      tpu.yield
    }) : () -> ()
    %add3A_7 = arith.constant 128 : i32
    %add3A_8 = arith.addi %mul3A_2, %add3A_7 : i32
    "tpu.region"() ({
      %run_scoped3A = tpu.sem_alloc : memref<!tpu.dma_semaphore, #tpu.memory_space<semaphore_mem>>
      %dma_start3A = arith.constant 0 : i32
      %dma_start3A_12 = tpu.memref_slice %arg2[%add3A_8, %dma_start3A] : memref<8192x256xf32, #tpu.memory_space<hbm>> -> memref<128x256xf32, #tpu.memory_space<hbm>>
      %dma_start3A_13 = arith.constant 0 : i32
      %dma_start3A_14 = tpu.memref_slice %arg2[%add3A_8, %dma_start3A_13] : memref<8192x256xf32, #tpu.memory_space<hbm>> -> memref<128x256xf32, #tpu.memory_space<hbm>>
      tpu.enqueue_dma source(%dma_start3A_14 : memref<128x256xf32, #tpu.memory_space<hbm>>) target(%arg5 : memref<128x256xf32, #tpu.memory_space<vmem>>) target_semaphore(%run_scoped3A : memref<!tpu.dma_semaphore, #tpu.memory_space<semaphore_mem>>)
      %dma_wait3A = arith.constant 0 : i32
      %dma_wait3A_15 = tpu.memref_slice %arg2[%add3A_8, %dma_wait3A] : memref<8192x256xf32, #tpu.memory_space<hbm>> -> memref<128x256xf32, #tpu.memory_space<hbm>>
      %dma_wait3A_16 = arith.constant 0 : i32
      %dma_wait3A_17 = tpu.memref_slice %arg2[%add3A_8, %dma_wait3A_16] : memref<8192x256xf32, #tpu.memory_space<hbm>> -> memref<128x256xf32, #tpu.memory_space<hbm>>
      tpu.wait_dma2 semaphore(%run_scoped3A : memref<!tpu.dma_semaphore, #tpu.memory_space<semaphore_mem>>) src(%dma_wait3A_17 : memref<128x256xf32, #tpu.memory_space<hbm>>) dst(%arg5 : memref<128x256xf32, #tpu.memory_space<vmem>>)
      tpu.yield
    }) : () -> ()
    %parallel_loop3A_9 = arith.constant 0 : i32
    %parallel_loop3A_10 = arith.constant 128 : i32
    %parallel_loop3A_11 = arith.constant 1 : i32
    scf.for %parallel_loop3A_12 = %parallel_loop3A_9 to %parallel_loop3A_10 step %parallel_loop3A_11  : i32 {
      %parallel_loop3A_13 = arith.index_cast %parallel_loop3A_12 : i32 to index
      %parallel_loop3A_14 = arith.constant 0 : index
      %parallel_loop3A_15 = tpu.vector_load %arg5[%parallel_loop3A_13, %parallel_loop3A_14] {strides = array<i32>} : memref<128x256xf32, #tpu.memory_space<vmem>>, vector<16xf32>,
      %parallel_loop3A_16 = arith.constant 0 : i32
      %parallel_loop3A_17 = vector.broadcast %parallel_loop3A_16 : i32 to vector<16xi32>
      %parallel_loop3A_18 = arith.addi %iota3A, %parallel_loop3A_17 : vector<16xi32>
      %parallel_loop3A_19 = arith.constant dense<true> : vector<16xi1>
      %parallel_loop3A_20, %parallel_loop3A_21, %parallel_loop3A_22 = tpu.sort %parallel_loop3A_15, %parallel_loop3A_18 masked %parallel_loop3A_19 {descending = true} : (vector<16xf32>, vector<16xi32>, vector<16xi1>) -> (vector<16xi1>, vector<16xf32>, vector<16xi32>)
      %parallel_loop3A_23 = arith.index_cast %parallel_loop3A_12 : i32 to index
      %parallel_loop3A_24 = arith.constant 16 : index
      %parallel_loop3A_25 = tpu.vector_load %arg5[%parallel_loop3A_23, %parallel_loop3A_24] {strides = array<i32>} : memref<128x256xf32, #tpu.memory_space<vmem>>, vector<16xf32>,
      %parallel_loop3A_26 = arith.constant 16 : i32
      %parallel_loop3A_27 = vector.broadcast %parallel_loop3A_26 : i32 to vector<16xi32>
      %parallel_loop3A_28 = arith.addi %iota3A, %parallel_loop3A_27 : vector<16xi32>
      %parallel_loop3A_29 = arith.constant dense<true> : vector<16xi1>
      %parallel_loop3A_30, %parallel_loop3A_31, %parallel_loop3A_32 = tpu.sort %parallel_loop3A_25, %parallel_loop3A_28 masked %parallel_loop3A_29 {descending = true} : (vector<16xf32>, vector<16xi32>, vector<16xi1>) -> (vector<16xi1>, vector<16xf32>, vector<16xi32>)
      %parallel_loop3A_33 = arith.index_cast %parallel_loop3A_12 : i32 to index
      %parallel_loop3A_34 = arith.constant 32 : index
      %parallel_loop3A_35 = tpu.vector_load %arg5[%parallel_loop3A_33, %parallel_loop3A_34] {strides = array<i32>} : memref<128x256xf32, #tpu.memory_space<vmem>>, vector<16xf32>,
      %parallel_loop3A_36 = arith.constant 32 : i32
      %parallel_loop3A_37 = vector.broadcast %parallel_loop3A_36 : i32 to vector<16xi32>
      %parallel_loop3A_38 = arith.addi %iota3A, %parallel_loop3A_37 : vector<16xi32>
      %parallel_loop3A_39 = arith.constant dense<true> : vector<16xi1>
      %parallel_loop3A_40, %parallel_loop3A_41, %parallel_loop3A_42 = tpu.sort %parallel_loop3A_35, %parallel_loop3A_38 masked %parallel_loop3A_39 {descending = true} : (vector<16xf32>, vector<16xi32>, vector<16xi1>) -> (vector<16xi1>, vector<16xf32>, vector<16xi32>)
      %parallel_loop3A_43 = arith.index_cast %parallel_loop3A_12 : i32 to index
      %parallel_loop3A_44 = arith.constant 48 : index
      %parallel_loop3A_45 = tpu.vector_load %arg5[%parallel_loop3A_43, %parallel_loop3A_44] {strides = array<i32>} : memref<128x256xf32, #tpu.memory_space<vmem>>, vector<16xf32>,
      %parallel_loop3A_46 = arith.constant 48 : i32
      %parallel_loop3A_47 = vector.broadcast %parallel_loop3A_46 : i32 to vector<16xi32>
      %parallel_loop3A_48 = arith.addi %iota3A, %parallel_loop3A_47 : vector<16xi32>
      %parallel_loop3A_49 = arith.constant dense<true> : vector<16xi1>
      %parallel_loop3A_50, %parallel_loop3A_51, %parallel_loop3A_52 = tpu.sort %parallel_loop3A_45, %parallel_loop3A_48 masked %parallel_loop3A_49 {descending = true} : (vector<16xf32>, vector<16xi32>, vector<16xi1>) -> (vector<16xi1>, vector<16xf32>, vector<16xi32>)
      %parallel_loop3A_53 = arith.index_cast %parallel_loop3A_12 : i32 to index
      %parallel_loop3A_54 = arith.constant 64 : index
      %parallel_loop3A_55 = tpu.vector_load %arg5[%parallel_loop3A_53, %parallel_loop3A_54] {strides = array<i32>} : memref<128x256xf32, #tpu.memory_space<vmem>>, vector<16xf32>,
      %parallel_loop3A_56 = arith.constant 64 : i32
      %parallel_loop3A_57 = vector.broadcast %parallel_loop3A_56 : i32 to vector<16xi32>
      %parallel_loop3A_58 = arith.addi %iota3A, %parallel_loop3A_57 : vector<16xi32>
      %parallel_loop3A_59 = arith.constant dense<true> : vector<16xi1>
      %parallel_loop3A_60, %parallel_loop3A_61, %parallel_loop3A_62 = tpu.sort %parallel_loop3A_55, %parallel_loop3A_58 masked %parallel_loop3A_59 {descending = true} : (vector<16xf32>, vector<16xi32>, vector<16xi1>) -> (vector<16xi1>, vector<16xf32>, vector<16xi32>)
      %parallel_loop3A_63 = arith.index_cast %parallel_loop3A_12 : i32 to index
      %parallel_loop3A_64 = arith.constant 80 : index
      %parallel_loop3A_65 = tpu.vector_load %arg5[%parallel_loop3A_63, %parallel_loop3A_64] {strides = array<i32>} : memref<128x256xf32, #tpu.memory_space<vmem>>, vector<16xf32>,
      %parallel_loop3A_66 = arith.constant 80 : i32
      %parallel_loop3A_67 = vector.broadcast %parallel_loop3A_66 : i32 to vector<16xi32>
      %parallel_loop3A_68 = arith.addi %iota3A, %parallel_loop3A_67 : vector<16xi32>
      %parallel_loop3A_69 = arith.constant dense<true> : vector<16xi1>
      %parallel_loop3A_70, %parallel_loop3A_71, %parallel_loop3A_72 = tpu.sort %parallel_loop3A_65, %parallel_loop3A_68 masked %parallel_loop3A_69 {descending = true} : (vector<16xf32>, vector<16xi32>, vector<16xi1>) -> (vector<16xi1>, vector<16xf32>, vector<16xi32>)
      %parallel_loop3A_73 = arith.index_cast %parallel_loop3A_12 : i32 to index
      %parallel_loop3A_74 = arith.constant 96 : index
      %parallel_loop3A_75 = tpu.vector_load %arg5[%parallel_loop3A_73, %parallel_loop3A_74] {strides = array<i32>} : memref<128x256xf32, #tpu.memory_space<vmem>>, vector<16xf32>,
      %parallel_loop3A_76 = arith.constant 96 : i32
      %parallel_loop3A_77 = vector.broadcast %parallel_loop3A_76 : i32 to vector<16xi32>
      %parallel_loop3A_78 = arith.addi %iota3A, %parallel_loop3A_77 : vector<16xi32>
      %parallel_loop3A_79 = arith.constant dense<true> : vector<16xi1>
      %parallel_loop3A_80, %parallel_loop3A_81, %parallel_loop3A_82 = tpu.sort %parallel_loop3A_75, %parallel_loop3A_78 masked %parallel_loop3A_79 {descending = true} : (vector<16xf32>, vector<16xi32>, vector<16xi1>) -> (vector<16xi1>, vector<16xf32>, vector<16xi32>)
      %parallel_loop3A_83 = arith.index_cast %parallel_loop3A_12 : i32 to index
      %parallel_loop3A_84 = arith.constant 112 : index
      %parallel_loop3A_85 = tpu.vector_load %arg5[%parallel_loop3A_83, %parallel_loop3A_84] {strides = array<i32>} : memref<128x256xf32, #tpu.memory_space<vmem>>, vector<16xf32>,
      %parallel_loop3A_86 = arith.constant 112 : i32
      %parallel_loop3A_87 = vector.broadcast %parallel_loop3A_86 : i32 to vector<16xi32>
      %parallel_loop3A_88 = arith.addi %iota3A, %parallel_loop3A_87 : vector<16xi32>
      %parallel_loop3A_89 = arith.constant dense<true> : vector<16xi1>
      %parallel_loop3A_90, %parallel_loop3A_91, %parallel_loop3A_92 = tpu.sort %parallel_loop3A_85, %parallel_loop3A_88 masked %parallel_loop3A_89 {descending = true} : (vector<16xf32>, vector<16xi32>, vector<16xi1>) -> (vector<16xi1>, vector<16xf32>, vector<16xi32>)
      %parallel_loop3A_93 = arith.index_cast %parallel_loop3A_12 : i32 to index
      %parallel_loop3A_94 = arith.constant 128 : index
      %parallel_loop3A_95 = tpu.vector_load %arg5[%parallel_loop3A_93, %parallel_loop3A_94] {strides = array<i32>} : memref<128x256xf32, #tpu.memory_space<vmem>>, vector<16xf32>,
      %parallel_loop3A_96 = arith.constant 128 : i32
      %parallel_loop3A_97 = vector.broadcast %parallel_loop3A_96 : i32 to vector<16xi32>
      %parallel_loop3A_98 = arith.addi %iota3A, %parallel_loop3A_97 : vector<16xi32>
      %parallel_loop3A_99 = arith.constant dense<true> : vector<16xi1>
      %parallel_loop3A_100, %parallel_loop3A_101, %parallel_loop3A_102 = tpu.sort %parallel_loop3A_95, %parallel_loop3A_98 masked %parallel_loop3A_99 {descending = true} : (vector<16xf32>, vector<16xi32>, vector<16xi1>) -> (vector<16xi1>, vector<16xf32>, vector<16xi32>)
      %parallel_loop3A_103 = arith.index_cast %parallel_loop3A_12 : i32 to index
      %parallel_loop3A_104 = arith.constant 144 : index
      %parallel_loop3A_105 = tpu.vector_load %arg5[%parallel_loop3A_103, %parallel_loop3A_104] {strides = array<i32>} : memref<128x256xf32, #tpu.memory_space<vmem>>, vector<16xf32>,
      %parallel_loop3A_106 = arith.constant 144 : i32
      %parallel_loop3A_107 = vector.broadcast %parallel_loop3A_106 : i32 to vector<16xi32>
      %parallel_loop3A_108 = arith.addi %iota3A, %parallel_loop3A_107 : vector<16xi32>
      %parallel_loop3A_109 = arith.constant dense<true> : vector<16xi1>
      %parallel_loop3A_110, %parallel_loop3A_111, %parallel_loop3A_112 = tpu.sort %parallel_loop3A_105, %parallel_loop3A_108 masked %parallel_loop3A_109 {descending = true} : (vector<16xf32>, vector<16xi32>, vector<16xi1>) -> (vector<16xi1>, vector<16xf32>, vector<16xi32>)
      %parallel_loop3A_113 = arith.index_cast %parallel_loop3A_12 : i32 to index
      %parallel_loop3A_114 = arith.constant 160 : index
      %parallel_loop3A_115 = tpu.vector_load %arg5[%parallel_loop3A_113, %parallel_loop3A_114] {strides = array<i32>} : memref<128x256xf32, #tpu.memory_space<vmem>>, vector<16xf32>,
      %parallel_loop3A_116 = arith.constant 160 : i32
      %parallel_loop3A_117 = vector.broadcast %parallel_loop3A_116 : i32 to vector<16xi32>
      %parallel_loop3A_118 = arith.addi %iota3A, %parallel_loop3A_117 : vector<16xi32>
      %parallel_loop3A_119 = arith.constant dense<true> : vector<16xi1>
      %parallel_loop3A_120, %parallel_loop3A_121, %parallel_loop3A_122 = tpu.sort %parallel_loop3A_115, %parallel_loop3A_118 masked %parallel_loop3A_119 {descending = true} : (vector<16xf32>, vector<16xi32>, vector<16xi1>) -> (vector<16xi1>, vector<16xf32>, vector<16xi32>)
      %parallel_loop3A_123 = arith.index_cast %parallel_loop3A_12 : i32 to index
      %parallel_loop3A_124 = arith.constant 176 : index
      %parallel_loop3A_125 = tpu.vector_load %arg5[%parallel_loop3A_123, %parallel_loop3A_124] {strides = array<i32>} : memref<128x256xf32, #tpu.memory_space<vmem>>, vector<16xf32>,
      %parallel_loop3A_126 = arith.constant 176 : i32
      %parallel_loop3A_127 = vector.broadcast %parallel_loop3A_126 : i32 to vector<16xi32>
      %parallel_loop3A_128 = arith.addi %iota3A, %parallel_loop3A_127 : vector<16xi32>
      %parallel_loop3A_129 = arith.constant dense<true> : vector<16xi1>
      %parallel_loop3A_130, %parallel_loop3A_131, %parallel_loop3A_132 = tpu.sort %parallel_loop3A_125, %parallel_loop3A_128 masked %parallel_loop3A_129 {descending = true} : (vector<16xf32>, vector<16xi32>, vector<16xi1>) -> (vector<16xi1>, vector<16xf32>, vector<16xi32>)
      %parallel_loop3A_133 = arith.index_cast %parallel_loop3A_12 : i32 to index
      %parallel_loop3A_134 = arith.constant 192 : index
      %parallel_loop3A_135 = tpu.vector_load %arg5[%parallel_loop3A_133, %parallel_loop3A_134] {strides = array<i32>} : memref<128x256xf32, #tpu.memory_space<vmem>>, vector<16xf32>,
      %parallel_loop3A_136 = arith.constant 192 : i32
      %parallel_loop3A_137 = vector.broadcast %parallel_loop3A_136 : i32 to vector<16xi32>
      %parallel_loop3A_138 = arith.addi %iota3A, %parallel_loop3A_137 : vector<16xi32>
      %parallel_loop3A_139 = arith.constant dense<true> : vector<16xi1>
      %parallel_loop3A_140, %parallel_loop3A_141, %parallel_loop3A_142 = tpu.sort %parallel_loop3A_135, %parallel_loop3A_138 masked %parallel_loop3A_139 {descending = true} : (vector<16xf32>, vector<16xi32>, vector<16xi1>) -> (vector<16xi1>, vector<16xf32>, vector<16xi32>)
      %parallel_loop3A_143 = arith.index_cast %parallel_loop3A_12 : i32 to index
      %parallel_loop3A_144 = arith.constant 208 : index
      %parallel_loop3A_145 = tpu.vector_load %arg5[%parallel_loop3A_143, %parallel_loop3A_144] {strides = array<i32>} : memref<128x256xf32, #tpu.memory_space<vmem>>, vector<16xf32>,
      %parallel_loop3A_146 = arith.constant 208 : i32
      %parallel_loop3A_147 = vector.broadcast %parallel_loop3A_146 : i32 to vector<16xi32>
      %parallel_loop3A_148 = arith.addi %iota3A, %parallel_loop3A_147 : vector<16xi32>
      %parallel_loop3A_149 = arith.constant dense<true> : vector<16xi1>
      %parallel_loop3A_150, %parallel_loop3A_151, %parallel_loop3A_152 = tpu.sort %parallel_loop3A_145, %parallel_loop3A_148 masked %parallel_loop3A_149 {descending = true} : (vector<16xf32>, vector<16xi32>, vector<16xi1>) -> (vector<16xi1>, vector<16xf32>, vector<16xi32>)
      %parallel_loop3A_153 = arith.index_cast %parallel_loop3A_12 : i32 to index
      %parallel_loop3A_154 = arith.constant 224 : index
      %parallel_loop3A_155 = tpu.vector_load %arg5[%parallel_loop3A_153, %parallel_loop3A_154] {strides = array<i32>} : memref<128x256xf32, #tpu.memory_space<vmem>>, vector<16xf32>,
      %parallel_loop3A_156 = arith.constant 224 : i32
      %parallel_loop3A_157 = vector.broadcast %parallel_loop3A_156 : i32 to vector<16xi32>
      %parallel_loop3A_158 = arith.addi %iota3A, %parallel_loop3A_157 : vector<16xi32>
      %parallel_loop3A_159 = arith.constant dense<true> : vector<16xi1>
      %parallel_loop3A_160, %parallel_loop3A_161, %parallel_loop3A_162 = tpu.sort %parallel_loop3A_155, %parallel_loop3A_158 masked %parallel_loop3A_159 {descending = true} : (vector<16xf32>, vector<16xi32>, vector<16xi1>) -> (vector<16xi1>, vector<16xf32>, vector<16xi32>)
      %parallel_loop3A_163 = arith.index_cast %parallel_loop3A_12 : i32 to index
      %parallel_loop3A_164 = arith.constant 240 : index
      %parallel_loop3A_165 = tpu.vector_load %arg5[%parallel_loop3A_163, %parallel_loop3A_164] {strides = array<i32>} : memref<128x256xf32, #tpu.memory_space<vmem>>, vector<16xf32>,
      %parallel_loop3A_166 = arith.constant 240 : i32
      %parallel_loop3A_167 = vector.broadcast %parallel_loop3A_166 : i32 to vector<16xi32>
      %parallel_loop3A_168 = arith.addi %iota3A, %parallel_loop3A_167 : vector<16xi32>
      %parallel_loop3A_169 = arith.constant dense<true> : vector<16xi1>
      %parallel_loop3A_170, %parallel_loop3A_171, %parallel_loop3A_172 = tpu.sort %parallel_loop3A_165, %parallel_loop3A_168 masked %parallel_loop3A_169 {descending = true} : (vector<16xf32>, vector<16xi32>, vector<16xi1>) -> (vector<16xi1>, vector<16xf32>, vector<16xi32>)
      %parallel_loop3A_173 = arith.constant 15 : i32
      %parallel_loop3A_174 = vector.broadcast %parallel_loop3A_173 : i32 to vector<16xi32>
      %parallel_loop3A_175 = tpu.iota {dimensions = array<i32: 0>} : vector<16xi32>
      %parallel_loop3A_176 = arith.subi %parallel_loop3A_174, %parallel_loop3A_175 : vector<16xi32>
      %parallel_loop3A_177 = tpu.dynamic_gather %parallel_loop3A_31[%parallel_loop3A_176] in [0] : vector<16xf32>, vector<16xi32> -> vector<16xf32>
      %parallel_loop3A_178 = arith.constant 15 : i32
      %parallel_loop3A_179 = vector.broadcast %parallel_loop3A_178 : i32 to vector<16xi32>
      %parallel_loop3A_180 = tpu.iota {dimensions = array<i32: 0>} : vector<16xi32>
      %parallel_loop3A_181 = arith.subi %parallel_loop3A_179, %parallel_loop3A_180 : vector<16xi32>
      %parallel_loop3A_182 = tpu.dynamic_gather %parallel_loop3A_32[%parallel_loop3A_181] in [0] : vector<16xi32>, vector<16xi32> -> vector<16xi32>
      %parallel_loop3A_183 = arith.cmpf oge, %parallel_loop3A_21, %parallel_loop3A_177 : vector<16xf32>
      %parallel_loop3A_184 = arith.select %parallel_loop3A_183, %parallel_loop3A_21, %parallel_loop3A_177 : vector<16xi1>, vector<16xf32>
      %parallel_loop3A_185 = arith.select %parallel_loop3A_183, %parallel_loop3A_22, %parallel_loop3A_182 : vector<16xi1>, vector<16xi32>
      %parallel_loop3A_186 = arith.constant dense<true> : vector<16xi1>
      %parallel_loop3A_187, %parallel_loop3A_188, %parallel_loop3A_189 = tpu.sort %parallel_loop3A_184, %parallel_loop3A_185 masked %parallel_loop3A_186 {descending = true} : (vector<16xf32>, vector<16xi32>, vector<16xi1>) -> (vector<16xi1>, vector<16xf32>, vector<16xi32>)
      %parallel_loop3A_190 = arith.constant 15 : i32
      %parallel_loop3A_191 = vector.broadcast %parallel_loop3A_190 : i32 to vector<16xi32>
      %parallel_loop3A_192 = tpu.iota {dimensions = array<i32: 0>} : vector<16xi32>
      %parallel_loop3A_193 = arith.subi %parallel_loop3A_191, %parallel_loop3A_192 : vector<16xi32>
      %parallel_loop3A_194 = tpu.dynamic_gather %parallel_loop3A_51[%parallel_loop3A_193] in [0] : vector<16xf32>, vector<16xi32> -> vector<16xf32>
      %parallel_loop3A_195 = arith.constant 15 : i32
      %parallel_loop3A_196 = vector.broadcast %parallel_loop3A_195 : i32 to vector<16xi32>
      %parallel_loop3A_197 = tpu.iota {dimensions = array<i32: 0>} : vector<16xi32>
      %parallel_loop3A_198 = arith.subi %parallel_loop3A_196, %parallel_loop3A_197 : vector<16xi32>
      %parallel_loop3A_199 = tpu.dynamic_gather %parallel_loop3A_52[%parallel_loop3A_198] in [0] : vector<16xi32>, vector<16xi32> -> vector<16xi32>
      %parallel_loop3A_200 = arith.cmpf oge, %parallel_loop3A_41, %parallel_loop3A_194 : vector<16xf32>
      %parallel_loop3A_201 = arith.select %parallel_loop3A_200, %parallel_loop3A_41, %parallel_loop3A_194 : vector<16xi1>, vector<16xf32>
      %parallel_loop3A_202 = arith.select %parallel_loop3A_200, %parallel_loop3A_42, %parallel_loop3A_199 : vector<16xi1>, vector<16xi32>
      %parallel_loop3A_203 = arith.constant dense<true> : vector<16xi1>
      %parallel_loop3A_204, %parallel_loop3A_205, %parallel_loop3A_206 = tpu.sort %parallel_loop3A_201, %parallel_loop3A_202 masked %parallel_loop3A_203 {descending = true} : (vector<16xf32>, vector<16xi32>, vector<16xi1>) -> (vector<16xi1>, vector<16xf32>, vector<16xi32>)
      %parallel_loop3A_207 = arith.constant 15 : i32
      %parallel_loop3A_208 = vector.broadcast %parallel_loop3A_207 : i32 to vector<16xi32>
      %parallel_loop3A_209 = tpu.iota {dimensions = array<i32: 0>} : vector<16xi32>
      %parallel_loop3A_210 = arith.subi %parallel_loop3A_208, %parallel_loop3A_209 : vector<16xi32>
      %parallel_loop3A_211 = tpu.dynamic_gather %parallel_loop3A_71[%parallel_loop3A_210] in [0] : vector<16xf32>, vector<16xi32> -> vector<16xf32>
      %parallel_loop3A_212 = arith.constant 15 : i32
      %parallel_loop3A_213 = vector.broadcast %parallel_loop3A_212 : i32 to vector<16xi32>
      %parallel_loop3A_214 = tpu.iota {dimensions = array<i32: 0>} : vector<16xi32>
      %parallel_loop3A_215 = arith.subi %parallel_loop3A_213, %parallel_loop3A_214 : vector<16xi32>
      %parallel_loop3A_216 = tpu.dynamic_gather %parallel_loop3A_72[%parallel_loop3A_215] in [0] : vector<16xi32>, vector<16xi32> -> vector<16xi32>
      %parallel_loop3A_217 = arith.cmpf oge, %parallel_loop3A_61, %parallel_loop3A_211 : vector<16xf32>
      %parallel_loop3A_218 = arith.select %parallel_loop3A_217, %parallel_loop3A_61, %parallel_loop3A_211 : vector<16xi1>, vector<16xf32>
      %parallel_loop3A_219 = arith.select %parallel_loop3A_217, %parallel_loop3A_62, %parallel_loop3A_216 : vector<16xi1>, vector<16xi32>
      %parallel_loop3A_220 = arith.constant dense<true> : vector<16xi1>
      %parallel_loop3A_221, %parallel_loop3A_222, %parallel_loop3A_223 = tpu.sort %parallel_loop3A_218, %parallel_loop3A_219 masked %parallel_loop3A_220 {descending = true} : (vector<16xf32>, vector<16xi32>, vector<16xi1>) -> (vector<16xi1>, vector<16xf32>, vector<16xi32>)
      %parallel_loop3A_224 = arith.constant 15 : i32
      %parallel_loop3A_225 = vector.broadcast %parallel_loop3A_224 : i32 to vector<16xi32>
      %parallel_loop3A_226 = tpu.iota {dimensions = array<i32: 0>} : vector<16xi32>
      %parallel_loop3A_227 = arith.subi %parallel_loop3A_225, %parallel_loop3A_226 : vector<16xi32>
      %parallel_loop3A_228 = tpu.dynamic_gather %parallel_loop3A_91[%parallel_loop3A_227] in [0] : vector<16xf32>, vector<16xi32> -> vector<16xf32>
      %parallel_loop3A_229 = arith.constant 15 : i32
      %parallel_loop3A_230 = vector.broadcast %parallel_loop3A_229 : i32 to vector<16xi32>
      %parallel_loop3A_231 = tpu.iota {dimensions = array<i32: 0>} : vector<16xi32>
      %parallel_loop3A_232 = arith.subi %parallel_loop3A_230, %parallel_loop3A_231 : vector<16xi32>
      %parallel_loop3A_233 = tpu.dynamic_gather %parallel_loop3A_92[%parallel_loop3A_232] in [0] : vector<16xi32>, vector<16xi32> -> vector<16xi32>
      %parallel_loop3A_234 = arith.cmpf oge, %parallel_loop3A_81, %parallel_loop3A_228 : vector<16xf32>
      %parallel_loop3A_235 = arith.select %parallel_loop3A_234, %parallel_loop3A_81, %parallel_loop3A_228 : vector<16xi1>, vector<16xf32>
      %parallel_loop3A_236 = arith.select %parallel_loop3A_234, %parallel_loop3A_82, %parallel_loop3A_233 : vector<16xi1>, vector<16xi32>
      %parallel_loop3A_237 = arith.constant dense<true> : vector<16xi1>
      %parallel_loop3A_238, %parallel_loop3A_239, %parallel_loop3A_240 = tpu.sort %parallel_loop3A_235, %parallel_loop3A_236 masked %parallel_loop3A_237 {descending = true} : (vector<16xf32>, vector<16xi32>, vector<16xi1>) -> (vector<16xi1>, vector<16xf32>, vector<16xi32>)
      %parallel_loop3A_241 = arith.constant 15 : i32
      %parallel_loop3A_242 = vector.broadcast %parallel_loop3A_241 : i32 to vector<16xi32>
      %parallel_loop3A_243 = tpu.iota {dimensions = array<i32: 0>} : vector<16xi32>
      %parallel_loop3A_244 = arith.subi %parallel_loop3A_242, %parallel_loop3A_243 : vector<16xi32>
      %parallel_loop3A_245 = tpu.dynamic_gather %parallel_loop3A_111[%parallel_loop3A_244] in [0] : vector<16xf32>, vector<16xi32> -> vector<16xf32>
      %parallel_loop3A_246 = arith.constant 15 : i32
      %parallel_loop3A_247 = vector.broadcast %parallel_loop3A_246 : i32 to vector<16xi32>
      %parallel_loop3A_248 = tpu.iota {dimensions = array<i32: 0>} : vector<16xi32>
      %parallel_loop3A_249 = arith.subi %parallel_loop3A_247, %parallel_loop3A_248 : vector<16xi32>
      %parallel_loop3A_250 = tpu.dynamic_gather %parallel_loop3A_112[%parallel_loop3A_249] in [0] : vector<16xi32>, vector<16xi32> -> vector<16xi32>
      %parallel_loop3A_251 = arith.cmpf oge, %parallel_loop3A_101, %parallel_loop3A_245 : vector<16xf32>
      %parallel_loop3A_252 = arith.select %parallel_loop3A_251, %parallel_loop3A_101, %parallel_loop3A_245 : vector<16xi1>, vector<16xf32>
      %parallel_loop3A_253 = arith.select %parallel_loop3A_251, %parallel_loop3A_102, %parallel_loop3A_250 : vector<16xi1>, vector<16xi32>
      %parallel_loop3A_254 = arith.constant dense<true> : vector<16xi1>
      %parallel_loop3A_255, %parallel_loop3A_256, %parallel_loop3A_257 = tpu.sort %parallel_loop3A_252, %parallel_loop3A_253 masked %parallel_loop3A_254 {descending = true} : (vector<16xf32>, vector<16xi32>, vector<16xi1>) -> (vector<16xi1>, vector<16xf32>, vector<16xi32>)
      %parallel_loop3A_258 = arith.constant 15 : i32
      %parallel_loop3A_259 = vector.broadcast %parallel_loop3A_258 : i32 to vector<16xi32>
      %parallel_loop3A_260 = tpu.iota {dimensions = array<i32: 0>} : vector<16xi32>
      %parallel_loop3A_261 = arith.subi %parallel_loop3A_259, %parallel_loop3A_260 : vector<16xi32>
      %parallel_loop3A_262 = tpu.dynamic_gather %parallel_loop3A_131[%parallel_loop3A_261] in [0] : vector<16xf32>, vector<16xi32> -> vector<16xf32>
      %parallel_loop3A_263 = arith.constant 15 : i32
      %parallel_loop3A_264 = vector.broadcast %parallel_loop3A_263 : i32 to vector<16xi32>
      %parallel_loop3A_265 = tpu.iota {dimensions = array<i32: 0>} : vector<16xi32>
      %parallel_loop3A_266 = arith.subi %parallel_loop3A_264, %parallel_loop3A_265 : vector<16xi32>
      %parallel_loop3A_267 = tpu.dynamic_gather %parallel_loop3A_132[%parallel_loop3A_266] in [0] : vector<16xi32>, vector<16xi32> -> vector<16xi32>
      %parallel_loop3A_268 = arith.cmpf oge, %parallel_loop3A_121, %parallel_loop3A_262 : vector<16xf32>
      %parallel_loop3A_269 = arith.select %parallel_loop3A_268, %parallel_loop3A_121, %parallel_loop3A_262 : vector<16xi1>, vector<16xf32>
      %parallel_loop3A_270 = arith.select %parallel_loop3A_268, %parallel_loop3A_122, %parallel_loop3A_267 : vector<16xi1>, vector<16xi32>
      %parallel_loop3A_271 = arith.constant dense<true> : vector<16xi1>
      %parallel_loop3A_272, %parallel_loop3A_273, %parallel_loop3A_274 = tpu.sort %parallel_loop3A_269, %parallel_loop3A_270 masked %parallel_loop3A_271 {descending = true} : (vector<16xf32>, vector<16xi32>, vector<16xi1>) -> (vector<16xi1>, vector<16xf32>, vector<16xi32>)
      %parallel_loop3A_275 = arith.constant 15 : i32
      %parallel_loop3A_276 = vector.broadcast %parallel_loop3A_275 : i32 to vector<16xi32>
      %parallel_loop3A_277 = tpu.iota {dimensions = array<i32: 0>} : vector<16xi32>
      %parallel_loop3A_278 = arith.subi %parallel_loop3A_276, %parallel_loop3A_277 : vector<16xi32>
      %parallel_loop3A_279 = tpu.dynamic_gather %parallel_loop3A_151[%parallel_loop3A_278] in [0] : vector<16xf32>, vector<16xi32> -> vector<16xf32>
      %parallel_loop3A_280 = arith.constant 15 : i32
      %parallel_loop3A_281 = vector.broadcast %parallel_loop3A_280 : i32 to vector<16xi32>
      %parallel_loop3A_282 = tpu.iota {dimensions = array<i32: 0>} : vector<16xi32>
      %parallel_loop3A_283 = arith.subi %parallel_loop3A_281, %parallel_loop3A_282 : vector<16xi32>
      %parallel_loop3A_284 = tpu.dynamic_gather %parallel_loop3A_152[%parallel_loop3A_283] in [0] : vector<16xi32>, vector<16xi32> -> vector<16xi32>
      %parallel_loop3A_285 = arith.cmpf oge, %parallel_loop3A_141, %parallel_loop3A_279 : vector<16xf32>
      %parallel_loop3A_286 = arith.select %parallel_loop3A_285, %parallel_loop3A_141, %parallel_loop3A_279 : vector<16xi1>, vector<16xf32>
      %parallel_loop3A_287 = arith.select %parallel_loop3A_285, %parallel_loop3A_142, %parallel_loop3A_284 : vector<16xi1>, vector<16xi32>
      %parallel_loop3A_288 = arith.constant dense<true> : vector<16xi1>
      %parallel_loop3A_289, %parallel_loop3A_290, %parallel_loop3A_291 = tpu.sort %parallel_loop3A_286, %parallel_loop3A_287 masked %parallel_loop3A_288 {descending = true} : (vector<16xf32>, vector<16xi32>, vector<16xi1>) -> (vector<16xi1>, vector<16xf32>, vector<16xi32>)
      %parallel_loop3A_292 = arith.constant 15 : i32
      %parallel_loop3A_293 = vector.broadcast %parallel_loop3A_292 : i32 to vector<16xi32>
      %parallel_loop3A_294 = tpu.iota {dimensions = array<i32: 0>} : vector<16xi32>
      %parallel_loop3A_295 = arith.subi %parallel_loop3A_293, %parallel_loop3A_294 : vector<16xi32>
      %parallel_loop3A_296 = tpu.dynamic_gather %parallel_loop3A_171[%parallel_loop3A_295] in [0] : vector<16xf32>, vector<16xi32> -> vector<16xf32>
      %parallel_loop3A_297 = arith.constant 15 : i32
      %parallel_loop3A_298 = vector.broadcast %parallel_loop3A_297 : i32 to vector<16xi32>
      %parallel_loop3A_299 = tpu.iota {dimensions = array<i32: 0>} : vector<16xi32>
      %parallel_loop3A_300 = arith.subi %parallel_loop3A_298, %parallel_loop3A_299 : vector<16xi32>
      %parallel_loop3A_301 = tpu.dynamic_gather %parallel_loop3A_172[%parallel_loop3A_300] in [0] : vector<16xi32>, vector<16xi32> -> vector<16xi32>
      %parallel_loop3A_302 = arith.cmpf oge, %parallel_loop3A_161, %parallel_loop3A_296 : vector<16xf32>
      %parallel_loop3A_303 = arith.select %parallel_loop3A_302, %parallel_loop3A_161, %parallel_loop3A_296 : vector<16xi1>, vector<16xf32>
      %parallel_loop3A_304 = arith.select %parallel_loop3A_302, %parallel_loop3A_162, %parallel_loop3A_301 : vector<16xi1>, vector<16xi32>
      %parallel_loop3A_305 = arith.constant dense<true> : vector<16xi1>
      %parallel_loop3A_306, %parallel_loop3A_307, %parallel_loop3A_308 = tpu.sort %parallel_loop3A_303, %parallel_loop3A_304 masked %parallel_loop3A_305 {descending = true} : (vector<16xf32>, vector<16xi32>, vector<16xi1>) -> (vector<16xi1>, vector<16xf32>, vector<16xi32>)
      %parallel_loop3A_309 = arith.constant 15 : i32
      %parallel_loop3A_310 = vector.broadcast %parallel_loop3A_309 : i32 to vector<16xi32>
      %parallel_loop3A_311 = tpu.iota {dimensions = array<i32: 0>} : vector<16xi32>
      %parallel_loop3A_312 = arith.subi %parallel_loop3A_310, %parallel_loop3A_311 : vector<16xi32>
      %parallel_loop3A_313 = tpu.dynamic_gather %parallel_loop3A_205[%parallel_loop3A_312] in [0] : vector<16xf32>, vector<16xi32> -> vector<16xf32>
      %parallel_loop3A_314 = arith.constant 15 : i32
      %parallel_loop3A_315 = vector.broadcast %parallel_loop3A_314 : i32 to vector<16xi32>
      %parallel_loop3A_316 = tpu.iota {dimensions = array<i32: 0>} : vector<16xi32>
      %parallel_loop3A_317 = arith.subi %parallel_loop3A_315, %parallel_loop3A_316 : vector<16xi32>
      %parallel_loop3A_318 = tpu.dynamic_gather %parallel_loop3A_206[%parallel_loop3A_317] in [0] : vector<16xi32>, vector<16xi32> -> vector<16xi32>
      %parallel_loop3A_319 = arith.cmpf oge, %parallel_loop3A_188, %parallel_loop3A_313 : vector<16xf32>
      %parallel_loop3A_320 = arith.select %parallel_loop3A_319, %parallel_loop3A_188, %parallel_loop3A_313 : vector<16xi1>, vector<16xf32>
      %parallel_loop3A_321 = arith.select %parallel_loop3A_319, %parallel_loop3A_189, %parallel_loop3A_318 : vector<16xi1>, vector<16xi32>
      %parallel_loop3A_322 = arith.constant dense<true> : vector<16xi1>
      %parallel_loop3A_323, %parallel_loop3A_324, %parallel_loop3A_325 = tpu.sort %parallel_loop3A_320, %parallel_loop3A_321 masked %parallel_loop3A_322 {descending = true} : (vector<16xf32>, vector<16xi32>, vector<16xi1>) -> (vector<16xi1>, vector<16xf32>, vector<16xi32>)
      %parallel_loop3A_326 = arith.constant 15 : i32
      %parallel_loop3A_327 = vector.broadcast %parallel_loop3A_326 : i32 to vector<16xi32>
      %parallel_loop3A_328 = tpu.iota {dimensions = array<i32: 0>} : vector<16xi32>
      %parallel_loop3A_329 = arith.subi %parallel_loop3A_327, %parallel_loop3A_328 : vector<16xi32>
      %parallel_loop3A_330 = tpu.dynamic_gather %parallel_loop3A_239[%parallel_loop3A_329] in [0] : vector<16xf32>, vector<16xi32> -> vector<16xf32>
      %parallel_loop3A_331 = arith.constant 15 : i32
      %parallel_loop3A_332 = vector.broadcast %parallel_loop3A_331 : i32 to vector<16xi32>
      %parallel_loop3A_333 = tpu.iota {dimensions = array<i32: 0>} : vector<16xi32>
      %parallel_loop3A_334 = arith.subi %parallel_loop3A_332, %parallel_loop3A_333 : vector<16xi32>
      %parallel_loop3A_335 = tpu.dynamic_gather %parallel_loop3A_240[%parallel_loop3A_334] in [0] : vector<16xi32>, vector<16xi32> -> vector<16xi32>
      %parallel_loop3A_336 = arith.cmpf oge, %parallel_loop3A_222, %parallel_loop3A_330 : vector<16xf32>
      %parallel_loop3A_337 = arith.select %parallel_loop3A_336, %parallel_loop3A_222, %parallel_loop3A_330 : vector<16xi1>, vector<16xf32>
      %parallel_loop3A_338 = arith.select %parallel_loop3A_336, %parallel_loop3A_223, %parallel_loop3A_335 : vector<16xi1>, vector<16xi32>
      %parallel_loop3A_339 = arith.constant dense<true> : vector<16xi1>
      %parallel_loop3A_340, %parallel_loop3A_341, %parallel_loop3A_342 = tpu.sort %parallel_loop3A_337, %parallel_loop3A_338 masked %parallel_loop3A_339 {descending = true} : (vector<16xf32>, vector<16xi32>, vector<16xi1>) -> (vector<16xi1>, vector<16xf32>, vector<16xi32>)
      %parallel_loop3A_343 = arith.constant 15 : i32
      %parallel_loop3A_344 = vector.broadcast %parallel_loop3A_343 : i32 to vector<16xi32>
      %parallel_loop3A_345 = tpu.iota {dimensions = array<i32: 0>} : vector<16xi32>
      %parallel_loop3A_346 = arith.subi %parallel_loop3A_344, %parallel_loop3A_345 : vector<16xi32>
      %parallel_loop3A_347 = tpu.dynamic_gather %parallel_loop3A_273[%parallel_loop3A_346] in [0] : vector<16xf32>, vector<16xi32> -> vector<16xf32>
      %parallel_loop3A_348 = arith.constant 15 : i32
      %parallel_loop3A_349 = vector.broadcast %parallel_loop3A_348 : i32 to vector<16xi32>
      %parallel_loop3A_350 = tpu.iota {dimensions = array<i32: 0>} : vector<16xi32>
      %parallel_loop3A_351 = arith.subi %parallel_loop3A_349, %parallel_loop3A_350 : vector<16xi32>
      %parallel_loop3A_352 = tpu.dynamic_gather %parallel_loop3A_274[%parallel_loop3A_351] in [0] : vector<16xi32>, vector<16xi32> -> vector<16xi32>
      %parallel_loop3A_353 = arith.cmpf oge, %parallel_loop3A_256, %parallel_loop3A_347 : vector<16xf32>
      %parallel_loop3A_354 = arith.select %parallel_loop3A_353, %parallel_loop3A_256, %parallel_loop3A_347 : vector<16xi1>, vector<16xf32>
      %parallel_loop3A_355 = arith.select %parallel_loop3A_353, %parallel_loop3A_257, %parallel_loop3A_352 : vector<16xi1>, vector<16xi32>
      %parallel_loop3A_356 = arith.constant dense<true> : vector<16xi1>
      %parallel_loop3A_357, %parallel_loop3A_358, %parallel_loop3A_359 = tpu.sort %parallel_loop3A_354, %parallel_loop3A_355 masked %parallel_loop3A_356 {descending = true} : (vector<16xf32>, vector<16xi32>, vector<16xi1>) -> (vector<16xi1>, vector<16xf32>, vector<16xi32>)
      %parallel_loop3A_360 = arith.constant 15 : i32
      %parallel_loop3A_361 = vector.broadcast %parallel_loop3A_360 : i32 to vector<16xi32>
      %parallel_loop3A_362 = tpu.iota {dimensions = array<i32: 0>} : vector<16xi32>
      %parallel_loop3A_363 = arith.subi %parallel_loop3A_361, %parallel_loop3A_362 : vector<16xi32>
      %parallel_loop3A_364 = tpu.dynamic_gather %parallel_loop3A_307[%parallel_loop3A_363] in [0] : vector<16xf32>, vector<16xi32> -> vector<16xf32>
      %parallel_loop3A_365 = arith.constant 15 : i32
      %parallel_loop3A_366 = vector.broadcast %parallel_loop3A_365 : i32 to vector<16xi32>
      %parallel_loop3A_367 = tpu.iota {dimensions = array<i32: 0>} : vector<16xi32>
      %parallel_loop3A_368 = arith.subi %parallel_loop3A_366, %parallel_loop3A_367 : vector<16xi32>
      %parallel_loop3A_369 = tpu.dynamic_gather %parallel_loop3A_308[%parallel_loop3A_368] in [0] : vector<16xi32>, vector<16xi32> -> vector<16xi32>
      %parallel_loop3A_370 = arith.cmpf oge, %parallel_loop3A_290, %parallel_loop3A_364 : vector<16xf32>
      %parallel_loop3A_371 = arith.select %parallel_loop3A_370, %parallel_loop3A_290, %parallel_loop3A_364 : vector<16xi1>, vector<16xf32>
      %parallel_loop3A_372 = arith.select %parallel_loop3A_370, %parallel_loop3A_291, %parallel_loop3A_369 : vector<16xi1>, vector<16xi32>
      %parallel_loop3A_373 = arith.constant dense<true> : vector<16xi1>
      %parallel_loop3A_374, %parallel_loop3A_375, %parallel_loop3A_376 = tpu.sort %parallel_loop3A_371, %parallel_loop3A_372 masked %parallel_loop3A_373 {descending = true} : (vector<16xf32>, vector<16xi32>, vector<16xi1>) -> (vector<16xi1>, vector<16xf32>, vector<16xi32>)
      %parallel_loop3A_377 = arith.constant 15 : i32
      %parallel_loop3A_378 = vector.broadcast %parallel_loop3A_377 : i32 to vector<16xi32>
      %parallel_loop3A_379 = tpu.iota {dimensions = array<i32: 0>} : vector<16xi32>
      %parallel_loop3A_380 = arith.subi %parallel_loop3A_378, %parallel_loop3A_379 : vector<16xi32>
      %parallel_loop3A_381 = tpu.dynamic_gather %parallel_loop3A_341[%parallel_loop3A_380] in [0] : vector<16xf32>, vector<16xi32> -> vector<16xf32>
      %parallel_loop3A_382 = arith.constant 15 : i32
      %parallel_loop3A_383 = vector.broadcast %parallel_loop3A_382 : i32 to vector<16xi32>
      %parallel_loop3A_384 = tpu.iota {dimensions = array<i32: 0>} : vector<16xi32>
      %parallel_loop3A_385 = arith.subi %parallel_loop3A_383, %parallel_loop3A_384 : vector<16xi32>
      %parallel_loop3A_386 = tpu.dynamic_gather %parallel_loop3A_342[%parallel_loop3A_385] in [0] : vector<16xi32>, vector<16xi32> -> vector<16xi32>
      %parallel_loop3A_387 = arith.cmpf oge, %parallel_loop3A_324, %parallel_loop3A_381 : vector<16xf32>
      %parallel_loop3A_388 = arith.select %parallel_loop3A_387, %parallel_loop3A_324, %parallel_loop3A_381 : vector<16xi1>, vector<16xf32>
      %parallel_loop3A_389 = arith.select %parallel_loop3A_387, %parallel_loop3A_325, %parallel_loop3A_386 : vector<16xi1>, vector<16xi32>
      %parallel_loop3A_390 = arith.constant dense<true> : vector<16xi1>
      %parallel_loop3A_391, %parallel_loop3A_392, %parallel_loop3A_393 = tpu.sort %parallel_loop3A_388, %parallel_loop3A_389 masked %parallel_loop3A_390 {descending = true} : (vector<16xf32>, vector<16xi32>, vector<16xi1>) -> (vector<16xi1>, vector<16xf32>, vector<16xi32>)
      %parallel_loop3A_394 = arith.constant 15 : i32
      %parallel_loop3A_395 = vector.broadcast %parallel_loop3A_394 : i32 to vector<16xi32>
      %parallel_loop3A_396 = tpu.iota {dimensions = array<i32: 0>} : vector<16xi32>
      %parallel_loop3A_397 = arith.subi %parallel_loop3A_395, %parallel_loop3A_396 : vector<16xi32>
      %parallel_loop3A_398 = tpu.dynamic_gather %parallel_loop3A_375[%parallel_loop3A_397] in [0] : vector<16xf32>, vector<16xi32> -> vector<16xf32>
      %parallel_loop3A_399 = arith.constant 15 : i32
      %parallel_loop3A_400 = vector.broadcast %parallel_loop3A_399 : i32 to vector<16xi32>
      %parallel_loop3A_401 = tpu.iota {dimensions = array<i32: 0>} : vector<16xi32>
      %parallel_loop3A_402 = arith.subi %parallel_loop3A_400, %parallel_loop3A_401 : vector<16xi32>
      %parallel_loop3A_403 = tpu.dynamic_gather %parallel_loop3A_376[%parallel_loop3A_402] in [0] : vector<16xi32>, vector<16xi32> -> vector<16xi32>
      %parallel_loop3A_404 = arith.cmpf oge, %parallel_loop3A_358, %parallel_loop3A_398 : vector<16xf32>
      %parallel_loop3A_405 = arith.select %parallel_loop3A_404, %parallel_loop3A_358, %parallel_loop3A_398 : vector<16xi1>, vector<16xf32>
      %parallel_loop3A_406 = arith.select %parallel_loop3A_404, %parallel_loop3A_359, %parallel_loop3A_403 : vector<16xi1>, vector<16xi32>
      %parallel_loop3A_407 = arith.constant dense<true> : vector<16xi1>
      %parallel_loop3A_408, %parallel_loop3A_409, %parallel_loop3A_410 = tpu.sort %parallel_loop3A_405, %parallel_loop3A_406 masked %parallel_loop3A_407 {descending = true} : (vector<16xf32>, vector<16xi32>, vector<16xi1>) -> (vector<16xi1>, vector<16xf32>, vector<16xi32>)
      %parallel_loop3A_411 = arith.constant 15 : i32
      %parallel_loop3A_412 = vector.broadcast %parallel_loop3A_411 : i32 to vector<16xi32>
      %parallel_loop3A_413 = tpu.iota {dimensions = array<i32: 0>} : vector<16xi32>
      %parallel_loop3A_414 = arith.subi %parallel_loop3A_412, %parallel_loop3A_413 : vector<16xi32>
      %parallel_loop3A_415 = tpu.dynamic_gather %parallel_loop3A_409[%parallel_loop3A_414] in [0] : vector<16xf32>, vector<16xi32> -> vector<16xf32>
      %parallel_loop3A_416 = arith.constant 15 : i32
      %parallel_loop3A_417 = vector.broadcast %parallel_loop3A_416 : i32 to vector<16xi32>
      %parallel_loop3A_418 = tpu.iota {dimensions = array<i32: 0>} : vector<16xi32>
      %parallel_loop3A_419 = arith.subi %parallel_loop3A_417, %parallel_loop3A_418 : vector<16xi32>
      %parallel_loop3A_420 = tpu.dynamic_gather %parallel_loop3A_410[%parallel_loop3A_419] in [0] : vector<16xi32>, vector<16xi32> -> vector<16xi32>
      %parallel_loop3A_421 = arith.cmpf oge, %parallel_loop3A_392, %parallel_loop3A_415 : vector<16xf32>
      %parallel_loop3A_422 = arith.select %parallel_loop3A_421, %parallel_loop3A_392, %parallel_loop3A_415 : vector<16xi1>, vector<16xf32>
      %parallel_loop3A_423 = arith.select %parallel_loop3A_421, %parallel_loop3A_393, %parallel_loop3A_420 : vector<16xi1>, vector<16xi32>
      %parallel_loop3A_424 = arith.constant dense<true> : vector<16xi1>
      %parallel_loop3A_425, %parallel_loop3A_426, %parallel_loop3A_427 = tpu.sort %parallel_loop3A_422, %parallel_loop3A_423 masked %parallel_loop3A_424 {descending = true} : (vector<16xf32>, vector<16xi32>, vector<16xi1>) -> (vector<16xi1>, vector<16xf32>, vector<16xi32>)
      %parallel_loop3A_428 = arith.constant 128 : i32
      %parallel_loop3A_429 = arith.addi %parallel_loop3A_428, %parallel_loop3A_12 : i32
      %parallel_loop3A_430 = arith.constant 256 : i32
      %parallel_loop3A_431 = arith.andi %parallel_loop3A_429, %parallel_loop3A_430 : i32
      %parallel_loop3A_432 = vector.broadcast %parallel_loop3A_431 : i32 to vector<16xi32>
      %parallel_loop3A_433 = arith.addi %parallel_loop3A_427, %parallel_loop3A_432 : vector<16xi32>
      %parallel_loop3A_434 = tpu.vector_load_idx %arg6[%parallel_loop3A_433] : memref<256xf32, #tpu.memory_space<vmem>>[vector<16xi32>], vector<16xf32>,
      %parallel_loop3A_435 = arith.index_cast %parallel_loop3A_12 : i32 to index
      %parallel_loop3A_436 = arith.constant 0 : index
      %parallel_loop3A_437 = tpu.vector_load %arg7[%parallel_loop3A_435, %parallel_loop3A_436] {strides = array<i32>} : memref<128x16xf32, #tpu.memory_space<vmem>>, vector<16xf32>,
      tpu.vector_store %arg7[%parallel_loop3A_435, %parallel_loop3A_436], %parallel_loop3A_434 {strides = array<i32>} : memref<128x16xf32, #tpu.memory_space<vmem>>, vector<16xf32>,
    } {sc.loop_unroll_factor = 2 : i64, sc.parallel_access}
    "tpu.region"() ({
      %run_scoped3A = tpu.sem_alloc : memref<!tpu.dma_semaphore, #tpu.memory_space<semaphore_mem>>
      %dma_start3A = arith.constant 0 : i32
      %dma_start3A_12 = tpu.memref_slice %arg4[%add3A_8, %dma_start3A] : memref<8192x16xf32, #tpu.memory_space<hbm>> -> memref<128x16xf32, #tpu.memory_space<hbm>>
      %dma_start3A_13 = arith.constant 0 : i32
      %dma_start3A_14 = tpu.memref_slice %arg4[%add3A_8, %dma_start3A_13] : memref<8192x16xf32, #tpu.memory_space<hbm>> -> memref<128x16xf32, #tpu.memory_space<hbm>>
      tpu.enqueue_dma source(%arg7 : memref<128x16xf32, #tpu.memory_space<vmem>>) target(%dma_start3A_14 : memref<128x16xf32, #tpu.memory_space<hbm>>) target_semaphore(%run_scoped3A : memref<!tpu.dma_semaphore, #tpu.memory_space<semaphore_mem>>)
      %dma_wait3A = arith.constant 0 : i32
      %dma_wait3A_15 = tpu.memref_slice %arg4[%add3A_8, %dma_wait3A] : memref<8192x16xf32, #tpu.memory_space<hbm>> -> memref<128x16xf32, #tpu.memory_space<hbm>>
      %dma_wait3A_16 = arith.constant 0 : i32
      %dma_wait3A_17 = tpu.memref_slice %arg4[%add3A_8, %dma_wait3A_16] : memref<8192x16xf32, #tpu.memory_space<hbm>> -> memref<128x16xf32, #tpu.memory_space<hbm>>
      tpu.wait_dma2 semaphore(%run_scoped3A : memref<!tpu.dma_semaphore, #tpu.memory_space<semaphore_mem>>) src(%arg7 : memref<128x16xf32, #tpu.memory_space<vmem>>) dst(%dma_wait3A_17 : memref<128x16xf32, #tpu.memory_space<hbm>>)
      tpu.yield
    }) : () -> ()
    return
  }
}

module attributes {stable_mosaic.version = 14 : i64} {
  func.func @_pairwise_kernel(%arg0: i32, %arg1: memref<1x128x256xf32, #tpu.memory_space<vmem>>, %arg2: memref<256x128xf32, #tpu.memory_space<vmem>>, %arg3: memref<256x1xf32, #tpu.memory_space<vmem>>, %arg4: memref<1x256xf32, #tpu.memory_space<vmem>>, %arg5: memref<1x256xf32, #tpu.memory_space<vmem>>, %arg6: memref<1x256x256xf32, #tpu.memory_space<vmem>>, %arg7: memref<1x1x256xf32, #tpu.memory_space<vmem>>, %arg8: memref<1x1x256xf32, #tpu.memory_space<vmem>>) attributes {dimension_semantics = [#tpu.dimension_semantics<arbitrary>], iteration_bounds = array<i64: 32>, scalar_prefetch = 0 : i64, scratch_operands = 0 : i64, tpu.core_type = #tpu.core_type<tc>, window_params = [{transform_indices = @transform_0, window_bounds = array<i64: 1, 128, 256>}, {pipeline_mode = #tpu.pipeline_mode<synchronous>, transform_indices = @transform_1, window_bounds = array<i64: 256, 128>}, {pipeline_mode = #tpu.pipeline_mode<synchronous>, transform_indices = @transform_2, window_bounds = array<i64: 256, 1>}, {pipeline_mode = #tpu.pipeline_mode<synchronous>, transform_indices = @transform_3, window_bounds = array<i64: 1, 256>}, {pipeline_mode = #tpu.pipeline_mode<synchronous>, transform_indices = @transform_4, window_bounds = array<i64: 1, 256>}, {transform_indices = @transform_5, window_bounds = array<i64: 1, 256, 256>}, {transform_indices = @transform_6, window_bounds = array<i64: 1, 1, 256>}, {transform_indices = @transform_7, window_bounds = array<i64: 1, 1, 256>}]} {
    %get3A = arith.constant 0 : index
    %get3A_0 = arith.constant 0 : index
    %get3A_1 = arith.constant 0 : index
    %get3A_2 = vector.load %arg1[%get3A, %get3A_0, %get3A_1] : memref<1x128x256xf32, #tpu.memory_space<vmem>>, vector<1x128x256xf32>
    %get3A_3 = vector.shape_cast %get3A_2 : vector<1x128x256xf32> to vector<128x256xf32>
    %get3A_4 = arith.constant 0 : index
    %get3A_5 = arith.constant 0 : index
    %get3A_6 = vector.load %arg2[%get3A_4, %get3A_5] : memref<256x128xf32, #tpu.memory_space<vmem>>, vector<256x128xf32>
    %dot_general3A = arith.constant dense<0.000000e+00> : vector<256x256xf32>
    %dot_general3A_7 = tpu.matmul %get3A_6, %get3A_3, %dot_general3A {dimension_numbers = #tpu.dot_dimension_numbers<[1], [0], [0], [1], [0, 0, 1, 1], [], []>, transpose_lhs_hint = false} : vector<256x128xf32>, vector<128x256xf32>, vector<256x256xf32> -> vector<256x256xf32>
    %get3A_8 = arith.constant 0 : index
    %get3A_9 = arith.constant 0 : index
    %get3A_10 = vector.load %arg3[%get3A_8, %get3A_9] : memref<256x1xf32, #tpu.memory_space<vmem>>, vector<256x1xf32>
    %add3A = vector.broadcast %get3A_10 : vector<256x1xf32> to vector<256x256xf32>
    %add3A_11 = arith.addf %dot_general3A_7, %add3A : vector<256x256xf32>
    %dot_general3A_12 = arith.constant dense<0.000000e+00> : vector<256x256xf32>
    %dot_general3A_13 = tpu.matmul %add3A_11, %add3A_11, %dot_general3A_12 {dimension_numbers = #tpu.dot_dimension_numbers<[0], [0], [1], [1], [0, 1, 1, 1], [], []>, transpose_lhs_hint = false} : vector<256x256xf32>, vector<256x256xf32>, vector<256x256xf32> -> vector<256x256xf32>
    %mul3A = arith.mulf %add3A_11, %add3A_11 : vector<256x256xf32>
    %reduce_sum3A = arith.constant dense<0.000000e+00> : vector<256xf32>
    %reduce_sum3A_14 = vector.multi_reduction <add>, %mul3A, %reduce_sum3A [0] : vector<256x256xf32> to vector<256xf32>
    %broadcast_in_dim3A = vector.shape_cast %reduce_sum3A_14 : vector<256xf32> to vector<1x256xf32>
    %mul3A_15 = arith.constant -2.000000e+00 : f32
    %mul3A_16 = vector.broadcast %mul3A_15 : f32 to vector<256x256xf32>
    %mul3A_17 = arith.mulf %mul3A_16, %dot_general3A_13 : vector<256x256xf32>
    %neg3A = arith.constant 0.000000e+00 : f32
    %neg3A_18 = vector.broadcast %neg3A : f32 to vector<1x256xf32>
    %neg3A_19 = arith.subf %neg3A_18, %broadcast_in_dim3A : vector<1x256xf32>
    %sub3A = vector.broadcast %neg3A_19 : vector<1x256xf32> to vector<256x256xf32>
    %sub3A_20 = arith.subf %sub3A, %mul3A_17 : vector<256x256xf32>
    %transpose3A = tpu.transpose %broadcast_in_dim3A, [1, 0] : vector<1x256xf32> -> vector<256x1xf32>
    %sub3A_21 = vector.broadcast %transpose3A : vector<256x1xf32> to vector<256x256xf32>
    %sub3A_22 = arith.subf %sub3A_20, %sub3A_21 : vector<256x256xf32>
    %swap3A = arith.constant 0 : index
    %swap3A_23 = arith.constant 0 : index
    %swap3A_24 = arith.constant 0 : index
    %swap3A_25 = vector.load %arg6[%swap3A, %swap3A_23, %swap3A_24] : memref<1x256x256xf32, #tpu.memory_space<vmem>>, vector<1x256x256xf32>
    %swap3A_26 = vector.shape_cast %swap3A_25 : vector<1x256x256xf32> to vector<256x256xf32>
    %swap3A_27 = vector.shape_cast %sub3A_22 : vector<256x256xf32> to vector<1x256x256xf32>
    tpu.vector_store %arg6[%swap3A, %swap3A_23, %swap3A_24], %swap3A_27 {strides = array<i32>} : memref<1x256x256xf32, #tpu.memory_space<vmem>>, vector<1x256x256xf32>,
    %get3A_28 = arith.constant 0 : index
    %get3A_29 = arith.constant 0 : index
    %get3A_30 = vector.load %arg4[%get3A_28, %get3A_29] : memref<1x256xf32, #tpu.memory_space<vmem>>, vector<1x256xf32>
    %dot_general3A_31 = arith.constant dense<0.000000e+00> : vector<1x256xf32>
    %dot_general3A_32 = tpu.matmul %get3A_30, %add3A_11, %dot_general3A_31 {dimension_numbers = #tpu.dot_dimension_numbers<[1], [0], [0], [1], [0, 0, 1, 1], [], []>, transpose_lhs_hint = false} : vector<1x256xf32>, vector<256x256xf32>, vector<1x256xf32> -> vector<1x256xf32>
    %swap3A_33 = arith.constant 0 : index
    %swap3A_34 = arith.constant 0 : index
    %swap3A_35 = arith.constant 0 : index
    %swap3A_36 = vector.load %arg7[%swap3A_33, %swap3A_34, %swap3A_35] : memref<1x1x256xf32, #tpu.memory_space<vmem>>, vector<1x1x256xf32>
    %swap3A_37 = vector.shape_cast %swap3A_36 : vector<1x1x256xf32> to vector<1x256xf32>
    %swap3A_38 = vector.shape_cast %dot_general3A_32 : vector<1x256xf32> to vector<1x1x256xf32>
    tpu.vector_store %arg7[%swap3A_33, %swap3A_34, %swap3A_35], %swap3A_38 {strides = array<i32>} : memref<1x1x256xf32, #tpu.memory_space<vmem>>, vector<1x1x256xf32>,
    %get3A_39 = arith.constant 0 : index
    %get3A_40 = arith.constant 0 : index
    %get3A_41 = vector.load %arg5[%get3A_39, %get3A_40] : memref<1x256xf32, #tpu.memory_space<vmem>>, vector<1x256xf32>
    %dot_general3A_42 = arith.constant dense<0.000000e+00> : vector<1x256xf32>
    %dot_general3A_43 = tpu.matmul %get3A_41, %add3A_11, %dot_general3A_42 {dimension_numbers = #tpu.dot_dimension_numbers<[1], [0], [0], [1], [0, 0, 1, 1], [], []>, transpose_lhs_hint = false} : vector<1x256xf32>, vector<256x256xf32>, vector<1x256xf32> -> vector<1x256xf32>
    %swap3A_44 = arith.constant 0 : index
    %swap3A_45 = arith.constant 0 : index
    %swap3A_46 = arith.constant 0 : index
    %swap3A_47 = vector.load %arg8[%swap3A_44, %swap3A_45, %swap3A_46] : memref<1x1x256xf32, #tpu.memory_space<vmem>>, vector<1x1x256xf32>
    %swap3A_48 = vector.shape_cast %swap3A_47 : vector<1x1x256xf32> to vector<1x256xf32>
    %swap3A_49 = vector.shape_cast %dot_general3A_43 : vector<1x256xf32> to vector<1x1x256xf32>
    tpu.vector_store %arg8[%swap3A_44, %swap3A_45, %swap3A_46], %swap3A_49 {strides = array<i32>} : memref<1x1x256xf32, #tpu.memory_space<vmem>>, vector<1x1x256xf32>,
    return
  }
  func.func @transform_0(%arg0: i32) -> (i32, i32, i32) {
    %c0_i32 = arith.constant 0 : i32
    %c0_i32_0 = arith.constant 0 : i32
    %c0_i32_1 = arith.constant 0 : i32
    return %arg0, %c0_i32, %c0_i32_0 : i32, i32, i32
  }
  func.func @transform_1(%arg0: i32) -> (i32, i32) {
    %c0_i32 = arith.constant 0 : i32
    %c0_i32_0 = arith.constant 0 : i32
    %c0_i32_1 = arith.constant 0 : i32
    return %c0_i32, %c0_i32_0 : i32, i32
  }
  func.func @transform_2(%arg0: i32) -> (i32, i32) {
    %c0_i32 = arith.constant 0 : i32
    %c0_i32_0 = arith.constant 0 : i32
    %c0_i32_1 = arith.constant 0 : i32
    return %c0_i32, %c0_i32_0 : i32, i32
  }
  func.func @transform_3(%arg0: i32) -> (i32, i32) {
    %c0_i32 = arith.constant 0 : i32
    %c0_i32_0 = arith.constant 0 : i32
    %c0_i32_1 = arith.constant 0 : i32
    return %c0_i32, %c0_i32_0 : i32, i32
  }
  func.func @transform_4(%arg0: i32) -> (i32, i32) {
    %c0_i32 = arith.constant 0 : i32
    %c0_i32_0 = arith.constant 0 : i32
    %c0_i32_1 = arith.constant 0 : i32
    return %c0_i32, %c0_i32_0 : i32, i32
  }
  func.func @transform_5(%arg0: i32) -> (i32, i32, i32) {
    %c0_i32 = arith.constant 0 : i32
    %c0_i32_0 = arith.constant 0 : i32
    %c0_i32_1 = arith.constant 0 : i32
    return %arg0, %c0_i32, %c0_i32_0 : i32, i32, i32
  }
  func.func @transform_6(%arg0: i32) -> (i32, i32, i32) {
    %c0_i32 = arith.constant 0 : i32
    %c0_i32_0 = arith.constant 0 : i32
    %c0_i32_1 = arith.constant 0 : i32
    return %arg0, %c0_i32, %c0_i32_0 : i32, i32, i32
  }
  func.func @transform_7(%arg0: i32) -> (i32, i32, i32) {
    %c0_i32 = arith.constant 0 : i32
    %c0_i32_0 = arith.constant 0 : i32
    %c0_i32_1 = arith.constant 0 : i32
    return %arg0, %c0_i32, %c0_i32_0 : i32, i32, i32
  }
}

module attributes {stable_mosaic.version = 14 : i64} {
  func.func @_softmax0_kernel(%arg0: memref<32x4096xf32, #tpu.memory_space<vmem>>, %arg1: memref<32x4096xf32, #tpu.memory_space<vmem>>, %arg2: memref<32x256xf32, #tpu.memory_space<vmem>>, %arg3: memref<32x256xf32, #tpu.memory_space<vmem>>, %arg4: memref<64x4096xf32, #tpu.memory_space<vmem>>) attributes {dimension_semantics = [], scalar_prefetch = 0 : i64, scratch_operands = 0 : i64, tpu.core_type = #tpu.core_type<tc>} {
    %get3A = arith.constant 0 : index
    %get3A_0 = arith.constant 0 : index
    %get3A_1 = vector.load %arg0[%get3A, %get3A_0] : memref<32x4096xf32, #tpu.memory_space<vmem>>, vector<32x4096xf32>
    %get3A_2 = arith.constant 0 : index
    %get3A_3 = arith.constant 0 : index
    %get3A_4 = vector.load %arg2[%get3A_2, %get3A_3] : memref<32x256xf32, #tpu.memory_space<vmem>>, vector<32x256xf32>
    %concatenate3A = tpu.concatenate %get3A_4, %get3A_4, %get3A_4, %get3A_4, %get3A_4, %get3A_4, %get3A_4, %get3A_4, %get3A_4, %get3A_4, %get3A_4, %get3A_4, %get3A_4, %get3A_4, %get3A_4, %get3A_4 in 1 : vector<32x256xf32>, vector<32x256xf32>, vector<32x256xf32>, vector<32x256xf32>, vector<32x256xf32>, vector<32x256xf32>, vector<32x256xf32>, vector<32x256xf32>, vector<32x256xf32>, vector<32x256xf32>, vector<32x256xf32>, vector<32x256xf32>, vector<32x256xf32>, vector<32x256xf32>, vector<32x256xf32>, vector<32x256xf32> -> vector<32x4096xf32>
    %add3A = arith.addf %get3A_1, %concatenate3A : vector<32x4096xf32>
    %get3A_5 = arith.constant 0 : index
    %get3A_6 = arith.constant 0 : index
    %get3A_7 = vector.load %arg1[%get3A_5, %get3A_6] : memref<32x4096xf32, #tpu.memory_space<vmem>>, vector<32x4096xf32>
    %get3A_8 = arith.constant 0 : index
    %get3A_9 = arith.constant 0 : index
    %get3A_10 = vector.load %arg3[%get3A_8, %get3A_9] : memref<32x256xf32, #tpu.memory_space<vmem>>, vector<32x256xf32>
    %concatenate3A_11 = tpu.concatenate %get3A_10, %get3A_10, %get3A_10, %get3A_10, %get3A_10, %get3A_10, %get3A_10, %get3A_10, %get3A_10, %get3A_10, %get3A_10, %get3A_10, %get3A_10, %get3A_10, %get3A_10, %get3A_10 in 1 : vector<32x256xf32>, vector<32x256xf32>, vector<32x256xf32>, vector<32x256xf32>, vector<32x256xf32>, vector<32x256xf32>, vector<32x256xf32>, vector<32x256xf32>, vector<32x256xf32>, vector<32x256xf32>, vector<32x256xf32>, vector<32x256xf32>, vector<32x256xf32>, vector<32x256xf32>, vector<32x256xf32>, vector<32x256xf32> -> vector<32x4096xf32>
    %add3A_12 = arith.addf %get3A_7, %concatenate3A_11 : vector<32x4096xf32>
    %concatenate3A_13 = tpu.concatenate %add3A, %add3A_12 in 0 : vector<32x4096xf32>, vector<32x4096xf32> -> vector<64x4096xf32>
    %reduce_max3A = arith.constant dense<0xFF800000> : vector<4096xf32>
    %reduce_max3A_14 = vector.multi_reduction <maximumf>, %concatenate3A_13, %reduce_max3A [0] : vector<64x4096xf32> to vector<4096xf32>
    %broadcast_in_dim3A = vector.shape_cast %reduce_max3A_14 : vector<4096xf32> to vector<1x4096xf32>
    %sub3A = vector.broadcast %broadcast_in_dim3A : vector<1x4096xf32> to vector<64x4096xf32>
    %sub3A_15 = arith.subf %concatenate3A_13, %sub3A : vector<64x4096xf32>
    %exp3A = math.exp %sub3A_15 : vector<64x4096xf32>
    %reduce_sum3A = arith.constant dense<0.000000e+00> : vector<4096xf32>
    %reduce_sum3A_16 = vector.multi_reduction <add>, %exp3A, %reduce_sum3A [0] : vector<64x4096xf32> to vector<4096xf32>
    %broadcast_in_dim3A_17 = vector.shape_cast %reduce_sum3A_16 : vector<4096xf32> to vector<1x4096xf32>
    %div3A = vector.broadcast %broadcast_in_dim3A_17 : vector<1x4096xf32> to vector<64x4096xf32>
    %div3A_18 = arith.divf %exp3A, %div3A : vector<64x4096xf32>
    %swap3A = arith.constant 0 : index
    %swap3A_19 = arith.constant 0 : index
    %swap3A_20 = vector.load %arg4[%swap3A, %swap3A_19] : memref<64x4096xf32, #tpu.memory_space<vmem>>, vector<64x4096xf32>
    tpu.vector_store %arg4[%swap3A, %swap3A_19], %div3A_18 {strides = array<i32>} : memref<64x4096xf32, #tpu.memory_space<vmem>>, vector<64x4096xf32>,
    return
  }
}

</mosaic_0001>

<sc_bundles>
// kernel: kernel.10.cloned.1.call-start
scs
__scs_entry_jumppad:
0x0: {  	(pc) =	sbr.rel $0x88, $3  }
0x1: {  	(tag) =	ssettag $0x0;
	lr =	simm.s32 $0x1  }
0x2: {  	[smem:$0x3F9D] =	sst lr;
	_ =	strace $0xD0000000  }
0x3: {  	_ = 	snop  }
0x4: {  	_ = 	snop  }
0x5: {  	_ = 	snop  }
0x6: {  	_ = 	snop  }
0x7: {  	_ = 	snop  }
__scs_overlays_trampoline_lowered:
0x8: {  	[smem:$0x3FAC] =	sst s0  }
0x9: {  	[smem:$0x3FAD] =	sst s1  }
0xa: {  	[smem:$0x3FAE] =	sst s2  }
0xb: {  	[smem:$0x3FAF] =	sst s3  }
0xc: {  	[smem:$0x3FB0] =	sst s4  }
0xd: {  	[smem:$0x3FB1] =	sst s5  }
0xe: {  	[smem:$0x3FB2] =	sst s6  }
0xf: {  	[smem:$0x3FB3] =	sst s7  }
0x10: {  	[smem:$0x3FB4] =	sst s8  }
0x11: {  	[smem:$0x3FB5] =	sst s9;
	s0 =	simm.s32 @!p0 $0x0  }
0x12: {  	s1 =	sld [smem:$0x3F9B];
	s0 =	simm.s32 @p0 $0x1  }
0x13: {  	[smem:$0x3FB6] =	sst s0;
	s0 =	simm.s32 @!p1 $0x0  }
0x14: {  	s2 =	sld [smem:$0x3F9A];
	s0 =	simm.s32 @p1 $0x1  }
0x15: {  	[smem:$0x3FB7] =	sst s0;
	s0 =	simm.s32 @!p2 $0x0  }
0x16: {  	s3 =	sld [smem:$0x3FDB];
	s0 =	simm.s32 @p2 $0x1  }
0x17: {  	s4 =	simm.s32 $0x1BF5;
	[smem:$0x3FB9] =	sst s0  }
0x18: {  	s0 =	sld [smem:$0x3F9C];
	_ =	swait.ge [sflag:s4], $0x0  }
0x19: {  	s7 =	sld [smem:$0x3F9D]  }
0x1a: {  	s8 =	sadd.s32 $0xFFFFE003, lr  }
0x1b: {  	s9 =	sadd.s32 $0xFFFFFEF7, lr;
	s5 =	simm.s32 $0xFFFFFFFF;
	p2 =	slt.u32 s8, $0xFFFFF086  }
0x1c: {  	p1 =	slt.u32 s9, $0xF7A;
	s5 =	simm.s32 @!p2 $0x0  }
0x1d: {  	s5 =	simm.s32 @p1 $0x1;
	p0 =	seq.s32 s7, s2  }
0x1e: {  	s7 =	smul.u32 @!p0 $0xF7A, s2;
	p2 =	seq.s32 @!p0 s5, $0x0  }
0x1f: {  	s9 =	smul.u32 $0xF7A, s1;
	s8 =	simm.s32 @!p0 $0x1BF5;
	p2 =	por !p2, p0  }
0x20: {  	[sflag:s8] =	ssyncset.s32 @!p0 $0xFFFFF086;
	s6 =	sadd.s32 @!p0 s3, s7;
	s7 =	simm.s32 @!p0 $0x108  }
0x21: {  	s3 =	sadd.s32 s3, s9;
	s6 =	sadd.s32 @!p0 $0x88, s6;
	s7 =	simm.s32 @p2 $0x1082  }
0x22: {  	[simem:s7], [sflag:s8] =	dma.local @!p0 [hbm:s6], $0xF7A  }
0x23: {  	s9 =	sor.u32 $0xD0000000, s2;
	s6 =	simm.s32 $0x108;
	_ =	swait.ge @!p0 [sflag:s8], $0x0  }
0x24: {  	s3 =	sadd.s32 $0x88, s3;
	s6 =	simm.s32 @!p1 $0x1082;
	[sflag:s4] =	ssyncset.s32 $0xFFFFF086  }
0x25: {  	[simem:s6], [sflag:s4] =	dma.local [hbm:s3], $0xF7A  }
0x26: {  	[smem:$0x3F9D] =	sst s1;
	(tag) =	ssettag s2;
	_ =	strace s9  }
0x27: {  	s1 =	sld [smem:$0x3FAD]  }
0x28: {  	s2 =	sld [smem:$0x3FAE]  }
0x29: {  	s4 =	sld [smem:$0x3FB0]  }
0x2a: {  	p0 =	seq.s32 s5, $0x0;
	s5 =	sld [smem:$0x3FB1]  }
0x2b: {  	s6 =	sld [smem:$0x3FB2]  }
0x2c: {  	s7 =	sld [smem:$0x3FB3]  }
0x2d: {  	s3 =	simm.s32 $0x108;
	s8 =	sld [smem:$0x3FB4]  }
0x2e: {  	s3 =	simm.s32 @!p0 $0x1082;
	s9 =	sld [smem:$0x3FB5]  }
0x2f: {  	lr =	sadd.s32 s0, s3;
	s0 =	sld [smem:$0x3FAC]  }
0x30: {  	s3 =	sld [smem:$0x3FAF]  }
0x31: {  	[smem:$0x3FB8] =	sst s10  }
0x32: {  	s10 =	sld [smem:$0x3FB6];
	_ =	sdelay $0x3  }
0x33: {  	p0 =	seq.s32 s10, $0x1;
	s10 =	sld [smem:$0x3FB8];
	_ =	sdelay $0x3  }
0x34: {  	[smem:$0x3FB8] =	sst s10  }
0x35: {  	s10 =	sld [smem:$0x3FB7];
	_ =	sdelay $0x3  }
0x36: {  	p1 =	seq.s32 s10, $0x1;
	s10 =	sld [smem:$0x3FB8];
	_ =	sdelay $0x3  }
0x37: {  	[smem:$0x3FB8] =	sst s10  }
0x38: {  	s10 =	sld [smem:$0x3FB9]  }
0x39: {  	_ = 	snop;
	(pc) =	sbr.ind lr, $3  }
0x3a: {  	_ = 	snop  }
0x3b: {  	_ = 	snop  }
0x3c: {  	p2 =	seq.s32 s10, $0x1;
	s10 =	sld [smem:$0x3FB8]  }
0x3d: {  	_ =	shalt  }
0x3e: {  	_ =	shalt  }
0x3f: {  	_ =	shalt  }
0x40: {  	_ =	shalt  }
0x41: {  	_ =	shalt  }
0x42: {  	_ =	shalt  }
0x43: {  	_ =	shalt  }
0x44: {  	_ =	shalt  }
0x45: {  	_ =	shalt  }
0x46: {  	_ =	shalt  }
0x47: {  	_ =	shalt  }
0x48: {  	_ =	shalt  }
0x49: {  	_ =	shalt  }
0x4a: {  	_ =	shalt  }
0x4b: {  	_ =	shalt  }
0x4c: {  	_ =	shalt  }
0x4d: {  	_ =	shalt  }
0x4e: {  	_ =	shalt  }
0x4f: {  	_ =	shalt  }
0x50: {  	_ =	shalt  }
0x51: {  	_ =	shalt  }
0x52: {  	_ =	shalt  }
0x53: {  	_ =	shalt  }
0x54: {  	_ =	shalt  }
0x55: {  	_ =	shalt  }
0x56: {  	_ =	shalt  }
0x57: {  	_ =	shalt  }
0x58: {  	_ =	shalt  }
0x59: {  	_ =	shalt  }
0x5a: {  	_ =	shalt  }
0x5b: {  	_ =	shalt  }
0x5c: {  	_ =	shalt  }
0x5d: {  	_ =	shalt  }
0x5e: {  	_ =	shalt  }
0x5f: {  	_ =	shalt  }
0x60: {  	_ =	shalt  }
0x61: {  	_ =	shalt  }
0x62: {  	_ =	shalt  }
0x63: {  	_ =	shalt  }
0x64: {  	_ =	shalt  }
0x65: {  	_ =	shalt  }
0x66: {  	_ =	shalt  }
0x67: {  	_ =	shalt  }
0x68: {  	_ =	shalt  }
0x69: {  	_ =	shalt  }
0x6a: {  	_ =	shalt  }
0x6b: {  	_ =	shalt  }
0x6c: {  	_ =	shalt  }
0x6d: {  	_ =	shalt  }
0x6e: {  	_ =	shalt  }
0x6f: {  	_ =	shalt  }
0x70: {  	_ =	shalt  }
0x71: {  	_ =	shalt  }
0x72: {  	_ =	shalt  }
0x73: {  	_ =	shalt  }
0x74: {  	_ =	shalt  }
0x75: {  	_ =	shalt  }
0x76: {  	_ =	shalt  }
0x77: {  	_ =	shalt  }
0x78: {  	_ =	shalt  }
0x79: {  	_ =	shalt  }
0x7a: {  	_ =	shalt  }
0x7b: {  	_ =	shalt  }
0x7c: {  	_ =	shalt  }
0x7d: {  	_ =	shalt  }
0x7e: {  	_ =	shalt  }
0x7f: {  	_ =	shalt  }
0x80: {  	_ =	shalt  }
0x81: {  	_ =	shalt  }
0x82: {  	_ =	shalt  }
0x83: {  	_ =	shalt  }
0x84: {  	_ =	shalt  }
0x85: {  	_ =	shalt  }
0x86: {  	_ =	shalt  }
0x87: {  	_ =	shalt  }
.Lfunc_end0:
.L_simem_size_0:
called_computation.1_lowered:
.L_overlay_start_0:
0x88: {  	s2 =	sld [smem:$0x3FD9]  }
0x89: {  	s3 =	sld [smem:$0x3FFE];
	_ =	sdelay $0x1  }
0x8a: {  	s1 =	srdreg.scid  }
0x8b: {  	s0 =	sand.u32 $0x1, s1  }
0x8c: {  	s17 =	sshll.u32 s0, $0xA;
	s2 =	sadd.s32 s3, s2  }
0x8d: {  	s2 =	sadd.s32 s2, s17  }
0x8e: {  	[smem:$0x3FC4] =	sst s2  }
0x8f: {  	_ = 	snop  }
0x90: {  	(tm) =	ssettm $0x1  }
0x91: {  	s18 =	sld [smem:$0x3FFB];
	_ =	sdelay $0x3  }
0x92: {  	_ =	strace s18  }
0x93: {  	s2 =	sld [smem:$0x3FFC];
	_ =	sdelay $0x3  }
0x94: {  	_ =	strace s2  }
0x95: {  	s2 =	sld [smem:$0x3FFD];
	_ =	sdelay $0x3  }
0x96: {  	_ =	strace s2  }
0x97: {  	_ =	strace $0x8FFFFFFF  }
0x98: {  	s19 =	sld [smem:$0x3FDB];
	_ =	sdelay $0x1  }
0x99: {  	s20 =	simm.s32 $_scs_section_size  }
0x9a: {  	s4 =	simm.s32 $_size__tile_overlayer_lowered;
	s5 =	simm.s32 $_tile_overlayer_lowered  }
0x9b: {  	s6 =	simm.s32 $0x1BFF;
	s21 =	sshll.u32 s5, $0x1;
	s3 =	sadd.s32 s20, s19  }
0x9c: {  	s22 =	simm.s32 $0x0;
	s4 =	sshll.u32 s4, $0x1;
	s5 =	sadd.s32 s21, s3  }
0x9d: {  	[timem:s22], [sflag:s6] =	dma.local [hbm:s5], s4  }
0x9e: {  	_ =	swait.ge [sflag:s6], s4  }
0x9f: {  	s4 =	ssub.s32 $0x0, s4;
	[sflag:s6] =	ssyncset.done $0x0  }
0xa0: {  	[sflag:s6] =	ssyncadd.s32 s4;
	_ =	sdelay $0x1  }
0xa1: {  	s23 =	simm.s32 $0x1B8B  }
0xa2: {  	_ =	swait.ge [sflag:s23], $0x1  }
0xa3: {  	[sflag:s23] =	ssyncset.done $0x0  }
0xa4: {  	[sflag:s23] =	ssyncadd.s32 $0xFFFFFFFF  }
0xa5: {  	s4 =	sld [smem:$0x0]  }
0xa6: {  	s5 =	sand.u32 $0xFFFFFFFE, s1  }
0xa7: {  	p0 =	sne.s32 s1, s5  }
0xa8: {  	s5 =	sshll.u32 @p0 s5, $0xE  }
0xa9: {  	s5 =	sadd.s32 @p0 $0x11B8D, s5;
	s6 =	sshll.u32 @p0 s4, $0x11  }
0xaa: {  	s5 =	sor.u32 @p0 s6, s5  }
0xab: {  	[sflag:s5] =	ssyncadd.remote.s32 @p0 $0x1;
	_ =	sdelay $0x1  }
0xac: {  	s5 =	simm.s32 @p0 $0x1B8D  }
0xad: {  	_ =	swait.eq @p0 [sflag:s5], $0x1  }
0xae: {  	[sflag:s5] =	ssyncadd.s32 @p0 $0xFFFFFFFF  }
0xaf: {  	s6 =	sshll.u32 @!p0 s1, $0xE  }
0xb0: {  	s6 =	sor.u32 @!p0 $0x4000, s6;
	s5 =	simm.s32 @!p0 $0x1B8D  }
0xb1: {  	s4 =	sshll.u32 @!p0 s4, $0x11;
	s6 =	sadd.s32 @!p0 $0x11B8D, s6;
	_ =	swait.eq @!p0 [sflag:s5], $0x1  }
0xb2: {  	s4 =	sor.u32 @!p0 s4, s6;
	[sflag:s5] =	ssyncadd.s32 @!p0 $0xFFFFFFFF  }
0xb3: {  	s25 =	simm.s32 $0x1B8E;
	s24 =	sld [smem:$0x3FFE];
	[sflag:s4] =	ssyncadd.remote.s32 @!p0 $0x1  }
0xb4: {  	s26 =	simm.s32 $execute0_lowered;
	[smem:$0x3FD2] =	sst s25  }
0xb5: {  	s5 =	sshll.u32 s26, $0x1;
	_ =	strace $0x80000049;
	[dreg:$0x1] =	wrdreg $0xFFFFFFFF  }
0xb6: {  	s28 =	simm.s32 $_size_execute0_lowered;
	s3 =	sadd.s32 s3, s5;
	[dreg:$0x0] =	wrdreg $0x0  }
0xb7: {  	s5 =	sshll.u32 s28, $0x1;
	[dreg:$0x2] =	wrdreg s3  }
0xb8: {  	[dreg:$0x3] =	wrdreg s5  }
0xb9: {  	[dreg:$0x4] =	wrdreg $0xC0  }
0xba: {  	_ =	task [dreg:s22], $0x5FFFF  }
0xbb: {  	[dreg:$0x1] =	wrdreg $0xFFFFFFFF  }
0xbc: {  	[dreg:$0x0] =	wrdreg $0x60  }
0xbd: {  	[dreg:$0x2] =	wrdreg s24  }
0xbe: {  	[dreg:$0x3] =	wrdreg $0xA  }
0xbf: {  	_ =	task.clear_ibuf [dreg:s22], $0x4FFFF;
	_ =	strace $0x90000049  }
0xc0: {  	s29 =	simm.s32 $0xA;
	_ =	strace $0x8000004B  }
0xc1: {  	_ =	swait.ge [sflag:s29], $0x1  }
0xc2: {  	[sflag:s29] =	ssyncadd.s32 $0xFFFFFFFF  }
0xc3: {  	_ =	strace $0x9000004B  }
0xc4: {  	_ =	sfence  }
0xc5: {  	s30 =	sld [smem:$0x0];
	_ =	sdelay $0x2  }
0xc6: {  	s31 =	sshll.u32 s1, $0xD;
	s1 =	sshrl.u32 s1, $0x2  }
0xc7: {  	s4 =	sand.u32 $0x4000, s31;
	s1 =	sadd.s32 s1, s30  }
0xc8: {  	s0 =	sor.u32 s4, s0;
	s1 =	sshll.u32 s1, $0x11  }
0xc9: {  	s0 =	sor.u32 s1, s0  }
0xca: {  	s0 =	sadd.s32 $0x8F2B, s0  }
0xcb: {  	[sflag:s0] =	ssyncadd.remote.s32 $0x1  }
0xcc: {  	_ =	sfence.sel $0xFFFF  }
0xcd: {  	[dreg:$0x0] =	wrdreg $0xFFFFFFFF;
	(pc) =	sbr.abs _section_cstart, $3  }
0xce: {  	[dreg:$0x1] =	wrdreg $0xFFFFFFFF  }
0xcf: {  	_ =	task.clear_ibuf [dreg:s22], $0x2FFFF;
	_ =	strace $0x9FFFFFFF  }
0xd0: {  	(tm) =	ssettm $0x7FFFFFFF  }
0xd1: {  	_ =	shalt  }
tec
execute0_lowered:
.L_overlay_start_1:
0x0: {  	(tag) =	ssettag $0x1  }
0x1: {  	s3 =	rddreg [dreg:$0x0]  }
0x2: {  	s0 =	rddreg [dreg:$0x1];
	s4 =	srdreg.scid  }
0x3: {  	s2 =	simm.s32 $0x0;
	s1 =	stileid.u32;
	v0 =	vlaneseq.u32;
	s11 =	simm.s32 $0x8100  }
0x4: {  	s12 =	simm.s32 $0x0;
	s4 =	sand.u32 $0x1, s4;
	[smem:$0x7FF] =	sst s2;
	v1 =	vor.u32 $0x80, v0  }
0x5: {  	s5 =	sshll.u32 s1, $0x9;
	v2 =	vor.u32 $0x40, v0;
	s6 =	sshll.u32 s4, $0x8;
	_ =	strace $0x8000004A;
	[tilespmem:$0x1FF80] =	vst v1  }
0x6: {  	s29 =	sadd.s32 $0x62000, s3;
	v3 =	vor.u32 $0x20, v0;
	s4 =	ssub.s32 $0x2, s4;
	[tilespmem:$0x1FF90] =	vst v2;
	s5 =	sor.u32 s6, s5  }
0x7: {  	s10 =	sadd.s32 $0xA2400, s3;
	v4 =	vor.u32 $0x10, v0;
	[tilespmem:$0x1FFA0] =	vst v3;
	s8 =	sshrl.u32 s4, $0x1;
	s7 =	sshrl.u32 s5, $0x3  }
0x8: {  	v15 =	vor.u32 $0xA0, v0;
	[tilespmem:$0x1FFB0] =	vst v4;
	s8 =	ssub.s32 s4, s8;
	s30 =	sshll.u32 s5, $0x5;
	s5 =	sshll.u32 s5, $0x4  }
0x9: {  	v6 =	vor.u32 $0x30, v0;
	v8 =	vor.u32 $0x50, v0;
	v5 =	vor.u32 $0xC0, v0;
	[tilespmem:$0x1FFC0] =	vst v15;
	s9 =	sadd.s32 s7, s3;
	s7 =	sor.u32 $0x10, s7;
	s4 =	sadd.s32 s29, s30  }
0xa: {  	v9 =	vor.u32 $0x60, v0;
	v16 =	vmul.u32 $0xFFFFFFFF, v0;
	v7 =	vor.u32 $0xE0, v0;
	[tilespmem:$0x1FFD0] =	vst v5;
	s5 =	sadd.s32 s10, s5;
	s8 =	smax.u32 s8, $0x1;
	s3 =	sadd.s32 $0xA2000, s9  }
0xb: {  	v10 =	vor.u32 $0x70, v0;
	v12 =	vor.u32 $0x90, v0;
	v13 =	vor.u32 $0xF0, v0;
	[tilespmem:$0x1FFE0] =	vst v7;
	s31 =	sshll.u32 s7, $0x8;
	s7 =	sshll.u32 s7, $0x7;
	s9 =	simm.s32 $0x8000  }
0xc: {  	v14 =	vor.u32 $0xB0, v0;
	v11 =	vor.u32 $0xD0, v0;
	[tilespmem:$0x1FFF0] =	vst v13;
	v16 =	vadd.s32 $0xF, v16;
	s6 =	sadd.s32 s29, s31;
	s7 =	sadd.s32 s10, s7;
	s10 =	simm.s32 $0x1  }
.LBB2_1:
0xd: {  	[tilespmem:s9], [sflag:$0x1] =	stream.linear.gather [hbm4b:s3+s2], $0x100, $0x38;
	[tilespmem:$0xC100] =	vst v63  }
0xe: {  	_ =	swait.ge [sflag:s10], $0x100  }
0xf: {  	[sflag:s10] =	ssyncset.done $0x0  }
0x10: {  	[sflag:s10] =	ssyncadd.s32 $0xFFFFFF00  }
0x11: {  	[tilespmem:s2], [sflag:$0x1] =	stream.linear.gather [hbm4b:s4+s2], $0x8000, $0x38;
	[tilespmem:$0xC100] =	vst v63  }
0x12: {  	s13 =	simm.s32 $0x0;
	_ =	swait.ge [sflag:s10], $0x8000  }
0x13: {  	s14 =	sand.u32 $0x7800, s2;
	s13 =	sand.u32 $0x300, s13;
	[sflag:s10] =	ssyncset.done $0x0  }
0x14: {  	s15 =	sor.u32 s13, s14;
	[sflag:s10] =	ssyncadd.s32 $0xFFFF8000  }
0x15: {  	v17 =	vld [tilespmem:s15+$0x10]  }
0x16: {  	v18 =	vld [tilespmem:s15+$0x20]  }
0x17: {  	v19 =	vld [tilespmem:s15+$0x40]  }
0x18: {  	v20 =	vld [tilespmem:s15+$0x400]  }
0x19: {  	v21 =	vld [tilespmem:s15+$0x30]  }
0x1a: {  	v22 =	vld [tilespmem:s15+$0x50];
	(xrf1) =	vsort.dscd.msk.f32 $0xffff, v17, v4  }
0x1b: {  	v17 =	vld [tilespmem:s15+$0x60];
	(xrf1) =	vsort.dscd.msk.f32 $0xffff, v18, v3  }
0x1c: {  	v18 =	vld [tilespmem:s15+$0x410];
	(xrf1) =	vsort.dscd.msk.f32 $0xffff, v19, v2  }
0x1d: {  	v19 =	vld [tilespmem:s15+$0x70];
	(xrf1) =	vsort.dscd.msk.f32 $0xffff, v20, v1  }
0x1e: {  	v20 =	vld [tilespmem:s15+$0x430];
	(xrf1) =	vsort.dscd.msk.f32 $0xffff, v21, v6  }
0x1f: {  	v21 =	vld [tilespmem:s15+$0x450];
	(xrf1) =	vsort.dscd.msk.f32 $0xffff, v22, v8  }
0x20: {  	v22 =	vld [tilespmem:s15+$0x420];
	(xrf1) =	vsort.dscd.msk.f32 $0xffff, v17, v9  }
0x21: {  	(xrf1) =	vsort.dscd.msk.f32 $0xffff, v18, v12  }
0x22: {  	s19 =	simm.s32 $0x80;
	v17 =	vld [tilespmem:s15+$0x470];
	(xrf1) =	vsort.dscd.msk.f32 $0xffff, v19, v10  }
0x23: {  	s13 =	sand.u32 $0x380, s19;
	v18 =	vld [tilespmem:s15+$0x440];
	(xrf1) =	vsort.dscd.msk.f32 $0xffff, v20, v14  }
0x24: {  	s13 =	sor.u32 s13, s14;
	v19 =	vld [tilespmem:s15+$0x460];
	(xrf1) =	vsort.dscd.msk.f32 $0xffff, v21, v11  }
0x25: {  	v20 =	vld [tilespmem:s13+$0x470];
	(xrf1) =	vsort.dscd.msk.f32 $0xffff, v22, v15  }
0x26: {  	v21 =	vld [tilespmem:s13+$0x70]  }
0x27: {  	(xrf1) =	vsort.dscd.msk.f32 $0xffff, v17, v13;
	v17 =	vld [tilespmem:s13+$0x430]  }
0x28: {  	(xrf1) =	vsort.dscd.msk.f32 $0xffff, v18, v5;
	v18 =	vld [tilespmem:s13+$0x450];
	v22, v23, _ =	vpop (xrf1)  }
0x29: {  	(xrf1) =	vsort.dscd.msk.f32 $0xffff, v19, v7;
	v19 =	vld [tilespmem:s13+$0x460];
	v24, v25, _ =	vpop (xrf1)  }
0x2a: {  	v26 =	vld [tilespmem:s13+$0x30];
	v27, v28, _ =	vpop (xrf1);
	(xrf1) =	vsort.dscd.msk.f32 $0xffff, v20, v13  }
0x2b: {  	v20 =	vld [tilespmem:s13+$0x50];
	v29, v30, _ =	vpop (xrf1);
	(xrf1) =	vsort.dscd.msk.f32 $0xffff, v21, v10  }
0x2c: {  	v21 =	vld [tilespmem:s15+$0x0];
	v31, v32, _ =	vpop (xrf1);
	(xrf1) =	vsort.dscd.msk.f32 $0xffff, v17, v14  }
0x2d: {  	v17 =	vld [tilespmem:s13+$0x60];
	v33, v34, _ =	vpop (xrf1);
	(xrf1) =	vsort.dscd.msk.f32 $0xffff, v18, v11;
	v31 =	vperm.xlane v31, v16  }
0x2e: {  	v18 =	vld [tilespmem:s13+$0x410];
	v32 =	vperm.xlane v32, v16;
	v35, v36, _ =	vpop (xrf1);
	(xrf1) =	vsort.dscd.msk.f32 $0xffff, v19, v7  }
0x2f: {  	v34 =	vperm.xlane v34, v16;
	v37, v38, _ =	vpop (xrf1);
	(xrf1) =	vsort.dscd.msk.f32 $0xffff, v26, v6;
	vm0 =	vge.f32 v24, v31  }
0x30: {  	v19 =	vld [tilespmem:s13+$0x420];
	v39, v40, _ =	vpop (xrf1);
	(xrf1) =	vsort.dscd.msk.f32 $0xffff, v20, v8;
	v20 =	vperm.xlane v33, v16;
	v57 =	vperm.xlane v37, v16  }
0x31: {  	v26 =	vld [tilespmem:s13+$0x440];
	v24 =	vsel vm0, v24, v31;
	v25 =	vsel vm0, v25, v32;
	(xrf1) =	vsort.dscd.msk.f32 $0xffff, v21, v0;
	v21, v58, _ =	vpop (xrf1)  }
0x32: {  	v40 =	vperm.xlane v40, v16;
	v37 =	vperm.xlane v58, v16;
	v41, v42, _ =	vpop (xrf1);
	(xrf1) =	vsort.dscd.msk.f32 $0xffff, v17, v9  }
0x33: {  	v17 =	vperm.xlane v39, v16;
	vm1 =	vge.f32 v27, v20;
	v60, v43, _ =	vpop (xrf1);
	(xrf1) =	vsort.dscd.msk.f32 $0xffff, v18, v12  }
0x34: {  	v18 =	vperm.xlane v21, v16;
	v21 =	vperm.xlane v41, v16;
	v20 =	vsel vm1, v27, v20  }
0x35: {  	v27 =	vsel vm1, v28, v34;
	v61, v44, _ =	vpop (xrf1);
	(xrf1) =	vsort.dscd.msk.f32 $0xffff, v19, v15;
	vm2 =	vge.f32 v35, v17  }
0x36: {  	v19 =	vperm.xlane v61, v16;
	v62 =	vperm.xlane v44, v16;
	v63, v45, _ =	vpop (xrf1);
	(xrf1) =	vsort.dscd.msk.f32 $0xffff, v26, v5  }
0x37: {  	v17 =	vsel vm2, v35, v17;
	v53 =	vsel vm2, v36, v40;
	v26, v46, _ =	vpop (xrf1);
	(xrf1) =	vsort.dscd.msk.f32 $0xffff, v24, v25  }
0x38: {  	vm7 =	vge.f32 v60, v18;
	vm5 =	vge.f32 v26, v19;
	v52, v48, _ =	vpop (xrf1);
	(xrf1) =	vsort.dscd.msk.f32 $0xffff, v20, v27  }
0x39: {  	v19 =	vsel vm5, v26, v19;
	v26 =	vsel vm5, v46, v62;
	v25, v28, _ =	vpop (xrf1);
	(xrf1) =	vsort.dscd.msk.f32 $0xffff, v17, v53  }
0x3a: {  	v27, v35, _ =	vpop (xrf1);
	(xrf1) =	vsort.dscd.msk.f32 $0xffff, v19, v26;
	v19 =	vsel vm7, v43, v37  }
0x3b: {  	vm8 =	vge.f32 v63, v21;
	v18 =	vsel vm7, v60, v18  }
0x3c: {  	v59 =	vperm.xlane v42, v16;
	v21 =	vsel vm8, v63, v21;
	v54, v36, _ =	vpop (xrf1)  }
0x3d: {  	v26, v55, _ =	vpop (xrf1)  }
0x3e: {  	v39 =	vsel vm8, v45, v59;
	(xrf1) =	vsort.dscd.msk.f32 $0xffff, v18, v19;
	v18, v19, _ =	vpop (xrf1)  }
0x3f: {  	v47 =	vld [tilespmem:s13+$0x10];
	v22 =	vperm.xlane v22, v16;
	vm6 =	vge.f32 v29, v57;
	(xrf1) =	vsort.dscd.msk.f32 $0xffff, v21, v39;
	v21, v33, _ =	vpop (xrf1)  }
0x40: {  	v23 =	vperm.xlane v23, v16;
	v38 =	vperm.xlane v38, v16;
	v31 =	vld [tilespmem:s13+$0x20];
	v29 =	vsel vm6, v29, v57;
	v56, v57, _ =	vpop (xrf1)  }
0x41: {  	vm9 =	vge.f32 v56, v22  }
0x42: {  	v30 =	vsel vm6, v30, v38;
	v23 =	vsel vm9, v57, v23  }
0x43: {  	(xrf1) =	vsort.dscd.msk.f32 $0xffff, v29, v30;
	v22 =	vsel vm9, v56, v22  }
0x44: {  	(xrf1) =	vsort.dscd.msk.f32 $0xffff, v47, v4  }
0x45: {  	(xrf1) =	vsort.dscd.msk.f32 $0xffff, v31, v3  }
0x46: {  	v24 =	vld [tilespmem:s13+$0x40];
	(xrf1) =	vsort.dscd.msk.f32 $0xffff, v22, v23;
	v22, v23, _ =	vpop (xrf1)  }
0x47: {  	v29, v30, _ =	vpop (xrf1)  }
0x48: {  	v32, v38, _ =	vpop (xrf1)  }
0x49: {  	v20 =	vld [tilespmem:s13+$0x400];
	v39, v40, _ =	vpop (xrf1)  }
0x4a: {  	v17 =	vld [tilespmem:s13+$0x0];
	v59, v60, _ =	vpop (xrf1)  }
0x4b: {  	(xrf1) =	vsort.dscd.msk.f32 $0xffff, v24, v2;
	v24, v44, _ =	vpop (xrf1)  }
0x4c: {  	v58 =	vperm.xlane v48, v16;
	v31 =	vperm.xlane v52, v16;
	v61, v62, _ =	vpop (xrf1)  }
0x4d: {  	v25 =	vperm.xlane v25, v16;
	v34 =	vperm.xlane v54, v16;
	v51, v50, _ =	vpop (xrf1)  }
0x4e: {  	v0 =	vlaneseq.u32;
	vm10 =	vge.f32 v26, v31;
	(xrf1) =	vsort.dscd.msk.f32 $0xffff, v20, v1;
	v52 =	vperm.xlane v51, v16;
	v54, v53, _ =	vpop (xrf1)  }
0x4f: {  	v26 =	vsel vm10, v26, v31;
	v31 =	vsel vm10, v55, v58;
	(xrf1) =	vsort.dscd.msk.f32 $0xffff, v17, v0;
	v55, v56, _ =	vpop (xrf1)  }
0x50: {  	(xrf1) =	vsort.dscd.msk.f32 $0xffff, v26, v31;
	v31 =	vperm.xlane v50, v16;
	vm12 =	vge.f32 v55, v52  }
0x51: {  	v63 =	vperm.xlane v62, v16;
	v17 =	vperm.xlane v61, v16;
	v41 =	vsel vm12, v55, v52  }
0x52: {  	v27 =	vperm.xlane v27, v16;
	v18 =	vperm.xlane v18, v16;
	v31 =	vsel vm12, v56, v31  }
0x53: {  	v37 =	vperm.xlane v60, v16;
	v26 =	vperm.xlane v54, v16;
	vm11 =	vge.f32 v24, v17;
	v57, v58, _ =	vpop (xrf1)  }
0x54: {  	v20 =	vperm.xlane v59, v16;
	v46 =	vperm.xlane v53, v16;
	v17 =	vsel vm11, v24, v17;
	v59, v60, _ =	vpop (xrf1)  }
0x55: {  	v24 =	vsel vm11, v44, v63;
	vm13 =	vge.f32 v57, v26;
	(xrf1) =	vsort.dscd.msk.f32 $0xffff, v41, v31;
	v31, v41, _ =	vpop (xrf1)  }
0x56: {  	v26 =	vsel vm13, v57, v26;
	v61 =	vsel vm13, v58, v46;
	(xrf1) =	vsort.dscd.msk.f32 $0xffff, v17, v24;
	v62, v63, _ =	vpop (xrf1)  }
0x57: {  	v17 =	vperm.xlane v28, v16;
	(xrf1) =	vsort.dscd.msk.f32 $0xffff, v26, v61;
	vm14 =	vge.f32 v62, v20  }
0x58: {  	v28 =	vperm.xlane v36, v16;
	v20 =	vsel vm14, v62, v20;
	v26 =	vsel vm14, v63, v37  }
0x59: {  	v19 =	vperm.xlane v19, v16;
	vm15 =	vge.f32 v22, v25;
	(xrf1) =	vsort.dscd.msk.f32 $0xffff, v20, v26  }
0x5a: {  	v30 =	vperm.xlane v30, v16;
	vm4 =	vge.f32 v32, v27;
	v24 =	vperm.xlane v35, v16  }
0x5b: {  	vm5 =	vge.f32 v39, v34;
	v17 =	vsel vm15, v23, v17;
	vm6 =	vge.f32 v31, v18  }
0x5c: {  	v23 =	vsel vm4, v32, v27;
	v24 =	vsel vm4, v38, v24;
	v18 =	vsel vm6, v31, v18  }
0x5d: {  	v19 =	vsel vm6, v41, v19;
	v20 =	vperm.xlane v21, v16;
	v26 =	vsel vm5, v40, v28;
	v27, v28, _ =	vpop (xrf1)  }
0x5e: {  	v21 =	vsel vm15, v22, v25;
	v22 =	vperm.xlane v29, v16;
	v25 =	vsel vm5, v39, v34;
	v39, v40, _ =	vpop (xrf1)  }
0x5f: {  	v29 =	vperm.xlane v33, v16;
	vm7 =	vge.f32 v27, v20;
	(xrf1) =	vsort.dscd.msk.f32 $0xffff, v21, v17  }
0x60: {  	vm8 =	vge.f32 v39, v22;
	v17 =	vperm.xlane v59, v16;
	(xrf1) =	vsort.dscd.msk.f32 $0xffff, v23, v24  }
0x61: {  	v21, v23, _ =	vpop (xrf1);
	v20 =	vsel vm7, v27, v20;
	(xrf1) =	vsort.dscd.msk.f32 $0xffff, v25, v26;
	v26 =	vsel vm7, v28, v29  }
0x62: {  	v22 =	vsel vm8, v39, v22;
	v27 =	vsel vm8, v40, v30;
	v24, v25, _ =	vpop (xrf1)  }
0x63: {  	v28 =	vperm.xlane v60, v16;
	vm9 =	vge.f32 v21, v17;
	(xrf1) =	vsort.dscd.msk.f32 $0xffff, v18, v19;
	v18, v19, _ =	vpop (xrf1)  }
0x64: {  	v17 =	vsel vm9, v21, v17;
	(xrf1) =	vsort.dscd.msk.f32 $0xffff, v20, v26;
	v18 =	vperm.xlane v18, v16;
	v20, v21, _ =	vpop (xrf1)  }
0x65: {  	v23 =	vsel vm9, v23, v28;
	(xrf1) =	vsort.dscd.msk.f32 $0xffff, v22, v27;
	v19 =	vperm.xlane v19, v16;
	v22, v26, _ =	vpop (xrf1)  }
0x66: {  	s20 =	simm.s32 $0x100;
	s21 =	simm.s32 $0x200;
	(xrf1) =	vsort.dscd.msk.f32 $0xffff, v17, v23;
	v17 =	vperm.xlane v20, v16;
	vm10 =	vge.f32 v22, v18  }
0x67: {  	s22 =	sand.u32 $0x7800, s21;
	s13 =	sand.u32 $0x300, s20;
	v20 =	vperm.xlane v21, v16;
	v18 =	vsel vm10, v22, v18;
	v19 =	vsel vm10, v26, v19;
	v21, v22, _ =	vpop (xrf1)  }
0x68: {  	s14 =	sor.u32 s13, s22;
	(xrf1) =	vsort.dscd.msk.f32 $0xffff, v18, v19;
	vm11 =	vge.f32 v21, v17  }
0x69: {  	v23 =	vld [tilespmem:s14+$0x10];
	v17 =	vsel vm11, v21, v17;
	v19 =	vsel vm11, v22, v20  }
0x6a: {  	v18 =	vld [tilespmem:s14+$0x20];
	(xrf1) =	vsort.dscd.msk.f32 $0xffff, v17, v19  }
0x6b: {  	v20 =	vld [tilespmem:s14+$0x40]  }
0x6c: {  	v17 =	vld [tilespmem:s14+$0x400]  }
0x6d: {  	v19 =	vld [tilespmem:s14+$0x30]  }
0x6e: {  	v21 =	vld [tilespmem:s14+$0x50];
	(xrf1) =	vsort.dscd.msk.f32 $0xffff, v23, v4  }
0x6f: {  	v22 =	vld [tilespmem:s14+$0x60];
	v23, v26, _ =	vpop (xrf1);
	(xrf1) =	vsort.dscd.msk.f32 $0xffff, v18, v3  }
0x70: {  	v18 =	vld [tilespmem:s14+$0x410];
	v30, v31, _ =	vpop (xrf1);
	(xrf1) =	vsort.dscd.msk.f32 $0xffff, v20, v2  }
0x71: {  	v42 =	vld [tilespmem:s14+$0x70];
	(xrf1) =	vsort.dscd.msk.f32 $0xffff, v17, v1;
	v17, v33, _ =	vpop (xrf1)  }
0x72: {  	v43 =	vld [tilespmem:s14+$0x430];
	(xrf1) =	vsort.dscd.msk.f32 $0xffff, v19, v6;
	v29, v28, _ =	vpop (xrf1)  }
0x73: {  	v44 =	vld [tilespmem:s14+$0x450];
	(xrf1) =	vsort.dscd.msk.f32 $0xffff, v21, v8;
	v27, v21, _ =	vpop (xrf1)  }
0x74: {  	v45 =	vld [tilespmem:s14+$0x420];
	(xrf1) =	vsort.dscd.msk.f32 $0xffff, v22, v9;
	v22, v19, _ =	vpop (xrf1)  }
0x75: {  	v46 =	vld [tilespmem:s14+$0x470];
	(xrf1) =	vsort.dscd.msk.f32 $0xffff, v18, v12;
	v20, v18, _ =	vpop (xrf1)  }
0x76: {  	s23 =	simm.s32 $0x180;
	v47 =	vld [tilespmem:s14+$0x440];
	(xrf1) =	vsort.dscd.msk.f32 $0xffff, v42, v10;
	v48, v49, _ =	vpop (xrf1)  }
0x77: {  	s13 =	sand.u32 $0x380, s23;
	(xrf1) =	vsort.dscd.msk.f32 $0xffff, v43, v14;
	v32 =	vperm.xlane v48, v16  }
0x78: {  	s13 =	sor.u32 s13, s22;
	v50 =	vld [tilespmem:s14+$0x460];
	v34 =	vperm.xlane v49, v16;
	(xrf1) =	vsort.dscd.msk.f32 $0xffff, v44, v11;
	v51, v52, _ =	vpop (xrf1)  }
0x79: {  	v53 =	vld [tilespmem:s13+$0x470];
	(xrf1) =	vsort.dscd.msk.f32 $0xffff, v45, v15;
	vm12 =	vge.f32 v51, v32  }
0x7a: {  	v54 =	vld [tilespmem:s13+$0x70];
	(xrf1) =	vsort.dscd.msk.f32 $0xffff, v46, v13;
	v34 =	vsel vm12, v52, v34  }
0x7b: {  	v55 =	vld [tilespmem:s13+$0x430];
	(xrf1) =	vsort.dscd.msk.f32 $0xffff, v47, v5;
	v32 =	vsel vm12, v51, v32  }
0x7c: {  	v56 =	vld [tilespmem:s13+$0x450];
	v36, v38, _ =	vpop (xrf1);
	(xrf1) =	vsort.dscd.msk.f32 $0xffff, v32, v34  }
0x7d: {  	v57 =	vld [tilespmem:s13+$0x460];
	v58 =	vperm.xlane v24, v16;
	v34, v41, _ =	vpop (xrf1);
	(xrf1) =	vsort.dscd.msk.f32 $0xffff, v50, v7  }
0x7e: {  	v59 =	vld [tilespmem:s13+$0x30];
	v24 =	vperm.xlane v30, v16;
	v42, v43, _ =	vpop (xrf1);
	(xrf1) =	vsort.dscd.msk.f32 $0xffff, v53, v13  }
0x7f: {  	vm13 =	vge.f32 v17, v58;
	v48 =	vperm.xlane v23, v16;
	v49 =	vld [tilespmem:s13+$0x50];
	v40, v47, _ =	vpop (xrf1);
	(xrf1) =	vsort.dscd.msk.f32 $0xffff, v54, v10  }
0x80: {  	v23 =	vperm.xlane v26, v16;
	v26 =	vsel vm13, v17, v58;
	v60, v50, _ =	vpop (xrf1);
	(xrf1) =	vsort.dscd.msk.f32 $0xffff, v55, v14  }
0x81: {  	v30 =	vld [tilespmem:s14+$0x0];
	v45 =	vperm.xlane v25, v16;
	v25 =	vperm.xlane v31, v16;
	v61, v51, _ =	vpop (xrf1);
	(xrf1) =	vsort.dscd.msk.f32 $0xffff, v56, v11  }
0x82: {  	v39 =	vperm.xlane v50, v16;
	v37 =	vperm.xlane v60, v16;
	v31, v32, _ =	vpop (xrf1);
	(xrf1) =	vsort.dscd.msk.f32 $0xffff, v57, v7  }
0x83: {  	v17 =	vld [tilespmem:s13+$0x60];
	v50 =	vperm.xlane v51, v16;
	v35 =	vperm.xlane v61, v16;
	v62, v52, _ =	vpop (xrf1);
	(xrf1) =	vsort.dscd.msk.f32 $0xffff, v59, v6  }
0x84: {  	v44 =	vld [tilespmem:s13+$0x410];
	vm14 =	vge.f32 v34, v37;
	v46 =	vperm.xlane v52, v16;
	v63, v54, _ =	vpop (xrf1);
	(xrf1) =	vsort.dscd.msk.f32 $0xffff, v49, v8  }
0x85: {  	v53 =	vld [tilespmem:s13+$0x420];
	v49 =	vperm.xlane v62, v16;
	vm15 =	vge.f32 v42, v35;
	v34 =	vsel vm14, v34, v37;
	v60, v56, _ =	vpop (xrf1)  }
0x86: {  	v55 =	vld [tilespmem:s13+$0x440];
	(xrf1) =	vsort.dscd.msk.f32 $0xffff, v30, v0;
	v30 =	vperm.xlane v54, v16;
	v52 =	vperm.xlane v63, v16;
	v61, v57, _ =	vpop (xrf1)  }
0x87: {  	v63 =	vsel vm14, v41, v39;
	v35 =	vsel vm15, v42, v35;
	v50 =	vsel vm15, v43, v50;
	v58, v59, _ =	vpop (xrf1)  }
0x88: {  	v54 =	vperm.xlane v56, v16;
	(xrf1) =	vsort.dscd.msk.f32 $0xffff, v17, v9;
	v57 =	vperm.xlane v57, v16;
	v17, v62, _ =	vpop (xrf1)  }
0x89: {  	(xrf1) =	vsort.dscd.msk.f32 $0xffff, v44, v12;
	v44 =	vperm.xlane v60, v16;
	v51 =	vperm.xlane v61, v16;
	v60, v61, _ =	vpop (xrf1)  }
0x8a: {  	vm3 =	vge.f32 v31, v52;
	(xrf1) =	vsort.dscd.msk.f32 $0xffff, v53, v15;
	v53 =	vperm.xlane v17, v16;
	_, v17, _ =	vpop (xrf1)  }
0x8b: {  	v31 =	vsel vm3, v31, v52;
	v56 =	vperm.xlane v62, v16;
	(xrf1) =	vsort.dscd.msk.f32 $0xffff, v55, v5;
	v55, v62, _ =	vpop (xrf1)  }
0x8c: {  	v30 =	vsel vm3, v32, v30;
	vm4 =	vge.f32 v58, v44;
	(xrf1) =	vsort.dscd.msk.f32 $0xffff, v34, v63;
	v39, v41, _ =	vpop (xrf1)  }
0x8d: {  	vm5 =	vge.f32 v60, v51;
	(xrf1) =	vsort.dscd.msk.f32 $0xffff, v35, v50;
	vm7 =	vge.f32 v55, v53;
	v34, v37, _ =	vpop (xrf1)  }
0x8e: {  	(xrf1) =	vsort.dscd.msk.f32 $0xffff, v31, v30;
	v63 =	vsel vm7, v55, v53;
	v56 =	vsel vm7, v62, v56;
	v32, v35, _ =	vpop (xrf1)  }
0x8f: {  	v44 =	vsel vm4, v58, v44;
	v58 =	vsel vm4, v59, v54;
	[tilespmem:$0x1FF10] =	vst v17;
	(xrf1) =	vsort.dscd.msk.f32 $0xffff, v63, v56;
	v31, v50, _ =	vpop (xrf1)  }
0x90: {  	v51 =	vsel vm5, v60, v51;
	v30 =	vld [tilespmem:s13+$0x10];
	v62 =	vsel vm5, v61, v57;
	v43, v53, _ =	vpop (xrf1);
	(xrf1) =	vsort.dscd.msk.f32 $0xffff, v44, v58  }
0x91: {  	v33 =	vsel vm13, v33, v45;
	v59 =	vld [tilespmem:s13+$0x20];
	v63, v45, _ =	vpop (xrf1);
	(xrf1) =	vsort.dscd.msk.f32 $0xffff, v51, v62  }
0x92: {  	vm8 =	vge.f32 v40, v49  }
0x93: {  	v40 =	vsel vm8, v40, v49;
	v46 =	vsel vm8, v47, v46  }
0x94: {  	v29 =	vperm.xlane v29, v16;
	v36 =	vperm.xlane v36, v16;
	v58 =	vld [tilespmem:s13+$0x40];
	v47, v49, _ =	vpop (xrf1);
	(xrf1) =	vsort.dscd.msk.f32 $0xffff, v40, v46  }
0x95: {  	v28 =	vperm.xlane v28, v16;
	v38 =	vperm.xlane v38, v16;
	v57, v56, _ =	vpop (xrf1);
	(xrf1) =	vsort.dscd.msk.f32 $0xffff, v30, v4;
	v30 =	vld [tilespmem:s13+$0x400]  }
0x96: {  	vm0 =	vge.f32 v27, v48;
	vm9 =	vge.f32 v57, v36;
	(xrf1) =	vsort.dscd.msk.f32 $0xffff, v59, v3;
	v59 =	vld [tilespmem:s13+$0x0];
	v46, v51, _ =	vpop (xrf1)  }
0x97: {  	v60 =	vperm.xlane v41, v16;
	v36 =	vsel vm9, v57, v36;
	v38 =	vsel vm9, v56, v38;
	v61, v41, _ =	vpop (xrf1)  }
0x98: {  	v27 =	vsel vm0, v27, v48;
	v39 =	vperm.xlane v39, v16;
	(xrf1) =	vsort.dscd.msk.f32 $0xffff, v36, v38;
	v48, v52, _ =	vpop (xrf1)  }
0x99: {  	v34 =	vperm.xlane v34, v16;
	v32 =	vperm.xlane v32, v16;
	(xrf1) =	vsort.dscd.msk.f32 $0xffff, v58, v2;
	v40, v54, _ =	vpop (xrf1)  }
0x9a: {  	vm10 =	vge.f32 v43, v39;
	(xrf1) =	vsort.dscd.msk.f32 $0xffff, v30, v1;
	v30 =	vperm.xlane v37, v16;
	v37, v62, _ =	vpop (xrf1)  }
0x9b: {  	v39 =	vsel vm10, v43, v39;
	v36 =	vsel vm10, v53, v60;
	(xrf1) =	vsort.dscd.msk.f32 $0xffff, v59, v0;
	v42, v53, _ =	vpop (xrf1)  }
0x9c: {  	v35 =	vperm.xlane v35, v16;
	(xrf1) =	vsort.dscd.msk.f32 $0xffff, v39, v36;
	v36 =	vperm.xlane v63, v16;
	v63, v44, _ =	vpop (xrf1)  }
0x9d: {  	v31 =	vperm.xlane v31, v16;
	v38 =	vperm.xlane v61, v16;
	v60, v61, _ =	vpop (xrf1)  }
0x9e: {  	v43 =	vperm.xlane v62, v16;
	v55 =	vperm.xlane v60, v16;
	v62, v58, _ =	vpop (xrf1)  }
0x9f: {  	vm11 =	vge.f32 v46, v34;
	v39 =	vperm.xlane v63, v16;
	v63 =	vperm.xlane v61, v16;
	v61, v60, _ =	vpop (xrf1)  }
0xa0: {  	v50 =	vperm.xlane v50, v16;
	v34 =	vsel vm11, v46, v34;
	vm14 =	vge.f32 v61, v55  }
0xa1: {  	v44 =	vperm.xlane v44, v16;
	v57 =	vperm.xlane v62, v16;
	v46 =	vsel vm14, v60, v63  }
0xa2: {  	vm1 =	vge.f32 v22, v24;
	v47 =	vperm.xlane v47, v16;
	v41 =	vperm.xlane v41, v16  }
0xa3: {  	vm12 =	vge.f32 v48, v32;
	v37 =	vperm.xlane v37, v16;
	vm15 =	vge.f32 v42, v39;
	v56, v59, _ =	vpop (xrf1)  }
0xa4: {  	v39 =	vsel vm15, v42, v39;
	v58 =	vperm.xlane v58, v16;
	v55 =	vsel vm14, v61, v55;
	v60, v61, _ =	vpop (xrf1)  }
0xa5: {  	v42 =	vsel vm15, v53, v44;
	vm8 =	vge.f32 v56, v57;
	(xrf1) =	vsort.dscd.msk.f32 $0xffff, v55, v46;
	v44, v46, _ =	vpop (xrf1)  }
0xa6: {  	v62 =	vsel vm8, v56, v57;
	v63 =	vsel vm8, v59, v58;
	(xrf1) =	vsort.dscd.msk.f32 $0xffff, v39, v42;
	v56, v57, _ =	vpop (xrf1)  }
0xa7: {  	vm13 =	vge.f32 v40, v31;
	(xrf1) =	vsort.dscd.msk.f32 $0xffff, v62, v63;
	vm9 =	vge.f32 v56, v37  }
0xa8: {  	v32 =	vsel vm12, v48, v32;
	v37 =	vsel vm9, v56, v37;
	v53 =	vsel vm9, v57, v43  }
0xa9: {  	v35 =	vsel vm12, v52, v35;
	v31 =	vsel vm13, v40, v31;
	(xrf1) =	vsort.dscd.msk.f32 $0xffff, v37, v53  }
0xaa: {  	v30 =	vsel vm11, v51, v30;
	v55 =	vsel vm13, v54, v50;
	vm10 =	vge.f32 v44, v36;
	v58, v57, _ =	vpop (xrf1)  }
0xab: {  	v59 =	vperm.xlane v49, v16;
	v51 =	vsel vm10, v44, v36;
	v56 =	vperm.xlane v45, v16;
	v63, v62, _ =	vpop (xrf1)  }
0xac: {  	vm11 =	vge.f32 v58, v47;
	vm12 =	vge.f32 v63, v38;
	(xrf1) =	vsort.dscd.msk.f32 $0xffff, v34, v30  }
0xad: {  	v30 =	vperm.xlane v60, v16;
	v52 =	vsel vm10, v46, v56;
	(xrf1) =	vsort.dscd.msk.f32 $0xffff, v32, v35  }
0xae: {  	v53 =	vsel vm11, v58, v47;
	v56 =	vperm.xlane v61, v16;
	(xrf1) =	vsort.dscd.msk.f32 $0xffff, v31, v55  }
0xaf: {  	v38 =	vsel vm12, v63, v38;
	v31 =	vsel vm11, v57, v59;
	v54, v55, _ =	vpop (xrf1);
	(xrf1) =	vsort.dscd.msk.f32 $0xffff, v51, v52  }
0xb0: {  	v57 =	vsel vm12, v62, v41;
	vm13 =	vge.f32 v54, v30;
	(xrf1) =	vsort.dscd.msk.f32 $0xffff, v53, v31  }
0xb1: {  	v30 =	vsel vm13, v54, v30;
	v31 =	vsel vm13, v55, v56;
	(xrf1) =	vsort.dscd.msk.f32 $0xffff, v38, v57  }
0xb2: {  	v22 =	vsel vm1, v22, v24;
	v21 =	vsel vm0, v21, v23;
	v59, v58, _ =	vpop (xrf1);
	(xrf1) =	vsort.dscd.msk.f32 $0xffff, v30, v31  }
0xb3: {  	v19 =	vsel vm1, v19, v25;
	vm14 =	vge.f32 v20, v29;
	v23, v24, _ =	vpop (xrf1);
	(xrf1) =	vsort.dscd.msk.f32 $0xffff, v26, v33  }
0xb4: {  	v20 =	vsel vm14, v20, v29;
	(xrf1) =	vsort.dscd.msk.f32 $0xffff, v27, v21;
	v21 =	vperm.xlane v23, v16;
	v23, v25, _ =	vpop (xrf1)  }
0xb5: {  	v18 =	vsel vm14, v18, v28;
	(xrf1) =	vsort.dscd.msk.f32 $0xffff, v22, v19;
	v19 =	vperm.xlane v24, v16;
	v22, v24, _ =	vpop (xrf1)  }
0xb6: {  	(xrf1) =	vsort.dscd.msk.f32 $0xffff, v20, v18;
	v18 =	vperm.xlane v23, v16;
	vm15 =	vge.f32 v22, v21  }
0xb7: {  	s24 =	simm.s32 $0x200;
	s25 =	simm.s32 $0x400;
	v21 =	vsel vm15, v22, v21;
	v22, v23, _ =	vpop (xrf1)  }
0xb8: {  	s26 =	sand.u32 $0x7800, s25;
	s13 =	sand.u32 $0x300, s24;
	vm4 =	vge.f32 v22, v18  }
0xb9: {  	s14 =	sor.u32 s13, s26;
	v20 =	vperm.xlane v25, v16;
	v18 =	vsel vm4, v22, v18  }
0xba: {  	v19 =	vsel vm15, v24, v19;
	v24 =	vld [tilespmem:s14+$0x10]  }
0xbb: {  	(xrf1) =	vsort.dscd.msk.f32 $0xffff, v21, v19;
	v19 =	vld [tilespmem:s14+$0x20];
	v20 =	vsel vm4, v23, v20  }
0xbc: {  	v21 =	vld [tilespmem:s14+$0x40];
	(xrf1) =	vsort.dscd.msk.f32 $0xffff, v18, v20;
	v18, v29, _ =	vpop (xrf1)  }
0xbd: {  	v20 =	vld [tilespmem:s14+$0x400];
	v30, v31, _ =	vpop (xrf1)  }
0xbe: {  	v22 =	vld [tilespmem:s14+$0x30];
	v33, v35, _ =	vpop (xrf1)  }
0xbf: {  	v23 =	vld [tilespmem:s14+$0x50];
	(xrf1) =	vsort.dscd.msk.f32 $0xffff, v24, v4;
	v37, v38, _ =	vpop (xrf1)  }
0xc0: {  	v24 =	vld [tilespmem:s14+$0x60];
	(xrf1) =	vsort.dscd.msk.f32 $0xffff, v19, v3;
	v39, v40, _ =	vpop (xrf1)  }
0xc1: {  	(xrf1) =	vsort.dscd.msk.f32 $0xffff, v21, v2;
	v42, v36, _ =	vpop (xrf1)  }
0xc2: {  	v60 =	vld [tilespmem:s14+$0x410];
	(xrf1) =	vsort.dscd.msk.f32 $0xffff, v20, v1;
	v27, v17, _ =	vpop (xrf1)  }
0xc3: {  	v61 =	vld [tilespmem:s14+$0x70];
	(xrf1) =	vsort.dscd.msk.f32 $0xffff, v22, v6;
	[tilespmem:$0x1FE70] =	vst v17;
	v28, v17, _ =	vpop (xrf1)  }
0xc4: {  	(xrf1) =	vsort.dscd.msk.f32 $0xffff, v23, v8;
	v62 =	vld [tilespmem:s14+$0x430];
	[tilespmem:$0x1FE80] =	vst v17;
	v26, v23, _ =	vpop (xrf1)  }
0xc5: {  	(xrf1) =	vsort.dscd.msk.f32 $0xffff, v24, v9;
	v63 =	vld [tilespmem:s14+$0x450];
	v25, v24, _ =	vpop (xrf1)  }
0xc6: {  	v52 =	vld [tilespmem:s14+$0x420];
	v22, v17, _ =	vpop (xrf1)  }
0xc7: {  	v53 =	vld [tilespmem:s14+$0x470];
	(xrf1) =	vsort.dscd.msk.f32 $0xffff, v60, v12;
	[tilespmem:$0x1FE90] =	vst v17  }
0xc8: {  	s28 =	simm.s32 $0x280;
	(xrf1) =	vsort.dscd.msk.f32 $0xffff, v61, v10;
	v54 =	vld [tilespmem:s14+$0x440]  }
0xc9: {  	s13 =	sand.u32 $0x380, s28;
	v32 =	vperm.xlane v59, v16;
	v55, v56, _ =	vpop (xrf1);
	(xrf1) =	vsort.dscd.msk.f32 $0xffff, v62, v14  }
0xca: {  	s13 =	sor.u32 s13, s26;
	v34 =	vperm.xlane v58, v16;
	v57 =	vld [tilespmem:s14+$0x460];
	v43 =	vperm.xlane v55, v16;
	(xrf1) =	vsort.dscd.msk.f32 $0xffff, v63, v11  }
0xcb: {  	v18 =	vperm.xlane v18, v16;
	v45 =	vld [tilespmem:s13+$0x470];
	v44 =	vperm.xlane v56, v16;
	v59, v58, _ =	vpop (xrf1);
	(xrf1) =	vsort.dscd.msk.f32 $0xffff, v52, v15  }
0xcc: {  	v46 =	vperm.xlane v30, v16;
	v50 =	vld [tilespmem:s13+$0x70];
	vm5 =	vge.f32 v59, v43;
	(xrf1) =	vsort.dscd.msk.f32 $0xffff, v53, v13  }
0xcd: {  	v47 =	vld [tilespmem:s13+$0x430];
	v60 =	vsel vm5, v59, v43;
	v61 =	vsel vm5, v58, v44;
	(xrf1) =	vsort.dscd.msk.f32 $0xffff, v54, v5  }
0xce: {  	vm6 =	vge.f32 v33, v32;
	v49 =	vld [tilespmem:s13+$0x450];
	v62 =	vperm.xlane v29, v16;
	v51, v52, _ =	vpop (xrf1);
	(xrf1) =	vsort.dscd.msk.f32 $0xffff, v60, v61  }
0xcf: {  	v41 =	vperm.xlane v31, v16;
	v30 =	vsel vm6, v35, v34;
	v63 =	vld [tilespmem:s13+$0x460];
	v53, v54, _ =	vpop (xrf1);
	(xrf1) =	vsort.dscd.msk.f32 $0xffff, v57, v7  }
0xd0: {  	v35 =	vperm.xlane v38, v16;
	vm7 =	vge.f32 v39, v18;
	v48 =	vld [tilespmem:s13+$0x30];
	v55, v56, _ =	vpop (xrf1);
	(xrf1) =	vsort.dscd.msk.f32 $0xffff, v45, v13  }
0xd1: {  	v29 =	vsel vm6, v33, v32;
	v32 =	vperm.xlane v37, v16;
	v37 =	vld [tilespmem:s13+$0x50];
	v45, v57, _ =	vpop (xrf1);
	(xrf1) =	vsort.dscd.msk.f32 $0xffff, v50, v10  }
0xd2: {  	v31 =	vsel vm7, v39, v18;
	vm8 =	vge.f32 v42, v46;
	v18 =	vld [tilespmem:s14+$0x0];
	v60, v61, _ =	vpop (xrf1);
	(xrf1) =	vsort.dscd.msk.f32 $0xffff, v47, v14  }
0xd3: {  	v34 =	vsel vm8, v42, v46;
	v33 =	vsel vm7, v40, v62;
	v44, v62, _ =	vpop (xrf1);
	(xrf1) =	vsort.dscd.msk.f32 $0xffff, v49, v11  }
0xd4: {  	v40 =	vld [tilespmem:s13+$0x60];
	v46 =	vperm.xlane v51, v16;
	v38 =	vperm.xlane v60, v16;
	v49, v50, _ =	vpop (xrf1);
	(xrf1) =	vsort.dscd.msk.f32 $0xffff, v63, v7  }
0xd5: {  	v42 =	vld [tilespmem:s13+$0x410];
	v39 =	vperm.xlane v61, v16;
	v47 =	vperm.xlane v62, v16;
	v51, v63, _ =	vpop (xrf1);
	(xrf1) =	vsort.dscd.msk.f32 $0xffff, v48, v6  }
0xd6: {  	v43 =	vld [tilespmem:s13+$0x420];
	vm9 =	vge.f32 v53, v38;
	v58 =	vperm.xlane v63, v16;
	v59, v60, _ =	vpop (xrf1);
	(xrf1) =	vsort.dscd.msk.f32 $0xffff, v37, v8  }
0xd7: {  	v37 =	vperm.xlane v44, v16;
	v44 =	vperm.xlane v51, v16;
	(xrf1) =	vsort.dscd.msk.f32 $0xffff, v18, v0;
	v18, v51, _ =	vpop (xrf1)  }
0xd8: {  	v48 =	vld [tilespmem:s13+$0x440];
	v38 =	vsel vm9, v53, v38;
	v39 =	vsel vm9, v54, v39;
	v60 =	vperm.xlane v60, v16;
	v61, v62, _ =	vpop (xrf1)  }
0xd9: {  	(xrf1) =	vsort.dscd.msk.f32 $0xffff, v40, v9;
	v40 =	vperm.xlane v59, v16;
	v59 =	vperm.xlane v62, v16;
	v62, v63, _ =	vpop (xrf1)  }
0xda: {  	v51 =	vperm.xlane v51, v16;
	(xrf1) =	vsort.dscd.msk.f32 $0xffff, v42, v12;
	v42 =	vperm.xlane v18, v16;
	v18, v17, _ =	vpop (xrf1)  }
0xdb: {  	vm10 =	vge.f32 v55, v37;
	(xrf1) =	vsort.dscd.msk.f32 $0xffff, v43, v15;
	v43 =	vperm.xlane v18, v16;
	v18, v21, _ =	vpop (xrf1)  }
0xdc: {  	v61 =	vperm.xlane v61, v16;
	v37 =	vsel vm10, v55, v37;
	v20 =	vperm.xlane v17, v16;
	_, v17, _ =	vpop (xrf1)  }
0xdd: {  	v47 =	vsel vm10, v56, v47;
	vm12 =	vge.f32 v49, v40;
	(xrf1) =	vsort.dscd.msk.f32 $0xffff, v48, v5;
	[tilespmem:$0x1FF30] =	vst v17;
	v17, v19, _ =	vpop (xrf1)  }
0xde: {  	vm13 =	vge.f32 v62, v42;
	v40 =	vsel vm12, v49, v40;
	vm15 =	vge.f32 v17, v43  }
0xdf: {  	v60 =	vsel vm12, v50, v60;
	(xrf1) =	vsort.dscd.msk.f32 $0xffff, v38, v39;
	v53, v54, _ =	vpop (xrf1);
	v19 =	vsel vm15, v19, v20  }
0xe0: {  	vm14 =	vge.f32 v18, v61;
	(xrf1) =	vsort.dscd.msk.f32 $0xffff, v37, v47;
	v38, v39, _ =	vpop (xrf1);
	v17 =	vsel vm15, v17, v43  }
0xe1: {  	v42 =	vsel vm13, v62, v42;
	v21 =	vsel vm14, v21, v59;
	(xrf1) =	vsort.dscd.msk.f32 $0xffff, v40, v60;
	v37, v47, _ =	vpop (xrf1)  }
0xe2: {  	v62 =	vsel vm13, v63, v51;
	v18 =	vsel vm14, v18, v61;
	v50 =	vld [tilespmem:s13+$0x10];
	(xrf1) =	vsort.dscd.msk.f32 $0xffff, v17, v19;
	v20, v40, _ =	vpop (xrf1)  }
0xe3: {  	v43 =	vld [tilespmem:s13+$0x20];
	v17, v19, _ =	vpop (xrf1);
	(xrf1) =	vsort.dscd.msk.f32 $0xffff, v42, v62  }
0xe4: {  	vm11 =	vge.f32 v45, v44;
	v42, v49, _ =	vpop (xrf1);
	(xrf1) =	vsort.dscd.msk.f32 $0xffff, v18, v21  }
0xe5: {  	v44 =	vsel vm11, v45, v44;
	v63 =	vsel vm11, v57, v58;
	v51 =	vld [tilespmem:s13+$0x40];
	v18, v21, _ =	vpop (xrf1)  }
0xe6: {  	v52 =	vperm.xlane v52, v16;
	v58 =	vperm.xlane v54, v16;
	v62 =	vld [tilespmem:s13+$0x400];
	(xrf1) =	vsort.dscd.msk.f32 $0xffff, v44, v63;
	v60, v61, _ =	vpop (xrf1)  }
0xe7: {  	v57 =	vld [tilespmem:s13+$0x0];
	v63 =	vperm.xlane v53, v16;
	(xrf1) =	vsort.dscd.msk.f32 $0xffff, v50, v4;
	vm4 =	vge.f32 v60, v46  }
0xe8: {  	(xrf1) =	vsort.dscd.msk.f32 $0xffff, v43, v3;
	v46 =	vsel vm4, v60, v46;
	v52 =	vsel vm4, v61, v52  }
0xe9: {  	vm5 =	vge.f32 v17, v63;
	v59, v60, _ =	vpop (xrf1);
	(xrf1) =	vsort.dscd.msk.f32 $0xffff, v46, v52  }
0xea: {  	v19 =	vsel vm5, v19, v58;
	v61, v53, _ =	vpop (xrf1);
	(xrf1) =	vsort.dscd.msk.f32 $0xffff, v51, v2  }
0xeb: {  	v45, v51, _ =	vpop (xrf1);
	(xrf1) =	vsort.dscd.msk.f32 $0xffff, v62, v1  }
0xec: {  	v36 =	vsel vm8, v36, v41;
	v17 =	vsel vm5, v17, v63;
	v41, v44, _ =	vpop (xrf1);
	(xrf1) =	vsort.dscd.msk.f32 $0xffff, v57, v0  }
0xed: {  	v38 =	vperm.xlane v38, v16;
	(xrf1) =	vsort.dscd.msk.f32 $0xffff, v17, v19;
	v19, v62, _ =	vpop (xrf1)  }
0xee: {  	v39 =	vperm.xlane v39, v16;
	v50, v54, _ =	vpop (xrf1)  }
0xef: {  	v37 =	vperm.xlane v37, v16;
	vm6 =	vge.f32 v59, v38;
	v43 =	vperm.xlane v61, v16;
	v48, v63, _ =	vpop (xrf1)  }
0xf0: {  	v39 =	vsel vm6, v60, v39;
	v17 =	vperm.xlane v42, v16;
	v42 =	vperm.xlane v62, v16;
	v61, v60, _ =	vpop (xrf1)  }
0xf1: {  	vm7 =	vge.f32 v45, v37;
	v46 =	vperm.xlane v63, v16;
	v52 =	vperm.xlane v61, v16;
	v63, v62, _ =	vpop (xrf1)  }
0xf2: {  	v37 =	vsel vm7, v45, v37;
	v45 =	vperm.xlane v48, v16;
	v48, v58, _ =	vpop (xrf1)  }
0xf3: {  	v47 =	vperm.xlane v47, v16;
	vm10 =	vge.f32 v48, v52  }
0xf4: {  	v20 =	vperm.xlane v20, v16;
	v40 =	vperm.xlane v40, v16;
	v52 =	vsel vm10, v48, v52  }
0xf5: {  	v18 =	vperm.xlane v18, v16;
	v38 =	vsel vm6, v59, v38;
	v55 =	vperm.xlane v60, v16  }
0xf6: {  	v47 =	vsel vm7, v51, v47;
	v19 =	vperm.xlane v19, v16;
	v51 =	vperm.xlane v63, v16;
	v59, v60, _ =	vpop (xrf1)  }
0xf7: {  	vm9 =	vge.f32 v50, v45;
	v57 =	vperm.xlane v62, v16;
	v55 =	vsel vm10, v58, v55;
	v56, v58, _ =	vpop (xrf1)  }
0xf8: {  	v45 =	vsel vm9, v50, v45;
	vm11 =	vge.f32 v59, v51;
	(xrf1) =	vsort.dscd.msk.f32 $0xffff, v52, v55;
	v50, v52, _ =	vpop (xrf1)  }
0xf9: {  	v21 =	vperm.xlane v21, v16;
	vm8 =	vge.f32 v41, v20;
	v63 =	vsel vm11, v60, v57;
	v48, v60, _ =	vpop (xrf1)  }
0xfa: {  	v20 =	vsel vm8, v41, v20;
	v46 =	vsel vm9, v54, v46;
	vm12 =	vge.f32 v48, v19  }
0xfb: {  	v51 =	vsel vm11, v59, v51;
	(xrf1) =	vsort.dscd.msk.f32 $0xffff, v45, v46;
	v19 =	vsel vm12, v48, v19  }
0xfc: {  	v40 =	vsel vm8, v44, v40;
	(xrf1) =	vsort.dscd.msk.f32 $0xffff, v51, v63;
	v61 =	vsel vm12, v60, v42  }
0xfd: {  	v62 =	vperm.xlane v49, v16;
	v49 =	vperm.xlane v53, v16;
	v48, v63, _ =	vpop (xrf1);
	(xrf1) =	vsort.dscd.msk.f32 $0xffff, v19, v61  }
0xfe: {  	v51 =	vperm.xlane v56, v16;
	vm13 =	vge.f32 v50, v17;
	v19, v41, _ =	vpop (xrf1);
	(xrf1) =	vsort.dscd.msk.f32 $0xffff, v38, v39  }
0xff: {  	v17 =	vsel vm13, v50, v17;
	vm14 =	vge.f32 v48, v18;
	(xrf1) =	vsort.dscd.msk.f32 $0xffff, v37, v47  }
0x100: {  	v52 =	vsel vm13, v52, v62;
	v18 =	vsel vm14, v48, v18;
	(xrf1) =	vsort.dscd.msk.f32 $0xffff, v20, v40  }
0x101: {  	vm15 =	vge.f32 v19, v43;
	v20 =	vsel vm14, v63, v21;
	v21, v53, _ =	vpop (xrf1);
	(xrf1) =	vsort.dscd.msk.f32 $0xffff, v17, v52  }
0x102: {  	v19 =	vsel vm15, v19, v43;
	v17 =	vsel vm15, v41, v49;
	(xrf1) =	vsort.dscd.msk.f32 $0xffff, v18, v20  }
0x103: {  	v54 =	vperm.xlane v58, v16;
	(xrf1) =	vsort.dscd.msk.f32 $0xffff, v19, v17;
	v19 =	vld [tilespmem:$0x1FE80]  }
0x104: {  	vm6 =	vge.f32 v21, v51  }
0x105: {  	v20 =	vsel vm6, v53, v54  }
0x106: {  	v18 =	vsel vm6, v21, v51  }
0x107: {  	vm0 =	vge.f32 v27, v32;
	v21 =	vperm.xlane v28, v16;
	(xrf1) =	vsort.dscd.msk.f32 $0xffff, v18, v20;
	v18 =	vld [tilespmem:$0x1FE70]  }
0x108: {  	v17 =	vsel vm0, v27, v32;
	v27 =	vperm.xlane v19, v16;
	v20, v19, _ =	vpop (xrf1)  }
0x109: {  	vm7 =	vge.f32 v25, v21;
	(xrf1) =	vsort.dscd.msk.f32 $0xffff, v29, v30;
	v28, v29, _ =	vpop (xrf1)  }
0x10a: {  	v24 =	vsel vm7, v24, v27;
	v27 =	vperm.xlane v29, v16  }
0x10b: {  	v21 =	vsel vm7, v25, v21;
	(xrf1) =	vsort.dscd.msk.f32 $0xffff, v31, v33;
	v25 =	vperm.xlane v28, v16  }
0x10c: {  	v18 =	vsel vm0, v18, v35;
	v28, v30, _ =	vpop (xrf1);
	(xrf1) =	vsort.dscd.msk.f32 $0xffff, v34, v36  }
0x10d: {  	v29, v31, _ =	vpop (xrf1);
	(xrf1) =	vsort.dscd.msk.f32 $0xffff, v17, v18  }
0x10e: {  	v17 =	vperm.xlane v28, v16;
	v18 =	vperm.xlane v30, v16;
	vm8 =	vge.f32 v29, v25  }
0x10f: {  	[tilespmem:$0x1FEB0] =	vst v19;
	v19 =	vld [tilespmem:$0x1FE90];
	(xrf1) =	vsort.dscd.msk.f32 $0xffff, v21, v24;
	v21 =	vsel vm8, v29, v25;
	v24 =	vsel vm8, v31, v27;
	v25, v27, _ =	vpop (xrf1)  }
0x110: {  	s29 =	simm.s32 $0x300;
	s13 =	simm.s32 $0x600;
	vm9 =	vge.f32 v25, v17  }
0x111: {  	v26 =	vperm.xlane v26, v16;
	s14 =	sand.u32 $0x300, s29;
	s16 =	sand.u32 $0x7800, s13;
	v18 =	vsel vm9, v27, v18  }
0x112: {  	v23 =	vperm.xlane v23, v16;
	s30 =	sor.u32 s14, s16;
	[tilespmem:$0x1FEA0] =	vst v20  }
0x113: {  	vm10 =	vge.f32 v22, v26;
	v29 =	vld [tilespmem:s30+$0x10]  }
0x114: {  	v23 =	vsel vm10, v19, v23;
	(xrf1) =	vsort.dscd.msk.f32 $0xffff, v21, v24;
	v24 =	vld [tilespmem:s30+$0x20];
	v35, v19, _ =	vpop (xrf1);
	v17 =	vsel vm9, v25, v17  }
0x115: {  	v27 =	vld [tilespmem:s30+$0x40];
	[tilespmem:$0x1FEC0] =	vst v19;
	(xrf1) =	vsort.dscd.msk.f32 $0xffff, v17, v18;
	v19, v18, _ =	vpop (xrf1)  }
0x116: {  	v21 =	vsel vm10, v22, v26;
	v17 =	vld [tilespmem:s30+$0x400];
	[tilespmem:$0x1FED0] =	vst v19  }
0x117: {  	(xrf1) =	vsort.dscd.msk.f32 $0xffff, v21, v23;
	[tilespmem:$0x1FEF0] =	vst v18;
	v41, v19, _ =	vpop (xrf1)  }
0x118: {  	v18 =	vld [tilespmem:s30+$0x30];
	(xrf1) =	vsort.dscd.msk.f32 $0xffff, v29, v4;
	[tilespmem:$0x1FEE0] =	vst v19;
	v48, v19, _ =	vpop (xrf1)  }
0x119: {  	(xrf1) =	vsort.dscd.msk.f32 $0xffff, v24, v3;
	v30 =	vld [tilespmem:s30+$0x50];
	[tilespmem:$0x1FF20] =	vst v19;
	v42, v37, _ =	vpop (xrf1)  }
0x11a: {  	(xrf1) =	vsort.dscd.msk.f32 $0xffff, v27, v2;
	v31 =	vld [tilespmem:s30+$0x60];
	v38, v19, _ =	vpop (xrf1)  }
0x11b: {  	v24 =	vld [tilespmem:s30+$0x410];
	(xrf1) =	vsort.dscd.msk.f32 $0xffff, v17, v1;
	[tilespmem:$0x1FF00] =	vst v19;
	v36, v17, _ =	vpop (xrf1)  }
0x11c: {  	v55 =	vld [tilespmem:s30+$0x70];
	[tilespmem:$0x1FF40] =	vst v17;
	v43, v33, _ =	vpop (xrf1)  }
0x11d: {  	(xrf1) =	vsort.dscd.msk.f32 $0xffff, v18, v6;
	v17 =	vld [tilespmem:s30+$0x430];
	v39, v19, _ =	vpop (xrf1)  }
0x11e: {  	v18 =	vld [tilespmem:s30+$0x450];
	(xrf1) =	vsort.dscd.msk.f32 $0xffff, v30, v8;
	[tilespmem:$0x1FF60] =	vst v19;
	v40, v19, _ =	vpop (xrf1)  }
0x11f: {  	v56 =	vld [tilespmem:s30+$0x420];
	(xrf1) =	vsort.dscd.msk.f32 $0xffff, v31, v9;
	[tilespmem:$0x1FF50] =	vst v19  }
0x120: {  	v32, v19, _ =	vpop (xrf1);
	v57 =	vld [tilespmem:s30+$0x470];
	(xrf1) =	vsort.dscd.msk.f32 $0xffff, v24, v12  }
0x121: {  	[tilespmem:$0x1FF70] =	vst v19;
	v44, v34, _ =	vpop (xrf1);
	(xrf1) =	vsort.dscd.msk.f32 $0xffff, v55, v10  }
0x122: {  	s31 =	simm.s32 $0x380;
	v58 =	vld [tilespmem:s30+$0x440];
	(xrf1) =	vsort.dscd.msk.f32 $0xffff, v17, v14;
	v17, v59, _ =	vpop (xrf1)  }
0x123: {  	s14 =	sand.u32 $0x380, s31;
	(xrf1) =	vsort.dscd.msk.f32 $0xffff, v18, v11;
	v49 =	vperm.xlane v59, v16  }
0x124: {  	s14 =	sor.u32 s14, s16;
	v18 =	vld [tilespmem:s30+$0x460];
	v17 =	vperm.xlane v17, v16;
	(xrf1) =	vsort.dscd.msk.f32 $0xffff, v56, v15  }
0x125: {  	v60 =	vld [tilespmem:s14+$0x470];
	v61, v62, _ =	vpop (xrf1);
	(xrf1) =	vsort.dscd.msk.f32 $0xffff, v57, v13  }
0x126: {  	v63 =	vld [tilespmem:s14+$0x70];
	v46, v45, _ =	vpop (xrf1);
	vm11 =	vge.f32 v61, v17  }
0x127: {  	v54 =	vld [tilespmem:s14+$0x430];
	(xrf1) =	vsort.dscd.msk.f32 $0xffff, v58, v5;
	v17 =	vsel vm11, v61, v17;
	v59 =	vsel vm11, v62, v49;
	v49, v51, _ =	vpop (xrf1)  }
0x128: {  	v52 =	vld [tilespmem:s14+$0x450];
	(xrf1) =	vsort.dscd.msk.f32 $0xffff, v17, v59;
	v22, v55, _ =	vpop (xrf1)  }
0x129: {  	v47 =	vld [tilespmem:s14+$0x460];
	(xrf1) =	vsort.dscd.msk.f32 $0xffff, v18, v7;
	v23, v56, _ =	vpop (xrf1)  }
0x12a: {  	v57 =	vld [tilespmem:s14+$0x30];
	(xrf1) =	vsort.dscd.msk.f32 $0xffff, v60, v13;
	v50, v58, _ =	vpop (xrf1)  }
0x12b: {  	v59 =	vld [tilespmem:s14+$0x50];
	(xrf1) =	vsort.dscd.msk.f32 $0xffff, v63, v10;
	v53, v60, _ =	vpop (xrf1)  }
0x12c: {  	v61 =	vld [tilespmem:s30+$0x0];
	(xrf1) =	vsort.dscd.msk.f32 $0xffff, v54, v14;
	v54, v62, _ =	vpop (xrf1)  }
0x12d: {  	v63 =	vld [tilespmem:s14+$0x60];
	(xrf1) =	vsort.dscd.msk.f32 $0xffff, v52, v11;
	v52, v29, _ =	vpop (xrf1)  }
0x12e: {  	v21 =	vld [tilespmem:s14+$0x410];
	(xrf1) =	vsort.dscd.msk.f32 $0xffff, v47, v7;
	v47, v17, _ =	vpop (xrf1)  }
0x12f: {  	v20 =	vld [tilespmem:s14+$0x420];
	v60 =	vperm.xlane v60, v16;
	v53 =	vperm.xlane v53, v16;
	(xrf1) =	vsort.dscd.msk.f32 $0xffff, v57, v6;
	v57, v18, _ =	vpop (xrf1)  }
0x130: {  	v19 =	vld [tilespmem:s14+$0x440];
	v30 =	vperm.xlane v17, v16;
	(xrf1) =	vsort.dscd.msk.f32 $0xffff, v59, v8;
	v59 =	vperm.xlane v47, v16;
	v47, v17, _ =	vpop (xrf1)  }
0x131: {  	v54 =	vperm.xlane v54, v16;
	(xrf1) =	vsort.dscd.msk.f32 $0xffff, v61, v0;
	v27 =	vperm.xlane v17, v16;
	v61, v17, _ =	vpop (xrf1)  }
0x132: {  	vm12 =	vge.f32 v22, v53;
	v24 =	vperm.xlane v18, v16;
	(xrf1) =	vsort.dscd.msk.f32 $0xffff, v63, v9;
	v63, v26, _ =	vpop (xrf1)  }
0x133: {  	v28 =	vperm.xlane v17, v16;
	(xrf1) =	vsort.dscd.msk.f32 $0xffff, v21, v12;
	v21 =	vperm.xlane v47, v16;
	v47, v17, _ =	vpop (xrf1)  }
0x134: {  	v57 =	vperm.xlane v57, v16;
	(xrf1) =	vsort.dscd.msk.f32 $0xffff, v20, v15;
	v18 =	vperm.xlane v17, v16  }
0x135: {  	v17, v25, _ =	vpop (xrf1);
	(xrf1) =	vsort.dscd.msk.f32 $0xffff, v19, v5;
	v19 =	vsel vm12, v22, v53;
	v22 =	vsel vm12, v55, v60;
	_ =	sdelay $0x1  }
0x136: {  	vm13 =	vge.f32 v23, v54;
	vm14 =	vge.f32 v52, v57;
	v20 =	vperm.xlane v47, v16;
	_, v47, _ =	vpop (xrf1)  }
0x137: {  	v62 =	vperm.xlane v62, v16;
	v23 =	vsel vm13, v23, v54;
	v52 =	vsel vm14, v52, v57;
	v53, v54, _ =	vpop (xrf1)  }
0x138: {  	vm15 =	vge.f32 v63, v21;
	(xrf1) =	vsort.dscd.msk.f32 $0xffff, v19, v22;
	vm6 =	vge.f32 v53, v20;
	v19, v22, _ =	vpop (xrf1)  }
0x139: {  	v60 =	vsel vm13, v56, v62;
	v26 =	vsel vm15, v26, v27;
	v20 =	vsel vm6, v53, v20;
	v56, v57, _ =	vpop (xrf1)  }
0x13a: {  	v61 =	vperm.xlane v61, v16;
	v24 =	vsel vm14, v29, v24;
	(xrf1) =	vsort.dscd.msk.f32 $0xffff, v23, v60;
	v29, v31, _ =	vpop (xrf1)  }
0x13b: {  	vm7 =	vge.f32 v50, v59;
	v18 =	vsel vm6, v54, v18;
	(xrf1) =	vsort.dscd.msk.f32 $0xffff, v52, v24;
	v52, v53, _ =	vpop (xrf1)  }
0x13c: {  	vm5 =	vge.f32 v17, v61;
	v21 =	vsel vm15, v63, v21;
	v24 =	vld [tilespmem:s14+$0x10];
	(xrf1) =	vsort.dscd.msk.f32 $0xffff, v20, v18;
	v20, v27, _ =	vpop (xrf1)  }
0x13d: {  	v17 =	vsel vm5, v17, v61;
	v25 =	vsel vm5, v25, v28;
	(xrf1) =	vsort.dscd.msk.f32 $0xffff, v21, v26;
	v23, v26, _ =	vpop (xrf1)  }
0x13e: {  	v28 =	vsel vm7, v58, v30;
	v18 =	vld [tilespmem:s14+$0x20];
	(xrf1) =	vsort.dscd.msk.f32 $0xffff, v17, v25;
	v17 =	vperm.xlane v49, v16;
	v30, v49, _ =	vpop (xrf1)  }
0x13f: {  	v61 =	vperm.xlane v51, v16;
	v25 =	vsel vm7, v50, v59;
	v63, v62, _ =	vpop (xrf1)  }
0x140: {  	(xrf1) =	vsort.dscd.msk.f32 $0xffff, v25, v28;
	vm8 =	vge.f32 v63, v17  }
0x141: {  	(xrf1) =	vsort.dscd.msk.f32 $0xffff, v24, v4;
	v24 =	vsel vm8, v62, v61;
	_ =	sdelay $0x1  }
0x142: {  	(xrf1) =	vsort.dscd.msk.f32 $0xffff, v18, v3;
	v17 =	vsel vm8, v63, v17;
	v21, v25, _ =	vpop (xrf1)  }
0x143: {  	(xrf1) =	vsort.dscd.msk.f32 $0xffff, v17, v24;
	v17 =	vld [tilespmem:s14+$0x40];
	v24, v28, _ =	vpop (xrf1)  }
0x144: {  	v50 =	vld [tilespmem:s14+$0x400];
	v51, v54, _ =	vpop (xrf1)  }
0x145: {  	v55 =	vld [tilespmem:s14+$0x0];
	v19 =	vperm.xlane v19, v16;
	v58, v59, _ =	vpop (xrf1)  }
0x146: {  	v22 =	vperm.xlane v22, v16;
	v60, v61, _ =	vpop (xrf1)  }
0x147: {  	vm9 =	vge.f32 v20, v19;
	v62, v63, _ =	vpop (xrf1)  }
0x148: {  	v22 =	vsel vm9, v27, v22;
	(xrf1) =	vsort.dscd.msk.f32 $0xffff, v17, v2;
	v17, v18, _ =	vpop (xrf1)  }
0x149: {  	v19 =	vsel vm9, v20, v19;
	(xrf1) =	vsort.dscd.msk.f32 $0xffff, v50, v1;
	v20, v2, _ =	vpop (xrf1)  }
0x14a: {  	(xrf1) =	vsort.dscd.msk.f32 $0xffff, v55, v0;
	v20 =	vperm.xlane v20, v16;
	v27, v55, _ =	vpop (xrf1)  }
0x14b: {  	v17 =	vperm.xlane v17, v16;
	(xrf1) =	vsort.dscd.msk.f32 $0xffff, v19, v22;
	v22, v0, _ =	vpop (xrf1)  }
0x14c: {  	v18 =	vperm.xlane v18, v16;
	v19 =	vperm.xlane v2, v16;
	vm10 =	vge.f32 v22, v20  }
0x14d: {  	v27 =	vperm.xlane v27, v16;
	vm11 =	vge.f32 v62, v17;
	v20 =	vsel vm10, v22, v20  }
0x14e: {  	v18 =	vsel vm11, v63, v18;
	v19 =	vsel vm10, v0, v19;
	v22, v1, _ =	vpop (xrf1)  }
0x14f: {  	v55 =	vperm.xlane v55, v16;
	v17 =	vsel vm11, v62, v17;
	vm12 =	vge.f32 v22, v27  }
0x150: {  	v2, v63, _ =	vpop (xrf1);
	v22 =	vsel vm12, v22, v27;
	v27 =	vperm.xlane v61, v16;
	v61 =	vperm.xlane v56, v16  }
0x151: {  	v60 =	vperm.xlane v60, v16;
	(xrf1) =	vsort.dscd.msk.f32 $0xffff, v20, v19;
	v19, v20, _ =	vpop (xrf1)  }
0x152: {  	v50 =	vsel vm12, v1, v55;
	(xrf1) =	vsort.dscd.msk.f32 $0xffff, v17, v18;
	vm14 =	vge.f32 v21, v61;
	v17, v18, _ =	vpop (xrf1)  }
0x153: {  	(xrf1) =	vsort.dscd.msk.f32 $0xffff, v22, v50;
	v22 =	vperm.xlane v29, v16;
	vm13 =	vge.f32 v17, v60  }
0x154: {  	v17 =	vsel vm13, v17, v60;
	v18 =	vsel vm13, v18, v27;
	v27 =	vperm.xlane v57, v16  }
0x155: {  	vm15 =	vge.f32 v51, v22;
	(xrf1) =	vsort.dscd.msk.f32 $0xffff, v17, v18;
	v17 =	vsel vm14, v21, v61  }
0x156: {  	v18 =	vperm.xlane v31, v16;
	v21 =	vsel vm14, v25, v27;
	v25 =	vperm.xlane v52, v16  }
0x157: {  	(xrf1) =	vsort.dscd.msk.f32 $0xffff, v17, v21;
	v17 =	vsel vm15, v51, v22  }
0x158: {  	v18 =	vsel vm15, v54, v18;
	v22 =	vperm.xlane v23, v16;
	vm4 =	vge.f32 v58, v25  }
0x159: {  	v21 =	vperm.xlane v53, v16;
	(xrf1) =	vsort.dscd.msk.f32 $0xffff, v17, v18;
	v17 =	vsel vm4, v58, v25  }
0x15a: {  	v18 =	vperm.xlane v26, v16;
	vm5 =	vge.f32 v19, v22  }
0x15b: {  	v23 =	vperm.xlane v30, v16;
	v21 =	vsel vm4, v59, v21;
	v19 =	vsel vm5, v19, v22  }
0x15c: {  	v18 =	vsel vm5, v20, v18;
	(xrf1) =	vsort.dscd.msk.f32 $0xffff, v17, v21;
	v22 =	vperm.xlane v49, v16;
	v17, v20, _ =	vpop (xrf1)  }
0x15d: {  	vm6 =	vge.f32 v17, v23  }
0x15e: {  	v62 =	vld [tilespmem:$0x1FEA0];
	v20 =	vsel vm6, v20, v22  }
0x15f: {  	v50 =	vld [tilespmem:$0x1FED0];
	v21 =	vperm.xlane v24, v16;
	v17 =	vsel vm6, v17, v23  }
0x160: {  	v49 =	vld [tilespmem:$0x1FEC0];
	(xrf1) =	vsort.dscd.msk.f32 $0xffff, v19, v18;
	v18, v19, _ =	vpop (xrf1);
	v23 =	vperm.xlane v28, v16  }
0x161: {  	v54 =	vld [tilespmem:$0x1FF10];
	v22 =	vperm.xlane v2, v16;
	vm7 =	vge.f32 v18, v21;
	(xrf1) =	vsort.dscd.msk.f32 $0xffff, v17, v20  }
0x162: {  	v52 =	vld [tilespmem:$0x1FEF0];
	v18 =	vsel vm7, v18, v21;
	v19 =	vsel vm7, v19, v23;
	v23 =	vperm.xlane v63, v16;
	v17, v20, _ =	vpop (xrf1)  }
0x163: {  	v56 =	vld [tilespmem:$0x1FF30];
	(xrf1) =	vsort.dscd.msk.f32 $0xffff, v18, v19;
	vm8 =	vge.f32 v17, v22  }
0x164: {  	v53 =	vld [tilespmem:$0x1FF00];
	v19 =	vperm.xlane v35, v16;
	v17 =	vsel vm8, v17, v22;
	v18 =	vsel vm8, v20, v23  }
0x165: {  	v21 =	vperm.xlane v62, v16;
	(xrf1) =	vsort.dscd.msk.f32 $0xffff, v17, v18;
	v18 =	vperm.xlane v49, v16  }
0x166: {  	v55 =	vld [tilespmem:$0x1FF20];
	v20 =	vperm.xlane v50, v16;
	vm10 =	vge.f32 v42, v19  }
0x167: {  	v60 =	vld [tilespmem:$0x1FF60];
	vm9 =	vge.f32 v41, v21;
	v27 =	vsel vm10, v37, v18;
	v18 =	vperm.xlane v52, v16  }
0x168: {  	v22 =	vsel vm9, v41, v21;
	v41 =	vld [tilespmem:$0x1FEB0];
	vm11 =	vge.f32 v38, v20  }
0x169: {  	v31 =	vperm.xlane v39, v16;
	v29 =	vsel vm11, v53, v18;
	v18 =	vld.idx.msk [tilespmem:v54+s9+$0x0], $0xffff  }
0x16a: {  	v51 =	vld [tilespmem:$0x1FEE0]  }
0x16b: {  	vm14 =	vge.f32 v32, v31;
	v59 =	vld [tilespmem:$0x1FF50];
	v28 =	vsel vm11, v38, v20;
	v20 =	vperm.xlane v43, v16  }
0x16c: {  	v30 =	vld.idx.msk [tilespmem:v56+s9+$0x0], $0xffff;
	v26 =	vperm.xlane v33, v16;
	v5 =	vsel vm14, v32, v31  }
0x16d: {  	s14 =	simm.s32 $0x8180;
	v31 =	vperm.xlane v34, v16;
	v58 =	vld.idx.msk [tilespmem:v47+s9+$0x0], $0xffff;
	v17 =	vperm.xlane v41, v16;
	vm13 =	vge.f32 v40, v20  }
0x16e: {  	v57 =	vld [tilespmem:$0x1FF40];
	v61 =	vperm.xlane v60, v16;
	v25 =	vsel vm13, v40, v20;
	v20 =	vperm.xlane v44, v16;
	[tilespmem:s14+$0xFFFFFF80] =	vst v18  }
0x16f: {  	v24 =	vsel vm10, v42, v19;
	v23 =	vsel vm9, v51, v17;
	v17 =	vperm.xlane v48, v16;
	v62 =	vld [tilespmem:$0x1FF70]  }
0x170: {  	v26 =	vsel vm13, v59, v26;
	vm15 =	vge.f32 v46, v20;
	(xrf1) =	vsort.dscd.msk.f32 $0xffff, v22, v23  }
0x171: {  	vm12 =	vge.f32 v36, v17;
	v20 =	vsel vm15, v46, v20;
	v22 =	vsel vm15, v45, v31  }
0x172: {  	s15 =	simm.s32 $0x8280;
	v19 =	vsel vm12, v36, v17;
	v17 =	vperm.xlane v55, v16;
	v23, v63, _ =	vpop (xrf1);
	(xrf1) =	vsort.dscd.msk.f32 $0xffff, v24, v27  }
0x173: {  	s16 =	simm.s32 $0x8380;
	[tilespmem:s15+$0xFFFFFF80] =	vst v30;
	v31 =	vperm.xlane v23, v16;
	v23, v33, _ =	vpop (xrf1);
	v32 =	vperm.xlane v63, v16;
	(xrf1) =	vsort.dscd.msk.f32 $0xffff, v28, v29  }
0x174: {  	s17 =	simm.s32 $0x6;
	s18 =	simm.s32 $0x480;
	[tilespmem:s16+$0xFFFFFF80] =	vst v58;
	v21 =	vsel vm12, v57, v17;
	v23 =	vperm.xlane v23, v16;
	v27, v24, _ =	vpop (xrf1);
	v18 =	vsel vm14, v62, v61  }
.LBB2_2:
0x175: {  	v15 =	vld [tilespmem:$0x1FFB0]  }
0x176: {  	v4 =	vld [tilespmem:$0x1FFA0]  }
0x177: {  	v7 =	vld [tilespmem:$0x1FF90];
	v29, v30, _ =	vpop (xrf1);
	(xrf1) =	vsort.dscd.msk.f32 $0xffff, v19, v21;
	v19 =	vperm.xlane v27, v16  }
0x178: {  	s19 =	sadd.s32 $0xFFFFFF80, s18;
	s13 =	sadd.s32 $0x200, s13;
	v13 =	vld [tilespmem:$0x1FF80];
	v21 =	vperm.xlane v24, v16;
	(xrf1) =	vsort.dscd.msk.f32 $0xffff, v25, v26;
	v25, v26, _ =	vpop (xrf1)  }
0x179: {  	v28 =	vperm.xlane v33, v16;
	v3 =	vld [tilespmem:$0x1FFF0];
	s22 =	sand.u32 $0x7800, s13;
	s19 =	sand.u32 $0x300, s19;
	vm4 =	vge.f32 v25, v19  }
0x17a: {  	v2 =	vld [tilespmem:$0x1FFD0];
	s20 =	sor.u32 s19, s22;
	vm0 =	vge.f32 v29, v23;
	v21 =	vsel vm4, v26, v21  }
0x17b: {  	v27 =	vld [tilespmem:s20+$0x10];
	v1 =	vsel vm0, v29, v23;
	v0 =	vsel vm0, v30, v28;
	v19 =	vsel vm4, v25, v19  }
0x17c: {  	v34 =	vld [tilespmem:s20+$0x400];
	v23, v24, _ =	vpop (xrf1);
	(xrf1) =	vsort.dscd.msk.f32 $0xffff, v1, v0  }
0x17d: {  	v28 =	vld [tilespmem:s20+$0x20];
	v25 =	vperm.xlane v23, v16;
	v23, v26, _ =	vpop (xrf1)  }
0x17e: {  	v29 =	vld [tilespmem:s20+$0x40];
	(xrf1) =	vsort.dscd.msk.f32 $0xffff, v19, v21;
	v19, v21, _ =	vpop (xrf1)  }
0x17f: {  	v17 =	vld [tilespmem:s20+$0x30];
	(xrf1) =	vsort.dscd.msk.f32 $0xffff, v5, v18;
	vm5 =	vge.f32 v19, v31  }
0x180: {  	v35 =	vld [tilespmem:s20+$0x410];
	v45 =	vperm.xlane v23, v16;
	v23 =	vsel vm5, v19, v31;
	v18, v19, _ =	vpop (xrf1);
	(xrf1) =	vsort.dscd.msk.f32 $0xffff, v20, v22  }
0x181: {  	v30 =	vperm.xlane v24, v16;
	v26 =	vperm.xlane v26, v16;
	v20 =	vld [tilespmem:s20+$0x50];
	(xrf1) =	vsort.dscd.msk.f32 $0xffff, v27, v15  }
0x182: {  	v24 =	vsel vm5, v21, v32;
	v31 =	vld [tilespmem:s20+$0x60];
	v21 =	vperm.xlane v19, v16;
	v19, v22, _ =	vpop (xrf1);
	(xrf1) =	vsort.dscd.msk.f32 $0xffff, v28, v4  }
0x183: {  	v36 =	vld [tilespmem:s20+$0x70];
	v18 =	vperm.xlane v18, v16;
	vm6 =	vge.f32 v19, v25;
	v28, v46, _ =	vpop (xrf1);
	(xrf1) =	vsort.dscd.msk.f32 $0xffff, v29, v7  }
0x184: {  	v48 =	vld [tilespmem:s20+$0x430];
	v27 =	vsel vm6, v19, v25;
	vm1 =	vge.f32 v28, v45;
	v19, v25, _ =	vpop (xrf1);
	(xrf1) =	vsort.dscd.msk.f32 $0xffff, v34, v13  }
0x185: {  	v49 =	vld [tilespmem:s20+$0x450];
	v29 =	vsel vm6, v22, v30;
	v22, v47, _ =	vpop (xrf1);
	vm7 =	vge.f32 v19, v18;
	(xrf1) =	vsort.dscd.msk.f32 $0xffff, v17, v6  }
0x186: {  	v37 =	vld [tilespmem:s20+$0x420];
	v30 =	vsel vm1, v46, v26;
	v17, v26, _ =	vpop (xrf1);
	v19 =	vsel vm7, v19, v18;
	(xrf1) =	vsort.dscd.msk.f32 $0xffff, v20, v8  }
0x187: {  	v1 =	vld [tilespmem:$0x1FFC0];
	v21 =	vsel vm7, v25, v21;
	v22 =	vperm.xlane v22, v16;
	v18, v20, _ =	vpop (xrf1);
	(xrf1) =	vsort.dscd.msk.f32 $0xffff, v31, v9  }
0x188: {  	v39 =	vld [tilespmem:s20+$0x470];
	v17 =	vperm.xlane v17, v16;
	v51 =	vperm.xlane v26, v16;
	v50, v38, _ =	vpop (xrf1);
	(xrf1) =	vsort.dscd.msk.f32 $0xffff, v35, v12  }
0x189: {  	v41 =	vld [tilespmem:s20+$0x440];
	v31 =	vperm.xlane v47, v16;
	vm8 =	vge.f32 v18, v22;
	v25, v40, _ =	vpop (xrf1);
	(xrf1) =	vsort.dscd.msk.f32 $0xffff, v36, v10  }
0x18a: {  	s21 =	sand.u32 $0x380, s18;
	v62 =	vld [tilespmem:$0x1FFE0];
	v52 =	vperm.xlane v25, v16;
	v53, v43, _ =	vpop (xrf1);
	v25 =	vsel vm8, v18, v22;
	(xrf1) =	vsort.dscd.msk.f32 $0xffff, v48, v14  }
0x18b: {  	s31 =	sor.u32 s21, s22;
	v26 =	vsel vm8, v20, v31;
	v20 =	vld [tilespmem:s20+$0x460];
	v22 =	vperm.xlane v53, v16;
	(xrf1) =	vsort.dscd.msk.f32 $0xffff, v49, v11  }
0x18c: {  	v42 =	vld [tilespmem:s31+$0x470];
	vm9 =	vge.f32 v50, v17;
	v54 =	vperm.xlane v43, v16;
	v55, v56, _ =	vpop (xrf1);
	(xrf1) =	vsort.dscd.msk.f32 $0xffff, v37, v1  }
0x18d: {  	v31 =	vld [tilespmem:s31+$0x70];
	v18 =	vsel vm9, v38, v51;
	vm10 =	vge.f32 v55, v22;
	v35, v38, _ =	vpop (xrf1);
	(xrf1) =	vsort.dscd.msk.f32 $0xffff, v39, v3  }
0x18e: {  	v57 =	vld [tilespmem:s31+$0x430];
	v22 =	vsel vm10, v55, v22;
	v32 =	vsel vm10, v56, v54;
	(xrf1) =	vsort.dscd.msk.f32 $0xffff, v41, v2;
	_, v34, _ =	vpop (xrf1)  }
0x18f: {  	v58 =	vld [tilespmem:s31+$0x450];
	v60, v43, _ =	vpop (xrf1);
	(xrf1) =	vsort.dscd.msk.f32 $0xffff, v22, v32  }
0x190: {  	v59 =	vld [tilespmem:s31+$0x460];
	v22 =	vperm.xlane v40, v16;
	v40, v44, _ =	vpop (xrf1);
	(xrf1) =	vsort.dscd.msk.f32 $0xffff, v20, v62  }
0x191: {  	v61 =	vld [tilespmem:s31+$0x30];
	v28 =	vsel vm1, v28, v45;
	v36, v45, _ =	vpop (xrf1);
	(xrf1) =	vsort.dscd.msk.f32 $0xffff, v42, v3  }
0x192: {  	v63 =	vld [tilespmem:s31+$0x50];
	v42, v46, _ =	vpop (xrf1);
	(xrf1) =	vsort.dscd.msk.f32 $0xffff, v31, v10  }
0x193: {  	vm11 =	vge.f32 v35, v52;
	v31 =	vld [tilespmem:s20+$0x0];
	v47, v48, _ =	vpop (xrf1);
	(xrf1) =	vsort.dscd.msk.f32 $0xffff, v57, v14  }
0x194: {  	v5 =	vsel vm9, v50, v17;
	v20 =	vsel vm11, v35, v52;
	v49, v50, _ =	vpop (xrf1);
	(xrf1) =	vsort.dscd.msk.f32 $0xffff, v58, v11  }
0x195: {  	v39 =	vperm.xlane v60, v16;
	v22 =	vsel vm11, v38, v22;
	v38 =	vld [tilespmem:s31+$0x60];
	v51, v52, _ =	vpop (xrf1);
	(xrf1) =	vsort.dscd.msk.f32 $0xffff, v59, v62  }
0x196: {  	v33 =	vld [tilespmem:s31+$0x410];
	v37 =	vperm.xlane v48, v16;
	v32 =	vperm.xlane v47, v16;
	v53, v54, _ =	vpop (xrf1);
	(xrf1) =	vsort.dscd.msk.f32 $0xffff, v61, v6  }
0x197: {  	v17 =	vlaneseq.u32;
	v41 =	vld [tilespmem:s31+$0x420];
	v48 =	vperm.xlane v50, v16;
	v35 =	vperm.xlane v49, v16;
	v55, v56, _ =	vpop (xrf1);
	(xrf1) =	vsort.dscd.msk.f32 $0xffff, v63, v8  }
0x198: {  	v50 =	vld [tilespmem:s31+$0x440];
	vm2 =	vge.f32 v40, v32;
	v47 =	vperm.xlane v54, v16;
	(xrf1) =	vsort.dscd.msk.f32 $0xffff, v31, v17;
	v31, v57, _ =	vpop (xrf1)  }
0x199: {  	v49 =	vperm.xlane v53, v16;
	vm3 =	vge.f32 v36, v35;
	v32 =	vsel vm2, v40, v32;
	v59, v60, _ =	vpop (xrf1)  }
0x19a: {  	v37 =	vsel vm2, v44, v37;
	v56 =	vperm.xlane v56, v16;
	(xrf1) =	vsort.dscd.msk.f32 $0xffff, v38, v9;
	v61, v62, _ =	vpop (xrf1)  }
0x19b: {  	v35 =	vsel vm3, v36, v35;
	v48 =	vsel vm3, v45, v48;
	(xrf1) =	vsort.dscd.msk.f32 $0xffff, v33, v12;
	v63, v0, _ =	vpop (xrf1)  }
0x19c: {  	v57 =	vperm.xlane v57, v16;
	(xrf1) =	vsort.dscd.msk.f32 $0xffff, v41, v1;
	v41 =	vperm.xlane v63, v16;
	v63, v1, _ =	vpop (xrf1)  }
0x19d: {  	v38 =	vperm.xlane v55, v16;
	v31 =	vperm.xlane v31, v16;
	(xrf1) =	vsort.dscd.msk.f32 $0xffff, v50, v2;
	_, v50, _ =	vpop (xrf1)  }
0x19e: {  	vm12 =	vge.f32 v42, v49;
	v55 =	vperm.xlane v60, v16;
	v33 =	vperm.xlane v59, v16;
	v2, v3, _ =	vpop (xrf1)  }
0x19f: {  	v34 =	vld.idx.msk [tilespmem:v34+s9+$0x0], $0xffff;
	vm4 =	vge.f32 v51, v38;
	vm5 =	vge.f32 v61, v31;
	v0 =	vperm.xlane v0, v16;
	v40, v44, _ =	vpop (xrf1)  }
0x1a0: {  	v58 =	vld [tilespmem:s31+$0x40];
	v51 =	vsel vm4, v51, v38;
	v45 =	vsel vm4, v52, v56;
	(xrf1) =	vsort.dscd.msk.f32 $0xffff, v32, v37;
	v32, v37, _ =	vpop (xrf1)  }
0x1a1: {  	v54 =	vld [tilespmem:s31+$0x10];
	v31 =	vsel vm5, v61, v31;
	vm14 =	vge.f32 v2, v41;
	(xrf1) =	vsort.dscd.msk.f32 $0xffff, v35, v48;
	v35, v36, _ =	vpop (xrf1)  }
0x1a2: {  	v53 =	vld [tilespmem:s31+$0x20];
	v52 =	vsel vm14, v2, v41;
	v56 =	vsel vm14, v3, v0;
	(xrf1) =	vsort.dscd.msk.f32 $0xffff, v51, v45;
	v3, v38, _ =	vpop (xrf1)  }
0x1a3: {  	v60 =	vld [tilespmem:s31+$0x400];
	v62 =	vsel vm5, v62, v57;
	vm13 =	vge.f32 v63, v33;
	(xrf1) =	vsort.dscd.msk.f32 $0xffff, v52, v56;
	v0, v2, _ =	vpop (xrf1)  }
0x1a4: {  	v59 =	vld [tilespmem:s31+$0x0];
	[tilespmem:s14+$0x0] =	vst v34;
	v57 =	vsel vm13, v1, v55;
	v56 =	vsel vm13, v63, v33;
	(xrf1) =	vsort.dscd.msk.f32 $0xffff, v31, v62;
	v31, v34, _ =	vpop (xrf1)  }
0x1a5: {  	v42 =	vsel vm12, v42, v49;
	v61 =	vsel vm12, v46, v47;
	(xrf1) =	vsort.dscd.msk.f32 $0xffff, v56, v57;
	v1, v33, _ =	vpop (xrf1)  }
0x1a6: {  	v43 =	vperm.xlane v43, v16;
	v40 =	vperm.xlane v40, v16;
	v46, v47, _ =	vpop (xrf1);
	(xrf1) =	vsort.dscd.msk.f32 $0xffff, v42, v61  }
0x1a7: {  	v32 =	vperm.xlane v32, v16;
	vm15 =	vge.f32 v46, v39;
	(xrf1) =	vsort.dscd.msk.f32 $0xffff, v54, v15  }
0x1a8: {  	v63, v45, _ =	vpop (xrf1);
	v15 =	vsel vm15, v46, v39;
	v52 =	vsel vm15, v47, v43;
	(xrf1) =	vsort.dscd.msk.f32 $0xffff, v53, v4  }
0x1a9: {  	v37 =	vperm.xlane v37, v16;
	v35 =	vperm.xlane v35, v16;
	v54, v47, _ =	vpop (xrf1);
	(xrf1) =	vsort.dscd.msk.f32 $0xffff, v15, v52  }
0x1aa: {  	v36 =	vperm.xlane v36, v16;
	v62 =	vperm.xlane v44, v16  }
0x1ab: {  	v3 =	vperm.xlane v3, v16;
	vm4 =	vge.f32 v0, v40;
	v55, v56, _ =	vpop (xrf1);
	(xrf1) =	vsort.dscd.msk.f32 $0xffff, v58, v7  }
0x1ac: {  	v38 =	vperm.xlane v38, v16;
	v0 =	vsel vm4, v0, v40;
	v58, v57, _ =	vpop (xrf1);
	(xrf1) =	vsort.dscd.msk.f32 $0xffff, v60, v13  }
0x1ad: {  	v41 =	vld.idx.msk [tilespmem:v50+s9+$0x0], $0xffff;
	v2 =	vsel vm4, v2, v62;
	v34 =	vperm.xlane v34, v16;
	(xrf1) =	vsort.dscd.msk.f32 $0xffff, v59, v17  }
0x1ae: {  	vm5 =	vge.f32 v63, v32;
	(xrf1) =	vsort.dscd.msk.f32 $0xffff, v0, v2;
	v0 =	vperm.xlane v31, v16;
	v61, v31, _ =	vpop (xrf1)  }
0x1af: {  	v1 =	vperm.xlane v1, v16;
	v32 =	vsel vm5, v63, v32;
	v40 =	vperm.xlane v54, v16;
	v62, v63, _ =	vpop (xrf1)  }
0x1b0: {  	v37 =	vsel vm5, v45, v37;
	vm6 =	vge.f32 v55, v35;
	vm7 =	vge.f32 v58, v3;
	v51, v50, _ =	vpop (xrf1)  }
0x1b1: {  	s14 =	smov.u32 s15;
	s15 =	smov.u32 s16;
	s16 =	sadd.s32 $0x100, s16;
	v35 =	vsel vm6, v55, v35;
	v36 =	vsel vm6, v56, v36;
	v2 =	vperm.xlane v61, v16;
	v53, v52, _ =	vpop (xrf1)  }
0x1b2: {  	[tilespmem:s16+$0xFFFFFF80] =	vst v41;
	v3 =	vsel vm7, v58, v3;
	v39 =	vperm.xlane v51, v16;
	v41 =	vperm.xlane v53, v16;
	v55, v54, _ =	vpop (xrf1)  }
0x1b3: {  	v38 =	vsel vm7, v57, v38;
	v45 =	vperm.xlane v50, v16;
	v46 =	vperm.xlane v52, v16;
	v56, v50, _ =	vpop (xrf1)  }
0x1b4: {  	v43 =	vperm.xlane v55, v16;
	vm8 =	vge.f32 v62, v39;
	vm9 =	vge.f32 v56, v41;
	v57, v58, _ =	vpop (xrf1)  }
0x1b5: {  	v17 =	vsel vm8, v62, v39;
	v4 =	vsel vm9, v56, v41;
	v7 =	vsel vm9, v50, v46;
	v59, v50, _ =	vpop (xrf1)  }
0x1b6: {  	v13 =	vsel vm8, v63, v45;
	vm10 =	vge.f32 v57, v43;
	(xrf1) =	vsort.dscd.msk.f32 $0xffff, v4, v7;
	v60, v61, _ =	vpop (xrf1)  }
0x1b7: {  	v15 =	vperm.xlane v54, v16;
	v51 =	vsel vm10, v57, v43;
	v63, v62, _ =	vpop (xrf1);
	(xrf1) =	vsort.dscd.msk.f32 $0xffff, v17, v13  }
0x1b8: {  	v33 =	vperm.xlane v33, v16;
	v31 =	vperm.xlane v31, v16  }
0x1b9: {  	v53 =	vperm.xlane v47, v16;
	v4 =	vsel vm10, v58, v15;
	vm11 =	vge.f32 v63, v2  }
0x1ba: {  	(xrf1) =	vsort.dscd.msk.f32 $0xffff, v51, v4;
	v39, v42, _ =	vpop (xrf1);
	v4 =	vsel vm11, v63, v2;
	v7 =	vsel vm11, v62, v31  }
0x1bb: {  	v57 =	vperm.xlane v59, v16;
	vm12 =	vge.f32 v60, v0;
	v52, v51, _ =	vpop (xrf1);
	(xrf1) =	vsort.dscd.msk.f32 $0xffff, v4, v7  }
0x1bc: {  	v0 =	vsel vm12, v60, v0;
	v34 =	vsel vm12, v61, v34;
	v54, v55, _ =	vpop (xrf1);
	(xrf1) =	vsort.dscd.msk.f32 $0xffff, v32, v37  }
0x1bd: {  	v60 =	vperm.xlane v50, v16;
	vm13 =	vge.f32 v39, v1;
	v31, v56, _ =	vpop (xrf1);
	(xrf1) =	vsort.dscd.msk.f32 $0xffff, v35, v36  }
0x1be: {  	v1 =	vsel vm13, v39, v1;
	vm14 =	vge.f32 v52, v40;
	(xrf1) =	vsort.dscd.msk.f32 $0xffff, v3, v38  }
0x1bf: {  	s17 =	sadd.s32 $0x2, s17;
	v58 =	vsel vm14, v52, v40;
	v3 =	vsel vm13, v42, v33;
	(xrf1) =	vsort.dscd.msk.f32 $0xffff, v0, v34  }
0x1c0: {  	p0 =	slt.u32 s17, $0x7E;
	v59 =	vsel vm14, v51, v53;
	vm15 =	vge.f32 v54, v57;
	(xrf1) =	vsort.dscd.msk.f32 $0xffff, v1, v3  }
.Ltmp0:
0x1c1: {  	v61 =	vsel vm15, v54, v57;
	v62 =	vsel vm15, v55, v60;
	(xrf1) =	vsort.dscd.msk.f32 $0xffff, v58, v59;
	(pc) =	sbr.rel @p0 .LBB2_2-.Ltmp0, $4  }
0x1c2: {  	(xrf1) =	vsort.dscd.msk.f32 $0xffff, v61, v62  }
0x1c3: {  	(xrf1) =	vsort.dscd.msk.f32 $0xffff, v23, v24  }
0x1c4: {  	v31 =	vperm.xlane v31, v16;
	v63, v33, _ =	vpop (xrf1);
	(xrf1) =	vsort.dscd.msk.f32 $0xffff, v27, v29  }
0x1c5: {  	s18 =	sadd.s32 $0x100, s18;
	v32 =	vperm.xlane v56, v16;
	v23 =	vperm.xlane v63, v16;
	v27, v24, _ =	vpop (xrf1);
	(xrf1) =	vsort.dscd.msk.f32 $0xffff, v28, v30  }
0x1c6: {  	_ =	sdelay $0x1  }
0x1c7: {  	v0 =	vperm.xlane v33, v16;
	v3 =	vperm.xlane v27, v16;
	v1, v2, _ =	vpop (xrf1)  }
0x1c8: {  	(xrf1) =	vsort.dscd.msk.f32 $0xffff, v19, v21;
	v19 =	vperm.xlane v24, v16;
	vm0 =	vge.f32 v1, v23  }
0x1c9: {  	(xrf1) =	vsort.dscd.msk.f32 $0xffff, v25, v26;
	v58, v21, _ =	vpop (xrf1);
	v1 =	vsel vm0, v1, v23;
	v0 =	vsel vm0, v2, v0  }
0x1ca: {  	vm15 =	vge.f32 v58, v3;
	(xrf1) =	vsort.dscd.msk.f32 $0xffff, v1, v0  }
0x1cb: {  	v59 =	vsel vm15, v58, v3;
	v60 =	vsel vm15, v21, v19  }
0x1cc: {  	v2, v3, _ =	vpop (xrf1);
	(xrf1) =	vsort.dscd.msk.f32 $0xffff, v59, v60  }
0x1cd: {  	v0, v1, _ =	vpop (xrf1)  }
0x1ce: {  	v19, v21, _ =	vpop (xrf1)  }
0x1cf: {  	v23, v24, _ =	vpop (xrf1)  }
0x1d0: {  	v25, v26, _ =	vpop (xrf1)  }
0x1d1: {  	v27, v28, _ =	vpop (xrf1)  }
0x1d2: {  	v29, v30, _ =	vpop (xrf1)  }
0x1d3: {  	v61, v34, _ =	vpop (xrf1)  }
0x1d4: {  	v35, v36, _ =	vpop (xrf1)  }
0x1d5: {  	v37, v38, _ =	vpop (xrf1)  }
0x1d6: {  	v39, v40, _ =	vpop (xrf1)  }
0x1d7: {  	v2 =	vperm.xlane v2, v16;
	v3 =	vperm.xlane v3, v16;
	v41, v42, _ =	vpop (xrf1)  }
0x1d8: {  	v0 =	vperm.xlane v0, v16;
	v1 =	vperm.xlane v1, v16;
	v43, v44, _ =	vpop (xrf1)  }
0x1d9: {  	(xrf1) =	vsort.dscd.msk.f32 $0xffff, v5, v18;
	vm4 =	vge.f32 v19, v31;
	v17 =	vperm.xlane v43, v16  }
0x1da: {  	v18 =	vsel vm4, v19, v31;
	v19 =	vsel vm4, v21, v32;
	v21 =	vperm.xlane v44, v16;
	v31, v62, _ =	vpop (xrf1)  }
0x1db: {  	(xrf1) =	vsort.dscd.msk.f32 $0xffff, v20, v22;
	v20 =	vperm.xlane v23, v16;
	vm5 =	vge.f32 v31, v17  }
0x1dc: {  	vm1 =	vge.f32 v25, v2;
	v17 =	vsel vm5, v31, v17;
	v21 =	vsel vm5, v62, v21  }
0x1dd: {  	v22 =	vperm.xlane v24, v16;
	v2 =	vsel vm1, v25, v2;
	(xrf1) =	vsort.dscd.msk.f32 $0xffff, v17, v21  }
0x1de: {  	vm6 =	vge.f32 v27, v0;
	v3 =	vsel vm1, v26, v3;
	(xrf1) =	vsort.dscd.msk.f32 $0xffff, v18, v19  }
0x1df: {  	v0 =	vsel vm6, v27, v0;
	v1 =	vsel vm6, v28, v1;
	(xrf1) =	vsort.dscd.msk.f32 $0xffff, v2, v3  }
0x1e0: {  	vm7 =	vge.f32 v29, v20;
	(xrf1) =	vsort.dscd.msk.f32 $0xffff, v0, v1  }
0x1e1: {  	v63 =	vsel vm7, v29, v20;
	v32 =	vsel vm7, v30, v22  }
0x1e2: {  	(xrf1) =	vsort.dscd.msk.f32 $0xffff, v63, v32;
	_ =	sdelay $0x3  }
0x1e3: {  	v43 =	vperm.xlane v61, v16  }
0x1e4: {  	v45 =	vperm.xlane v34, v16;
	v44 =	vperm.xlane v35, v16  }
0x1e5: {  	v46 =	vperm.xlane v36, v16;
	vm8 =	vge.f32 v37, v43  }
0x1e6: {  	vm9 =	vge.f32 v39, v44;
	v19 =	vperm.xlane v41, v16;
	v17, v18, _ =	vpop (xrf1);
	v2 =	vsel vm8, v38, v45  }
0x1e7: {  	v22 =	vperm.xlane v42, v16;
	v3 =	vsel vm9, v40, v46;
	_, v20, _ =	vpop (xrf1);
	v0 =	vsel vm8, v37, v43  }
0x1e8: {  	v1 =	vsel vm9, v39, v44;
	vm10 =	vge.f32 v17, v19;
	_, v21, _ =	vpop (xrf1)  }
0x1e9: {  	v18 =	vsel vm10, v18, v22;
	v23, v24, _ =	vpop (xrf1)  }
0x1ea: {  	v17 =	vsel vm10, v17, v19;
	(xrf1) =	vsort.dscd.msk.f32 $0xffff, v0, v2;
	v0, v2, _ =	vpop (xrf1);
	v19 =	vperm.xlane v23, v16  }
0x1eb: {  	(xrf1) =	vsort.dscd.msk.f32 $0xffff, v1, v3;
	v22 =	vperm.xlane v24, v16;
	v1, v3, _ =	vpop (xrf1)  }
0x1ec: {  	(xrf1) =	vsort.dscd.msk.f32 $0xffff, v17, v18;
	v0 =	vperm.xlane v0, v16;
	vm11 =	vge.f32 v1, v19  }
0x1ed: {  	v2 =	vperm.xlane v2, v16;
	v17, v18, _ =	vpop (xrf1);
	v1 =	vsel vm11, v1, v19;
	v3 =	vsel vm11, v3, v22  }
0x1ee: {  	vm12 =	vge.f32 v17, v0;
	(xrf1) =	vsort.dscd.msk.f32 $0xffff, v1, v3  }
0x1ef: {  	v0 =	vsel vm12, v17, v0;
	v47 =	vsel vm12, v18, v2  }
0x1f0: {  	(xrf1) =	vsort.dscd.msk.f32 $0xffff, v0, v47;
	_ =	sdelay $0x8  }
0x1f1: {  	v0, v1, _ =	vpop (xrf1)  }
0x1f2: {  	v49, v48, _ =	vpop (xrf1)  }
0x1f3: {  	_, v17, _ =	vpop (xrf1)  }
0x1f4: {  	v0 =	vperm.xlane v0, v16;
	v18, v19, _ =	vpop (xrf1)  }
0x1f5: {  	v1 =	vperm.xlane v1, v16;
	v18 =	vperm.xlane v18, v16  }
0x1f6: {  	vm13 =	vge.f32 v49, v0;
	v22, v23, _ =	vpop (xrf1);
	v19 =	vperm.xlane v19, v16  }
0x1f7: {  	v0 =	vsel vm13, v49, v0;
	v1 =	vsel vm13, v48, v1;
	vm14 =	vge.f32 v22, v18  }
0x1f8: {  	(xrf1) =	vsort.dscd.msk.f32 $0xffff, v0, v1;
	v50 =	vsel vm14, v22, v18;
	v51 =	vsel vm14, v23, v19  }
0x1f9: {  	(xrf1) =	vsort.dscd.msk.f32 $0xffff, v50, v51;
	_ =	sdelay $0xc  }
0x1fa: {  	_, v52, _ =	vpop (xrf1)  }
0x1fb: {  	v53 =	vld.idx.msk [tilespmem:v20+s9+$0x0], $0xffff;
	_, v54, _ =	vpop (xrf1)  }
0x1fc: {  	v55 =	vld.idx.msk [tilespmem:v21+s9+$0x0], $0xffff  }
0x1fd: {  	v17 =	vld.idx.msk [tilespmem:v17+s9+$0x0], $0xffff  }
0x1fe: {  	v0 =	vld.idx.msk [tilespmem:v52+s9+$0x0], $0xffff  }
0x1ff: {  	v2 =	vld.idx.msk [tilespmem:v54+s9+$0x0], $0xffff  }
0x200: {  	s13 =	sadd.s32 $0x100, s16;
	[tilespmem:s14+$0x0] =	vst v53  }
0x201: {  	[tilespmem:s13+$0xFFFFFF80] =	vst v55  }
0x202: {  	[tilespmem:s15+$0x0] =	vst v17  }
0x203: {  	[tilespmem:s16+$0x0] =	vst v0  }
0x204: {  	s16 =	simm.s32 $0x0;
	[tilespmem:s13+$0x0] =	vst v2  }
0x205: {  	[hbm4b:s5+s16] =	stream.linear.scatter [tilespmem:s11], [sflag:$0x1], $0x4000, $0x38;
	[tilespmem:$0xC100] =	vst v63  }
0x206: {  	_ =	swait.ge [sflag:s10], $0x4000  }
0x207: {  	[sflag:s10] =	ssyncset.done $0x0  }
0x208: {  	[sflag:s10] =	ssyncadd.s32 $0xFFFFC000  }
0x209: {  	[tilespmem:s16], [sflag:$0x1] =	stream.linear.gather [hbm4b:s6+s16], $0x8000, $0x38;
	[tilespmem:$0xC100] =	vst v63  }
0x20a: {  	_ =	swait.ge [sflag:s10], $0x8000  }
0x20b: {  	v45 =	vld [tilespmem:$0x1FFB0]  }
0x20c: {  	v61 =	vld [tilespmem:$0x1FFA0]  }
0x20d: {  	v60 =	vld [tilespmem:$0x1FF90]  }
0x20e: {  	v13 =	vld [tilespmem:$0x1FF80]  }
0x20f: {  	s17 =	simm.s32 $0x0;
	v63 =	vld [tilespmem:$0x1FFC0]  }
0x210: {  	s14 =	sand.u32 $0x300, s17;
	s13 =	sand.u32 $0x7800, s16;
	[sflag:s10] =	ssyncset.done $0x0;
	v15 =	vld [tilespmem:$0x1FFF0]  }
0x211: {  	s14 =	sor.u32 s14, s13;
	v5 =	vld [tilespmem:$0x1FFD0];
	[sflag:s10] =	ssyncadd.s32 $0xFFFF8000  }
0x212: {  	v56 =	vld [tilespmem:s14+$0x10]  }
0x213: {  	v57 =	vld [tilespmem:s14+$0x20]  }
0x214: {  	v58 =	vld [tilespmem:s14+$0x40]  }
0x215: {  	v59 =	vld [tilespmem:s14+$0x400]  }
0x216: {  	v17 =	vld [tilespmem:s14+$0x30]  }
0x217: {  	v18 =	vld [tilespmem:s14+$0x50];
	(xrf1) =	vsort.dscd.msk.f32 $0xffff, v56, v45  }
0x218: {  	v32 =	vld [tilespmem:s14+$0x60];
	(xrf1) =	vsort.dscd.msk.f32 $0xffff, v57, v61  }
0x219: {  	v33 =	vld [tilespmem:s14+$0x410];
	(xrf1) =	vsort.dscd.msk.f32 $0xffff, v58, v60  }
0x21a: {  	v62 =	vld [tilespmem:$0x1FFE0];
	(xrf1) =	vsort.dscd.msk.f32 $0xffff, v59, v13  }
0x21b: {  	v34 =	vld [tilespmem:s14+$0x70];
	(xrf1) =	vsort.dscd.msk.f32 $0xffff, v17, v6  }
0x21c: {  	v35 =	vld [tilespmem:s14+$0x430];
	(xrf1) =	vsort.dscd.msk.f32 $0xffff, v18, v8  }
0x21d: {  	v17 =	vld [tilespmem:s14+$0x450];
	(xrf1) =	vsort.dscd.msk.f32 $0xffff, v32, v9  }
0x21e: {  	v18 =	vld [tilespmem:s14+$0x420];
	(xrf1) =	vsort.dscd.msk.f32 $0xffff, v33, v12  }
0x21f: {  	s18 =	simm.s32 $0x80;
	v36 =	vld [tilespmem:s14+$0x470]  }
0x220: {  	s15 =	sand.u32 $0x380, s18;
	v37 =	vld [tilespmem:s14+$0x440];
	(xrf1) =	vsort.dscd.msk.f32 $0xffff, v34, v10  }
0x221: {  	s13 =	sor.u32 s15, s13;
	v38 =	vld [tilespmem:s14+$0x460];
	(xrf1) =	vsort.dscd.msk.f32 $0xffff, v35, v14  }
0x222: {  	v39 =	vld [tilespmem:s13+$0x470];
	(xrf1) =	vsort.dscd.msk.f32 $0xffff, v17, v11  }
0x223: {  	v17 =	vld [tilespmem:s13+$0x70];
	(xrf1) =	vsort.dscd.msk.f32 $0xffff, v18, v63  }
0x224: {  	v40 =	vld [tilespmem:s13+$0x430];
	(xrf1) =	vsort.dscd.msk.f32 $0xffff, v36, v15  }
0x225: {  	v41 =	vld [tilespmem:s13+$0x450];
	(xrf1) =	vsort.dscd.msk.f32 $0xffff, v37, v5;
	v18, v19, _ =	vpop (xrf1)  }
0x226: {  	v42 =	vld [tilespmem:s13+$0x460];
	(xrf1) =	vsort.dscd.msk.f32 $0xffff, v38, v62;
	v20, v21, _ =	vpop (xrf1)  }
0x227: {  	v22 =	vld [tilespmem:s13+$0x30];
	(xrf1) =	vsort.dscd.msk.f32 $0xffff, v39, v15;
	v23, v24, _ =	vpop (xrf1)  }
0x228: {  	v43 =	vld [tilespmem:s13+$0x50];
	(xrf1) =	vsort.dscd.msk.f32 $0xffff, v17, v10;
	v25, v26, _ =	vpop (xrf1)  }
0x229: {  	v17 =	vld [tilespmem:s14+$0x0];
	(xrf1) =	vsort.dscd.msk.f32 $0xffff, v40, v14;
	v27, v28, _ =	vpop (xrf1)  }
0x22a: {  	(xrf1) =	vsort.dscd.msk.f32 $0xffff, v41, v11;
	v29, v30, _ =	vpop (xrf1)  }
0x22b: {  	v44 =	vld [tilespmem:s13+$0x60];
	(xrf1) =	vsort.dscd.msk.f32 $0xffff, v42, v62;
	v28 =	vperm.xlane v28, v16;
	v27 =	vperm.xlane v27, v16;
	v31, v32, _ =	vpop (xrf1)  }
0x22c: {  	v30 =	vperm.xlane v30, v16;
	(xrf1) =	vsort.dscd.msk.f32 $0xffff, v22, v6;
	v3 =	vperm.xlane v29, v16;
	v52, v53, _ =	vpop (xrf1)  }
0x22d: {  	v46 =	vld [tilespmem:s13+$0x410];
	v56 =	vlaneseq.u32;
	(xrf1) =	vsort.dscd.msk.f32 $0xffff, v43, v8;
	vm15 =	vge.f32 v20, v27;
	v34 =	vperm.xlane v53, v16  }
0x22e: {  	v47 =	vld [tilespmem:s13+$0x420];
	v54, v55, _ =	vpop (xrf1);
	v29 =	vperm.xlane v52, v16;
	(xrf1) =	vsort.dscd.msk.f32 $0xffff, v17, v56;
	vm4 =	vge.f32 v23, v3  }
0x22f: {  	v22 =	vld [tilespmem:s13+$0x440];
	v20 =	vsel vm15, v20, v27;
	v21 =	vsel vm15, v21, v28;
	v17, v33, _ =	vpop (xrf1);
	v36 =	vperm.xlane v55, v16  }
0x230: {  	(xrf1) =	vsort.dscd.msk.f32 $0xffff, v44, v9;
	v59 =	vperm.xlane v54, v16;
	v3 =	vsel vm4, v23, v3;
	v57, v58, _ =	vpop (xrf1)  }
0x231: {  	v23 =	vsel vm4, v24, v30;
	v33 =	vperm.xlane v33, v16;
	v49 =	vperm.xlane v17, v16;
	v48, v39, _ =	vpop (xrf1)  }
0x232: {  	(xrf1) =	vsort.dscd.msk.f32 $0xffff, v46, v12;
	v35 =	vperm.xlane v58, v16;
	v17 =	vperm.xlane v57, v16;
	v51, v50, _ =	vpop (xrf1)  }
0x233: {  	(xrf1) =	vsort.dscd.msk.f32 $0xffff, v47, v63;
	vm2 =	vge.f32 v31, v59;
	v52 =	vperm.xlane v51, v16;
	v55, v54, _ =	vpop (xrf1)  }
0x234: {  	(xrf1) =	vsort.dscd.msk.f32 $0xffff, v22, v5;
	v0 =	vsel vm2, v31, v59;
	v53 =	vperm.xlane v50, v16;
	v22, v56, _ =	vpop (xrf1)  }
0x235: {  	v30 =	vsel vm2, v32, v36;
	vm7 =	vge.f32 v48, v49;
	vm5 =	vge.f32 v22, v52;
	v28, v58, _ =	vpop (xrf1)  }
0x236: {  	(xrf1) =	vsort.dscd.msk.f32 $0xffff, v20, v21;
	v21, v24, _ =	vpop (xrf1);
	v2 =	vsel vm5, v22, v52;
	v22 =	vsel vm5, v56, v53  }
0x237: {  	v1 =	vsel vm7, v48, v49;
	vm8 =	vge.f32 v55, v17;
	(xrf1) =	vsort.dscd.msk.f32 $0xffff, v3, v23;
	v23, v31, _ =	vpop (xrf1)  }
0x238: {  	v17 =	vsel vm8, v55, v17;
	(xrf1) =	vsort.dscd.msk.f32 $0xffff, v0, v30;
	v30, v32, _ =	vpop (xrf1)  }
0x239: {  	v47 =	vsel vm7, v39, v33;
	(xrf1) =	vsort.dscd.msk.f32 $0xffff, v2, v22;
	v22, v48, _ =	vpop (xrf1)  }
0x23a: {  	vm6 =	vge.f32 v25, v29;
	v35 =	vsel vm8, v54, v35;
	(xrf1) =	vsort.dscd.msk.f32 $0xffff, v1, v47;
	v1, v2, _ =	vpop (xrf1)  }
0x23b: {  	v18 =	vperm.xlane v18, v16;
	v57 =	vld [tilespmem:s13+$0x10];
	v25 =	vsel vm6, v25, v29;
	(xrf1) =	vsort.dscd.msk.f32 $0xffff, v17, v35;
	v17, v29, _ =	vpop (xrf1)  }
0x23c: {  	v19 =	vperm.xlane v19, v16;
	v27 =	vld [tilespmem:s13+$0x20];
	v49, v50, _ =	vpop (xrf1)  }
0x23d: {  	vm9 =	vge.f32 v49, v18  }
0x23e: {  	v26 =	vsel vm6, v26, v34;
	v19 =	vsel vm9, v50, v19  }
0x23f: {  	(xrf1) =	vsort.dscd.msk.f32 $0xffff, v25, v26;
	v18 =	vsel vm9, v49, v18  }
0x240: {  	(xrf1) =	vsort.dscd.msk.f32 $0xffff, v57, v45  }
0x241: {  	(xrf1) =	vsort.dscd.msk.f32 $0xffff, v27, v61  }
0x242: {  	v20 =	vld [tilespmem:s13+$0x40];
	(xrf1) =	vsort.dscd.msk.f32 $0xffff, v18, v19;
	v18, v19, _ =	vpop (xrf1)  }
0x243: {  	v25, v26, _ =	vpop (xrf1)  }
0x244: {  	v27 =	vperm.xlane v28, v16;
	v28, v34, _ =	vpop (xrf1)  }
0x245: {  	v59 =	vld [tilespmem:s13+$0x400];
	v35, v36, _ =	vpop (xrf1)  }
0x246: {  	v46 =	vld [tilespmem:s13+$0x0];
	v51 =	vperm.xlane v58, v16;
	v52, v53, _ =	vpop (xrf1)  }
0x247: {  	(xrf1) =	vsort.dscd.msk.f32 $0xffff, v20, v60;
	v20, v40, _ =	vpop (xrf1)  }
0x248: {  	vm10 =	vge.f32 v22, v27;
	v54, v55, _ =	vpop (xrf1)  }
0x249: {  	v22 =	vsel vm10, v22, v27;
	v57, v56, _ =	vpop (xrf1)  }
0x24a: {  	v7 =	vlaneseq.u32;
	v27 =	vsel vm10, v48, v51;
	(xrf1) =	vsort.dscd.msk.f32 $0xffff, v59, v13;
	v59 =	vperm.xlane v57, v16;
	v49, v48, _ =	vpop (xrf1)  }
0x24b: {  	(xrf1) =	vsort.dscd.msk.f32 $0xffff, v46, v7;
	v50, v51, _ =	vpop (xrf1)  }
0x24c: {  	(xrf1) =	vsort.dscd.msk.f32 $0xffff, v22, v27;
	v27 =	vperm.xlane v56, v16;
	vm12 =	vge.f32 v50, v59  }
0x24d: {  	v21 =	vperm.xlane v21, v16;
	v58 =	vperm.xlane v54, v16;
	v37 =	vsel vm12, v50, v59  }
0x24e: {  	v23 =	vperm.xlane v23, v16;
	v30 =	vperm.xlane v30, v16;
	v27 =	vsel vm12, v51, v27  }
0x24f: {  	v33 =	vperm.xlane v53, v16;
	v3 =	vperm.xlane v52, v16;
	v52, v53, _ =	vpop (xrf1)  }
0x250: {  	v38 =	vperm.xlane v55, v16;
	v22 =	vperm.xlane v49, v16;
	v54, v55, _ =	vpop (xrf1)  }
0x251: {  	vm11 =	vge.f32 v20, v58;
	v42 =	vperm.xlane v48, v16;
	(xrf1) =	vsort.dscd.msk.f32 $0xffff, v37, v27;
	v27, v37, _ =	vpop (xrf1)  }
0x252: {  	v0 =	vsel vm11, v20, v58;
	v20 =	vsel vm11, v40, v38;
	vm13 =	vge.f32 v52, v22;
	v57, v58, _ =	vpop (xrf1)  }
0x253: {  	v22 =	vsel vm13, v52, v22;
	v56 =	vsel vm13, v53, v42;
	(xrf1) =	vsort.dscd.msk.f32 $0xffff, v0, v20  }
0x254: {  	v1 =	vperm.xlane v1, v16;
	vm14 =	vge.f32 v57, v3;
	(xrf1) =	vsort.dscd.msk.f32 $0xffff, v22, v56  }
0x255: {  	vm15 =	vge.f32 v18, v21;
	v3 =	vsel vm14, v57, v3;
	v22 =	vsel vm14, v58, v33  }
0x256: {  	v59 =	vperm.xlane v24, v16;
	v24 =	vperm.xlane v32, v16;
	(xrf1) =	vsort.dscd.msk.f32 $0xffff, v3, v22  }
0x257: {  	v2 =	vperm.xlane v2, v16;
	v43 =	vperm.xlane v17, v16;
	v17 =	vsel vm15, v18, v21  }
0x258: {  	v18 =	vperm.xlane v25, v16;
	v25 =	vperm.xlane v29, v16;
	vm5 =	vge.f32 v35, v30  }
0x259: {  	v26 =	vperm.xlane v26, v16;
	vm4 =	vge.f32 v28, v23;
	v21 =	vsel vm5, v35, v30  }
0x25a: {  	v20 =	vperm.xlane v31, v16;
	v0 =	vsel vm15, v19, v59;
	v19 =	vsel vm4, v28, v23  }
0x25b: {  	v44 =	vperm.xlane v54, v16;
	vm6 =	vge.f32 v27, v1;
	v22 =	vsel vm5, v36, v24;
	v23, v24, _ =	vpop (xrf1)  }
0x25c: {  	v1 =	vsel vm6, v27, v1;
	v2 =	vsel vm6, v37, v2;
	v20 =	vsel vm4, v34, v20;
	v28, v29, _ =	vpop (xrf1)  }
0x25d: {  	vm7 =	vge.f32 v23, v43;
	(xrf1) =	vsort.dscd.msk.f32 $0xffff, v17, v0;
	vm8 =	vge.f32 v28, v18  }
0x25e: {  	(xrf1) =	vsort.dscd.msk.f32 $0xffff, v19, v20;
	v17, v19, _ =	vpop (xrf1);
	v3 =	vsel vm7, v23, v43;
	v20 =	vsel vm7, v24, v25  }
0x25f: {  	(xrf1) =	vsort.dscd.msk.f32 $0xffff, v21, v22;
	v23, v30, _ =	vpop (xrf1);
	v18 =	vsel vm8, v28, v18;
	v21 =	vsel vm8, v29, v26  }
0x260: {  	v22 =	vperm.xlane v55, v16;
	vm9 =	vge.f32 v17, v44;
	(xrf1) =	vsort.dscd.msk.f32 $0xffff, v1, v2;
	v1, v2, _ =	vpop (xrf1)  }
0x261: {  	v0 =	vsel vm9, v17, v44;
	(xrf1) =	vsort.dscd.msk.f32 $0xffff, v3, v20;
	v1 =	vperm.xlane v1, v16;
	v46, v17, _ =	vpop (xrf1)  }
0x262: {  	s19 =	simm.s32 $0x100;
	s20 =	simm.s32 $0x200;
	v19 =	vsel vm9, v19, v22;
	(xrf1) =	vsort.dscd.msk.f32 $0xffff, v18, v21;
	v2 =	vperm.xlane v2, v16;
	v18, v20, _ =	vpop (xrf1)  }
0x263: {  	s21 =	sand.u32 $0x7800, s20;
	s13 =	sand.u32 $0x300, s19;
	(xrf1) =	vsort.dscd.msk.f32 $0xffff, v0, v19;
	v47 =	vperm.xlane v46, v16;
	vm10 =	vge.f32 v18, v1  }
0x264: {  	s14 =	sor.u32 s13, s21;
	v48 =	vperm.xlane v17, v16;
	v1 =	vsel vm10, v18, v1;
	v2 =	vsel vm10, v20, v2;
	v17, v18, _ =	vpop (xrf1)  }
0x265: {  	v19 =	vld [tilespmem:s14+$0x10];
	vm11 =	vge.f32 v17, v47;
	(xrf1) =	vsort.dscd.msk.f32 $0xffff, v1, v2  }
0x266: {  	v49 =	vld [tilespmem:s14+$0x20];
	v0 =	vsel vm11, v17, v47;
	v50 =	vsel vm11, v18, v48  }
0x267: {  	v51 =	vld [tilespmem:s14+$0x40];
	(xrf1) =	vsort.dscd.msk.f32 $0xffff, v0, v50  }
0x268: {  	v52 =	vld [tilespmem:s14+$0x400]  }
0x269: {  	v53 =	vld [tilespmem:s14+$0x30]  }
0x26a: {  	v17 =	vld [tilespmem:s14+$0x50];
	(xrf1) =	vsort.dscd.msk.f32 $0xffff, v19, v45  }
0x26b: {  	v18 =	vld [tilespmem:s14+$0x60];
	(xrf1) =	vsort.dscd.msk.f32 $0xffff, v49, v61  }
0x26c: {  	v20 =	vld [tilespmem:s14+$0x410];
	v54, v24, _ =	vpop (xrf1);
	(xrf1) =	vsort.dscd.msk.f32 $0xffff, v51, v60  }
0x26d: {  	v26 =	vld [tilespmem:s14+$0x70];
	v55, v25, _ =	vpop (xrf1);
	(xrf1) =	vsort.dscd.msk.f32 $0xffff, v52, v13  }
0x26e: {  	v41 =	vld [tilespmem:s14+$0x430];
	v56, v31, _ =	vpop (xrf1);
	(xrf1) =	vsort.dscd.msk.f32 $0xffff, v53, v6  }
0x26f: {  	v42 =	vld [tilespmem:s14+$0x450];
	v29, v28, _ =	vpop (xrf1);
	(xrf1) =	vsort.dscd.msk.f32 $0xffff, v17, v8  }
0x270: {  	v27, v21, _ =	vpop (xrf1);
	v17 =	vld [tilespmem:s14+$0x420];
	(xrf1) =	vsort.dscd.msk.f32 $0xffff, v18, v9  }
0x271: {  	v43 =	vld [tilespmem:s14+$0x470];
	v22, v19, _ =	vpop (xrf1);
	(xrf1) =	vsort.dscd.msk.f32 $0xffff, v20, v12  }
0x272: {  	v44 =	vld [tilespmem:s14+$0x440];
	v20, v18, _ =	vpop (xrf1);
	(xrf1) =	vsort.dscd.msk.f32 $0xffff, v26, v10  }
0x273: {  	s22 =	simm.s32 $0x180;
	v4 =	vmov v45;
	(xrf1) =	vsort.dscd.msk.f32 $0xffff, v41, v14;
	v26, v45, _ =	vpop (xrf1)  }
0x274: {  	s13 =	sand.u32 $0x380, s22;
	v46 =	vld [tilespmem:s14+$0x460];
	(xrf1) =	vsort.dscd.msk.f32 $0xffff, v42, v11;
	v47 =	vperm.xlane v26, v16  }
0x275: {  	s13 =	sor.u32 s13, s21;
	(xrf1) =	vsort.dscd.msk.f32 $0xffff, v17, v63;
	v17 =	vperm.xlane v45, v16;
	v26, v48, _ =	vpop (xrf1)  }
0x276: {  	v49 =	vld [tilespmem:s13+$0x470];
	(xrf1) =	vsort.dscd.msk.f32 $0xffff, v43, v15;
	vm12 =	vge.f32 v26, v47  }
0x277: {  	v50 =	vld [tilespmem:s13+$0x70];
	(xrf1) =	vsort.dscd.msk.f32 $0xffff, v44, v5;
	v2 =	vsel vm12, v26, v47;
	v17 =	vsel vm12, v48, v17  }
0x278: {  	v32, v34, _ =	vpop (xrf1);
	v26 =	vld [tilespmem:s13+$0x430];
	(xrf1) =	vsort.dscd.msk.f32 $0xffff, v2, v17  }
0x279: {  	v51 =	vld [tilespmem:s13+$0x450];
	v37, v38, _ =	vpop (xrf1);
	(xrf1) =	vsort.dscd.msk.f32 $0xffff, v46, v62  }
0x27a: {  	v17 =	vld [tilespmem:s13+$0x460];
	v35, v39, _ =	vpop (xrf1)  }
0x27b: {  	v52 =	vperm.xlane v23, v16;
	v53 =	vld [tilespmem:s13+$0x30];
	v36, v42, _ =	vpop (xrf1);
	(xrf1) =	vsort.dscd.msk.f32 $0xffff, v49, v15  }
0x27c: {  	v1 =	vperm.xlane v54, v16;
	v54 =	vld [tilespmem:s13+$0x50];
	v23 =	vperm.xlane v24, v16;
	v58, v57, _ =	vpop (xrf1);
	(xrf1) =	vsort.dscd.msk.f32 $0xffff, v50, v10  }
0x27d: {  	v59 =	vld [tilespmem:s14+$0x0];
	v24 =	vperm.xlane v55, v16;
	vm13 =	vge.f32 v56, v52;
	v55, v46, _ =	vpop (xrf1);
	(xrf1) =	vsort.dscd.msk.f32 $0xffff, v26, v14  }
0x27e: {  	v26 =	vsel vm13, v56, v52;
	v56 =	vld [tilespmem:s13+$0x60];
	v2, v40, _ =	vpop (xrf1);
	(xrf1) =	vsort.dscd.msk.f32 $0xffff, v51, v11  }
0x27f: {  	v30 =	vperm.xlane v30, v16;
	v47 =	vld [tilespmem:s13+$0x410];
	(xrf1) =	vsort.dscd.msk.f32 $0xffff, v17, v62;
	v17, v48, _ =	vpop (xrf1)  }
0x280: {  	v44 =	vperm.xlane v57, v16;
	v33 =	vperm.xlane v58, v16;
	(xrf1) =	vsort.dscd.msk.f32 $0xffff, v53, v6;
	v57, v50, _ =	vpop (xrf1)  }
0x281: {  	v49 =	vld [tilespmem:s13+$0x420];
	v46 =	vperm.xlane v46, v16;
	v45 =	vperm.xlane v17, v16;
	(xrf1) =	vsort.dscd.msk.f32 $0xffff, v54, v8;
	v17, v52, _ =	vpop (xrf1)  }
0x282: {  	v43 =	vperm.xlane v55, v16;
	v51 =	vld [tilespmem:s13+$0x440];
	vm14 =	vge.f32 v37, v33;
	(xrf1) =	vsort.dscd.msk.f32 $0xffff, v59, v7;
	v58, v53, _ =	vpop (xrf1)  }
0x283: {  	v41 =	vperm.xlane v48, v16;
	(xrf1) =	vsort.dscd.msk.f32 $0xffff, v56, v9;
	v48 =	vperm.xlane v53, v16;
	v53, v54, _ =	vpop (xrf1)  }
0x284: {  	vm15 =	vge.f32 v35, v43;
	(xrf1) =	vsort.dscd.msk.f32 $0xffff, v47, v12;
	v47 =	vperm.xlane v17, v16;
	v17, v55, _ =	vpop (xrf1)  }
0x285: {  	v33 =	vsel vm14, v37, v33;
	v35 =	vsel vm15, v35, v43;
	v0 =	vperm.xlane v57, v16;
	v56, v57, _ =	vpop (xrf1)  }
0x286: {  	v3 =	vperm.xlane v50, v16;
	(xrf1) =	vsort.dscd.msk.f32 $0xffff, v49, v63;
	v49 =	vperm.xlane v17, v16;
	_, v17, _ =	vpop (xrf1)  }
0x287: {  	v50 =	vperm.xlane v52, v16;
	v52 =	vperm.xlane v58, v16;
	(xrf1) =	vsort.dscd.msk.f32 $0xffff, v51, v5;
	v51, v58, _ =	vpop (xrf1)  }
0x288: {  	v30 =	vsel vm13, v31, v30;
	v39 =	vsel vm15, v39, v46;
	vm7 =	vge.f32 v51, v49  }
0x289: {  	v59 =	vsel vm14, v38, v44;
	vm3 =	vge.f32 v2, v0;
	v38, v44, _ =	vpop (xrf1);
	v49 =	vsel vm7, v51, v49  }
0x28a: {  	v46 =	vsel vm3, v40, v3;
	v55 =	vperm.xlane v55, v16;
	(xrf1) =	vsort.dscd.msk.f32 $0xffff, v33, v59;
	v33, v37, _ =	vpop (xrf1)  }
0x28b: {  	v32 =	vperm.xlane v32, v16;
	v0 =	vsel vm3, v2, v0;
	(xrf1) =	vsort.dscd.msk.f32 $0xffff, v35, v39;
	v3, v35, _ =	vpop (xrf1)  }
0x28c: {  	vm4 =	vge.f32 v53, v47;
	(xrf1) =	vsort.dscd.msk.f32 $0xffff, v0, v46;
	v51 =	vsel vm7, v58, v55;
	v2, v43, _ =	vpop (xrf1)  }
0x28d: {  	vm8 =	vge.f32 v36, v45;
	v53 =	vsel vm4, v53, v47;
	(xrf1) =	vsort.dscd.msk.f32 $0xffff, v49, v51;
	v40, v49, _ =	vpop (xrf1)  }
0x28e: {  	v36 =	vsel vm8, v36, v45;
	vm5 =	vge.f32 v56, v52;
	[tilespmem:$0x1FE10] =	vst v17;
	v55 =	vsel vm4, v54, v50;
	v31, v46, _ =	vpop (xrf1)  }
0x28f: {  	v59 =	vsel vm5, v56, v52;
	v48 =	vsel vm5, v57, v48;
	v0 =	vld [tilespmem:s13+$0x10];
	(xrf1) =	vsort.dscd.msk.f32 $0xffff, v53, v55;
	v52, v45, _ =	vpop (xrf1)  }
0x290: {  	v34 =	vperm.xlane v34, v16;
	v58 =	vld [tilespmem:s13+$0x20];
	(xrf1) =	vsort.dscd.msk.f32 $0xffff, v59, v48;
	v53, v54, _ =	vpop (xrf1)  }
0x291: {  	vm9 =	vge.f32 v53, v32  }
0x292: {  	v41 =	vsel vm8, v42, v41;
	v34 =	vsel vm9, v54, v34  }
0x293: {  	v55 =	vld [tilespmem:s13+$0x40];
	(xrf1) =	vsort.dscd.msk.f32 $0xffff, v36, v41;
	v32 =	vsel vm9, v53, v32  }
0x294: {  	v25 =	vperm.xlane v25, v16;
	v56 =	vld [tilespmem:s13+$0x400];
	v38 =	vperm.xlane v38, v16;
	(xrf1) =	vsort.dscd.msk.f32 $0xffff, v0, v4  }
0x295: {  	v29 =	vperm.xlane v29, v16;
	vm0 =	vge.f32 v27, v1;
	v57 =	vld [tilespmem:s13+$0x0];
	(xrf1) =	vsort.dscd.msk.f32 $0xffff, v58, v61;
	v58, v47, _ =	vpop (xrf1)  }
0x296: {  	v1 =	vsel vm0, v27, v1;
	vm10 =	vge.f32 v40, v38;
	(xrf1) =	vsort.dscd.msk.f32 $0xffff, v32, v34;
	v32, v34, _ =	vpop (xrf1)  }
0x297: {  	vm1 =	vge.f32 v22, v24;
	v27 =	vperm.xlane v44, v16;
	v38 =	vsel vm10, v40, v38;
	v44, v48, _ =	vpop (xrf1)  }
0x298: {  	v33 =	vperm.xlane v33, v16;
	v3 =	vperm.xlane v3, v16;
	(xrf1) =	vsort.dscd.msk.f32 $0xffff, v55, v60;
	v36, v50, _ =	vpop (xrf1)  }
0x299: {  	v35 =	vperm.xlane v35, v16;
	v0 =	vperm.xlane v37, v16;
	(xrf1) =	vsort.dscd.msk.f32 $0xffff, v56, v13;
	v37, v59, _ =	vpop (xrf1)  }
0x29a: {  	v2 =	vperm.xlane v2, v16;
	v27 =	vsel vm10, v49, v27;
	(xrf1) =	vsort.dscd.msk.f32 $0xffff, v57, v7;
	v39, v49, _ =	vpop (xrf1)  }
0x29b: {  	v43 =	vperm.xlane v43, v16;
	(xrf1) =	vsort.dscd.msk.f32 $0xffff, v38, v27;
	v27 =	vperm.xlane v31, v16;
	v31, v38, _ =	vpop (xrf1)  }
0x29c: {  	v42 =	vperm.xlane v52, v16;
	vm11 =	vge.f32 v58, v33;
	v32 =	vperm.xlane v32, v16;
	v56, v57, _ =	vpop (xrf1)  }
0x29d: {  	v33 =	vsel vm11, v58, v33;
	v34 =	vperm.xlane v34, v16;
	v51 =	vperm.xlane v56, v16;
	v53, v54, _ =	vpop (xrf1)  }
0x29e: {  	v0 =	vsel vm11, v47, v0;
	v40 =	vperm.xlane v59, v16;
	v58 =	vperm.xlane v57, v16;
	v57, v59, _ =	vpop (xrf1)  }
0x29f: {  	vm12 =	vge.f32 v44, v3;
	v31 =	vperm.xlane v31, v16;
	vm14 =	vge.f32 v57, v51  }
0x2a0: {  	vm13 =	vge.f32 v36, v2;
	v53 =	vperm.xlane v53, v16;
	v41 =	vsel vm14, v59, v58  }
0x2a1: {  	v37 =	vperm.xlane v37, v16;
	v38 =	vperm.xlane v38, v16;
	vm15 =	vge.f32 v39, v31  }
0x2a2: {  	v54 =	vperm.xlane v54, v16;
	v52, v55, _ =	vpop (xrf1);
	v31 =	vsel vm15, v39, v31;
	v51 =	vsel vm14, v57, v51  }
0x2a3: {  	v38 =	vsel vm15, v49, v38;
	v56, v57, _ =	vpop (xrf1);
	vm8 =	vge.f32 v52, v53;
	(xrf1) =	vsort.dscd.msk.f32 $0xffff, v51, v41  }
0x2a4: {  	v58 =	vsel vm8, v52, v53;
	v59 =	vsel vm8, v55, v54;
	(xrf1) =	vsort.dscd.msk.f32 $0xffff, v31, v38;
	v39, v41, _ =	vpop (xrf1)  }
0x2a5: {  	v3 =	vsel vm12, v44, v3;
	v35 =	vsel vm12, v48, v35;
	(xrf1) =	vsort.dscd.msk.f32 $0xffff, v58, v59;
	v52, v53, _ =	vpop (xrf1)  }
0x2a6: {  	v2 =	vsel vm13, v36, v2;
	v54 =	vperm.xlane v46, v16;
	vm9 =	vge.f32 v52, v37  }
0x2a7: {  	vm10 =	vge.f32 v39, v27;
	v31 =	vsel vm9, v52, v37;
	v53 =	vsel vm9, v53, v40  }
0x2a8: {  	v59 =	vperm.xlane v45, v16;
	v58, v55, _ =	vpop (xrf1);
	v27 =	vsel vm10, v39, v27;
	(xrf1) =	vsort.dscd.msk.f32 $0xffff, v31, v53  }
0x2a9: {  	v51 =	vsel vm10, v41, v54;
	v49, v48, _ =	vpop (xrf1);
	vm11 =	vge.f32 v58, v42;
	v31 =	vsel vm13, v50, v43  }
0x2aa: {  	vm12 =	vge.f32 v49, v32;
	v50 =	vperm.xlane v56, v16;
	(xrf1) =	vsort.dscd.msk.f32 $0xffff, v33, v0  }
0x2ab: {  	v52 =	vsel vm11, v58, v42;
	v53 =	vsel vm11, v55, v59;
	(xrf1) =	vsort.dscd.msk.f32 $0xffff, v3, v35  }
0x2ac: {  	v55 =	vperm.xlane v57, v16;
	v58 =	vsel vm0, v21, v23;
	(xrf1) =	vsort.dscd.msk.f32 $0xffff, v2, v31  }
0x2ad: {  	v21 =	vsel vm1, v22, v24;
	v32 =	vsel vm12, v49, v32;
	v31, v54, _ =	vpop (xrf1);
	(xrf1) =	vsort.dscd.msk.f32 $0xffff, v27, v51  }
0x2ae: {  	v56 =	vsel vm12, v48, v34;
	vm13 =	vge.f32 v31, v50;
	(xrf1) =	vsort.dscd.msk.f32 $0xffff, v52, v53  }
0x2af: {  	v0 =	vsel vm13, v31, v50;
	v57 =	vsel vm13, v54, v55;
	(xrf1) =	vsort.dscd.msk.f32 $0xffff, v32, v56  }
0x2b0: {  	v28 =	vperm.xlane v28, v16;
	vm14 =	vge.f32 v20, v29;
	v31, v59, _ =	vpop (xrf1);
	(xrf1) =	vsort.dscd.msk.f32 $0xffff, v0, v57  }
0x2b1: {  	v36 =	vsel vm1, v19, v25;
	v20 =	vsel vm14, v20, v29;
	v37, v19, _ =	vpop (xrf1);
	(xrf1) =	vsort.dscd.msk.f32 $0xffff, v26, v30  }
0x2b2: {  	v18 =	vsel vm14, v18, v28;
	v38 =	vperm.xlane v37, v16;
	v40, v39, _ =	vpop (xrf1);
	(xrf1) =	vsort.dscd.msk.f32 $0xffff, v1, v58  }
0x2b3: {  	s23 =	simm.s32 $0x200;
	s24 =	simm.s32 $0x400;
	v41 =	vperm.xlane v19, v16;
	v2 =	vperm.xlane v40, v16;
	(xrf1) =	vsort.dscd.msk.f32 $0xffff, v21, v36;
	v19, v21, _ =	vpop (xrf1)  }
0x2b4: {  	s25 =	sand.u32 $0x7800, s24;
	s13 =	sand.u32 $0x300, s23;
	(xrf1) =	vsort.dscd.msk.f32 $0xffff, v20, v18;
	vm15 =	vge.f32 v19, v38  }
0x2b5: {  	s14 =	sor.u32 s13, s25;
	v1 =	vsel vm15, v19, v38  }
0x2b6: {  	v3 =	vperm.xlane v39, v16;
	v20 =	vld [tilespmem:s14+$0x10];
	v0 =	vsel vm15, v21, v41;
	v18, v19, _ =	vpop (xrf1)  }
0x2b7: {  	v42 =	vld [tilespmem:s14+$0x20];
	(xrf1) =	vsort.dscd.msk.f32 $0xffff, v1, v0;
	vm4 =	vge.f32 v18, v2  }
0x2b8: {  	v45 =	vld [tilespmem:s14+$0x40];
	v43 =	vsel vm4, v18, v2;
	v44 =	vsel vm4, v19, v3;
	v1, v2, _ =	vpop (xrf1)  }
0x2b9: {  	v18 =	vld [tilespmem:s14+$0x400];
	(xrf1) =	vsort.dscd.msk.f32 $0xffff, v43, v44;
	v29, v30, _ =	vpop (xrf1)  }
0x2ba: {  	v21 =	vld [tilespmem:s14+$0x30];
	v33, v34, _ =	vpop (xrf1)  }
0x2bb: {  	v22 =	vld [tilespmem:s14+$0x50];
	(xrf1) =	vsort.dscd.msk.f32 $0xffff, v20, v4;
	v35, v37, _ =	vpop (xrf1)  }
0x2bc: {  	v24 =	vld [tilespmem:s14+$0x60];
	(xrf1) =	vsort.dscd.msk.f32 $0xffff, v42, v61;
	v0, v38, _ =	vpop (xrf1)  }
0x2bd: {  	v47 =	vld [tilespmem:s14+$0x70];
	(xrf1) =	vsort.dscd.msk.f32 $0xffff, v45, v60;
	v3, v36, _ =	vpop (xrf1)  }
0x2be: {  	v46 =	vld [tilespmem:s14+$0x410];
	(xrf1) =	vsort.dscd.msk.f32 $0xffff, v18, v13;
	v27, v17, _ =	vpop (xrf1)  }
0x2bf: {  	v20 =	vld [tilespmem:$0x1FFD0];
	(xrf1) =	vsort.dscd.msk.f32 $0xffff, v21, v6;
	[tilespmem:$0x1FD90] =	vst v17;
	v28, v23, _ =	vpop (xrf1)  }
0x2c0: {  	(xrf1) =	vsort.dscd.msk.f32 $0xffff, v22, v8;
	v18 =	vld [tilespmem:s14+$0x430];
	v26, v17, _ =	vpop (xrf1)  }
0x2c1: {  	v48 =	vld [tilespmem:s14+$0x450];
	(xrf1) =	vsort.dscd.msk.f32 $0xffff, v24, v9;
	[tilespmem:$0x1FDA0] =	vst v17;
	v25, v24, _ =	vpop (xrf1)  }
0x2c2: {  	v49 =	vld [tilespmem:s14+$0x420];
	v22, v17, _ =	vpop (xrf1)  }
0x2c3: {  	(xrf1) =	vsort.dscd.msk.f32 $0xffff, v46, v12;
	v50 =	vld [tilespmem:s14+$0x470];
	[tilespmem:$0x1FDB0] =	vst v17  }
0x2c4: {  	s26 =	simm.s32 $0x280;
	(xrf1) =	vsort.dscd.msk.f32 $0xffff, v47, v10;
	v51 =	vld [tilespmem:s14+$0x440]  }
0x2c5: {  	s13 =	sand.u32 $0x380, s26;
	v31 =	vperm.xlane v31, v16;
	v32 =	vperm.xlane v59, v16;
	(xrf1) =	vsort.dscd.msk.f32 $0xffff, v18, v14;
	v18, v52, _ =	vpop (xrf1)  }
0x2c6: {  	s13 =	sor.u32 s13, s25;
	v1 =	vperm.xlane v1, v16;
	v53 =	vld [tilespmem:s14+$0x460];
	(xrf1) =	vsort.dscd.msk.f32 $0xffff, v48, v11;
	v18 =	vperm.xlane v18, v16  }
0x2c7: {  	v2 =	vperm.xlane v2, v16;
	v54 =	vld [tilespmem:s13+$0x470];
	v40 =	vperm.xlane v52, v16;
	(xrf1) =	vsort.dscd.msk.f32 $0xffff, v49, v63;
	v56, v55, _ =	vpop (xrf1)  }
0x2c8: {  	vm6 =	vge.f32 v33, v31;
	v57 =	vld [tilespmem:s13+$0x70];
	(xrf1) =	vsort.dscd.msk.f32 $0xffff, v50, v15;
	vm5 =	vge.f32 v56, v18  }
0x2c9: {  	v43 =	vld [tilespmem:s13+$0x430];
	(xrf1) =	vsort.dscd.msk.f32 $0xffff, v51, v20;
	v18 =	vsel vm5, v56, v18;
	v58 =	vsel vm5, v55, v40  }
0x2ca: {  	v7 =	vmov v60;
	v39 =	vperm.xlane v30, v16;
	v30 =	vsel vm6, v34, v32;
	v59 =	vld [tilespmem:s13+$0x450];
	v60, v47, _ =	vpop (xrf1);
	(xrf1) =	vsort.dscd.msk.f32 $0xffff, v18, v58  }
0x2cb: {  	v32 =	vperm.xlane v35, v16;
	v35 =	vperm.xlane v37, v16;
	v48, v49, _ =	vpop (xrf1);
	v18 =	vld [tilespmem:s13+$0x460];
	(xrf1) =	vsort.dscd.msk.f32 $0xffff, v53, v62  }
0x2cc: {  	v5 =	vmov v61;
	vm7 =	vge.f32 v0, v1;
	v61 =	vld [tilespmem:s13+$0x30];
	v40 =	vperm.xlane v29, v16;
	v50, v51, _ =	vpop (xrf1);
	(xrf1) =	vsort.dscd.msk.f32 $0xffff, v54, v15  }
0x2cd: {  	v21 =	vsel vm7, v38, v2;
	v41 =	vld [tilespmem:s13+$0x50];
	v29 =	vsel vm6, v33, v31;
	v52, v53, _ =	vpop (xrf1);
	(xrf1) =	vsort.dscd.msk.f32 $0xffff, v57, v10  }
0x2ce: {  	v31 =	vsel vm7, v0, v1;
	v0 =	vld [tilespmem:s14+$0x0];
	vm8 =	vge.f32 v3, v40;
	v57, v56, _ =	vpop (xrf1);
	(xrf1) =	vsort.dscd.msk.f32 $0xffff, v43, v14  }
0x2cf: {  	v34 =	vsel vm8, v3, v40;
	v40 =	vperm.xlane v60, v16;
	v38, v58, _ =	vpop (xrf1);
	(xrf1) =	vsort.dscd.msk.f32 $0xffff, v59, v11  }
0x2d0: {  	v37 =	vperm.xlane v56, v16;
	v1 =	vperm.xlane v57, v16;
	v42, v45, _ =	vpop (xrf1);
	(xrf1) =	vsort.dscd.msk.f32 $0xffff, v18, v62  }
0x2d1: {  	v2 =	vld [tilespmem:s13+$0x60];
	v43 =	vperm.xlane v58, v16;
	v38 =	vperm.xlane v38, v16;
	v60, v59, _ =	vpop (xrf1);
	(xrf1) =	vsort.dscd.msk.f32 $0xffff, v61, v6  }
0x2d2: {  	v17 =	vlaneseq.u32;
	v3 =	vld [tilespmem:s13+$0x410];
	vm9 =	vge.f32 v48, v1;
	v54 =	vperm.xlane v59, v16;
	v55, v61, _ =	vpop (xrf1);
	(xrf1) =	vsort.dscd.msk.f32 $0xffff, v41, v8  }
0x2d3: {  	v33 =	vmov v62;
	v18 =	vld [tilespmem:s13+$0x420];
	vm10 =	vge.f32 v50, v38;
	v41 =	vperm.xlane v60, v16;
	(xrf1) =	vsort.dscd.msk.f32 $0xffff, v0, v17;
	v60, v62, _ =	vpop (xrf1)  }
0x2d4: {  	v44 =	vld [tilespmem:s13+$0x440];
	v1 =	vsel vm9, v48, v1;
	v56 =	vperm.xlane v61, v16;
	v46 =	vperm.xlane v62, v16;
	v62, v61, _ =	vpop (xrf1)  }
0x2d5: {  	v37 =	vsel vm9, v49, v37;
	v38 =	vsel vm10, v50, v38;
	v43 =	vsel vm10, v51, v43;
	v58, v59, _ =	vpop (xrf1)  }
0x2d6: {  	(xrf1) =	vsort.dscd.msk.f32 $0xffff, v2, v9;
	v2 =	vperm.xlane v55, v16;
	v0 =	vperm.xlane v60, v16;
	v57, v60, _ =	vpop (xrf1)  }
0x2d7: {  	v55 =	vperm.xlane v61, v16;
	(xrf1) =	vsort.dscd.msk.f32 $0xffff, v3, v12;
	v3 =	vperm.xlane v62, v16;
	v61, v62, _ =	vpop (xrf1)  }
0x2d8: {  	(xrf1) =	vsort.dscd.msk.f32 $0xffff, v18, v63;
	vm12 =	vge.f32 v42, v2;
	v57 =	vperm.xlane v57, v16;
	_, v18, _ =	vpop (xrf1)  }
0x2d9: {  	v19 =	vmov v63;
	vm13 =	vge.f32 v58, v0;
	v60 =	vperm.xlane v60, v16;
	(xrf1) =	vsort.dscd.msk.f32 $0xffff, v44, v20;
	v44, v63, _ =	vpop (xrf1)  }
0x2da: {  	v2 =	vsel vm12, v42, v2;
	v56 =	vsel vm12, v45, v56;
	v48, v49, _ =	vpop (xrf1);
	vm15 =	vge.f32 v44, v57  }
0x2db: {  	v46 =	vsel vm13, v59, v46;
	(xrf1) =	vsort.dscd.msk.f32 $0xffff, v1, v37;
	v1, v37, _ =	vpop (xrf1);
	v44 =	vsel vm15, v44, v57  }
0x2dc: {  	v0 =	vsel vm13, v58, v0;
	vm14 =	vge.f32 v61, v3;
	(xrf1) =	vsort.dscd.msk.f32 $0xffff, v38, v43;
	v38, v43, _ =	vpop (xrf1)  }
0x2dd: {  	v3 =	vsel vm14, v61, v3;
	v60 =	vsel vm15, v63, v60;
	(xrf1) =	vsort.dscd.msk.f32 $0xffff, v2, v56;
	v2, v42, _ =	vpop (xrf1)  }
0x2de: {  	v55 =	vsel vm14, v62, v55;
	(xrf1) =	vsort.dscd.msk.f32 $0xffff, v44, v60;
	v44, v50, _ =	vpop (xrf1)  }
0x2df: {  	vm11 =	vge.f32 v52, v41;
	[tilespmem:$0x1FE30] =	vst v18;
	(xrf1) =	vsort.dscd.msk.f32 $0xffff, v0, v46;
	v0, v46, _ =	vpop (xrf1)  }
0x2e0: {  	v45 =	vld [tilespmem:s13+$0x10];
	v63 =	vsel vm11, v53, v54;
	(xrf1) =	vsort.dscd.msk.f32 $0xffff, v3, v55;
	v3, v53, _ =	vpop (xrf1)  }
0x2e1: {  	v47 =	vperm.xlane v47, v16;
	v51 =	vld [tilespmem:s13+$0x20];
	v55, v56, _ =	vpop (xrf1)  }
0x2e2: {  	vm4 =	vge.f32 v55, v40  }
0x2e3: {  	v41 =	vsel vm11, v52, v41;
	v54 =	vld [tilespmem:s13+$0x40];
	v47 =	vsel vm4, v56, v47  }
0x2e4: {  	v48 =	vperm.xlane v48, v16;
	(xrf1) =	vsort.dscd.msk.f32 $0xffff, v41, v63;
	v41 =	vld [tilespmem:s13+$0x400];
	v40 =	vsel vm4, v55, v40  }
0x2e5: {  	v59 =	vld [tilespmem:s13+$0x0];
	(xrf1) =	vsort.dscd.msk.f32 $0xffff, v45, v4  }
0x2e6: {  	v57 =	vperm.xlane v49, v16;
	vm5 =	vge.f32 v44, v48;
	(xrf1) =	vsort.dscd.msk.f32 $0xffff, v51, v5  }
0x2e7: {  	v44 =	vsel vm5, v44, v48;
	(xrf1) =	vsort.dscd.msk.f32 $0xffff, v40, v47;
	v40, v47, _ =	vpop (xrf1)  }
0x2e8: {  	v36 =	vsel vm8, v36, v39;
	v39 =	vsel vm5, v50, v57;
	v58, v51, _ =	vpop (xrf1);
	(xrf1) =	vsort.dscd.msk.f32 $0xffff, v54, v7  }
0x2e9: {  	v48, v52, _ =	vpop (xrf1);
	(xrf1) =	vsort.dscd.msk.f32 $0xffff, v41, v13  }
0x2ea: {  	v41, v50, _ =	vpop (xrf1);
	(xrf1) =	vsort.dscd.msk.f32 $0xffff, v59, v17  }
0x2eb: {  	v26 =	vperm.xlane v26, v16;
	(xrf1) =	vsort.dscd.msk.f32 $0xffff, v44, v39;
	v39, v44, _ =	vpop (xrf1)  }
0x2ec: {  	v1 =	vperm.xlane v1, v16;
	v38 =	vperm.xlane v38, v16;
	v45, v54, _ =	vpop (xrf1)  }
0x2ed: {  	vm0 =	vge.f32 v27, v32;
	v37 =	vperm.xlane v37, v16;
	v43 =	vperm.xlane v43, v16;
	v60, v59, _ =	vpop (xrf1)  }
0x2ee: {  	v2 =	vperm.xlane v2, v16;
	vm6 =	vge.f32 v40, v1;
	vm7 =	vge.f32 v48, v38;
	v63, v56, _ =	vpop (xrf1)  }
0x2ef: {  	v38 =	vsel vm7, v48, v38;
	v48 =	vperm.xlane v60, v16;
	v49 =	vperm.xlane v63, v16;
	v63, v60, _ =	vpop (xrf1)  }
0x2f0: {  	v1 =	vsel vm6, v40, v1;
	v40 =	vperm.xlane v58, v16;
	v55 =	vperm.xlane v56, v16;
	v56, v58, _ =	vpop (xrf1)  }
0x2f1: {  	v42 =	vperm.xlane v42, v16;
	v0 =	vperm.xlane v0, v16;
	vm10 =	vge.f32 v56, v49  }
0x2f2: {  	v3 =	vperm.xlane v3, v16;
	v37 =	vsel vm6, v47, v37;
	v49 =	vsel vm10, v56, v49  }
0x2f3: {  	vm8 =	vge.f32 v41, v2;
	v43 =	vsel vm7, v52, v43;
	v47 =	vperm.xlane v59, v16  }
0x2f4: {  	v52 =	vperm.xlane v63, v16;
	v57 =	vperm.xlane v60, v16;
	v59, v60, _ =	vpop (xrf1);
	v55 =	vsel vm10, v58, v55  }
0x2f5: {  	v44 =	vperm.xlane v44, v16;
	vm9 =	vge.f32 v45, v48;
	v56, v58, _ =	vpop (xrf1);
	(xrf1) =	vsort.dscd.msk.f32 $0xffff, v49, v55  }
0x2f6: {  	v39 =	vperm.xlane v39, v16;
	v45 =	vsel vm9, v45, v48;
	vm11 =	vge.f32 v59, v52;
	v48, v49, _ =	vpop (xrf1)  }
0x2f7: {  	v2 =	vsel vm8, v41, v2;
	v47 =	vsel vm9, v54, v47;
	v54 =	vsel vm11, v60, v57;
	v60, v63, _ =	vpop (xrf1)  }
0x2f8: {  	v52 =	vsel vm11, v59, v52;
	(xrf1) =	vsort.dscd.msk.f32 $0xffff, v45, v47;
	vm12 =	vge.f32 v60, v39  }
0x2f9: {  	v57 =	vperm.xlane v46, v16;
	(xrf1) =	vsort.dscd.msk.f32 $0xffff, v52, v54;
	v39 =	vsel vm12, v60, v39  }
0x2fa: {  	v41 =	vsel vm8, v50, v42;
	v58 =	vperm.xlane v58, v16;
	v55 =	vsel vm12, v63, v44  }
0x2fb: {  	v52 =	vperm.xlane v51, v16;
	vm13 =	vge.f32 v48, v0;
	v59, v60, _ =	vpop (xrf1);
	(xrf1) =	vsort.dscd.msk.f32 $0xffff, v39, v55  }
0x2fc: {  	v0 =	vsel vm13, v48, v0;
	v63 =	vperm.xlane v53, v16;
	v39, v42, _ =	vpop (xrf1);
	(xrf1) =	vsort.dscd.msk.f32 $0xffff, v1, v37  }
0x2fd: {  	v61 =	vmovc v5;
	v54 =	vsel vm13, v49, v57;
	vm14 =	vge.f32 v59, v3;
	(xrf1) =	vsort.dscd.msk.f32 $0xffff, v38, v43  }
0x2fe: {  	v53 =	vperm.xlane v56, v16;
	v3 =	vsel vm14, v59, v3;
	v55 =	vsel vm14, v60, v63;
	v56, v57, _ =	vpop (xrf1)  }
0x2ff: {  	v18 =	vmov v7;
	v63 =	vsel vm0, v27, v32;
	vm15 =	vge.f32 v39, v40;
	(xrf1) =	vsort.dscd.msk.f32 $0xffff, v2, v41;
	v7, v5, _ =	vpop (xrf1)  }
0x300: {  	v37 =	vperm.xlane v28, v16;
	v39 =	vsel vm15, v39, v40;
	(xrf1) =	vsort.dscd.msk.f32 $0xffff, v0, v54;
	[tilespmem:$0x1FDD0] =	vst v5;
	v5 =	vld [tilespmem:$0x1FDA0]  }
0x301: {  	v59 =	vsel vm15, v42, v52;
	vm6 =	vge.f32 v56, v53;
	(xrf1) =	vsort.dscd.msk.f32 $0xffff, v3, v55  }
0x302: {  	v38 =	vld [tilespmem:$0x1FD90];
	v1 =	vsel vm6, v56, v53;
	v60 =	vsel vm6, v57, v58;
	(xrf1) =	vsort.dscd.msk.f32 $0xffff, v39, v59  }
0x303: {  	vm7 =	vge.f32 v25, v37;
	v39 =	vperm.xlane v23, v16;
	v27, v28, _ =	vpop (xrf1);
	(xrf1) =	vsort.dscd.msk.f32 $0xffff, v1, v60  }
0x304: {  	v3 =	vsel vm7, v25, v37;
	v25 =	vperm.xlane v27, v16;
	(xrf1) =	vsort.dscd.msk.f32 $0xffff, v29, v30  }
0x305: {  	v2 =	vsel vm7, v24, v39;
	v24 =	vperm.xlane v28, v16;
	v23 =	vperm.xlane v5, v16;
	v5 =	vld [tilespmem:$0x1FDB0]  }
0x306: {  	s28 =	simm.s32 $0x300;
	s13 =	simm.s32 $0x600;
	v27, v29, _ =	vpop (xrf1);
	(xrf1) =	vsort.dscd.msk.f32 $0xffff, v31, v21  }
0x307: {  	s14 =	sand.u32 $0x300, s28;
	s29 =	sand.u32 $0x7800, s13;
	vm10 =	vge.f32 v22, v26;
	v1 =	vsel vm0, v38, v35;
	v28, v30, _ =	vpop (xrf1);
	(xrf1) =	vsort.dscd.msk.f32 $0xffff, v34, v36  }
0x308: {  	s30 =	sor.u32 s14, s29;
	[tilespmem:$0x1FDC0] =	vst v7;
	v40 =	vperm.xlane v27, v16;
	vm8 =	vge.f32 v28, v25;
	(xrf1) =	vsort.dscd.msk.f32 $0xffff, v63, v1  }
0x309: {  	v44 =	vld [tilespmem:s30+$0x20];
	v41 =	vperm.xlane v29, v16;
	v42 =	vsel vm8, v28, v25;
	v43 =	vsel vm8, v30, v24;
	v24, v25, _ =	vpop (xrf1)  }
0x30a: {  	v27 =	vld [tilespmem:s30+$0x10];
	(xrf1) =	vsort.dscd.msk.f32 $0xffff, v3, v2;
	v21 =	vsel vm10, v5, v23;
	v35, v5, _ =	vpop (xrf1)  }
0x30b: {  	v45 =	vld [tilespmem:s30+$0x40];
	(xrf1) =	vsort.dscd.msk.f32 $0xffff, v42, v43;
	vm9 =	vge.f32 v24, v40;
	[tilespmem:$0x1FDE0] =	vst v5;
	v5, v47, _ =	vpop (xrf1)  }
0x30c: {  	v0 =	vsel vm9, v24, v40;
	v1 =	vsel vm9, v25, v41;
	v46 =	vld [tilespmem:s30+$0x400];
	[tilespmem:$0x1FDF0] =	vst v5  }
0x30d: {  	v24 =	vsel vm10, v22, v26;
	(xrf1) =	vsort.dscd.msk.f32 $0xffff, v0, v1;
	[tilespmem:$0x1FE00] =	vst v47;
	v41, v28, _ =	vpop (xrf1)  }
0x30e: {  	v62 =	vmov v4;
	(xrf1) =	vsort.dscd.msk.f32 $0xffff, v24, v21;
	v1 =	vld [tilespmem:s30+$0x30];
	v32, v5, _ =	vpop (xrf1)  }
0x30f: {  	v24 =	vld [tilespmem:s30+$0x50];
	(xrf1) =	vsort.dscd.msk.f32 $0xffff, v27, v62;
	[tilespmem:$0x1FE20] =	vst v5  }
0x310: {  	(xrf1) =	vsort.dscd.msk.f32 $0xffff, v44, v61;
	v42, v37, _ =	vpop (xrf1);
	v30 =	vld [tilespmem:s30+$0x60]  }
0x311: {  	v4 =	vmov v13;
	(xrf1) =	vsort.dscd.msk.f32 $0xffff, v45, v18;
	v38, v29, _ =	vpop (xrf1)  }
0x312: {  	v48 =	vld [tilespmem:s30+$0x410];
	v36, v50, _ =	vpop (xrf1);
	(xrf1) =	vsort.dscd.msk.f32 $0xffff, v46, v4  }
0x313: {  	v49 =	vld [tilespmem:s30+$0x70];
	[tilespmem:$0x1FE40] =	vst v50;
	v43, v27, _ =	vpop (xrf1);
	(xrf1) =	vsort.dscd.msk.f32 $0xffff, v1, v6  }
0x314: {  	v0 =	vld [tilespmem:s30+$0x430];
	v39, v17, _ =	vpop (xrf1);
	(xrf1) =	vsort.dscd.msk.f32 $0xffff, v24, v8  }
0x315: {  	v51 =	vld [tilespmem:s30+$0x450];
	[tilespmem:$0x1FE50] =	vst v17;
	(xrf1) =	vsort.dscd.msk.f32 $0xffff, v30, v9;
	v40, v30, _ =	vpop (xrf1)  }
0x316: {  	v52 =	vld [tilespmem:s30+$0x420];
	v31, v54, _ =	vpop (xrf1)  }
0x317: {  	v53 =	vld [tilespmem:s30+$0x470];
	(xrf1) =	vsort.dscd.msk.f32 $0xffff, v48, v12;
	[tilespmem:$0x1FE60] =	vst v54  }
0x318: {  	s31 =	simm.s32 $0x380;
	(xrf1) =	vsort.dscd.msk.f32 $0xffff, v49, v10;
	v44, v34, _ =	vpop (xrf1);
	v2 =	vld [tilespmem:s30+$0x440]  }
0x319: {  	s14 =	sand.u32 $0x380, s31;
	(xrf1) =	vsort.dscd.msk.f32 $0xffff, v0, v14;
	v56, v55, _ =	vpop (xrf1)  }
0x31a: {  	s14 =	sor.u32 s14, s29;
	v57 =	vld [tilespmem:s30+$0x460];
	(xrf1) =	vsort.dscd.msk.f32 $0xffff, v51, v11;
	v0 =	vperm.xlane v56, v16  }
0x31b: {  	v58 =	vld [tilespmem:s14+$0x470];
	v3 =	vperm.xlane v55, v16;
	(xrf1) =	vsort.dscd.msk.f32 $0xffff, v52, v19;
	v59, v60, _ =	vpop (xrf1)  }
0x31c: {  	v7 =	vmov v61;
	v61 =	vld [tilespmem:s14+$0x70];
	(xrf1) =	vsort.dscd.msk.f32 $0xffff, v53, v15;
	vm11 =	vge.f32 v59, v0  }
0x31d: {  	v13 =	vmov v62;
	v62 =	vld [tilespmem:s14+$0x430];
	v46, v45, _ =	vpop (xrf1);
	v0 =	vsel vm11, v59, v0;
	v63 =	vsel vm11, v60, v3;
	(xrf1) =	vsort.dscd.msk.f32 $0xffff, v2, v20  }
0x31e: {  	v49 =	vld [tilespmem:s14+$0x450];
	v24, v48, _ =	vpop (xrf1);
	(xrf1) =	vsort.dscd.msk.f32 $0xffff, v0, v63  }
0x31f: {  	v17, v23, _ =	vpop (xrf1);
	v0 =	vld [tilespmem:s14+$0x460];
	(xrf1) =	vsort.dscd.msk.f32 $0xffff, v57, v33  }
0x320: {  	v5 =	vmov v18;
	v54 =	vld [tilespmem:s14+$0x30];
	v18, v53, _ =	vpop (xrf1);
	(xrf1) =	vsort.dscd.msk.f32 $0xffff, v58, v15  }
0x321: {  	v47 =	vld [tilespmem:s14+$0x50];
	v55, v56, _ =	vpop (xrf1);
	(xrf1) =	vsort.dscd.msk.f32 $0xffff, v61, v10  }
0x322: {  	v58 =	vld [tilespmem:s30+$0x0];
	v50, v2, _ =	vpop (xrf1);
	(xrf1) =	vsort.dscd.msk.f32 $0xffff, v62, v14  }
0x323: {  	v51, v3, _ =	vpop (xrf1);
	(xrf1) =	vsort.dscd.msk.f32 $0xffff, v49, v11  }
0x324: {  	v60 =	vld [tilespmem:s14+$0x60];
	v49, v61, _ =	vpop (xrf1);
	(xrf1) =	vsort.dscd.msk.f32 $0xffff, v0, v33  }
0x325: {  	v62 =	vld [tilespmem:s14+$0x410];
	v50 =	vperm.xlane v50, v16;
	v57 =	vperm.xlane v3, v16;
	v33, v63, _ =	vpop (xrf1);
	(xrf1) =	vsort.dscd.msk.f32 $0xffff, v54, v6  }
0x326: {  	v15 =	vlaneseq.u32;
	v3 =	vld [tilespmem:s14+$0x420];
	v51 =	vperm.xlane v51, v16;
	v54 =	vperm.xlane v63, v16;
	v63, v1, _ =	vpop (xrf1);
	(xrf1) =	vsort.dscd.msk.f32 $0xffff, v47, v8  }
0x327: {  	v52 =	vperm.xlane v2, v16;
	v59 =	vperm.xlane v33, v16;
	v47, v33, _ =	vpop (xrf1);
	(xrf1) =	vsort.dscd.msk.f32 $0xffff, v58, v15  }
0x328: {  	v2 =	vld [tilespmem:s14+$0x440];
	vm12 =	vge.f32 v17, v50;
	vm13 =	vge.f32 v18, v51;
	v21 =	vperm.xlane v33, v16;
	v58, v33, _ =	vpop (xrf1)  }
0x329: {  	v25 =	vmov v20;
	v17 =	vsel vm12, v17, v50;
	(xrf1) =	vsort.dscd.msk.f32 $0xffff, v60, v9;
	v60 =	vperm.xlane v63, v16;
	v63, v20, _ =	vpop (xrf1)  }
0x32a: {  	v23 =	vsel vm12, v23, v52;
	v22 =	vperm.xlane v33, v16;
	(xrf1) =	vsort.dscd.msk.f32 $0xffff, v62, v12;
	v33, v0, _ =	vpop (xrf1)  }
0x32b: {  	v1 =	vperm.xlane v1, v16;
	v62 =	vperm.xlane v47, v16;
	(xrf1) =	vsort.dscd.msk.f32 $0xffff, v3, v19;
	v47, v19, _ =	vpop (xrf1)  }
0x32c: {  	v18 =	vsel vm13, v18, v51;
	v58 =	vperm.xlane v58, v16;
	v3 =	vperm.xlane v33, v16;
	_, v26, _ =	vpop (xrf1)  }
0x32d: {  	v0 =	vperm.xlane v0, v16;
	vm14 =	vge.f32 v49, v60;
	(xrf1) =	vsort.dscd.msk.f32 $0xffff, v2, v25;
	v50, v51, _ =	vpop (xrf1)  }
0x32e: {  	v49 =	vsel vm14, v49, v60;
	(xrf1) =	vsort.dscd.msk.f32 $0xffff, v17, v23;
	vm6 =	vge.f32 v50, v3;
	v17, v23, _ =	vpop (xrf1)  }
0x32f: {  	v33 =	vsel vm13, v53, v57;
	vm15 =	vge.f32 v63, v62;
	v53, v57, _ =	vpop (xrf1);
	v3 =	vsel vm6, v50, v3  }
0x330: {  	v1 =	vsel vm14, v61, v1;
	v20 =	vsel vm15, v20, v21;
	(xrf1) =	vsort.dscd.msk.f32 $0xffff, v18, v33;
	v25, v52, _ =	vpop (xrf1)  }
0x331: {  	vm7 =	vge.f32 v55, v59;
	v0 =	vsel vm6, v51, v0;
	(xrf1) =	vsort.dscd.msk.f32 $0xffff, v49, v1;
	v49, v50, _ =	vpop (xrf1)  }
0x332: {  	vm5 =	vge.f32 v47, v58;
	v63 =	vsel vm15, v63, v62;
	(xrf1) =	vsort.dscd.msk.f32 $0xffff, v3, v0;
	v3, v21, _ =	vpop (xrf1)  }
0x333: {  	v47 =	vsel vm5, v47, v58;
	v19 =	vsel vm5, v19, v22;
	v1 =	vld [tilespmem:s14+$0x10];
	(xrf1) =	vsort.dscd.msk.f32 $0xffff, v63, v20;
	v20, v22, _ =	vpop (xrf1)  }
0x334: {  	v60 =	vsel vm7, v56, v54;
	v33 =	vld [tilespmem:s14+$0x20];
	(xrf1) =	vsort.dscd.msk.f32 $0xffff, v47, v19;
	v19 =	vperm.xlane v24, v16;
	v51, v54, _ =	vpop (xrf1)  }
0x335: {  	v48 =	vperm.xlane v48, v16;
	v24 =	vsel vm7, v55, v59;
	v61, v62, _ =	vpop (xrf1)  }
0x336: {  	vm8 =	vge.f32 v61, v19  }
0x337: {  	(xrf1) =	vsort.dscd.msk.f32 $0xffff, v24, v60;
	v63 =	vsel vm8, v61, v19;
	v19 =	vsel vm8, v62, v48  }
0x338: {  	(xrf1) =	vsort.dscd.msk.f32 $0xffff, v1, v13  }
0x339: {  	(xrf1) =	vsort.dscd.msk.f32 $0xffff, v33, v7;
	v18, v24, _ =	vpop (xrf1)  }
0x33a: {  	v1 =	vld [tilespmem:s14+$0x40];
	(xrf1) =	vsort.dscd.msk.f32 $0xffff, v63, v19;
	v19, v47, _ =	vpop (xrf1)  }
0x33b: {  	v33 =	vld [tilespmem:s14+$0x400];
	v55, v56, _ =	vpop (xrf1)  }
0x33c: {  	v58 =	vld [tilespmem:s14+$0x0];
	v17 =	vperm.xlane v17, v16;
	v59, v60, _ =	vpop (xrf1)  }
0x33d: {  	v23 =	vperm.xlane v23, v16;
	v61, v62, _ =	vpop (xrf1)  }
0x33e: {  	vm9 =	vge.f32 v3, v17;
	v63, v2, _ =	vpop (xrf1)  }
0x33f: {  	v21 =	vsel vm9, v21, v23;
	(xrf1) =	vsort.dscd.msk.f32 $0xffff, v1, v5;
	v1, v0, _ =	vpop (xrf1)  }
0x340: {  	v3 =	vsel vm9, v3, v17;
	(xrf1) =	vsort.dscd.msk.f32 $0xffff, v33, v4;
	v17, v33, _ =	vpop (xrf1)  }
0x341: {  	(xrf1) =	vsort.dscd.msk.f32 $0xffff, v58, v15;
	v17 =	vperm.xlane v17, v16;
	v23, v58, _ =	vpop (xrf1)  }
0x342: {  	v1 =	vperm.xlane v1, v16;
	(xrf1) =	vsort.dscd.msk.f32 $0xffff, v3, v21;
	v3 =	vperm.xlane v33, v16;
	v21, v33, _ =	vpop (xrf1)  }
0x343: {  	v53 =	vperm.xlane v53, v16;
	vm10 =	vge.f32 v21, v17  }
0x344: {  	v0 =	vperm.xlane v0, v16;
	vm11 =	vge.f32 v63, v1;
	v17 =	vsel vm10, v21, v17  }
0x345: {  	v23 =	vperm.xlane v23, v16;
	v1 =	vsel vm11, v63, v1;
	v3 =	vsel vm10, v33, v3  }
0x346: {  	v20 =	vperm.xlane v20, v16;
	vm14 =	vge.f32 v18, v53;
	v0 =	vsel vm11, v2, v0;
	v21, v33, _ =	vpop (xrf1)  }
0x347: {  	v61 =	vperm.xlane v61, v16;
	v58 =	vperm.xlane v58, v16;
	v2, v63, _ =	vpop (xrf1);
	vm12 =	vge.f32 v21, v23  }
0x348: {  	(xrf1) =	vsort.dscd.msk.f32 $0xffff, v17, v3;
	v21 =	vsel vm12, v21, v23;
	v23 =	vperm.xlane v62, v16;
	v3, v17, _ =	vpop (xrf1)  }
0x349: {  	v48 =	vsel vm12, v33, v58;
	v33 =	vsel vm14, v18, v53;
	(xrf1) =	vsort.dscd.msk.f32 $0xffff, v1, v0;
	v0, v1, _ =	vpop (xrf1)  }
0x34a: {  	(xrf1) =	vsort.dscd.msk.f32 $0xffff, v21, v48;
	v21 =	vperm.xlane v25, v16;
	vm13 =	vge.f32 v0, v61  }
0x34b: {  	v48 =	vperm.xlane v52, v16;
	vm5 =	vge.f32 v3, v20;
	v0 =	vsel vm13, v0, v61  }
0x34c: {  	v1 =	vsel vm13, v1, v23;
	v23 =	vperm.xlane v57, v16;
	vm15 =	vge.f32 v55, v21  }
0x34d: {  	v3 =	vsel vm5, v3, v20;
	(xrf1) =	vsort.dscd.msk.f32 $0xffff, v0, v1;
	v52 =	vsel vm15, v55, v21  }
0x34e: {  	v55 =	vperm.xlane v22, v16;
	v18 =	vsel vm14, v24, v23;
	v23 =	vperm.xlane v49, v16  }
0x34f: {  	v1 =	vsel vm15, v56, v48;
	(xrf1) =	vsort.dscd.msk.f32 $0xffff, v33, v18;
	v18 =	vperm.xlane v50, v16  }
0x350: {  	v4 =	vld [tilespmem:$0x1FDC0];
	vm4 =	vge.f32 v59, v23;
	(xrf1) =	vsort.dscd.msk.f32 $0xffff, v52, v1;
	v1 =	vsel vm5, v17, v55  }
0x351: {  	v21 =	vperm.xlane v51, v16;
	v53 =	vsel vm4, v59, v23;
	v18 =	vsel vm4, v60, v18  }
0x352: {  	v56, v17, _ =	vpop (xrf1);
	(xrf1) =	vsort.dscd.msk.f32 $0xffff, v53, v18;
	v18 =	vperm.xlane v19, v16;
	v19 =	vperm.xlane v54, v16  }
0x353: {  	vm6 =	vge.f32 v56, v21;
	(xrf1) =	vsort.dscd.msk.f32 $0xffff, v3, v1;
	v1, v3, _ =	vpop (xrf1)  }
0x354: {  	v17 =	vsel vm6, v17, v19;
	vm7 =	vge.f32 v1, v18  }
0x355: {  	v0 =	vsel vm6, v56, v21;
	v1 =	vsel vm7, v1, v18;
	v18 =	vperm.xlane v4, v16;
	v4 =	vld [tilespmem:$0x1FDF0];
	_ =	sdelay $0x1  }
0x356: {  	v2 =	vperm.xlane v2, v16  }
0x357: {  	v19 =	vperm.xlane v63, v16;
	(xrf1) =	vsort.dscd.msk.f32 $0xffff, v0, v17;
	v0, v17, _ =	vpop (xrf1)  }
0x358: {  	vm8 =	vge.f32 v0, v2  }
0x359: {  	v57 =	vsel vm8, v17, v19;
	v17 =	vperm.xlane v4, v16;
	v4 =	vld [tilespmem:$0x1FE00];
	_ =	sdelay $0x4  }
0x35a: {  	v19 =	vperm.xlane v4, v16;
	v4 =	vld [tilespmem:$0x1FE10]  }
0x35b: {  	v60 =	vld [tilespmem:$0x1FDD0];
	_ =	sdelay $0x1  }
0x35c: {  	v20 =	vperm.xlane v47, v16  }
0x35d: {  	vm9 =	vge.f32 v41, v18  }
0x35e: {  	v3 =	vsel vm7, v3, v20;
	v59 =	vsel vm9, v41, v18;
	v18 =	vperm.xlane v32, v16  }
0x35f: {  	(xrf1) =	vsort.dscd.msk.f32 $0xffff, v1, v3;
	v1 =	vperm.xlane v60, v16  }
0x360: {  	vm12 =	vge.f32 v36, v18;
	vm11 =	vge.f32 v38, v17  }
0x361: {  	v1 =	vsel vm9, v28, v1;
	v28 =	vsel vm11, v29, v19;
	v19 =	vsel vm12, v36, v18;
	v18 =	vld.idx.msk [tilespmem:v4+s9+$0x0], $0xffff  }
0x362: {  	v4 =	vld [tilespmem:$0x1FE20];
	_ =	sdelay $0x4  }
0x363: {  	v20 =	vperm.xlane v4, v16;
	v4 =	vld [tilespmem:$0x1FE30];
	_ =	sdelay $0x7  }
0x364: {  	v22 =	vld.idx.msk [tilespmem:v4+s9+$0x0], $0xffff  }
0x365: {  	v4 =	vld [tilespmem:$0x1FE40];
	_ =	sdelay $0x2  }
0x366: {  	v61 =	vld [tilespmem:$0x1FDE0];
	_ =	sdelay $0x1  }
0x367: {  	v58 =	vperm.xlane v35, v16;
	v20 =	vsel vm12, v4, v20;
	v4 =	vld [tilespmem:$0x1FE50]  }
0x368: {  	v23 =	vperm.xlane v39, v16  }
0x369: {  	vm10 =	vge.f32 v42, v58;
	v24 =	vsel vm11, v38, v17;
	v17 =	vperm.xlane v43, v16  }
0x36a: {  	s14 =	simm.s32 $0x8180;
	v62 =	vld.idx.msk [tilespmem:v26+s9+$0x0], $0xffff;
	v21 =	vperm.xlane v27, v16;
	vm14 =	vge.f32 v31, v23;
	v3 =	vperm.xlane v61, v16  }
0x36b: {  	v0 =	vsel vm8, v0, v2;
	v2 =	vsel vm10, v42, v58;
	vm13 =	vge.f32 v40, v17;
	[tilespmem:s14+$0xFFFFFF80] =	vst v18  }
0x36c: {  	(xrf1) =	vsort.dscd.msk.f32 $0xffff, v0, v57;
	v26 =	vsel vm13, v30, v21;
	v21 =	vperm.xlane v4, v16;
	v4 =	vld [tilespmem:$0x1FE60]  }
0x36d: {  	v3 =	vsel vm10, v37, v3;
	(xrf1) =	vsort.dscd.msk.f32 $0xffff, v59, v1;
	v29 =	vperm.xlane v44, v16  }
0x36e: {  	v0, v1, _ =	vpop (xrf1);
	v25 =	vsel vm13, v40, v17;
	v17 =	vsel vm14, v31, v23;
	v23 =	vperm.xlane v34, v16  }
0x36f: {  	s15 =	simm.s32 $0x8280;
	(xrf1) =	vsort.dscd.msk.f32 $0xffff, v2, v3;
	v32 =	vperm.xlane v1, v16;
	vm15 =	vge.f32 v46, v29  }
0x370: {  	s16 =	simm.s32 $0x8380;
	v63, v33, _ =	vpop (xrf1);
	v31 =	vperm.xlane v0, v16;
	(xrf1) =	vsort.dscd.msk.f32 $0xffff, v24, v28;
	[tilespmem:s15+$0xFFFFFF80] =	vst v22;
	v22 =	vsel vm15, v45, v23  }
0x371: {  	s17 =	simm.s32 $0x6;
	s18 =	simm.s32 $0x480;
	v27, v24, _ =	vpop (xrf1);
	[tilespmem:s16+$0xFFFFFF80] =	vst v62;
	v23 =	vperm.xlane v63, v16;
	v18 =	vsel vm14, v4, v21;
	v21 =	vsel vm15, v46, v29  }
.LBB2_4:
0x372: {  	s19 =	sadd.s32 $0xFFFFFF80, s18;
	s13 =	sadd.s32 $0x200, s13;
	v15 =	vld [tilespmem:$0x1FFB0]  }
0x373: {  	v61 =	vld [tilespmem:$0x1FFC0];
	s22 =	sand.u32 $0x7800, s13;
	s19 =	sand.u32 $0x300, s19  }
0x374: {  	v62 =	vld [tilespmem:$0x1FFD0];
	v1, v2, _ =	vpop (xrf1);
	(xrf1) =	vsort.dscd.msk.f32 $0xffff, v19, v20;
	s20 =	sor.u32 s19, s22  }
0x375: {  	(xrf1) =	vsort.dscd.msk.f32 $0xffff, v25, v26;
	v25 =	vld [tilespmem:s20+$0x10]  }
0x376: {  	v0 =	vperm.xlane v33, v16;
	v13 =	vperm.xlane v27, v16;
	v26 =	vld [tilespmem:s20+$0x20]  }
0x377: {  	v5 =	vperm.xlane v24, v16;
	vm0 =	vge.f32 v1, v23;
	v36, v20, _ =	vpop (xrf1);
	v27 =	vld [tilespmem:s20+$0x40]  }
0x378: {  	v28 =	vld [tilespmem:s20+$0x400];
	v7 =	vsel vm0, v1, v23;
	v4 =	vsel vm0, v2, v0;
	vm4 =	vge.f32 v36, v13  }
0x379: {  	v38, v37, _ =	vpop (xrf1);
	(xrf1) =	vsort.dscd.msk.f32 $0xffff, v7, v4;
	v7 =	vsel vm4, v36, v13;
	v4 =	vsel vm4, v20, v5;
	v13 =	vld [tilespmem:$0x1FFA0]  }
0x37a: {  	v0 =	vperm.xlane v38, v16;
	v19, v20, _ =	vpop (xrf1);
	(xrf1) =	vsort.dscd.msk.f32 $0xffff, v7, v4;
	v7 =	vld [tilespmem:$0x1FF90]  }
0x37b: {  	v1 =	vperm.xlane v37, v16;
	v19 =	vperm.xlane v19, v16;
	v39, v3, _ =	vpop (xrf1);
	v4 =	vld [tilespmem:$0x1FF80];
	(xrf1) =	vsort.dscd.msk.f32 $0xffff, v17, v18  }
0x37c: {  	v20 =	vperm.xlane v20, v16;
	vm5 =	vge.f32 v39, v31;
	v17 =	vld [tilespmem:s20+$0x30];
	v40, v41, _ =	vpop (xrf1);
	(xrf1) =	vsort.dscd.msk.f32 $0xffff, v21, v22  }
0x37d: {  	v18 =	vld [tilespmem:s20+$0x50];
	v23 =	vsel vm5, v39, v31;
	v24 =	vsel vm5, v3, v32;
	v21, v22, _ =	vpop (xrf1);
	(xrf1) =	vsort.dscd.msk.f32 $0xffff, v25, v15  }
0x37e: {  	v2 =	vperm.xlane v40, v16;
	v25 =	vld [tilespmem:s20+$0x60];
	vm6 =	vge.f32 v21, v0;
	(xrf1) =	vsort.dscd.msk.f32 $0xffff, v26, v13  }
0x37f: {  	v3 =	vperm.xlane v41, v16;
	v31 =	vld [tilespmem:s20+$0x410];
	v26, v30, _ =	vpop (xrf1);
	v29 =	vsel vm6, v22, v1;
	(xrf1) =	vsort.dscd.msk.f32 $0xffff, v27, v7  }
0x380: {  	v42 =	vld [tilespmem:s20+$0x70];
	v27 =	vsel vm6, v21, v0;
	vm1 =	vge.f32 v26, v19;
	v0, v21, _ =	vpop (xrf1);
	(xrf1) =	vsort.dscd.msk.f32 $0xffff, v28, v4  }
0x381: {  	v34 =	vld [tilespmem:s20+$0x450];
	v28 =	vsel vm1, v26, v19;
	v1, v22, _ =	vpop (xrf1);
	vm7 =	vge.f32 v0, v2;
	(xrf1) =	vsort.dscd.msk.f32 $0xffff, v17, v6  }
0x382: {  	v26 =	vld [tilespmem:s20+$0x430];
	v30 =	vsel vm1, v30, v20;
	v17, v43, _ =	vpop (xrf1);
	v19 =	vsel vm7, v0, v2;
	(xrf1) =	vsort.dscd.msk.f32 $0xffff, v18, v8  }
0x383: {  	v44 =	vld [tilespmem:s20+$0x420];
	v20 =	vsel vm7, v21, v3;
	v1 =	vperm.xlane v1, v16;
	v0, v2, _ =	vpop (xrf1);
	(xrf1) =	vsort.dscd.msk.f32 $0xffff, v25, v9  }
0x384: {  	v35 =	vld [tilespmem:s20+$0x470];
	v18 =	vperm.xlane v22, v16;
	v17 =	vperm.xlane v17, v16;
	v21, v22, _ =	vpop (xrf1);
	(xrf1) =	vsort.dscd.msk.f32 $0xffff, v31, v12  }
0x385: {  	v25, v45, _ =	vpop (xrf1);
	(xrf1) =	vsort.dscd.msk.f32 $0xffff, v42, v10;
	v42 =	vld [tilespmem:$0x1FFF0]  }
0x386: {  	v36 =	vld [tilespmem:s20+$0x440];
	vm8 =	vge.f32 v0, v1;
	v31 =	vperm.xlane v43, v16;
	vm9 =	vge.f32 v21, v17  }
0x387: {  	s21 =	sand.u32 $0x380, s18;
	v47 =	vld [tilespmem:s20+$0x460];
	v46 =	vperm.xlane v25, v16;
	(xrf1) =	vsort.dscd.msk.f32 $0xffff, v26, v14;
	v25 =	vsel vm8, v0, v1;
	v38, v39, _ =	vpop (xrf1)  }
0x388: {  	s31 =	sor.u32 s21, s22;
	v5 =	vld [tilespmem:$0x1FFE0];
	v26 =	vsel vm8, v2, v18;
	(xrf1) =	vsort.dscd.msk.f32 $0xffff, v34, v11;
	v48 =	vperm.xlane v38, v16  }
0x389: {  	v37 =	vld [tilespmem:s31+$0x470];
	v17 =	vsel vm9, v21, v17;
	(xrf1) =	vsort.dscd.msk.f32 $0xffff, v44, v61;
	v50 =	vperm.xlane v39, v16;
	v51, v52, _ =	vpop (xrf1)  }
0x38a: {  	v49 =	vld [tilespmem:s31+$0x70];
	v18 =	vsel vm9, v22, v31;
	v21, v22, _ =	vpop (xrf1);
	(xrf1) =	vsort.dscd.msk.f32 $0xffff, v35, v42;
	vm10 =	vge.f32 v51, v48  }
0x38b: {  	v53 =	vld [tilespmem:s31+$0x430];
	_, v34, _ =	vpop (xrf1);
	(xrf1) =	vsort.dscd.msk.f32 $0xffff, v36, v62;
	v1 =	vsel vm10, v51, v48;
	v3 =	vsel vm10, v52, v50  }
0x38c: {  	v31 =	vld [tilespmem:s31+$0x450];
	v55, v38, _ =	vpop (xrf1);
	(xrf1) =	vsort.dscd.msk.f32 $0xffff, v1, v3  }
0x38d: {  	v54 =	vld [tilespmem:s31+$0x460];
	v33, v40, _ =	vpop (xrf1);
	(xrf1) =	vsort.dscd.msk.f32 $0xffff, v47, v5  }
0x38e: {  	v57 =	vld [tilespmem:s31+$0x30];
	v32, v41, _ =	vpop (xrf1);
	(xrf1) =	vsort.dscd.msk.f32 $0xffff, v37, v42  }
0x38f: {  	v58 =	vld [tilespmem:s31+$0x50];
	v37, v42, _ =	vpop (xrf1);
	(xrf1) =	vsort.dscd.msk.f32 $0xffff, v49, v10  }
0x390: {  	v59 =	vld [tilespmem:s20+$0x0];
	v56 =	vperm.xlane v45, v16;
	vm11 =	vge.f32 v21, v46;
	v43, v44, _ =	vpop (xrf1);
	(xrf1) =	vsort.dscd.msk.f32 $0xffff, v53, v14  }
0x391: {  	v21 =	vsel vm11, v21, v46;
	v45, v46, _ =	vpop (xrf1);
	(xrf1) =	vsort.dscd.msk.f32 $0xffff, v31, v11  }
0x392: {  	v22 =	vsel vm11, v22, v56;
	v1 =	vld [tilespmem:s31+$0x60];
	v35 =	vperm.xlane v44, v16;
	v47, v48, _ =	vpop (xrf1);
	(xrf1) =	vsort.dscd.msk.f32 $0xffff, v54, v5  }
0x393: {  	v60 =	vld [tilespmem:s31+$0x410];
	v3 =	vperm.xlane v43, v16;
	v31 =	vperm.xlane v55, v16;
	v49, v50, _ =	vpop (xrf1);
	(xrf1) =	vsort.dscd.msk.f32 $0xffff, v57, v6  }
0x394: {  	v36 =	vld [tilespmem:s31+$0x420];
	v44 =	vperm.xlane v46, v16;
	v0 =	vperm.xlane v45, v16;
	v5 =	vlaneseq.u32;
	v51, v52, _ =	vpop (xrf1);
	(xrf1) =	vsort.dscd.msk.f32 $0xffff, v58, v8  }
0x395: {  	v46 =	vld [tilespmem:s31+$0x440];
	vm2 =	vge.f32 v33, v3;
	v43 =	vperm.xlane v50, v16;
	v63, v53, _ =	vpop (xrf1);
	(xrf1) =	vsort.dscd.msk.f32 $0xffff, v59, v5  }
0x396: {  	v45 =	vperm.xlane v49, v16;
	vm3 =	vge.f32 v32, v0;
	v3 =	vsel vm2, v33, v3;
	v55, v56, _ =	vpop (xrf1)  }
0x397: {  	v33 =	vsel vm2, v40, v35;
	v52 =	vperm.xlane v52, v16;
	(xrf1) =	vsort.dscd.msk.f32 $0xffff, v1, v9;
	v57, v58, _ =	vpop (xrf1)  }
0x398: {  	v0 =	vsel vm3, v32, v0;
	v1 =	vperm.xlane v51, v16;
	(xrf1) =	vsort.dscd.msk.f32 $0xffff, v60, v12;
	v59, v60, _ =	vpop (xrf1)  }
0x399: {  	(xrf1) =	vsort.dscd.msk.f32 $0xffff, v36, v61;
	v36 =	vperm.xlane v59, v16;
	v59 =	vperm.xlane v60, v16;
	v60, v61, _ =	vpop (xrf1)  }
0x39a: {  	v44 =	vsel vm3, v41, v44;
	v53 =	vperm.xlane v53, v16;
	(xrf1) =	vsort.dscd.msk.f32 $0xffff, v46, v62;
	_, v46, _ =	vpop (xrf1)  }
0x39b: {  	v2 =	vperm.xlane v63, v16;
	vm12 =	vge.f32 v37, v45;
	vm4 =	vge.f32 v47, v1;
	v62, v63, _ =	vpop (xrf1)  }
0x39c: {  	v51 =	vperm.xlane v56, v16;
	v1 =	vsel vm4, v47, v1;
	vm14 =	vge.f32 v62, v36;
	v35, v40, _ =	vpop (xrf1)  }
0x39d: {  	v34 =	vld.idx.msk [tilespmem:v34+s9+$0x0], $0xffff;
	v39 =	vperm.xlane v55, v16;
	(xrf1) =	vsort.dscd.msk.f32 $0xffff, v3, v33;
	v3, v33, _ =	vpop (xrf1);
	v36 =	vsel vm14, v62, v36  }
0x39e: {  	v54 =	vld [tilespmem:s31+$0x40];
	vm5 =	vge.f32 v57, v2;
	v52 =	vsel vm4, v48, v52;
	(xrf1) =	vsort.dscd.msk.f32 $0xffff, v0, v44;
	v0, v32, _ =	vpop (xrf1)  }
0x39f: {  	v50 =	vld [tilespmem:s31+$0x10];
	v57 =	vsel vm5, v57, v2;
	v63 =	vsel vm14, v63, v59;
	(xrf1) =	vsort.dscd.msk.f32 $0xffff, v1, v52;
	v1, v41, _ =	vpop (xrf1)  }
0x3a0: {  	v49 =	vld [tilespmem:s31+$0x20];
	vm13 =	vge.f32 v60, v39;
	v59 =	vsel vm5, v58, v53;
	(xrf1) =	vsort.dscd.msk.f32 $0xffff, v36, v63;
	v36, v44, _ =	vpop (xrf1)  }
0x3a1: {  	v56 =	vld [tilespmem:s31+$0x400];
	v60 =	vsel vm13, v60, v39;
	v61 =	vsel vm13, v61, v51;
	(xrf1) =	vsort.dscd.msk.f32 $0xffff, v57, v59;
	v2, v47, _ =	vpop (xrf1)  }
0x3a2: {  	v55 =	vld [tilespmem:s31+$0x0];
	[tilespmem:s14+$0x0] =	vst v34;
	v37 =	vsel vm12, v37, v45;
	v62 =	vsel vm12, v42, v43;
	(xrf1) =	vsort.dscd.msk.f32 $0xffff, v60, v61;
	v34, v39, _ =	vpop (xrf1)  }
0x3a3: {  	v63 =	vperm.xlane v38, v16;
	v57, v53, _ =	vpop (xrf1);
	(xrf1) =	vsort.dscd.msk.f32 $0xffff, v37, v62  }
0x3a4: {  	v35 =	vperm.xlane v35, v16;
	vm15 =	vge.f32 v57, v31;
	(xrf1) =	vsort.dscd.msk.f32 $0xffff, v50, v15  }
0x3a5: {  	v60, v59, _ =	vpop (xrf1);
	v61 =	vsel vm15, v57, v31;
	v15 =	vsel vm15, v53, v63;
	(xrf1) =	vsort.dscd.msk.f32 $0xffff, v49, v13  }
0x3a6: {  	v58 =	vperm.xlane v40, v16;
	v3 =	vperm.xlane v3, v16;
	v62, v45, _ =	vpop (xrf1);
	(xrf1) =	vsort.dscd.msk.f32 $0xffff, v61, v15  }
0x3a7: {  	v33 =	vperm.xlane v33, v16;
	v0 =	vperm.xlane v0, v16  }
0x3a8: {  	v32 =	vperm.xlane v32, v16;
	v1 =	vperm.xlane v1, v16;
	vm4 =	vge.f32 v36, v35  }
0x3a9: {  	v35 =	vsel vm4, v36, v35;
	v2 =	vperm.xlane v2, v16;
	v31, v63, _ =	vpop (xrf1);
	(xrf1) =	vsort.dscd.msk.f32 $0xffff, v54, v7  }
0x3aa: {  	v34 =	vperm.xlane v34, v16;
	v39 =	vperm.xlane v39, v16;
	v53, v52, _ =	vpop (xrf1);
	(xrf1) =	vsort.dscd.msk.f32 $0xffff, v56, v4  }
0x3ab: {  	vm5 =	vge.f32 v60, v3;
	v7 =	vsel vm4, v44, v58;
	(xrf1) =	vsort.dscd.msk.f32 $0xffff, v55, v5;
	v55, v36, _ =	vpop (xrf1)  }
0x3ac: {  	v46 =	vld.idx.msk [tilespmem:v46+s9+$0x0], $0xffff;
	v54 =	vperm.xlane v41, v16;
	vm6 =	vge.f32 v31, v0;
	(xrf1) =	vsort.dscd.msk.f32 $0xffff, v35, v7;
	v41, v43, _ =	vpop (xrf1)  }
0x3ad: {  	v3 =	vsel vm5, v60, v3;
	v40 =	vperm.xlane v62, v16;
	v0 =	vsel vm6, v31, v0;
	v31, v56, _ =	vpop (xrf1)  }
0x3ae: {  	v33 =	vsel vm5, v59, v33;
	v45 =	vperm.xlane v45, v16;
	vm7 =	vge.f32 v53, v1;
	v58, v57, _ =	vpop (xrf1)  }
0x3af: {  	v32 =	vsel vm6, v63, v32;
	v35 =	vperm.xlane v55, v16;
	v38 =	vperm.xlane v58, v16;
	v60, v59, _ =	vpop (xrf1)  }
0x3b0: {  	s14 =	smov.u32 s15;
	s15 =	smov.u32 s16;
	s16 =	sadd.s32 $0x100, s16;
	v1 =	vsel vm7, v53, v1;
	v31 =	vperm.xlane v31, v16;
	v44 =	vperm.xlane v57, v16;
	v62, v61, _ =	vpop (xrf1)  }
0x3b1: {  	[tilespmem:s16+$0xFFFFFF80] =	vst v46;
	v42 =	vperm.xlane v56, v16;
	v46 =	vperm.xlane v60, v16;
	vm9 =	vge.f32 v62, v38;
	v51, v63, _ =	vpop (xrf1)  }
0x3b2: {  	vm8 =	vge.f32 v41, v31;
	v4 =	vsel vm9, v62, v38;
	v44 =	vsel vm9, v61, v44;
	v56, v50, _ =	vpop (xrf1)  }
0x3b3: {  	v31 =	vsel vm8, v41, v31;
	v5 =	vsel vm8, v43, v42;
	(xrf1) =	vsort.dscd.msk.f32 $0xffff, v4, v44;
	v57, v58, _ =	vpop (xrf1)  }
0x3b4: {  	v49 =	vperm.xlane v59, v16;
	vm10 =	vge.f32 v51, v46;
	v60, v61, _ =	vpop (xrf1);
	(xrf1) =	vsort.dscd.msk.f32 $0xffff, v31, v5  }
0x3b5: {  	v37 =	vsel vm7, v52, v54;
	v36 =	vperm.xlane v36, v16;
	v4 =	vsel vm10, v51, v46  }
0x3b6: {  	v59 =	vsel vm10, v63, v49;
	v54 =	vperm.xlane v56, v16;
	vm11 =	vge.f32 v60, v35  }
0x3b7: {  	(xrf1) =	vsort.dscd.msk.f32 $0xffff, v4, v59;
	v62, v63, _ =	vpop (xrf1);
	v5 =	vsel vm11, v60, v35;
	v4 =	vsel vm11, v61, v36  }
0x3b8: {  	v31 =	vperm.xlane v47, v16;
	vm12 =	vge.f32 v57, v2;
	v49, v51, _ =	vpop (xrf1);
	(xrf1) =	vsort.dscd.msk.f32 $0xffff, v5, v4  }
0x3b9: {  	v2 =	vsel vm12, v57, v2;
	vm13 =	vge.f32 v62, v34;
	v52, v53, _ =	vpop (xrf1);
	(xrf1) =	vsort.dscd.msk.f32 $0xffff, v3, v33  }
0x3ba: {  	v55 =	vsel vm12, v58, v31;
	v60 =	vperm.xlane v50, v16;
	v3, v33, _ =	vpop (xrf1);
	(xrf1) =	vsort.dscd.msk.f32 $0xffff, v0, v32  }
0x3bb: {  	vm14 =	vge.f32 v49, v40;
	v56 =	vsel vm13, v62, v34;
	(xrf1) =	vsort.dscd.msk.f32 $0xffff, v1, v37  }
0x3bc: {  	s17 =	sadd.s32 $0x2, s17;
	v57 =	vsel vm13, v63, v39;
	v58 =	vsel vm14, v49, v40;
	(xrf1) =	vsort.dscd.msk.f32 $0xffff, v2, v55  }
0x3bd: {  	p0 =	slt.u32 s17, $0x7E;
	v59 =	vsel vm14, v51, v45;
	vm15 =	vge.f32 v52, v54;
	(xrf1) =	vsort.dscd.msk.f32 $0xffff, v56, v57  }
.Ltmp1:
0x3be: {  	v61 =	vsel vm15, v52, v54;
	v62 =	vsel vm15, v53, v60;
	(xrf1) =	vsort.dscd.msk.f32 $0xffff, v58, v59;
	(pc) =	sbr.rel @p0 .LBB2_4-.Ltmp1, $4  }
0x3bf: {  	(xrf1) =	vsort.dscd.msk.f32 $0xffff, v61, v62  }
0x3c0: {  	(xrf1) =	vsort.dscd.msk.f32 $0xffff, v23, v24  }
0x3c1: {  	v32 =	vperm.xlane v33, v16;
	v63, v33, _ =	vpop (xrf1);
	(xrf1) =	vsort.dscd.msk.f32 $0xffff, v27, v29  }
0x3c2: {  	s18 =	sadd.s32 $0x100, s18;
	v31 =	vperm.xlane v3, v16;
	v23 =	vperm.xlane v63, v16;
	v27, v24, _ =	vpop (xrf1);
	(xrf1) =	vsort.dscd.msk.f32 $0xffff, v28, v30  }
0x3c3: {  	_ =	sdelay $0x1  }
0x3c4: {  	v0 =	vperm.xlane v33, v16;
	v1, v2, _ =	vpop (xrf1)  }
0x3c5: {  	v3 =	vperm.xlane v27, v16;
	vm0 =	vge.f32 v1, v23  }
0x3c6: {  	(xrf1) =	vsort.dscd.msk.f32 $0xffff, v19, v20;
	v19 =	vperm.xlane v24, v16;
	v0 =	vsel vm0, v2, v0;
	v2, v51, _ =	vpop (xrf1)  }
0x3c7: {  	(xrf1) =	vsort.dscd.msk.f32 $0xffff, v25, v26;
	v1 =	vsel vm0, v1, v23;
	vm4 =	vge.f32 v2, v3  }
0x3c8: {  	(xrf1) =	vsort.dscd.msk.f32 $0xffff, v1, v0;
	v1 =	vsel vm4, v51, v19  }
0x3c9: {  	v0 =	vsel vm4, v2, v3;
	_ =	sdelay $0x1  }
0x3ca: {  	v2, v3, _ =	vpop (xrf1);
	(xrf1) =	vsort.dscd.msk.f32 $0xffff, v0, v1  }
0x3cb: {  	v0, v1, _ =	vpop (xrf1)  }
0x3cc: {  	v19, v20, _ =	vpop (xrf1)  }
0x3cd: {  	v53, v52, _ =	vpop (xrf1)  }
0x3ce: {  	v25, v26, _ =	vpop (xrf1)  }
0x3cf: {  	v54, v28, _ =	vpop (xrf1)  }
0x3d0: {  	v29, v30, _ =	vpop (xrf1)  }
0x3d1: {  	v55, v34, _ =	vpop (xrf1)  }
0x3d2: {  	v35, v36, _ =	vpop (xrf1)  }
0x3d3: {  	v37, v38, _ =	vpop (xrf1)  }
0x3d4: {  	v39, v40, _ =	vpop (xrf1)  }
0x3d5: {  	v2 =	vperm.xlane v2, v16;
	v3 =	vperm.xlane v3, v16;
	v41, v42, _ =	vpop (xrf1)  }
0x3d6: {  	v0 =	vperm.xlane v0, v16;
	v1 =	vperm.xlane v1, v16;
	v43, v44, _ =	vpop (xrf1)  }
0x3d7: {  	vm6 =	vge.f32 v19, v31;
	vm7 =	vge.f32 v25, v2;
	v43 =	vperm.xlane v43, v16  }
0x3d8: {  	v2 =	vsel vm7, v25, v2;
	v3 =	vsel vm7, v26, v3;
	v44 =	vperm.xlane v44, v16;
	v45, v46, _ =	vpop (xrf1)  }
0x3d9: {  	vm8 =	vge.f32 v54, v0;
	(xrf1) =	vsort.dscd.msk.f32 $0xffff, v17, v18;
	vm5 =	vge.f32 v45, v43  }
0x3da: {  	(xrf1) =	vsort.dscd.msk.f32 $0xffff, v21, v22;
	v17 =	vsel vm5, v45, v43;
	v18 =	vsel vm5, v46, v44  }
0x3db: {  	(xrf1) =	vsort.dscd.msk.f32 $0xffff, v17, v18;
	v17 =	vsel vm6, v19, v31;
	v18 =	vsel vm6, v20, v32  }
0x3dc: {  	v0 =	vsel vm8, v54, v0;
	(xrf1) =	vsort.dscd.msk.f32 $0xffff, v17, v18;
	v17 =	vperm.xlane v53, v16  }
0x3dd: {  	v1 =	vsel vm8, v28, v1;
	v18 =	vperm.xlane v52, v16;
	(xrf1) =	vsort.dscd.msk.f32 $0xffff, v2, v3  }
0x3de: {  	vm9 =	vge.f32 v29, v17;
	(xrf1) =	vsort.dscd.msk.f32 $0xffff, v0, v1  }
0x3df: {  	v0 =	vsel vm9, v29, v17;
	v1 =	vsel vm9, v30, v18  }
0x3e0: {  	(xrf1) =	vsort.dscd.msk.f32 $0xffff, v0, v1;
	_ =	sdelay $0x3  }
0x3e1: {  	v0 =	vperm.xlane v55, v16  }
0x3e2: {  	v2 =	vperm.xlane v34, v16;
	v1 =	vperm.xlane v35, v16  }
0x3e3: {  	v3 =	vperm.xlane v36, v16;
	vm10 =	vge.f32 v37, v0  }
0x3e4: {  	v19 =	vperm.xlane v41, v16;
	vm1 =	vge.f32 v39, v1;
	v2 =	vsel vm10, v38, v2;
	v17, v18, _ =	vpop (xrf1)  }
0x3e5: {  	v58 =	vperm.xlane v42, v16;
	v0 =	vsel vm10, v37, v0;
	v3 =	vsel vm1, v40, v3;
	_, v56, _ =	vpop (xrf1)  }
0x3e6: {  	v1 =	vsel vm1, v39, v1;
	vm11 =	vge.f32 v17, v19;
	_, v57, _ =	vpop (xrf1)  }
0x3e7: {  	v18 =	vsel vm11, v18, v58;
	v59, v60, _ =	vpop (xrf1)  }
0x3e8: {  	(xrf1) =	vsort.dscd.msk.f32 $0xffff, v0, v2;
	v17 =	vsel vm11, v17, v19;
	v0, v2, _ =	vpop (xrf1);
	v19 =	vperm.xlane v59, v16  }
0x3e9: {  	(xrf1) =	vsort.dscd.msk.f32 $0xffff, v1, v3;
	v61 =	vperm.xlane v60, v16;
	v1, v3, _ =	vpop (xrf1)  }
0x3ea: {  	(xrf1) =	vsort.dscd.msk.f32 $0xffff, v17, v18;
	v0 =	vperm.xlane v0, v16;
	vm12 =	vge.f32 v1, v19  }
0x3eb: {  	v2 =	vperm.xlane v2, v16;
	v17, v18, _ =	vpop (xrf1);
	v1 =	vsel vm12, v1, v19;
	v3 =	vsel vm12, v3, v61  }
0x3ec: {  	vm13 =	vge.f32 v17, v0;
	(xrf1) =	vsort.dscd.msk.f32 $0xffff, v1, v3  }
0x3ed: {  	v0 =	vsel vm13, v17, v0;
	v1 =	vsel vm13, v18, v2  }
0x3ee: {  	(xrf1) =	vsort.dscd.msk.f32 $0xffff, v0, v1;
	_ =	sdelay $0x8  }
0x3ef: {  	v0, v1, _ =	vpop (xrf1)  }
0x3f0: {  	v2, v3, _ =	vpop (xrf1)  }
0x3f1: {  	_, v17, _ =	vpop (xrf1)  }
0x3f2: {  	v0 =	vperm.xlane v0, v16;
	v18, v19, _ =	vpop (xrf1)  }
0x3f3: {  	v1 =	vperm.xlane v1, v16;
	v18 =	vperm.xlane v18, v16  }
0x3f4: {  	vm14 =	vge.f32 v2, v0;
	v19 =	vperm.xlane v19, v16;
	v63, v62, _ =	vpop (xrf1)  }
0x3f5: {  	v0 =	vsel vm14, v2, v0;
	v1 =	vsel vm14, v3, v1;
	vm15 =	vge.f32 v63, v18  }
0x3f6: {  	(xrf1) =	vsort.dscd.msk.f32 $0xffff, v0, v1;
	v0 =	vsel vm15, v63, v18;
	v1 =	vsel vm15, v62, v19  }
0x3f7: {  	(xrf1) =	vsort.dscd.msk.f32 $0xffff, v0, v1;
	_ =	sdelay $0xc  }
0x3f8: {  	_, v0, _ =	vpop (xrf1)  }
0x3f9: {  	v3 =	vld.idx.msk [tilespmem:v57+s9+$0x0], $0xffff;
	_, v2, _ =	vpop (xrf1)  }
0x3fa: {  	v17 =	vld.idx.msk [tilespmem:v17+s9+$0x0], $0xffff  }
0x3fb: {  	v1 =	vld.idx.msk [tilespmem:v56+s9+$0x0], $0xffff  }
0x3fc: {  	v0 =	vld.idx.msk [tilespmem:v0+s9+$0x0], $0xffff  }
0x3fd: {  	s13 =	sadd.s32 $0x100, s16;
	v2 =	vld.idx.msk [tilespmem:v2+s9+$0x0], $0xffff  }
0x3fe: {  	[tilespmem:s13+$0xFFFFFF80] =	vst v3  }
0x3ff: {  	[tilespmem:s15+$0x0] =	vst v17  }
0x400: {  	[tilespmem:s14+$0x0] =	vst v1  }
0x401: {  	[tilespmem:s16+$0x0] =	vst v0  }
0x402: {  	[tilespmem:s13+$0x0] =	vst v2  }
0x403: {  	[hbm4b:s7+s2] =	stream.linear.scatter [tilespmem:s11], [sflag:$0x1], $0x4000, $0x38;
	[tilespmem:$0xC100] =	vst v63  }
0x404: {  	_ =	swait.ge [sflag:s10], $0x4000  }
0x405: {  	v4 =	vld [tilespmem:$0x1FFB0]  }
0x406: {  	s12 =	sadd.s32 $0x1, s12;
	v3 =	vld [tilespmem:$0x1FFA0]  }
0x407: {  	p0 =	sne.s32 s12, s8;
	v2 =	vld [tilespmem:$0x1FF90]  }
.Ltmp2:
0x408: {  	v1 =	vld [tilespmem:$0x1FF80];
	(pc) =	sbr.rel @p0 .LBB2_1-.Ltmp2, $4  }
0x409: {  	v15 =	vld [tilespmem:$0x1FFC0]  }
0x40a: {  	v5 =	vld [tilespmem:$0x1FFD0]  }
0x40b: {  	[sflag:s10] =	ssyncset.done $0x0;
	v7 =	vld [tilespmem:$0x1FFE0]  }
0x40c: {  	v0 =	vlaneseq.u32;
	v13 =	vld [tilespmem:$0x1FFF0];
	[sflag:s10] =	ssyncadd.s32 $0xFFFFC000  }
0x40d: {  	_ =	sfence.sel $0x180000  }
0x40e: {  	[bflag:$0x0] =	sbarrier.arrive $0xFFFF  }
0x40f: {  	p0 =	sne.s32 s1, $0x0;
	_ =	strace $0x9000004A  }
0x410: {  	s0 =	sadd.s32 @!p0 $0x100000, s0;
	[bflag:$0x2] =	sbarrier.arrive $0xFFFF  }
0x411: {  	[sflag:s0] =	ssyncadd.tile.s32 @!p0 $0x1;
	_ =	shalt  }
.Lfunc_end2:
_tile_overlayer_lowered:
.L_overlay_start_2:
0x412: {  	(tag) =	ssettag $0x2  }
0x413: {  	s0 =	rddreg [dreg:$0x0];
	s2 =	stileid.u32  }
0x414: {  	s1 =	rddreg [dreg:$0x1];
	p0 =	sne.s32 s2, $0x0  }
0x415: {  	s3 =	rddreg [dreg:$0x2];
	[bflag:$0x3] =	sbarrier.arrive $0xFFFF;
	s2 =	simm.s32 @!p0 $0x1C01  }
0x416: {  	[timem:s3], [sflag:s2] =	dma.local @!p0 [hbm:s0], s1  }
0x417: {  	s0 =	simm.s32 @!p0 $0x1  }
0x418: {  	_ =	swait.ge @!p0 [sflag:s0], s1  }
0x419: {  	s1 =	ssub.s32 @!p0 $0x0, s1;
	[sflag:s0] =	ssyncset.done @!p0 $0x0  }
0x41a: {  	[sflag:s0] =	ssyncadd.s32 @!p0 s1  }
0x41b: {  	[bflag:$0x3] =	sbarrier.arrive $0xFFFF  }
0x41c: {  	_ =	shalt  }

// kernel: kernel.7.cloned.1.call-start
scs
__scs_entry_jumppad:
0x0: {  	(pc) =	sbr.rel $0x88, $3  }
0x1: {  	(tag) =	ssettag $0x0;
	lr =	simm.s32 $0x1  }
0x2: {  	[smem:$0x3F9D] =	sst lr;
	_ =	strace $0xD0000000  }
0x3: {  	_ = 	snop  }
0x4: {  	_ = 	snop  }
0x5: {  	_ = 	snop  }
0x6: {  	_ = 	snop  }
0x7: {  	_ = 	snop  }
__scs_overlays_trampoline_lowered:
0x8: {  	[smem:$0x3FAC] =	sst s0  }
0x9: {  	[smem:$0x3FAD] =	sst s1  }
0xa: {  	[smem:$0x3FAE] =	sst s2  }
0xb: {  	[smem:$0x3FAF] =	sst s3  }
0xc: {  	[smem:$0x3FB0] =	sst s4  }
0xd: {  	[smem:$0x3FB1] =	sst s5  }
0xe: {  	[smem:$0x3FB2] =	sst s6  }
0xf: {  	[smem:$0x3FB3] =	sst s7  }
0x10: {  	[smem:$0x3FB4] =	sst s8  }
0x11: {  	[smem:$0x3FB5] =	sst s9;
	s0 =	simm.s32 @!p0 $0x0  }
0x12: {  	s1 =	sld [smem:$0x3F9B];
	s0 =	simm.s32 @p0 $0x1  }
0x13: {  	[smem:$0x3FB6] =	sst s0;
	s0 =	simm.s32 @!p1 $0x0  }
0x14: {  	s2 =	sld [smem:$0x3F9A];
	s0 =	simm.s32 @p1 $0x1  }
0x15: {  	[smem:$0x3FB7] =	sst s0;
	s0 =	simm.s32 @!p2 $0x0  }
0x16: {  	s3 =	sld [smem:$0x3FDB];
	s0 =	simm.s32 @p2 $0x1  }
0x17: {  	s4 =	simm.s32 $0x1BF5;
	[smem:$0x3FB9] =	sst s0  }
0x18: {  	s0 =	sld [smem:$0x3F9C];
	_ =	swait.ge [sflag:s4], $0x0  }
0x19: {  	s7 =	sld [smem:$0x3F9D]  }
0x1a: {  	s8 =	sadd.s32 $0xFFFFE003, lr  }
0x1b: {  	s9 =	sadd.s32 $0xFFFFFEF7, lr;
	s5 =	simm.s32 $0xFFFFFFFF;
	p2 =	slt.u32 s8, $0xFFFFF086  }
0x1c: {  	p1 =	slt.u32 s9, $0xF7A;
	s5 =	simm.s32 @!p2 $0x0  }
0x1d: {  	s5 =	simm.s32 @p1 $0x1;
	p0 =	seq.s32 s7, s2  }
0x1e: {  	s7 =	smul.u32 @!p0 $0xF7A, s2;
	p2 =	seq.s32 @!p0 s5, $0x0  }
0x1f: {  	s9 =	smul.u32 $0xF7A, s1;
	s8 =	simm.s32 @!p0 $0x1BF5;
	p2 =	por !p2, p0  }
0x20: {  	[sflag:s8] =	ssyncset.s32 @!p0 $0xFFFFF086;
	s6 =	sadd.s32 @!p0 s3, s7;
	s7 =	simm.s32 @!p0 $0x108  }
0x21: {  	s3 =	sadd.s32 s3, s9;
	s6 =	sadd.s32 @!p0 $0x88, s6;
	s7 =	simm.s32 @p2 $0x1082  }
0x22: {  	[simem:s7], [sflag:s8] =	dma.local @!p0 [hbm:s6], $0xF7A  }
0x23: {  	s9 =	sor.u32 $0xD0000000, s2;
	s6 =	simm.s32 $0x108;
	_ =	swait.ge @!p0 [sflag:s8], $0x0  }
0x24: {  	s3 =	sadd.s32 $0x88, s3;
	s6 =	simm.s32 @!p1 $0x1082;
	[sflag:s4] =	ssyncset.s32 $0xFFFFF086  }
0x25: {  	[simem:s6], [sflag:s4] =	dma.local [hbm:s3], $0xF7A  }
0x26: {  	[smem:$0x3F9D] =	sst s1;
	(tag) =	ssettag s2;
	_ =	strace s9  }
0x27: {  	s1 =	sld [smem:$0x3FAD]  }
0x28: {  	s2 =	sld [smem:$0x3FAE]  }
0x29: {  	s4 =	sld [smem:$0x3FB0]  }
0x2a: {  	p0 =	seq.s32 s5, $0x0;
	s5 =	sld [smem:$0x3FB1]  }
0x2b: {  	s6 =	sld [smem:$0x3FB2]  }
0x2c: {  	s7 =	sld [smem:$0x3FB3]  }
0x2d: {  	s3 =	simm.s32 $0x108;
	s8 =	sld [smem:$0x3FB4]  }
0x2e: {  	s3 =	simm.s32 @!p0 $0x1082;
	s9 =	sld [smem:$0x3FB5]  }
0x2f: {  	lr =	sadd.s32 s0, s3;
	s0 =	sld [smem:$0x3FAC]  }
0x30: {  	s3 =	sld [smem:$0x3FAF]  }
0x31: {  	[smem:$0x3FB8] =	sst s10  }
0x32: {  	s10 =	sld [smem:$0x3FB6];
	_ =	sdelay $0x3  }
0x33: {  	p0 =	seq.s32 s10, $0x1;
	s10 =	sld [smem:$0x3FB8];
	_ =	sdelay $0x3  }
0x34: {  	[smem:$0x3FB8] =	sst s10  }
0x35: {  	s10 =	sld [smem:$0x3FB7];
	_ =	sdelay $0x3  }
0x36: {  	p1 =	seq.s32 s10, $0x1;
	s10 =	sld [smem:$0x3FB8];
	_ =	sdelay $0x3  }
0x37: {  	[smem:$0x3FB8] =	sst s10  }
0x38: {  	s10 =	sld [smem:$0x3FB9]  }
0x39: {  	_ = 	snop;
	(pc) =	sbr.ind lr, $3  }
0x3a: {  	_ = 	snop  }
0x3b: {  	_ = 	snop  }
0x3c: {  	p2 =	seq.s32 s10, $0x1;
	s10 =	sld [smem:$0x3FB8]  }
0x3d: {  	_ =	shalt  }
0x3e: {  	_ =	shalt  }
0x3f: {  	_ =	shalt  }
0x40: {  	_ =	shalt  }
0x41: {  	_ =	shalt  }
0x42: {  	_ =	shalt  }
0x43: {  	_ =	shalt  }
0x44: {  	_ =	shalt  }
0x45: {  	_ =	shalt  }
0x46: {  	_ =	shalt  }
0x47: {  	_ =	shalt  }
0x48: {  	_ =	shalt  }
0x49: {  	_ =	shalt  }
0x4a: {  	_ =	shalt  }
0x4b: {  	_ =	shalt  }
0x4c: {  	_ =	shalt  }
0x4d: {  	_ =	shalt  }
0x4e: {  	_ =	shalt  }
0x4f: {  	_ =	shalt  }
0x50: {  	_ =	shalt  }
0x51: {  	_ =	shalt  }
0x52: {  	_ =	shalt  }
0x53: {  	_ =	shalt  }
0x54: {  	_ =	shalt  }
0x55: {  	_ =	shalt  }
0x56: {  	_ =	shalt  }
0x57: {  	_ =	shalt  }
0x58: {  	_ =	shalt  }
0x59: {  	_ =	shalt  }
0x5a: {  	_ =	shalt  }
0x5b: {  	_ =	shalt  }
0x5c: {  	_ =	shalt  }
0x5d: {  	_ =	shalt  }
0x5e: {  	_ =	shalt  }
0x5f: {  	_ =	shalt  }
0x60: {  	_ =	shalt  }
0x61: {  	_ =	shalt  }
0x62: {  	_ =	shalt  }
0x63: {  	_ =	shalt  }
0x64: {  	_ =	shalt  }
0x65: {  	_ =	shalt  }
0x66: {  	_ =	shalt  }
0x67: {  	_ =	shalt  }
0x68: {  	_ =	shalt  }
0x69: {  	_ =	shalt  }
0x6a: {  	_ =	shalt  }
0x6b: {  	_ =	shalt  }
0x6c: {  	_ =	shalt  }
0x6d: {  	_ =	shalt  }
0x6e: {  	_ =	shalt  }
0x6f: {  	_ =	shalt  }
0x70: {  	_ =	shalt  }
0x71: {  	_ =	shalt  }
0x72: {  	_ =	shalt  }
0x73: {  	_ =	shalt  }
0x74: {  	_ =	shalt  }
0x75: {  	_ =	shalt  }
0x76: {  	_ =	shalt  }
0x77: {  	_ =	shalt  }
0x78: {  	_ =	shalt  }
0x79: {  	_ =	shalt  }
0x7a: {  	_ =	shalt  }
0x7b: {  	_ =	shalt  }
0x7c: {  	_ =	shalt  }
0x7d: {  	_ =	shalt  }
0x7e: {  	_ =	shalt  }
0x7f: {  	_ =	shalt  }
0x80: {  	_ =	shalt  }
0x81: {  	_ =	shalt  }
0x82: {  	_ =	shalt  }
0x83: {  	_ =	shalt  }
0x84: {  	_ =	shalt  }
0x85: {  	_ =	shalt  }
0x86: {  	_ =	shalt  }
0x87: {  	_ =	shalt  }
.Lfunc_end0:
.L_simem_size_0:
called_computation_lowered:
.L_overlay_start_0:
0x88: {  	s2 =	sld [smem:$0x3FD9]  }
0x89: {  	s3 =	sld [smem:$0x3FFE];
	_ =	sdelay $0x1  }
0x8a: {  	s1 =	srdreg.scid  }
0x8b: {  	s0 =	sand.u32 $0x1, s1  }
0x8c: {  	s17 =	sshll.u32 s0, $0xA;
	s2 =	sadd.s32 s3, s2  }
0x8d: {  	s2 =	sadd.s32 s2, s17  }
0x8e: {  	[smem:$0x3FC4] =	sst s2  }
0x8f: {  	_ = 	snop  }
0x90: {  	s2 =	sld [smem:$0x3FD0];
	(tm) =	ssettm $0x1  }
0x91: {  	s18 =	sld [smem:$0x3FFB];
	_ =	sdelay $0x3  }
0x92: {  	_ =	strace s18  }
0x93: {  	s3 =	sld [smem:$0x3FFC];
	_ =	sdelay $0x3  }
0x94: {  	_ =	strace s3  }
0x95: {  	s3 =	sld [smem:$0x3FFD];
	_ =	sdelay $0x3  }
0x96: {  	_ =	strace s3  }
0x97: {  	_ =	strace $0x8FFFFFFF  }
0x98: {  	s19 =	sld [smem:$0x3FDB];
	_ =	sdelay $0x1  }
0x99: {  	s4 =	simm.s32 $_scs_section_size  }
0x9a: {  	s5 =	simm.s32 $_size__tile_overlayer_lowered;
	s6 =	simm.s32 $_tile_overlayer_lowered  }
0x9b: {  	s22 =	simm.s32 $0x1BFF;
	s21 =	sshll.u32 s6, $0x1;
	s3 =	sadd.s32 s4, s19  }
0x9c: {  	s7 =	simm.s32 $0x0;
	s20 =	sshll.u32 s5, $0x1;
	s5 =	sadd.s32 s21, s3  }
0x9d: {  	[timem:s7], [sflag:s22] =	dma.local [hbm:s5], s20  }
0x9e: {  	_ =	swait.ge [sflag:s22], s20  }
0x9f: {  	s4 =	ssub.s32 $0x0, s20;
	[sflag:s22] =	ssyncset.done $0x0  }
0xa0: {  	[sflag:s22] =	ssyncadd.s32 s4;
	_ =	sdelay $0x1  }
0xa1: {  	s23 =	simm.s32 $0x1B8B  }
0xa2: {  	_ =	swait.ge [sflag:s23], $0x1  }
0xa3: {  	[sflag:s23] =	ssyncset.done $0x0  }
0xa4: {  	s25 =	simm.s32 $0x1B8E;
	s24 =	sld [smem:$0x3FFE];
	[sflag:s23] =	ssyncadd.s32 $0xFFFFFFFF  }
0xa5: {  	s26 =	simm.s32 $execute0_lowered;
	[smem:$0x3FD2] =	sst s25  }
0xa6: {  	s5 =	sshll.u32 s26, $0x1;
	_ =	strace $0x80000046;
	[dreg:$0x1] =	wrdreg $0xFFFFFFFF  }
0xa7: {  	s28 =	simm.s32 $_size_execute0_lowered;
	s3 =	sadd.s32 s3, s5;
	[dreg:$0x0] =	wrdreg $0x0  }
0xa8: {  	s5 =	sshll.u32 s28, $0x1;
	[dreg:$0x2] =	wrdreg s3  }
0xa9: {  	[dreg:$0x3] =	wrdreg s5  }
0xaa: {  	[dreg:$0x4] =	wrdreg $0xC0  }
0xab: {  	_ =	task [dreg:s7], $0x5FFFF  }
0xac: {  	[dreg:$0x1] =	wrdreg $0xFFFFFFFF  }
0xad: {  	[dreg:$0x0] =	wrdreg $0x60  }
0xae: {  	[dreg:$0x2] =	wrdreg s24  }
0xaf: {  	[dreg:$0x3] =	wrdreg s2  }
0xb0: {  	[dreg:$0x4] =	wrdreg $0x9  }
0xb1: {  	_ =	task.clear_ibuf [dreg:s7], $0x5FFFF;
	_ =	strace $0x90000046  }
0xb2: {  	s29 =	simm.s32 $0x9;
	_ =	strace $0x80000048  }
0xb3: {  	_ =	swait.ge [sflag:s29], $0x1  }
0xb4: {  	[sflag:s29] =	ssyncadd.s32 $0xFFFFFFFF  }
0xb5: {  	_ =	strace $0x90000048  }
0xb6: {  	_ =	sfence  }
0xb7: {  	s30 =	sld [smem:$0x0];
	_ =	sdelay $0x2  }
0xb8: {  	s31 =	sshll.u32 s1, $0xD;
	s1 =	sshrl.u32 s1, $0x2  }
0xb9: {  	s3 =	sand.u32 $0x4000, s31;
	s1 =	sadd.s32 s1, s30  }
0xba: {  	s0 =	sor.u32 s3, s0;
	s1 =	sshll.u32 s1, $0x11  }
0xbb: {  	s0 =	sor.u32 s1, s0  }
0xbc: {  	s0 =	sadd.s32 $0x8F2B, s0  }
0xbd: {  	[sflag:s0] =	ssyncadd.remote.s32 $0x1  }
0xbe: {  	_ =	sfence.sel $0xFFFF  }
0xbf: {  	[dreg:$0x0] =	wrdreg $0xFFFFFFFF;
	(pc) =	sbr.abs _section_cstart, $3  }
0xc0: {  	[dreg:$0x1] =	wrdreg $0xFFFFFFFF  }
0xc1: {  	_ =	task.clear_ibuf [dreg:s7], $0x2FFFF;
	_ =	strace $0x9FFFFFFF  }
0xc2: {  	(tm) =	ssettm $0x7FFFFFFF  }
0xc3: {  	_ =	shalt  }
tec
execute0_lowered:
.L_overlay_start_1:
0x0: {  	(tag) =	ssettag $0x1  }
0x1: {  	s3 =	rddreg [dreg:$0x0]  }
0x2: {  	s4 =	rddreg [dreg:$0x1]  }
0x3: {  	s0 =	rddreg [dreg:$0x2]  }
0x4: {  	s2 =	simm.s32 $0x0;
	s5 =	srdreg.scid;
	s1 =	stileid.u32;
	v0 =	vlaneseq.u32  }
0x5: {  	s11 =	simm.s32 $0x8100;
	s12 =	simm.s32 $0x0;
	[smem:$0x7FF] =	sst s2;
	v1 =	vor.u32 $0x80, v0  }
0x6: {  	s5 =	sand.u32 $0x1, s5;
	s7 =	sshll.u32 s1, $0x9;
	v2 =	vor.u32 $0x40, v0;
	_ =	strace $0x80000047;
	[tilespmem:$0x1FF80] =	vst v1  }
0x7: {  	s8 =	sadd.s32 $0x2000, s3;
	v3 =	vor.u32 $0x20, v0;
	s6 =	ssub.s32 $0x2, s5;
	s5 =	sshll.u32 s5, $0x8;
	[tilespmem:$0x1FF90] =	vst v2  }
0x8: {  	s28 =	sadd.s32 $0x42000, s3;
	v4 =	vor.u32 $0x10, v0;
	[tilespmem:$0x1FFA0] =	vst v3;
	s9 =	sshrl.u32 s6, $0x1;
	s5 =	sor.u32 s5, s7  }
0x9: {  	v15 =	vor.u32 $0xA0, v0;
	[tilespmem:$0x1FFB0] =	vst v4;
	s9 =	ssub.s32 s6, s9;
	s29 =	sshrl.u32 s5, $0x3;
	s30 =	sshll.u32 s5, $0x5  }
0xa: {  	v6 =	vor.u32 $0x30, v0;
	v8 =	vor.u32 $0x50, v0;
	v5 =	vor.u32 $0xC0, v0;
	[tilespmem:$0x1FFC0] =	vst v15;
	s5 =	sshll.u32 s5, $0x4;
	s3 =	sadd.s32 s4, s29;
	s10 =	sor.u32 $0x10, s29  }
0xb: {  	v9 =	vor.u32 $0x60, v0;
	v16 =	vmul.u32 $0xFFFFFFFF, v0;
	v7 =	vor.u32 $0xE0, v0;
	[tilespmem:$0x1FFD0] =	vst v5;
	s4 =	sadd.s32 s8, s30;
	s5 =	sadd.s32 s28, s5;
	s6 =	sshll.u32 s10, $0x8  }
0xc: {  	v10 =	vor.u32 $0x70, v0;
	v12 =	vor.u32 $0x90, v0;
	v13 =	vor.u32 $0xF0, v0;
	[tilespmem:$0x1FFE0] =	vst v7;
	s31 =	sshll.u32 s10, $0x7;
	s10 =	simm.s32 $0x1;
	s6 =	sadd.s32 s8, s6  }
0xd: {  	v14 =	vor.u32 $0xB0, v0;
	v11 =	vor.u32 $0xD0, v0;
	[tilespmem:$0x1FFF0] =	vst v13;
	v16 =	vadd.s32 $0xF, v16;
	s7 =	sadd.s32 s28, s31;
	s8 =	smax.u32 s9, $0x1;
	s9 =	simm.s32 $0x8000  }
.LBB2_1:
0xe: {  	[tilespmem:s9], [sflag:$0x1] =	stream.linear.gather [hbm4b:s3+s2], $0x100, $0x38;
	[tilespmem:$0xC100] =	vst v63  }
0xf: {  	_ =	swait.ge [sflag:s10], $0x100  }
0x10: {  	[sflag:s10] =	ssyncset.done $0x0  }
0x11: {  	[sflag:s10] =	ssyncadd.s32 $0xFFFFFF00  }
0x12: {  	[tilespmem:s2], [sflag:$0x1] =	stream.linear.gather [hbm4b:s4+s2], $0x8000, $0x38;
	[tilespmem:$0xC100] =	vst v63  }
0x13: {  	s13 =	simm.s32 $0x0;
	_ =	swait.ge [sflag:s10], $0x8000  }
0x14: {  	s14 =	sand.u32 $0x7800, s2;
	s13 =	sand.u32 $0x300, s13;
	[sflag:s10] =	ssyncset.done $0x0  }
0x15: {  	s15 =	sor.u32 s13, s14;
	[sflag:s10] =	ssyncadd.s32 $0xFFFF8000  }
0x16: {  	v17 =	vld [tilespmem:s15+$0x10]  }
0x17: {  	v18 =	vld [tilespmem:s15+$0x20]  }
0x18: {  	v19 =	vld [tilespmem:s15+$0x40]  }
0x19: {  	v20 =	vld [tilespmem:s15+$0x400]  }
0x1a: {  	v21 =	vld [tilespmem:s15+$0x30]  }
0x1b: {  	v22 =	vld [tilespmem:s15+$0x50];
	(xrf1) =	vsort.dscd.msk.f32 $0xffff, v17, v4  }
0x1c: {  	v17 =	vld [tilespmem:s15+$0x60];
	(xrf1) =	vsort.dscd.msk.f32 $0xffff, v18, v3  }
0x1d: {  	v18 =	vld [tilespmem:s15+$0x410];
	(xrf1) =	vsort.dscd.msk.f32 $0xffff, v19, v2  }
0x1e: {  	v19 =	vld [tilespmem:s15+$0x70];
	(xrf1) =	vsort.dscd.msk.f32 $0xffff, v20, v1  }
0x1f: {  	v20 =	vld [tilespmem:s15+$0x430];
	(xrf1) =	vsort.dscd.msk.f32 $0xffff, v21, v6  }
0x20: {  	v21 =	vld [tilespmem:s15+$0x450];
	(xrf1) =	vsort.dscd.msk.f32 $0xffff, v22, v8  }
0x21: {  	v22 =	vld [tilespmem:s15+$0x420];
	(xrf1) =	vsort.dscd.msk.f32 $0xffff, v17, v9  }
0x22: {  	(xrf1) =	vsort.dscd.msk.f32 $0xffff, v18, v12  }
0x23: {  	s19 =	simm.s32 $0x80;
	v17 =	vld [tilespmem:s15+$0x470];
	(xrf1) =	vsort.dscd.msk.f32 $0xffff, v19, v10  }
0x24: {  	s13 =	sand.u32 $0x380, s19;
	v18 =	vld [tilespmem:s15+$0x440];
	(xrf1) =	vsort.dscd.msk.f32 $0xffff, v20, v14  }
0x25: {  	s13 =	sor.u32 s13, s14;
	v19 =	vld [tilespmem:s15+$0x460];
	(xrf1) =	vsort.dscd.msk.f32 $0xffff, v21, v11  }
0x26: {  	v20 =	vld [tilespmem:s13+$0x470];
	(xrf1) =	vsort.dscd.msk.f32 $0xffff, v22, v15  }
0x27: {  	v21 =	vld [tilespmem:s13+$0x70]  }
0x28: {  	(xrf1) =	vsort.dscd.msk.f32 $0xffff, v17, v13;
	v17 =	vld [tilespmem:s13+$0x430]  }
0x29: {  	(xrf1) =	vsort.dscd.msk.f32 $0xffff, v18, v5;
	v18 =	vld [tilespmem:s13+$0x450];
	v22, v23, _ =	vpop (xrf1)  }
0x2a: {  	(xrf1) =	vsort.dscd.msk.f32 $0xffff, v19, v7;
	v19 =	vld [tilespmem:s13+$0x460];
	v24, v25, _ =	vpop (xrf1)  }
0x2b: {  	v26 =	vld [tilespmem:s13+$0x30];
	v27, v28, _ =	vpop (xrf1);
	(xrf1) =	vsort.dscd.msk.f32 $0xffff, v20, v13  }
0x2c: {  	v20 =	vld [tilespmem:s13+$0x50];
	v29, v30, _ =	vpop (xrf1);
	(xrf1) =	vsort.dscd.msk.f32 $0xffff, v21, v10  }
0x2d: {  	v21 =	vld [tilespmem:s15+$0x0];
	v31, v32, _ =	vpop (xrf1);
	(xrf1) =	vsort.dscd.msk.f32 $0xffff, v17, v14  }
0x2e: {  	v17 =	vld [tilespmem:s13+$0x60];
	v33, v34, _ =	vpop (xrf1);
	(xrf1) =	vsort.dscd.msk.f32 $0xffff, v18, v11;
	v31 =	vperm.xlane v31, v16  }
0x2f: {  	v18 =	vld [tilespmem:s13+$0x410];
	v32 =	vperm.xlane v32, v16;
	v35, v36, _ =	vpop (xrf1);
	(xrf1) =	vsort.dscd.msk.f32 $0xffff, v19, v7  }
0x30: {  	v34 =	vperm.xlane v34, v16;
	v37, v38, _ =	vpop (xrf1);
	(xrf1) =	vsort.dscd.msk.f32 $0xffff, v26, v6;
	vm0 =	vge.f32 v24, v31  }
0x31: {  	v19 =	vld [tilespmem:s13+$0x420];
	v39, v40, _ =	vpop (xrf1);
	(xrf1) =	vsort.dscd.msk.f32 $0xffff, v20, v8;
	v20 =	vperm.xlane v33, v16;
	v57 =	vperm.xlane v37, v16  }
0x32: {  	v26 =	vld [tilespmem:s13+$0x440];
	v24 =	vsel vm0, v24, v31;
	v25 =	vsel vm0, v25, v32;
	(xrf1) =	vsort.dscd.msk.f32 $0xffff, v21, v0;
	v21, v58, _ =	vpop (xrf1)  }
0x33: {  	v40 =	vperm.xlane v40, v16;
	v37 =	vperm.xlane v58, v16;
	v41, v42, _ =	vpop (xrf1);
	(xrf1) =	vsort.dscd.msk.f32 $0xffff, v17, v9  }
0x34: {  	v17 =	vperm.xlane v39, v16;
	vm1 =	vge.f32 v27, v20;
	v60, v43, _ =	vpop (xrf1);
	(xrf1) =	vsort.dscd.msk.f32 $0xffff, v18, v12  }
0x35: {  	v18 =	vperm.xlane v21, v16;
	v21 =	vperm.xlane v41, v16;
	v20 =	vsel vm1, v27, v20  }
0x36: {  	v27 =	vsel vm1, v28, v34;
	v61, v44, _ =	vpop (xrf1);
	(xrf1) =	vsort.dscd.msk.f32 $0xffff, v19, v15;
	vm2 =	vge.f32 v35, v17  }
0x37: {  	v19 =	vperm.xlane v61, v16;
	v62 =	vperm.xlane v44, v16;
	v63, v45, _ =	vpop (xrf1);
	(xrf1) =	vsort.dscd.msk.f32 $0xffff, v26, v5  }
0x38: {  	v17 =	vsel vm2, v35, v17;
	v53 =	vsel vm2, v36, v40;
	v26, v46, _ =	vpop (xrf1);
	(xrf1) =	vsort.dscd.msk.f32 $0xffff, v24, v25  }
0x39: {  	vm7 =	vge.f32 v60, v18;
	vm5 =	vge.f32 v26, v19;
	v52, v48, _ =	vpop (xrf1);
	(xrf1) =	vsort.dscd.msk.f32 $0xffff, v20, v27  }
0x3a: {  	v19 =	vsel vm5, v26, v19;
	v26 =	vsel vm5, v46, v62;
	v25, v28, _ =	vpop (xrf1);
	(xrf1) =	vsort.dscd.msk.f32 $0xffff, v17, v53  }
0x3b: {  	v27, v35, _ =	vpop (xrf1);
	(xrf1) =	vsort.dscd.msk.f32 $0xffff, v19, v26;
	v19 =	vsel vm7, v43, v37  }
0x3c: {  	vm8 =	vge.f32 v63, v21;
	v18 =	vsel vm7, v60, v18  }
0x3d: {  	v59 =	vperm.xlane v42, v16;
	v21 =	vsel vm8, v63, v21;
	v54, v36, _ =	vpop (xrf1)  }
0x3e: {  	v26, v55, _ =	vpop (xrf1)  }
0x3f: {  	v39 =	vsel vm8, v45, v59;
	(xrf1) =	vsort.dscd.msk.f32 $0xffff, v18, v19;
	v18, v19, _ =	vpop (xrf1)  }
0x40: {  	v47 =	vld [tilespmem:s13+$0x10];
	v22 =	vperm.xlane v22, v16;
	vm6 =	vge.f32 v29, v57;
	(xrf1) =	vsort.dscd.msk.f32 $0xffff, v21, v39;
	v21, v33, _ =	vpop (xrf1)  }
0x41: {  	v23 =	vperm.xlane v23, v16;
	v38 =	vperm.xlane v38, v16;
	v31 =	vld [tilespmem:s13+$0x20];
	v29 =	vsel vm6, v29, v57;
	v56, v57, _ =	vpop (xrf1)  }
0x42: {  	vm9 =	vge.f32 v56, v22  }
0x43: {  	v30 =	vsel vm6, v30, v38;
	v23 =	vsel vm9, v57, v23  }
0x44: {  	(xrf1) =	vsort.dscd.msk.f32 $0xffff, v29, v30;
	v22 =	vsel vm9, v56, v22  }
0x45: {  	(xrf1) =	vsort.dscd.msk.f32 $0xffff, v47, v4  }
0x46: {  	(xrf1) =	vsort.dscd.msk.f32 $0xffff, v31, v3  }
0x47: {  	v24 =	vld [tilespmem:s13+$0x40];
	(xrf1) =	vsort.dscd.msk.f32 $0xffff, v22, v23;
	v22, v23, _ =	vpop (xrf1)  }
0x48: {  	v29, v30, _ =	vpop (xrf1)  }
0x49: {  	v32, v38, _ =	vpop (xrf1)  }
0x4a: {  	v20 =	vld [tilespmem:s13+$0x400];
	v39, v40, _ =	vpop (xrf1)  }
0x4b: {  	v17 =	vld [tilespmem:s13+$0x0];
	v59, v60, _ =	vpop (xrf1)  }
0x4c: {  	(xrf1) =	vsort.dscd.msk.f32 $0xffff, v24, v2;
	v24, v44, _ =	vpop (xrf1)  }
0x4d: {  	v58 =	vperm.xlane v48, v16;
	v31 =	vperm.xlane v52, v16;
	v61, v62, _ =	vpop (xrf1)  }
0x4e: {  	v25 =	vperm.xlane v25, v16;
	v34 =	vperm.xlane v54, v16;
	v51, v50, _ =	vpop (xrf1)  }
0x4f: {  	v0 =	vlaneseq.u32;
	vm10 =	vge.f32 v26, v31;
	(xrf1) =	vsort.dscd.msk.f32 $0xffff, v20, v1;
	v52 =	vperm.xlane v51, v16;
	v54, v53, _ =	vpop (xrf1)  }
0x50: {  	v26 =	vsel vm10, v26, v31;
	v31 =	vsel vm10, v55, v58;
	(xrf1) =	vsort.dscd.msk.f32 $0xffff, v17, v0;
	v55, v56, _ =	vpop (xrf1)  }
0x51: {  	(xrf1) =	vsort.dscd.msk.f32 $0xffff, v26, v31;
	v31 =	vperm.xlane v50, v16;
	vm12 =	vge.f32 v55, v52  }
0x52: {  	v63 =	vperm.xlane v62, v16;
	v17 =	vperm.xlane v61, v16;
	v41 =	vsel vm12, v55, v52  }
0x53: {  	v27 =	vperm.xlane v27, v16;
	v18 =	vperm.xlane v18, v16;
	v31 =	vsel vm12, v56, v31  }
0x54: {  	v37 =	vperm.xlane v60, v16;
	v26 =	vperm.xlane v54, v16;
	vm11 =	vge.f32 v24, v17;
	v57, v58, _ =	vpop (xrf1)  }
0x55: {  	v20 =	vperm.xlane v59, v16;
	v46 =	vperm.xlane v53, v16;
	v17 =	vsel vm11, v24, v17;
	v59, v60, _ =	vpop (xrf1)  }
0x56: {  	v24 =	vsel vm11, v44, v63;
	vm13 =	vge.f32 v57, v26;
	(xrf1) =	vsort.dscd.msk.f32 $0xffff, v41, v31;
	v31, v41, _ =	vpop (xrf1)  }
0x57: {  	v26 =	vsel vm13, v57, v26;
	v61 =	vsel vm13, v58, v46;
	(xrf1) =	vsort.dscd.msk.f32 $0xffff, v17, v24;
	v62, v63, _ =	vpop (xrf1)  }
0x58: {  	v17 =	vperm.xlane v28, v16;
	(xrf1) =	vsort.dscd.msk.f32 $0xffff, v26, v61;
	vm14 =	vge.f32 v62, v20  }
0x59: {  	v28 =	vperm.xlane v36, v16;
	v20 =	vsel vm14, v62, v20;
	v26 =	vsel vm14, v63, v37  }
0x5a: {  	v19 =	vperm.xlane v19, v16;
	vm15 =	vge.f32 v22, v25;
	(xrf1) =	vsort.dscd.msk.f32 $0xffff, v20, v26  }
0x5b: {  	v30 =	vperm.xlane v30, v16;
	vm4 =	vge.f32 v32, v27;
	v24 =	vperm.xlane v35, v16  }
0x5c: {  	vm5 =	vge.f32 v39, v34;
	v17 =	vsel vm15, v23, v17;
	vm6 =	vge.f32 v31, v18  }
0x5d: {  	v23 =	vsel vm4, v32, v27;
	v24 =	vsel vm4, v38, v24;
	v18 =	vsel vm6, v31, v18  }
0x5e: {  	v19 =	vsel vm6, v41, v19;
	v20 =	vperm.xlane v21, v16;
	v26 =	vsel vm5, v40, v28;
	v27, v28, _ =	vpop (xrf1)  }
0x5f: {  	v21 =	vsel vm15, v22, v25;
	v22 =	vperm.xlane v29, v16;
	v25 =	vsel vm5, v39, v34;
	v39, v40, _ =	vpop (xrf1)  }
0x60: {  	v29 =	vperm.xlane v33, v16;
	vm7 =	vge.f32 v27, v20;
	(xrf1) =	vsort.dscd.msk.f32 $0xffff, v21, v17  }
0x61: {  	vm8 =	vge.f32 v39, v22;
	v17 =	vperm.xlane v59, v16;
	(xrf1) =	vsort.dscd.msk.f32 $0xffff, v23, v24  }
0x62: {  	v21, v23, _ =	vpop (xrf1);
	v20 =	vsel vm7, v27, v20;
	(xrf1) =	vsort.dscd.msk.f32 $0xffff, v25, v26;
	v26 =	vsel vm7, v28, v29  }
0x63: {  	v22 =	vsel vm8, v39, v22;
	v27 =	vsel vm8, v40, v30;
	v24, v25, _ =	vpop (xrf1)  }
0x64: {  	v28 =	vperm.xlane v60, v16;
	vm9 =	vge.f32 v21, v17;
	(xrf1) =	vsort.dscd.msk.f32 $0xffff, v18, v19;
	v18, v19, _ =	vpop (xrf1)  }
0x65: {  	v17 =	vsel vm9, v21, v17;
	(xrf1) =	vsort.dscd.msk.f32 $0xffff, v20, v26;
	v18 =	vperm.xlane v18, v16;
	v20, v21, _ =	vpop (xrf1)  }
0x66: {  	v23 =	vsel vm9, v23, v28;
	(xrf1) =	vsort.dscd.msk.f32 $0xffff, v22, v27;
	v19 =	vperm.xlane v19, v16;
	v22, v26, _ =	vpop (xrf1)  }
0x67: {  	s20 =	simm.s32 $0x100;
	s21 =	simm.s32 $0x200;
	(xrf1) =	vsort.dscd.msk.f32 $0xffff, v17, v23;
	v17 =	vperm.xlane v20, v16;
	vm10 =	vge.f32 v22, v18  }
0x68: {  	s22 =	sand.u32 $0x7800, s21;
	s13 =	sand.u32 $0x300, s20;
	v20 =	vperm.xlane v21, v16;
	v18 =	vsel vm10, v22, v18;
	v19 =	vsel vm10, v26, v19;
	v21, v22, _ =	vpop (xrf1)  }
0x69: {  	s14 =	sor.u32 s13, s22;
	(xrf1) =	vsort.dscd.msk.f32 $0xffff, v18, v19;
	vm11 =	vge.f32 v21, v17  }
0x6a: {  	v23 =	vld [tilespmem:s14+$0x10];
	v17 =	vsel vm11, v21, v17;
	v19 =	vsel vm11, v22, v20  }
0x6b: {  	v18 =	vld [tilespmem:s14+$0x20];
	(xrf1) =	vsort.dscd.msk.f32 $0xffff, v17, v19  }
0x6c: {  	v20 =	vld [tilespmem:s14+$0x40]  }
0x6d: {  	v17 =	vld [tilespmem:s14+$0x400]  }
0x6e: {  	v19 =	vld [tilespmem:s14+$0x30]  }
0x6f: {  	v21 =	vld [tilespmem:s14+$0x50];
	(xrf1) =	vsort.dscd.msk.f32 $0xffff, v23, v4  }
0x70: {  	v22 =	vld [tilespmem:s14+$0x60];
	v23, v26, _ =	vpop (xrf1);
	(xrf1) =	vsort.dscd.msk.f32 $0xffff, v18, v3  }
0x71: {  	v18 =	vld [tilespmem:s14+$0x410];
	v30, v31, _ =	vpop (xrf1);
	(xrf1) =	vsort.dscd.msk.f32 $0xffff, v20, v2  }
0x72: {  	v42 =	vld [tilespmem:s14+$0x70];
	(xrf1) =	vsort.dscd.msk.f32 $0xffff, v17, v1;
	v17, v33, _ =	vpop (xrf1)  }
0x73: {  	v43 =	vld [tilespmem:s14+$0x430];
	(xrf1) =	vsort.dscd.msk.f32 $0xffff, v19, v6;
	v29, v28, _ =	vpop (xrf1)  }
0x74: {  	v44 =	vld [tilespmem:s14+$0x450];
	(xrf1) =	vsort.dscd.msk.f32 $0xffff, v21, v8;
	v27, v21, _ =	vpop (xrf1)  }
0x75: {  	v45 =	vld [tilespmem:s14+$0x420];
	(xrf1) =	vsort.dscd.msk.f32 $0xffff, v22, v9;
	v22, v19, _ =	vpop (xrf1)  }
0x76: {  	v46 =	vld [tilespmem:s14+$0x470];
	(xrf1) =	vsort.dscd.msk.f32 $0xffff, v18, v12;
	v20, v18, _ =	vpop (xrf1)  }
0x77: {  	s23 =	simm.s32 $0x180;
	v47 =	vld [tilespmem:s14+$0x440];
	(xrf1) =	vsort.dscd.msk.f32 $0xffff, v42, v10;
	v48, v49, _ =	vpop (xrf1)  }
0x78: {  	s13 =	sand.u32 $0x380, s23;
	(xrf1) =	vsort.dscd.msk.f32 $0xffff, v43, v14;
	v32 =	vperm.xlane v48, v16  }
0x79: {  	s13 =	sor.u32 s13, s22;
	v50 =	vld [tilespmem:s14+$0x460];
	v34 =	vperm.xlane v49, v16;
	(xrf1) =	vsort.dscd.msk.f32 $0xffff, v44, v11;
	v51, v52, _ =	vpop (xrf1)  }
0x7a: {  	v53 =	vld [tilespmem:s13+$0x470];
	(xrf1) =	vsort.dscd.msk.f32 $0xffff, v45, v15;
	vm12 =	vge.f32 v51, v32  }
0x7b: {  	v54 =	vld [tilespmem:s13+$0x70];
	(xrf1) =	vsort.dscd.msk.f32 $0xffff, v46, v13;
	v34 =	vsel vm12, v52, v34  }
0x7c: {  	v55 =	vld [tilespmem:s13+$0x430];
	(xrf1) =	vsort.dscd.msk.f32 $0xffff, v47, v5;
	v32 =	vsel vm12, v51, v32  }
0x7d: {  	v56 =	vld [tilespmem:s13+$0x450];
	v36, v38, _ =	vpop (xrf1);
	(xrf1) =	vsort.dscd.msk.f32 $0xffff, v32, v34  }
0x7e: {  	v57 =	vld [tilespmem:s13+$0x460];
	v58 =	vperm.xlane v24, v16;
	v34, v41, _ =	vpop (xrf1);
	(xrf1) =	vsort.dscd.msk.f32 $0xffff, v50, v7  }
0x7f: {  	v59 =	vld [tilespmem:s13+$0x30];
	v24 =	vperm.xlane v30, v16;
	v42, v43, _ =	vpop (xrf1);
	(xrf1) =	vsort.dscd.msk.f32 $0xffff, v53, v13  }
0x80: {  	vm13 =	vge.f32 v17, v58;
	v48 =	vperm.xlane v23, v16;
	v49 =	vld [tilespmem:s13+$0x50];
	v40, v47, _ =	vpop (xrf1);
	(xrf1) =	vsort.dscd.msk.f32 $0xffff, v54, v10  }
0x81: {  	v23 =	vperm.xlane v26, v16;
	v26 =	vsel vm13, v17, v58;
	v60, v50, _ =	vpop (xrf1);
	(xrf1) =	vsort.dscd.msk.f32 $0xffff, v55, v14  }
0x82: {  	v30 =	vld [tilespmem:s14+$0x0];
	v45 =	vperm.xlane v25, v16;
	v25 =	vperm.xlane v31, v16;
	v61, v51, _ =	vpop (xrf1);
	(xrf1) =	vsort.dscd.msk.f32 $0xffff, v56, v11  }
0x83: {  	v39 =	vperm.xlane v50, v16;
	v37 =	vperm.xlane v60, v16;
	v31, v32, _ =	vpop (xrf1);
	(xrf1) =	vsort.dscd.msk.f32 $0xffff, v57, v7  }
0x84: {  	v17 =	vld [tilespmem:s13+$0x60];
	v50 =	vperm.xlane v51, v16;
	v35 =	vperm.xlane v61, v16;
	v62, v52, _ =	vpop (xrf1);
	(xrf1) =	vsort.dscd.msk.f32 $0xffff, v59, v6  }
0x85: {  	v44 =	vld [tilespmem:s13+$0x410];
	vm14 =	vge.f32 v34, v37;
	v46 =	vperm.xlane v52, v16;
	v63, v54, _ =	vpop (xrf1);
	(xrf1) =	vsort.dscd.msk.f32 $0xffff, v49, v8  }
0x86: {  	v53 =	vld [tilespmem:s13+$0x420];
	v49 =	vperm.xlane v62, v16;
	vm15 =	vge.f32 v42, v35;
	v34 =	vsel vm14, v34, v37;
	v60, v56, _ =	vpop (xrf1)  }
0x87: {  	v55 =	vld [tilespmem:s13+$0x440];
	(xrf1) =	vsort.dscd.msk.f32 $0xffff, v30, v0;
	v30 =	vperm.xlane v54, v16;
	v52 =	vperm.xlane v63, v16;
	v61, v57, _ =	vpop (xrf1)  }
0x88: {  	v63 =	vsel vm14, v41, v39;
	v35 =	vsel vm15, v42, v35;
	v50 =	vsel vm15, v43, v50;
	v58, v59, _ =	vpop (xrf1)  }
0x89: {  	v54 =	vperm.xlane v56, v16;
	(xrf1) =	vsort.dscd.msk.f32 $0xffff, v17, v9;
	v57 =	vperm.xlane v57, v16;
	v17, v62, _ =	vpop (xrf1)  }
0x8a: {  	(xrf1) =	vsort.dscd.msk.f32 $0xffff, v44, v12;
	v44 =	vperm.xlane v60, v16;
	v51 =	vperm.xlane v61, v16;
	v60, v61, _ =	vpop (xrf1)  }
0x8b: {  	vm3 =	vge.f32 v31, v52;
	(xrf1) =	vsort.dscd.msk.f32 $0xffff, v53, v15;
	v53 =	vperm.xlane v17, v16;
	_, v17, _ =	vpop (xrf1)  }
0x8c: {  	v31 =	vsel vm3, v31, v52;
	v56 =	vperm.xlane v62, v16;
	(xrf1) =	vsort.dscd.msk.f32 $0xffff, v55, v5;
	v55, v62, _ =	vpop (xrf1)  }
0x8d: {  	v30 =	vsel vm3, v32, v30;
	vm4 =	vge.f32 v58, v44;
	(xrf1) =	vsort.dscd.msk.f32 $0xffff, v34, v63;
	v39, v41, _ =	vpop (xrf1)  }
0x8e: {  	vm5 =	vge.f32 v60, v51;
	(xrf1) =	vsort.dscd.msk.f32 $0xffff, v35, v50;
	vm7 =	vge.f32 v55, v53;
	v34, v37, _ =	vpop (xrf1)  }
0x8f: {  	(xrf1) =	vsort.dscd.msk.f32 $0xffff, v31, v30;
	v63 =	vsel vm7, v55, v53;
	v56 =	vsel vm7, v62, v56;
	v32, v35, _ =	vpop (xrf1)  }
0x90: {  	v44 =	vsel vm4, v58, v44;
	v58 =	vsel vm4, v59, v54;
	[tilespmem:$0x1FF10] =	vst v17;
	(xrf1) =	vsort.dscd.msk.f32 $0xffff, v63, v56;
	v31, v50, _ =	vpop (xrf1)  }
0x91: {  	v51 =	vsel vm5, v60, v51;
	v30 =	vld [tilespmem:s13+$0x10];
	v62 =	vsel vm5, v61, v57;
	v43, v53, _ =	vpop (xrf1);
	(xrf1) =	vsort.dscd.msk.f32 $0xffff, v44, v58  }
0x92: {  	v33 =	vsel vm13, v33, v45;
	v59 =	vld [tilespmem:s13+$0x20];
	v63, v45, _ =	vpop (xrf1);
	(xrf1) =	vsort.dscd.msk.f32 $0xffff, v51, v62  }
0x93: {  	vm8 =	vge.f32 v40, v49  }
0x94: {  	v40 =	vsel vm8, v40, v49;
	v46 =	vsel vm8, v47, v46  }
0x95: {  	v29 =	vperm.xlane v29, v16;
	v36 =	vperm.xlane v36, v16;
	v58 =	vld [tilespmem:s13+$0x40];
	v47, v49, _ =	vpop (xrf1);
	(xrf1) =	vsort.dscd.msk.f32 $0xffff, v40, v46  }
0x96: {  	v28 =	vperm.xlane v28, v16;
	v38 =	vperm.xlane v38, v16;
	v57, v56, _ =	vpop (xrf1);
	(xrf1) =	vsort.dscd.msk.f32 $0xffff, v30, v4;
	v30 =	vld [tilespmem:s13+$0x400]  }
0x97: {  	vm0 =	vge.f32 v27, v48;
	vm9 =	vge.f32 v57, v36;
	(xrf1) =	vsort.dscd.msk.f32 $0xffff, v59, v3;
	v59 =	vld [tilespmem:s13+$0x0];
	v46, v51, _ =	vpop (xrf1)  }
0x98: {  	v60 =	vperm.xlane v41, v16;
	v36 =	vsel vm9, v57, v36;
	v38 =	vsel vm9, v56, v38;
	v61, v41, _ =	vpop (xrf1)  }
0x99: {  	v27 =	vsel vm0, v27, v48;
	v39 =	vperm.xlane v39, v16;
	(xrf1) =	vsort.dscd.msk.f32 $0xffff, v36, v38;
	v48, v52, _ =	vpop (xrf1)  }
0x9a: {  	v34 =	vperm.xlane v34, v16;
	v32 =	vperm.xlane v32, v16;
	(xrf1) =	vsort.dscd.msk.f32 $0xffff, v58, v2;
	v40, v54, _ =	vpop (xrf1)  }
0x9b: {  	vm10 =	vge.f32 v43, v39;
	(xrf1) =	vsort.dscd.msk.f32 $0xffff, v30, v1;
	v30 =	vperm.xlane v37, v16;
	v37, v62, _ =	vpop (xrf1)  }
0x9c: {  	v39 =	vsel vm10, v43, v39;
	v36 =	vsel vm10, v53, v60;
	(xrf1) =	vsort.dscd.msk.f32 $0xffff, v59, v0;
	v42, v53, _ =	vpop (xrf1)  }
0x9d: {  	v35 =	vperm.xlane v35, v16;
	(xrf1) =	vsort.dscd.msk.f32 $0xffff, v39, v36;
	v36 =	vperm.xlane v63, v16;
	v63, v44, _ =	vpop (xrf1)  }
0x9e: {  	v31 =	vperm.xlane v31, v16;
	v38 =	vperm.xlane v61, v16;
	v60, v61, _ =	vpop (xrf1)  }
0x9f: {  	v43 =	vperm.xlane v62, v16;
	v55 =	vperm.xlane v60, v16;
	v62, v58, _ =	vpop (xrf1)  }
0xa0: {  	vm11 =	vge.f32 v46, v34;
	v39 =	vperm.xlane v63, v16;
	v63 =	vperm.xlane v61, v16;
	v61, v60, _ =	vpop (xrf1)  }
0xa1: {  	v50 =	vperm.xlane v50, v16;
	v34 =	vsel vm11, v46, v34;
	vm14 =	vge.f32 v61, v55  }
0xa2: {  	v44 =	vperm.xlane v44, v16;
	v57 =	vperm.xlane v62, v16;
	v46 =	vsel vm14, v60, v63  }
0xa3: {  	vm1 =	vge.f32 v22, v24;
	v47 =	vperm.xlane v47, v16;
	v41 =	vperm.xlane v41, v16  }
0xa4: {  	vm12 =	vge.f32 v48, v32;
	v37 =	vperm.xlane v37, v16;
	vm15 =	vge.f32 v42, v39;
	v56, v59, _ =	vpop (xrf1)  }
0xa5: {  	v39 =	vsel vm15, v42, v39;
	v58 =	vperm.xlane v58, v16;
	v55 =	vsel vm14, v61, v55;
	v60, v61, _ =	vpop (xrf1)  }
0xa6: {  	v42 =	vsel vm15, v53, v44;
	vm8 =	vge.f32 v56, v57;
	(xrf1) =	vsort.dscd.msk.f32 $0xffff, v55, v46;
	v44, v46, _ =	vpop (xrf1)  }
0xa7: {  	v62 =	vsel vm8, v56, v57;
	v63 =	vsel vm8, v59, v58;
	(xrf1) =	vsort.dscd.msk.f32 $0xffff, v39, v42;
	v56, v57, _ =	vpop (xrf1)  }
0xa8: {  	vm13 =	vge.f32 v40, v31;
	(xrf1) =	vsort.dscd.msk.f32 $0xffff, v62, v63;
	vm9 =	vge.f32 v56, v37  }
0xa9: {  	v32 =	vsel vm12, v48, v32;
	v37 =	vsel vm9, v56, v37;
	v53 =	vsel vm9, v57, v43  }
0xaa: {  	v35 =	vsel vm12, v52, v35;
	v31 =	vsel vm13, v40, v31;
	(xrf1) =	vsort.dscd.msk.f32 $0xffff, v37, v53  }
0xab: {  	v30 =	vsel vm11, v51, v30;
	v55 =	vsel vm13, v54, v50;
	vm10 =	vge.f32 v44, v36;
	v58, v57, _ =	vpop (xrf1)  }
0xac: {  	v59 =	vperm.xlane v49, v16;
	v51 =	vsel vm10, v44, v36;
	v56 =	vperm.xlane v45, v16;
	v63, v62, _ =	vpop (xrf1)  }
0xad: {  	vm11 =	vge.f32 v58, v47;
	vm12 =	vge.f32 v63, v38;
	(xrf1) =	vsort.dscd.msk.f32 $0xffff, v34, v30  }
0xae: {  	v30 =	vperm.xlane v60, v16;
	v52 =	vsel vm10, v46, v56;
	(xrf1) =	vsort.dscd.msk.f32 $0xffff, v32, v35  }
0xaf: {  	v53 =	vsel vm11, v58, v47;
	v56 =	vperm.xlane v61, v16;
	(xrf1) =	vsort.dscd.msk.f32 $0xffff, v31, v55  }
0xb0: {  	v38 =	vsel vm12, v63, v38;
	v31 =	vsel vm11, v57, v59;
	v54, v55, _ =	vpop (xrf1);
	(xrf1) =	vsort.dscd.msk.f32 $0xffff, v51, v52  }
0xb1: {  	v57 =	vsel vm12, v62, v41;
	vm13 =	vge.f32 v54, v30;
	(xrf1) =	vsort.dscd.msk.f32 $0xffff, v53, v31  }
0xb2: {  	v30 =	vsel vm13, v54, v30;
	v31 =	vsel vm13, v55, v56;
	(xrf1) =	vsort.dscd.msk.f32 $0xffff, v38, v57  }
0xb3: {  	v22 =	vsel vm1, v22, v24;
	v21 =	vsel vm0, v21, v23;
	v59, v58, _ =	vpop (xrf1);
	(xrf1) =	vsort.dscd.msk.f32 $0xffff, v30, v31  }
0xb4: {  	v19 =	vsel vm1, v19, v25;
	vm14 =	vge.f32 v20, v29;
	v23, v24, _ =	vpop (xrf1);
	(xrf1) =	vsort.dscd.msk.f32 $0xffff, v26, v33  }
0xb5: {  	v20 =	vsel vm14, v20, v29;
	(xrf1) =	vsort.dscd.msk.f32 $0xffff, v27, v21;
	v21 =	vperm.xlane v23, v16;
	v23, v25, _ =	vpop (xrf1)  }
0xb6: {  	v18 =	vsel vm14, v18, v28;
	(xrf1) =	vsort.dscd.msk.f32 $0xffff, v22, v19;
	v19 =	vperm.xlane v24, v16;
	v22, v24, _ =	vpop (xrf1)  }
0xb7: {  	(xrf1) =	vsort.dscd.msk.f32 $0xffff, v20, v18;
	v18 =	vperm.xlane v23, v16;
	vm15 =	vge.f32 v22, v21  }
0xb8: {  	s24 =	simm.s32 $0x200;
	s25 =	simm.s32 $0x400;
	v21 =	vsel vm15, v22, v21;
	v22, v23, _ =	vpop (xrf1)  }
0xb9: {  	s26 =	sand.u32 $0x7800, s25;
	s13 =	sand.u32 $0x300, s24;
	vm4 =	vge.f32 v22, v18  }
0xba: {  	s14 =	sor.u32 s13, s26;
	v20 =	vperm.xlane v25, v16;
	v18 =	vsel vm4, v22, v18  }
0xbb: {  	v19 =	vsel vm15, v24, v19;
	v24 =	vld [tilespmem:s14+$0x10]  }
0xbc: {  	(xrf1) =	vsort.dscd.msk.f32 $0xffff, v21, v19;
	v19 =	vld [tilespmem:s14+$0x20];
	v20 =	vsel vm4, v23, v20  }
0xbd: {  	v21 =	vld [tilespmem:s14+$0x40];
	(xrf1) =	vsort.dscd.msk.f32 $0xffff, v18, v20;
	v18, v29, _ =	vpop (xrf1)  }
0xbe: {  	v20 =	vld [tilespmem:s14+$0x400];
	v30, v31, _ =	vpop (xrf1)  }
0xbf: {  	v22 =	vld [tilespmem:s14+$0x30];
	v33, v35, _ =	vpop (xrf1)  }
0xc0: {  	v23 =	vld [tilespmem:s14+$0x50];
	(xrf1) =	vsort.dscd.msk.f32 $0xffff, v24, v4;
	v37, v38, _ =	vpop (xrf1)  }
0xc1: {  	v24 =	vld [tilespmem:s14+$0x60];
	(xrf1) =	vsort.dscd.msk.f32 $0xffff, v19, v3;
	v39, v40, _ =	vpop (xrf1)  }
0xc2: {  	(xrf1) =	vsort.dscd.msk.f32 $0xffff, v21, v2;
	v42, v36, _ =	vpop (xrf1)  }
0xc3: {  	v60 =	vld [tilespmem:s14+$0x410];
	(xrf1) =	vsort.dscd.msk.f32 $0xffff, v20, v1;
	v27, v17, _ =	vpop (xrf1)  }
0xc4: {  	v61 =	vld [tilespmem:s14+$0x70];
	(xrf1) =	vsort.dscd.msk.f32 $0xffff, v22, v6;
	[tilespmem:$0x1FE70] =	vst v17;
	v28, v17, _ =	vpop (xrf1)  }
0xc5: {  	(xrf1) =	vsort.dscd.msk.f32 $0xffff, v23, v8;
	v62 =	vld [tilespmem:s14+$0x430];
	[tilespmem:$0x1FE80] =	vst v17;
	v26, v23, _ =	vpop (xrf1)  }
0xc6: {  	(xrf1) =	vsort.dscd.msk.f32 $0xffff, v24, v9;
	v63 =	vld [tilespmem:s14+$0x450];
	v25, v24, _ =	vpop (xrf1)  }
0xc7: {  	v52 =	vld [tilespmem:s14+$0x420];
	v22, v17, _ =	vpop (xrf1)  }
0xc8: {  	v53 =	vld [tilespmem:s14+$0x470];
	(xrf1) =	vsort.dscd.msk.f32 $0xffff, v60, v12;
	[tilespmem:$0x1FE90] =	vst v17  }
0xc9: {  	s28 =	simm.s32 $0x280;
	(xrf1) =	vsort.dscd.msk.f32 $0xffff, v61, v10;
	v54 =	vld [tilespmem:s14+$0x440]  }
0xca: {  	s13 =	sand.u32 $0x380, s28;
	v32 =	vperm.xlane v59, v16;
	v55, v56, _ =	vpop (xrf1);
	(xrf1) =	vsort.dscd.msk.f32 $0xffff, v62, v14  }
0xcb: {  	s13 =	sor.u32 s13, s26;
	v34 =	vperm.xlane v58, v16;
	v57 =	vld [tilespmem:s14+$0x460];
	v43 =	vperm.xlane v55, v16;
	(xrf1) =	vsort.dscd.msk.f32 $0xffff, v63, v11  }
0xcc: {  	v18 =	vperm.xlane v18, v16;
	v45 =	vld [tilespmem:s13+$0x470];
	v44 =	vperm.xlane v56, v16;
	v59, v58, _ =	vpop (xrf1);
	(xrf1) =	vsort.dscd.msk.f32 $0xffff, v52, v15  }
0xcd: {  	v46 =	vperm.xlane v30, v16;
	v50 =	vld [tilespmem:s13+$0x70];
	vm5 =	vge.f32 v59, v43;
	(xrf1) =	vsort.dscd.msk.f32 $0xffff, v53, v13  }
0xce: {  	v47 =	vld [tilespmem:s13+$0x430];
	v60 =	vsel vm5, v59, v43;
	v61 =	vsel vm5, v58, v44;
	(xrf1) =	vsort.dscd.msk.f32 $0xffff, v54, v5  }
0xcf: {  	vm6 =	vge.f32 v33, v32;
	v49 =	vld [tilespmem:s13+$0x450];
	v62 =	vperm.xlane v29, v16;
	v51, v52, _ =	vpop (xrf1);
	(xrf1) =	vsort.dscd.msk.f32 $0xffff, v60, v61  }
0xd0: {  	v41 =	vperm.xlane v31, v16;
	v30 =	vsel vm6, v35, v34;
	v63 =	vld [tilespmem:s13+$0x460];
	v53, v54, _ =	vpop (xrf1);
	(xrf1) =	vsort.dscd.msk.f32 $0xffff, v57, v7  }
0xd1: {  	v35 =	vperm.xlane v38, v16;
	vm7 =	vge.f32 v39, v18;
	v48 =	vld [tilespmem:s13+$0x30];
	v55, v56, _ =	vpop (xrf1);
	(xrf1) =	vsort.dscd.msk.f32 $0xffff, v45, v13  }
0xd2: {  	v29 =	vsel vm6, v33, v32;
	v32 =	vperm.xlane v37, v16;
	v37 =	vld [tilespmem:s13+$0x50];
	v45, v57, _ =	vpop (xrf1);
	(xrf1) =	vsort.dscd.msk.f32 $0xffff, v50, v10  }
0xd3: {  	v31 =	vsel vm7, v39, v18;
	vm8 =	vge.f32 v42, v46;
	v18 =	vld [tilespmem:s14+$0x0];
	v60, v61, _ =	vpop (xrf1);
	(xrf1) =	vsort.dscd.msk.f32 $0xffff, v47, v14  }
0xd4: {  	v34 =	vsel vm8, v42, v46;
	v33 =	vsel vm7, v40, v62;
	v44, v62, _ =	vpop (xrf1);
	(xrf1) =	vsort.dscd.msk.f32 $0xffff, v49, v11  }
0xd5: {  	v40 =	vld [tilespmem:s13+$0x60];
	v46 =	vperm.xlane v51, v16;
	v38 =	vperm.xlane v60, v16;
	v49, v50, _ =	vpop (xrf1);
	(xrf1) =	vsort.dscd.msk.f32 $0xffff, v63, v7  }
0xd6: {  	v42 =	vld [tilespmem:s13+$0x410];
	v39 =	vperm.xlane v61, v16;
	v47 =	vperm.xlane v62, v16;
	v51, v63, _ =	vpop (xrf1);
	(xrf1) =	vsort.dscd.msk.f32 $0xffff, v48, v6  }
0xd7: {  	v43 =	vld [tilespmem:s13+$0x420];
	vm9 =	vge.f32 v53, v38;
	v58 =	vperm.xlane v63, v16;
	v59, v60, _ =	vpop (xrf1);
	(xrf1) =	vsort.dscd.msk.f32 $0xffff, v37, v8  }
0xd8: {  	v37 =	vperm.xlane v44, v16;
	v44 =	vperm.xlane v51, v16;
	(xrf1) =	vsort.dscd.msk.f32 $0xffff, v18, v0;
	v18, v51, _ =	vpop (xrf1)  }
0xd9: {  	v48 =	vld [tilespmem:s13+$0x440];
	v38 =	vsel vm9, v53, v38;
	v39 =	vsel vm9, v54, v39;
	v60 =	vperm.xlane v60, v16;
	v61, v62, _ =	vpop (xrf1)  }
0xda: {  	(xrf1) =	vsort.dscd.msk.f32 $0xffff, v40, v9;
	v40 =	vperm.xlane v59, v16;
	v59 =	vperm.xlane v62, v16;
	v62, v63, _ =	vpop (xrf1)  }
0xdb: {  	v51 =	vperm.xlane v51, v16;
	(xrf1) =	vsort.dscd.msk.f32 $0xffff, v42, v12;
	v42 =	vperm.xlane v18, v16;
	v18, v17, _ =	vpop (xrf1)  }
0xdc: {  	vm10 =	vge.f32 v55, v37;
	(xrf1) =	vsort.dscd.msk.f32 $0xffff, v43, v15;
	v43 =	vperm.xlane v18, v16;
	v18, v21, _ =	vpop (xrf1)  }
0xdd: {  	v61 =	vperm.xlane v61, v16;
	v37 =	vsel vm10, v55, v37;
	v20 =	vperm.xlane v17, v16;
	_, v17, _ =	vpop (xrf1)  }
0xde: {  	v47 =	vsel vm10, v56, v47;
	vm12 =	vge.f32 v49, v40;
	(xrf1) =	vsort.dscd.msk.f32 $0xffff, v48, v5;
	[tilespmem:$0x1FF30] =	vst v17;
	v17, v19, _ =	vpop (xrf1)  }
0xdf: {  	vm13 =	vge.f32 v62, v42;
	v40 =	vsel vm12, v49, v40;
	vm15 =	vge.f32 v17, v43  }
0xe0: {  	v60 =	vsel vm12, v50, v60;
	(xrf1) =	vsort.dscd.msk.f32 $0xffff, v38, v39;
	v53, v54, _ =	vpop (xrf1);
	v19 =	vsel vm15, v19, v20  }
0xe1: {  	vm14 =	vge.f32 v18, v61;
	(xrf1) =	vsort.dscd.msk.f32 $0xffff, v37, v47;
	v38, v39, _ =	vpop (xrf1);
	v17 =	vsel vm15, v17, v43  }
0xe2: {  	v42 =	vsel vm13, v62, v42;
	v21 =	vsel vm14, v21, v59;
	(xrf1) =	vsort.dscd.msk.f32 $0xffff, v40, v60;
	v37, v47, _ =	vpop (xrf1)  }
0xe3: {  	v62 =	vsel vm13, v63, v51;
	v18 =	vsel vm14, v18, v61;
	v50 =	vld [tilespmem:s13+$0x10];
	(xrf1) =	vsort.dscd.msk.f32 $0xffff, v17, v19;
	v20, v40, _ =	vpop (xrf1)  }
0xe4: {  	v43 =	vld [tilespmem:s13+$0x20];
	v17, v19, _ =	vpop (xrf1);
	(xrf1) =	vsort.dscd.msk.f32 $0xffff, v42, v62  }
0xe5: {  	vm11 =	vge.f32 v45, v44;
	v42, v49, _ =	vpop (xrf1);
	(xrf1) =	vsort.dscd.msk.f32 $0xffff, v18, v21  }
0xe6: {  	v44 =	vsel vm11, v45, v44;
	v63 =	vsel vm11, v57, v58;
	v51 =	vld [tilespmem:s13+$0x40];
	v18, v21, _ =	vpop (xrf1)  }
0xe7: {  	v52 =	vperm.xlane v52, v16;
	v58 =	vperm.xlane v54, v16;
	v62 =	vld [tilespmem:s13+$0x400];
	(xrf1) =	vsort.dscd.msk.f32 $0xffff, v44, v63;
	v60, v61, _ =	vpop (xrf1)  }
0xe8: {  	v57 =	vld [tilespmem:s13+$0x0];
	v63 =	vperm.xlane v53, v16;
	(xrf1) =	vsort.dscd.msk.f32 $0xffff, v50, v4;
	vm4 =	vge.f32 v60, v46  }
0xe9: {  	(xrf1) =	vsort.dscd.msk.f32 $0xffff, v43, v3;
	v46 =	vsel vm4, v60, v46;
	v52 =	vsel vm4, v61, v52  }
0xea: {  	vm5 =	vge.f32 v17, v63;
	v59, v60, _ =	vpop (xrf1);
	(xrf1) =	vsort.dscd.msk.f32 $0xffff, v46, v52  }
0xeb: {  	v19 =	vsel vm5, v19, v58;
	v61, v53, _ =	vpop (xrf1);
	(xrf1) =	vsort.dscd.msk.f32 $0xffff, v51, v2  }
0xec: {  	v45, v51, _ =	vpop (xrf1);
	(xrf1) =	vsort.dscd.msk.f32 $0xffff, v62, v1  }
0xed: {  	v36 =	vsel vm8, v36, v41;
	v17 =	vsel vm5, v17, v63;
	v41, v44, _ =	vpop (xrf1);
	(xrf1) =	vsort.dscd.msk.f32 $0xffff, v57, v0  }
0xee: {  	v38 =	vperm.xlane v38, v16;
	(xrf1) =	vsort.dscd.msk.f32 $0xffff, v17, v19;
	v19, v62, _ =	vpop (xrf1)  }
0xef: {  	v39 =	vperm.xlane v39, v16;
	v50, v54, _ =	vpop (xrf1)  }
0xf0: {  	v37 =	vperm.xlane v37, v16;
	vm6 =	vge.f32 v59, v38;
	v43 =	vperm.xlane v61, v16;
	v48, v63, _ =	vpop (xrf1)  }
0xf1: {  	v39 =	vsel vm6, v60, v39;
	v17 =	vperm.xlane v42, v16;
	v42 =	vperm.xlane v62, v16;
	v61, v60, _ =	vpop (xrf1)  }
0xf2: {  	vm7 =	vge.f32 v45, v37;
	v46 =	vperm.xlane v63, v16;
	v52 =	vperm.xlane v61, v16;
	v63, v62, _ =	vpop (xrf1)  }
0xf3: {  	v37 =	vsel vm7, v45, v37;
	v45 =	vperm.xlane v48, v16;
	v48, v58, _ =	vpop (xrf1)  }
0xf4: {  	v47 =	vperm.xlane v47, v16;
	vm10 =	vge.f32 v48, v52  }
0xf5: {  	v20 =	vperm.xlane v20, v16;
	v40 =	vperm.xlane v40, v16;
	v52 =	vsel vm10, v48, v52  }
0xf6: {  	v18 =	vperm.xlane v18, v16;
	v38 =	vsel vm6, v59, v38;
	v55 =	vperm.xlane v60, v16  }
0xf7: {  	v47 =	vsel vm7, v51, v47;
	v19 =	vperm.xlane v19, v16;
	v51 =	vperm.xlane v63, v16;
	v59, v60, _ =	vpop (xrf1)  }
0xf8: {  	vm9 =	vge.f32 v50, v45;
	v57 =	vperm.xlane v62, v16;
	v55 =	vsel vm10, v58, v55;
	v56, v58, _ =	vpop (xrf1)  }
0xf9: {  	v45 =	vsel vm9, v50, v45;
	vm11 =	vge.f32 v59, v51;
	(xrf1) =	vsort.dscd.msk.f32 $0xffff, v52, v55;
	v50, v52, _ =	vpop (xrf1)  }
0xfa: {  	v21 =	vperm.xlane v21, v16;
	vm8 =	vge.f32 v41, v20;
	v63 =	vsel vm11, v60, v57;
	v48, v60, _ =	vpop (xrf1)  }
0xfb: {  	v20 =	vsel vm8, v41, v20;
	v46 =	vsel vm9, v54, v46;
	vm12 =	vge.f32 v48, v19  }
0xfc: {  	v51 =	vsel vm11, v59, v51;
	(xrf1) =	vsort.dscd.msk.f32 $0xffff, v45, v46;
	v19 =	vsel vm12, v48, v19  }
0xfd: {  	v40 =	vsel vm8, v44, v40;
	(xrf1) =	vsort.dscd.msk.f32 $0xffff, v51, v63;
	v61 =	vsel vm12, v60, v42  }
0xfe: {  	v62 =	vperm.xlane v49, v16;
	v49 =	vperm.xlane v53, v16;
	v48, v63, _ =	vpop (xrf1);
	(xrf1) =	vsort.dscd.msk.f32 $0xffff, v19, v61  }
0xff: {  	v51 =	vperm.xlane v56, v16;
	vm13 =	vge.f32 v50, v17;
	v19, v41, _ =	vpop (xrf1);
	(xrf1) =	vsort.dscd.msk.f32 $0xffff, v38, v39  }
0x100: {  	v17 =	vsel vm13, v50, v17;
	vm14 =	vge.f32 v48, v18;
	(xrf1) =	vsort.dscd.msk.f32 $0xffff, v37, v47  }
0x101: {  	v52 =	vsel vm13, v52, v62;
	v18 =	vsel vm14, v48, v18;
	(xrf1) =	vsort.dscd.msk.f32 $0xffff, v20, v40  }
0x102: {  	vm15 =	vge.f32 v19, v43;
	v20 =	vsel vm14, v63, v21;
	v21, v53, _ =	vpop (xrf1);
	(xrf1) =	vsort.dscd.msk.f32 $0xffff, v17, v52  }
0x103: {  	v19 =	vsel vm15, v19, v43;
	v17 =	vsel vm15, v41, v49;
	(xrf1) =	vsort.dscd.msk.f32 $0xffff, v18, v20  }
0x104: {  	v54 =	vperm.xlane v58, v16;
	(xrf1) =	vsort.dscd.msk.f32 $0xffff, v19, v17;
	v19 =	vld [tilespmem:$0x1FE80]  }
0x105: {  	vm6 =	vge.f32 v21, v51  }
0x106: {  	v20 =	vsel vm6, v53, v54  }
0x107: {  	v18 =	vsel vm6, v21, v51  }
0x108: {  	vm0 =	vge.f32 v27, v32;
	v21 =	vperm.xlane v28, v16;
	(xrf1) =	vsort.dscd.msk.f32 $0xffff, v18, v20;
	v18 =	vld [tilespmem:$0x1FE70]  }
0x109: {  	v17 =	vsel vm0, v27, v32;
	v27 =	vperm.xlane v19, v16;
	v20, v19, _ =	vpop (xrf1)  }
0x10a: {  	vm7 =	vge.f32 v25, v21;
	(xrf1) =	vsort.dscd.msk.f32 $0xffff, v29, v30;
	v28, v29, _ =	vpop (xrf1)  }
0x10b: {  	v24 =	vsel vm7, v24, v27;
	v27 =	vperm.xlane v29, v16  }
0x10c: {  	v21 =	vsel vm7, v25, v21;
	(xrf1) =	vsort.dscd.msk.f32 $0xffff, v31, v33;
	v25 =	vperm.xlane v28, v16  }
0x10d: {  	v18 =	vsel vm0, v18, v35;
	v28, v30, _ =	vpop (xrf1);
	(xrf1) =	vsort.dscd.msk.f32 $0xffff, v34, v36  }
0x10e: {  	v29, v31, _ =	vpop (xrf1);
	(xrf1) =	vsort.dscd.msk.f32 $0xffff, v17, v18  }
0x10f: {  	v17 =	vperm.xlane v28, v16;
	v18 =	vperm.xlane v30, v16;
	vm8 =	vge.f32 v29, v25  }
0x110: {  	[tilespmem:$0x1FEB0] =	vst v19;
	v19 =	vld [tilespmem:$0x1FE90];
	(xrf1) =	vsort.dscd.msk.f32 $0xffff, v21, v24;
	v21 =	vsel vm8, v29, v25;
	v24 =	vsel vm8, v31, v27;
	v25, v27, _ =	vpop (xrf1)  }
0x111: {  	s29 =	simm.s32 $0x300;
	s13 =	simm.s32 $0x600;
	vm9 =	vge.f32 v25, v17  }
0x112: {  	v26 =	vperm.xlane v26, v16;
	s14 =	sand.u32 $0x300, s29;
	s16 =	sand.u32 $0x7800, s13;
	v18 =	vsel vm9, v27, v18  }
0x113: {  	v23 =	vperm.xlane v23, v16;
	s30 =	sor.u32 s14, s16;
	[tilespmem:$0x1FEA0] =	vst v20  }
0x114: {  	vm10 =	vge.f32 v22, v26;
	v29 =	vld [tilespmem:s30+$0x10]  }
0x115: {  	v23 =	vsel vm10, v19, v23;
	(xrf1) =	vsort.dscd.msk.f32 $0xffff, v21, v24;
	v24 =	vld [tilespmem:s30+$0x20];
	v35, v19, _ =	vpop (xrf1);
	v17 =	vsel vm9, v25, v17  }
0x116: {  	v27 =	vld [tilespmem:s30+$0x40];
	[tilespmem:$0x1FEC0] =	vst v19;
	(xrf1) =	vsort.dscd.msk.f32 $0xffff, v17, v18;
	v19, v18, _ =	vpop (xrf1)  }
0x117: {  	v21 =	vsel vm10, v22, v26;
	v17 =	vld [tilespmem:s30+$0x400];
	[tilespmem:$0x1FED0] =	vst v19  }
0x118: {  	(xrf1) =	vsort.dscd.msk.f32 $0xffff, v21, v23;
	[tilespmem:$0x1FEF0] =	vst v18;
	v41, v19, _ =	vpop (xrf1)  }
0x119: {  	v18 =	vld [tilespmem:s30+$0x30];
	(xrf1) =	vsort.dscd.msk.f32 $0xffff, v29, v4;
	[tilespmem:$0x1FEE0] =	vst v19;
	v48, v19, _ =	vpop (xrf1)  }
0x11a: {  	(xrf1) =	vsort.dscd.msk.f32 $0xffff, v24, v3;
	v30 =	vld [tilespmem:s30+$0x50];
	[tilespmem:$0x1FF20] =	vst v19;
	v42, v37, _ =	vpop (xrf1)  }
0x11b: {  	(xrf1) =	vsort.dscd.msk.f32 $0xffff, v27, v2;
	v31 =	vld [tilespmem:s30+$0x60];
	v38, v19, _ =	vpop (xrf1)  }
0x11c: {  	v24 =	vld [tilespmem:s30+$0x410];
	(xrf1) =	vsort.dscd.msk.f32 $0xffff, v17, v1;
	[tilespmem:$0x1FF00] =	vst v19;
	v36, v17, _ =	vpop (xrf1)  }
0x11d: {  	v55 =	vld [tilespmem:s30+$0x70];
	[tilespmem:$0x1FF40] =	vst v17;
	v43, v33, _ =	vpop (xrf1)  }
0x11e: {  	(xrf1) =	vsort.dscd.msk.f32 $0xffff, v18, v6;
	v17 =	vld [tilespmem:s30+$0x430];
	v39, v19, _ =	vpop (xrf1)  }
0x11f: {  	v18 =	vld [tilespmem:s30+$0x450];
	(xrf1) =	vsort.dscd.msk.f32 $0xffff, v30, v8;
	[tilespmem:$0x1FF60] =	vst v19;
	v40, v19, _ =	vpop (xrf1)  }
0x120: {  	v56 =	vld [tilespmem:s30+$0x420];
	(xrf1) =	vsort.dscd.msk.f32 $0xffff, v31, v9;
	[tilespmem:$0x1FF50] =	vst v19  }
0x121: {  	v32, v19, _ =	vpop (xrf1);
	v57 =	vld [tilespmem:s30+$0x470];
	(xrf1) =	vsort.dscd.msk.f32 $0xffff, v24, v12  }
0x122: {  	[tilespmem:$0x1FF70] =	vst v19;
	v44, v34, _ =	vpop (xrf1);
	(xrf1) =	vsort.dscd.msk.f32 $0xffff, v55, v10  }
0x123: {  	s31 =	simm.s32 $0x380;
	v58 =	vld [tilespmem:s30+$0x440];
	(xrf1) =	vsort.dscd.msk.f32 $0xffff, v17, v14;
	v17, v59, _ =	vpop (xrf1)  }
0x124: {  	s14 =	sand.u32 $0x380, s31;
	(xrf1) =	vsort.dscd.msk.f32 $0xffff, v18, v11;
	v49 =	vperm.xlane v59, v16  }
0x125: {  	s14 =	sor.u32 s14, s16;
	v18 =	vld [tilespmem:s30+$0x460];
	v17 =	vperm.xlane v17, v16;
	(xrf1) =	vsort.dscd.msk.f32 $0xffff, v56, v15  }
0x126: {  	v60 =	vld [tilespmem:s14+$0x470];
	v61, v62, _ =	vpop (xrf1);
	(xrf1) =	vsort.dscd.msk.f32 $0xffff, v57, v13  }
0x127: {  	v63 =	vld [tilespmem:s14+$0x70];
	v46, v45, _ =	vpop (xrf1);
	vm11 =	vge.f32 v61, v17  }
0x128: {  	v54 =	vld [tilespmem:s14+$0x430];
	(xrf1) =	vsort.dscd.msk.f32 $0xffff, v58, v5;
	v17 =	vsel vm11, v61, v17;
	v59 =	vsel vm11, v62, v49;
	v49, v51, _ =	vpop (xrf1)  }
0x129: {  	v52 =	vld [tilespmem:s14+$0x450];
	(xrf1) =	vsort.dscd.msk.f32 $0xffff, v17, v59;
	v22, v55, _ =	vpop (xrf1)  }
0x12a: {  	v47 =	vld [tilespmem:s14+$0x460];
	(xrf1) =	vsort.dscd.msk.f32 $0xffff, v18, v7;
	v23, v56, _ =	vpop (xrf1)  }
0x12b: {  	v57 =	vld [tilespmem:s14+$0x30];
	(xrf1) =	vsort.dscd.msk.f32 $0xffff, v60, v13;
	v50, v58, _ =	vpop (xrf1)  }
0x12c: {  	v59 =	vld [tilespmem:s14+$0x50];
	(xrf1) =	vsort.dscd.msk.f32 $0xffff, v63, v10;
	v53, v60, _ =	vpop (xrf1)  }
0x12d: {  	v61 =	vld [tilespmem:s30+$0x0];
	(xrf1) =	vsort.dscd.msk.f32 $0xffff, v54, v14;
	v54, v62, _ =	vpop (xrf1)  }
0x12e: {  	v63 =	vld [tilespmem:s14+$0x60];
	(xrf1) =	vsort.dscd.msk.f32 $0xffff, v52, v11;
	v52, v29, _ =	vpop (xrf1)  }
0x12f: {  	v21 =	vld [tilespmem:s14+$0x410];
	(xrf1) =	vsort.dscd.msk.f32 $0xffff, v47, v7;
	v47, v17, _ =	vpop (xrf1)  }
0x130: {  	v20 =	vld [tilespmem:s14+$0x420];
	v60 =	vperm.xlane v60, v16;
	v53 =	vperm.xlane v53, v16;
	(xrf1) =	vsort.dscd.msk.f32 $0xffff, v57, v6;
	v57, v18, _ =	vpop (xrf1)  }
0x131: {  	v19 =	vld [tilespmem:s14+$0x440];
	v30 =	vperm.xlane v17, v16;
	(xrf1) =	vsort.dscd.msk.f32 $0xffff, v59, v8;
	v59 =	vperm.xlane v47, v16;
	v47, v17, _ =	vpop (xrf1)  }
0x132: {  	v54 =	vperm.xlane v54, v16;
	(xrf1) =	vsort.dscd.msk.f32 $0xffff, v61, v0;
	v27 =	vperm.xlane v17, v16;
	v61, v17, _ =	vpop (xrf1)  }
0x133: {  	vm12 =	vge.f32 v22, v53;
	v24 =	vperm.xlane v18, v16;
	(xrf1) =	vsort.dscd.msk.f32 $0xffff, v63, v9;
	v63, v26, _ =	vpop (xrf1)  }
0x134: {  	v28 =	vperm.xlane v17, v16;
	(xrf1) =	vsort.dscd.msk.f32 $0xffff, v21, v12;
	v21 =	vperm.xlane v47, v16;
	v47, v17, _ =	vpop (xrf1)  }
0x135: {  	v57 =	vperm.xlane v57, v16;
	(xrf1) =	vsort.dscd.msk.f32 $0xffff, v20, v15;
	v18 =	vperm.xlane v17, v16  }
0x136: {  	v17, v25, _ =	vpop (xrf1);
	(xrf1) =	vsort.dscd.msk.f32 $0xffff, v19, v5;
	v19 =	vsel vm12, v22, v53;
	v22 =	vsel vm12, v55, v60;
	_ =	sdelay $0x1  }
0x137: {  	vm13 =	vge.f32 v23, v54;
	vm14 =	vge.f32 v52, v57;
	v20 =	vperm.xlane v47, v16;
	_, v47, _ =	vpop (xrf1)  }
0x138: {  	v62 =	vperm.xlane v62, v16;
	v23 =	vsel vm13, v23, v54;
	v52 =	vsel vm14, v52, v57;
	v53, v54, _ =	vpop (xrf1)  }
0x139: {  	vm15 =	vge.f32 v63, v21;
	(xrf1) =	vsort.dscd.msk.f32 $0xffff, v19, v22;
	vm6 =	vge.f32 v53, v20;
	v19, v22, _ =	vpop (xrf1)  }
0x13a: {  	v60 =	vsel vm13, v56, v62;
	v26 =	vsel vm15, v26, v27;
	v20 =	vsel vm6, v53, v20;
	v56, v57, _ =	vpop (xrf1)  }
0x13b: {  	v61 =	vperm.xlane v61, v16;
	v24 =	vsel vm14, v29, v24;
	(xrf1) =	vsort.dscd.msk.f32 $0xffff, v23, v60;
	v29, v31, _ =	vpop (xrf1)  }
0x13c: {  	vm7 =	vge.f32 v50, v59;
	v18 =	vsel vm6, v54, v18;
	(xrf1) =	vsort.dscd.msk.f32 $0xffff, v52, v24;
	v52, v53, _ =	vpop (xrf1)  }
0x13d: {  	vm5 =	vge.f32 v17, v61;
	v21 =	vsel vm15, v63, v21;
	v24 =	vld [tilespmem:s14+$0x10];
	(xrf1) =	vsort.dscd.msk.f32 $0xffff, v20, v18;
	v20, v27, _ =	vpop (xrf1)  }
0x13e: {  	v17 =	vsel vm5, v17, v61;
	v25 =	vsel vm5, v25, v28;
	(xrf1) =	vsort.dscd.msk.f32 $0xffff, v21, v26;
	v23, v26, _ =	vpop (xrf1)  }
0x13f: {  	v28 =	vsel vm7, v58, v30;
	v18 =	vld [tilespmem:s14+$0x20];
	(xrf1) =	vsort.dscd.msk.f32 $0xffff, v17, v25;
	v17 =	vperm.xlane v49, v16;
	v30, v49, _ =	vpop (xrf1)  }
0x140: {  	v61 =	vperm.xlane v51, v16;
	v25 =	vsel vm7, v50, v59;
	v63, v62, _ =	vpop (xrf1)  }
0x141: {  	(xrf1) =	vsort.dscd.msk.f32 $0xffff, v25, v28;
	vm8 =	vge.f32 v63, v17  }
0x142: {  	(xrf1) =	vsort.dscd.msk.f32 $0xffff, v24, v4;
	v24 =	vsel vm8, v62, v61;
	_ =	sdelay $0x1  }
0x143: {  	(xrf1) =	vsort.dscd.msk.f32 $0xffff, v18, v3;
	v17 =	vsel vm8, v63, v17;
	v21, v25, _ =	vpop (xrf1)  }
0x144: {  	(xrf1) =	vsort.dscd.msk.f32 $0xffff, v17, v24;
	v17 =	vld [tilespmem:s14+$0x40];
	v24, v28, _ =	vpop (xrf1)  }
0x145: {  	v50 =	vld [tilespmem:s14+$0x400];
	v51, v54, _ =	vpop (xrf1)  }
0x146: {  	v55 =	vld [tilespmem:s14+$0x0];
	v19 =	vperm.xlane v19, v16;
	v58, v59, _ =	vpop (xrf1)  }
0x147: {  	v22 =	vperm.xlane v22, v16;
	v60, v61, _ =	vpop (xrf1)  }
0x148: {  	vm9 =	vge.f32 v20, v19;
	v62, v63, _ =	vpop (xrf1)  }
0x149: {  	v22 =	vsel vm9, v27, v22;
	(xrf1) =	vsort.dscd.msk.f32 $0xffff, v17, v2;
	v17, v18, _ =	vpop (xrf1)  }
0x14a: {  	v19 =	vsel vm9, v20, v19;
	(xrf1) =	vsort.dscd.msk.f32 $0xffff, v50, v1;
	v20, v2, _ =	vpop (xrf1)  }
0x14b: {  	(xrf1) =	vsort.dscd.msk.f32 $0xffff, v55, v0;
	v20 =	vperm.xlane v20, v16;
	v27, v55, _ =	vpop (xrf1)  }
0x14c: {  	v17 =	vperm.xlane v17, v16;
	(xrf1) =	vsort.dscd.msk.f32 $0xffff, v19, v22;
	v22, v0, _ =	vpop (xrf1)  }
0x14d: {  	v18 =	vperm.xlane v18, v16;
	v19 =	vperm.xlane v2, v16;
	vm10 =	vge.f32 v22, v20  }
0x14e: {  	v27 =	vperm.xlane v27, v16;
	vm11 =	vge.f32 v62, v17;
	v20 =	vsel vm10, v22, v20  }
0x14f: {  	v18 =	vsel vm11, v63, v18;
	v19 =	vsel vm10, v0, v19;
	v22, v1, _ =	vpop (xrf1)  }
0x150: {  	v55 =	vperm.xlane v55, v16;
	v17 =	vsel vm11, v62, v17;
	vm12 =	vge.f32 v22, v27  }
0x151: {  	v2, v63, _ =	vpop (xrf1);
	v22 =	vsel vm12, v22, v27;
	v27 =	vperm.xlane v61, v16;
	v61 =	vperm.xlane v56, v16  }
0x152: {  	v60 =	vperm.xlane v60, v16;
	(xrf1) =	vsort.dscd.msk.f32 $0xffff, v20, v19;
	v19, v20, _ =	vpop (xrf1)  }
0x153: {  	v50 =	vsel vm12, v1, v55;
	(xrf1) =	vsort.dscd.msk.f32 $0xffff, v17, v18;
	vm14 =	vge.f32 v21, v61;
	v17, v18, _ =	vpop (xrf1)  }
0x154: {  	(xrf1) =	vsort.dscd.msk.f32 $0xffff, v22, v50;
	v22 =	vperm.xlane v29, v16;
	vm13 =	vge.f32 v17, v60  }
0x155: {  	v17 =	vsel vm13, v17, v60;
	v18 =	vsel vm13, v18, v27;
	v27 =	vperm.xlane v57, v16  }
0x156: {  	vm15 =	vge.f32 v51, v22;
	(xrf1) =	vsort.dscd.msk.f32 $0xffff, v17, v18;
	v17 =	vsel vm14, v21, v61  }
0x157: {  	v18 =	vperm.xlane v31, v16;
	v21 =	vsel vm14, v25, v27;
	v25 =	vperm.xlane v52, v16  }
0x158: {  	(xrf1) =	vsort.dscd.msk.f32 $0xffff, v17, v21;
	v17 =	vsel vm15, v51, v22  }
0x159: {  	v18 =	vsel vm15, v54, v18;
	v22 =	vperm.xlane v23, v16;
	vm4 =	vge.f32 v58, v25  }
0x15a: {  	v21 =	vperm.xlane v53, v16;
	(xrf1) =	vsort.dscd.msk.f32 $0xffff, v17, v18;
	v17 =	vsel vm4, v58, v25  }
0x15b: {  	v18 =	vperm.xlane v26, v16;
	vm5 =	vge.f32 v19, v22  }
0x15c: {  	v23 =	vperm.xlane v30, v16;
	v21 =	vsel vm4, v59, v21;
	v19 =	vsel vm5, v19, v22  }
0x15d: {  	v18 =	vsel vm5, v20, v18;
	(xrf1) =	vsort.dscd.msk.f32 $0xffff, v17, v21;
	v22 =	vperm.xlane v49, v16;
	v17, v20, _ =	vpop (xrf1)  }
0x15e: {  	vm6 =	vge.f32 v17, v23  }
0x15f: {  	v62 =	vld [tilespmem:$0x1FEA0];
	v20 =	vsel vm6, v20, v22  }
0x160: {  	v50 =	vld [tilespmem:$0x1FED0];
	v21 =	vperm.xlane v24, v16;
	v17 =	vsel vm6, v17, v23  }
0x161: {  	v49 =	vld [tilespmem:$0x1FEC0];
	(xrf1) =	vsort.dscd.msk.f32 $0xffff, v19, v18;
	v18, v19, _ =	vpop (xrf1);
	v23 =	vperm.xlane v28, v16  }
0x162: {  	v54 =	vld [tilespmem:$0x1FF10];
	v22 =	vperm.xlane v2, v16;
	vm7 =	vge.f32 v18, v21;
	(xrf1) =	vsort.dscd.msk.f32 $0xffff, v17, v20  }
0x163: {  	v52 =	vld [tilespmem:$0x1FEF0];
	v18 =	vsel vm7, v18, v21;
	v19 =	vsel vm7, v19, v23;
	v23 =	vperm.xlane v63, v16;
	v17, v20, _ =	vpop (xrf1)  }
0x164: {  	v56 =	vld [tilespmem:$0x1FF30];
	(xrf1) =	vsort.dscd.msk.f32 $0xffff, v18, v19;
	vm8 =	vge.f32 v17, v22  }
0x165: {  	v53 =	vld [tilespmem:$0x1FF00];
	v19 =	vperm.xlane v35, v16;
	v17 =	vsel vm8, v17, v22;
	v18 =	vsel vm8, v20, v23  }
0x166: {  	v21 =	vperm.xlane v62, v16;
	(xrf1) =	vsort.dscd.msk.f32 $0xffff, v17, v18;
	v18 =	vperm.xlane v49, v16  }
0x167: {  	v55 =	vld [tilespmem:$0x1FF20];
	v20 =	vperm.xlane v50, v16;
	vm10 =	vge.f32 v42, v19  }
0x168: {  	v60 =	vld [tilespmem:$0x1FF60];
	vm9 =	vge.f32 v41, v21;
	v27 =	vsel vm10, v37, v18;
	v18 =	vperm.xlane v52, v16  }
0x169: {  	v22 =	vsel vm9, v41, v21;
	v41 =	vld [tilespmem:$0x1FEB0];
	vm11 =	vge.f32 v38, v20  }
0x16a: {  	v31 =	vperm.xlane v39, v16;
	v29 =	vsel vm11, v53, v18;
	v18 =	vld.idx.msk [tilespmem:v54+s9+$0x0], $0xffff  }
0x16b: {  	v51 =	vld [tilespmem:$0x1FEE0]  }
0x16c: {  	vm14 =	vge.f32 v32, v31;
	v59 =	vld [tilespmem:$0x1FF50];
	v28 =	vsel vm11, v38, v20;
	v20 =	vperm.xlane v43, v16  }
0x16d: {  	v30 =	vld.idx.msk [tilespmem:v56+s9+$0x0], $0xffff;
	v26 =	vperm.xlane v33, v16;
	v5 =	vsel vm14, v32, v31  }
0x16e: {  	s14 =	simm.s32 $0x8180;
	v31 =	vperm.xlane v34, v16;
	v58 =	vld.idx.msk [tilespmem:v47+s9+$0x0], $0xffff;
	v17 =	vperm.xlane v41, v16;
	vm13 =	vge.f32 v40, v20  }
0x16f: {  	v57 =	vld [tilespmem:$0x1FF40];
	v61 =	vperm.xlane v60, v16;
	v25 =	vsel vm13, v40, v20;
	v20 =	vperm.xlane v44, v16;
	[tilespmem:s14+$0xFFFFFF80] =	vst v18  }
0x170: {  	v24 =	vsel vm10, v42, v19;
	v23 =	vsel vm9, v51, v17;
	v17 =	vperm.xlane v48, v16;
	v62 =	vld [tilespmem:$0x1FF70]  }
0x171: {  	v26 =	vsel vm13, v59, v26;
	vm15 =	vge.f32 v46, v20;
	(xrf1) =	vsort.dscd.msk.f32 $0xffff, v22, v23  }
0x172: {  	vm12 =	vge.f32 v36, v17;
	v20 =	vsel vm15, v46, v20;
	v22 =	vsel vm15, v45, v31  }
0x173: {  	s15 =	simm.s32 $0x8280;
	v19 =	vsel vm12, v36, v17;
	v17 =	vperm.xlane v55, v16;
	v23, v63, _ =	vpop (xrf1);
	(xrf1) =	vsort.dscd.msk.f32 $0xffff, v24, v27  }
0x174: {  	s16 =	simm.s32 $0x8380;
	[tilespmem:s15+$0xFFFFFF80] =	vst v30;
	v31 =	vperm.xlane v23, v16;
	v23, v33, _ =	vpop (xrf1);
	v32 =	vperm.xlane v63, v16;
	(xrf1) =	vsort.dscd.msk.f32 $0xffff, v28, v29  }
0x175: {  	s17 =	simm.s32 $0x6;
	s18 =	simm.s32 $0x480;
	[tilespmem:s16+$0xFFFFFF80] =	vst v58;
	v21 =	vsel vm12, v57, v17;
	v23 =	vperm.xlane v23, v16;
	v27, v24, _ =	vpop (xrf1);
	v18 =	vsel vm14, v62, v61  }
.LBB2_2:
0x176: {  	v15 =	vld [tilespmem:$0x1FFB0]  }
0x177: {  	v4 =	vld [tilespmem:$0x1FFA0]  }
0x178: {  	v7 =	vld [tilespmem:$0x1FF90];
	v29, v30, _ =	vpop (xrf1);
	(xrf1) =	vsort.dscd.msk.f32 $0xffff, v19, v21;
	v19 =	vperm.xlane v27, v16  }
0x179: {  	s19 =	sadd.s32 $0xFFFFFF80, s18;
	s13 =	sadd.s32 $0x200, s13;
	v13 =	vld [tilespmem:$0x1FF80];
	v21 =	vperm.xlane v24, v16;
	(xrf1) =	vsort.dscd.msk.f32 $0xffff, v25, v26;
	v25, v26, _ =	vpop (xrf1)  }
0x17a: {  	v28 =	vperm.xlane v33, v16;
	v3 =	vld [tilespmem:$0x1FFF0];
	s22 =	sand.u32 $0x7800, s13;
	s19 =	sand.u32 $0x300, s19;
	vm4 =	vge.f32 v25, v19  }
0x17b: {  	v2 =	vld [tilespmem:$0x1FFD0];
	s20 =	sor.u32 s19, s22;
	vm0 =	vge.f32 v29, v23;
	v21 =	vsel vm4, v26, v21  }
0x17c: {  	v27 =	vld [tilespmem:s20+$0x10];
	v1 =	vsel vm0, v29, v23;
	v0 =	vsel vm0, v30, v28;
	v19 =	vsel vm4, v25, v19  }
0x17d: {  	v34 =	vld [tilespmem:s20+$0x400];
	v23, v24, _ =	vpop (xrf1);
	(xrf1) =	vsort.dscd.msk.f32 $0xffff, v1, v0  }
0x17e: {  	v28 =	vld [tilespmem:s20+$0x20];
	v25 =	vperm.xlane v23, v16;
	v23, v26, _ =	vpop (xrf1)  }
0x17f: {  	v29 =	vld [tilespmem:s20+$0x40];
	(xrf1) =	vsort.dscd.msk.f32 $0xffff, v19, v21;
	v19, v21, _ =	vpop (xrf1)  }
0x180: {  	v17 =	vld [tilespmem:s20+$0x30];
	(xrf1) =	vsort.dscd.msk.f32 $0xffff, v5, v18;
	vm5 =	vge.f32 v19, v31  }
0x181: {  	v35 =	vld [tilespmem:s20+$0x410];
	v45 =	vperm.xlane v23, v16;
	v23 =	vsel vm5, v19, v31;
	v18, v19, _ =	vpop (xrf1);
	(xrf1) =	vsort.dscd.msk.f32 $0xffff, v20, v22  }
0x182: {  	v30 =	vperm.xlane v24, v16;
	v26 =	vperm.xlane v26, v16;
	v20 =	vld [tilespmem:s20+$0x50];
	(xrf1) =	vsort.dscd.msk.f32 $0xffff, v27, v15  }
0x183: {  	v24 =	vsel vm5, v21, v32;
	v31 =	vld [tilespmem:s20+$0x60];
	v21 =	vperm.xlane v19, v16;
	v19, v22, _ =	vpop (xrf1);
	(xrf1) =	vsort.dscd.msk.f32 $0xffff, v28, v4  }
0x184: {  	v36 =	vld [tilespmem:s20+$0x70];
	v18 =	vperm.xlane v18, v16;
	vm6 =	vge.f32 v19, v25;
	v28, v46, _ =	vpop (xrf1);
	(xrf1) =	vsort.dscd.msk.f32 $0xffff, v29, v7  }
0x185: {  	v48 =	vld [tilespmem:s20+$0x430];
	v27 =	vsel vm6, v19, v25;
	vm1 =	vge.f32 v28, v45;
	v19, v25, _ =	vpop (xrf1);
	(xrf1) =	vsort.dscd.msk.f32 $0xffff, v34, v13  }
0x186: {  	v49 =	vld [tilespmem:s20+$0x450];
	v29 =	vsel vm6, v22, v30;
	v22, v47, _ =	vpop (xrf1);
	vm7 =	vge.f32 v19, v18;
	(xrf1) =	vsort.dscd.msk.f32 $0xffff, v17, v6  }
0x187: {  	v37 =	vld [tilespmem:s20+$0x420];
	v30 =	vsel vm1, v46, v26;
	v17, v26, _ =	vpop (xrf1);
	v19 =	vsel vm7, v19, v18;
	(xrf1) =	vsort.dscd.msk.f32 $0xffff, v20, v8  }
0x188: {  	v1 =	vld [tilespmem:$0x1FFC0];
	v21 =	vsel vm7, v25, v21;
	v22 =	vperm.xlane v22, v16;
	v18, v20, _ =	vpop (xrf1);
	(xrf1) =	vsort.dscd.msk.f32 $0xffff, v31, v9  }
0x189: {  	v39 =	vld [tilespmem:s20+$0x470];
	v17 =	vperm.xlane v17, v16;
	v51 =	vperm.xlane v26, v16;
	v50, v38, _ =	vpop (xrf1);
	(xrf1) =	vsort.dscd.msk.f32 $0xffff, v35, v12  }
0x18a: {  	v41 =	vld [tilespmem:s20+$0x440];
	v31 =	vperm.xlane v47, v16;
	vm8 =	vge.f32 v18, v22;
	v25, v40, _ =	vpop (xrf1);
	(xrf1) =	vsort.dscd.msk.f32 $0xffff, v36, v10  }
0x18b: {  	s21 =	sand.u32 $0x380, s18;
	v62 =	vld [tilespmem:$0x1FFE0];
	v52 =	vperm.xlane v25, v16;
	v53, v43, _ =	vpop (xrf1);
	v25 =	vsel vm8, v18, v22;
	(xrf1) =	vsort.dscd.msk.f32 $0xffff, v48, v14  }
0x18c: {  	s31 =	sor.u32 s21, s22;
	v26 =	vsel vm8, v20, v31;
	v20 =	vld [tilespmem:s20+$0x460];
	v22 =	vperm.xlane v53, v16;
	(xrf1) =	vsort.dscd.msk.f32 $0xffff, v49, v11  }
0x18d: {  	v42 =	vld [tilespmem:s31+$0x470];
	vm9 =	vge.f32 v50, v17;
	v54 =	vperm.xlane v43, v16;
	v55, v56, _ =	vpop (xrf1);
	(xrf1) =	vsort.dscd.msk.f32 $0xffff, v37, v1  }
0x18e: {  	v31 =	vld [tilespmem:s31+$0x70];
	v18 =	vsel vm9, v38, v51;
	vm10 =	vge.f32 v55, v22;
	v35, v38, _ =	vpop (xrf1);
	(xrf1) =	vsort.dscd.msk.f32 $0xffff, v39, v3  }
0x18f: {  	v57 =	vld [tilespmem:s31+$0x430];
	v22 =	vsel vm10, v55, v22;
	v32 =	vsel vm10, v56, v54;
	(xrf1) =	vsort.dscd.msk.f32 $0xffff, v41, v2;
	_, v34, _ =	vpop (xrf1)  }
0x190: {  	v58 =	vld [tilespmem:s31+$0x450];
	v60, v43, _ =	vpop (xrf1);
	(xrf1) =	vsort.dscd.msk.f32 $0xffff, v22, v32  }
0x191: {  	v59 =	vld [tilespmem:s31+$0x460];
	v22 =	vperm.xlane v40, v16;
	v40, v44, _ =	vpop (xrf1);
	(xrf1) =	vsort.dscd.msk.f32 $0xffff, v20, v62  }
0x192: {  	v61 =	vld [tilespmem:s31+$0x30];
	v28 =	vsel vm1, v28, v45;
	v36, v45, _ =	vpop (xrf1);
	(xrf1) =	vsort.dscd.msk.f32 $0xffff, v42, v3  }
0x193: {  	v63 =	vld [tilespmem:s31+$0x50];
	v42, v46, _ =	vpop (xrf1);
	(xrf1) =	vsort.dscd.msk.f32 $0xffff, v31, v10  }
0x194: {  	vm11 =	vge.f32 v35, v52;
	v31 =	vld [tilespmem:s20+$0x0];
	v47, v48, _ =	vpop (xrf1);
	(xrf1) =	vsort.dscd.msk.f32 $0xffff, v57, v14  }
0x195: {  	v5 =	vsel vm9, v50, v17;
	v20 =	vsel vm11, v35, v52;
	v49, v50, _ =	vpop (xrf1);
	(xrf1) =	vsort.dscd.msk.f32 $0xffff, v58, v11  }
0x196: {  	v39 =	vperm.xlane v60, v16;
	v22 =	vsel vm11, v38, v22;
	v38 =	vld [tilespmem:s31+$0x60];
	v51, v52, _ =	vpop (xrf1);
	(xrf1) =	vsort.dscd.msk.f32 $0xffff, v59, v62  }
0x197: {  	v33 =	vld [tilespmem:s31+$0x410];
	v37 =	vperm.xlane v48, v16;
	v32 =	vperm.xlane v47, v16;
	v53, v54, _ =	vpop (xrf1);
	(xrf1) =	vsort.dscd.msk.f32 $0xffff, v61, v6  }
0x198: {  	v17 =	vlaneseq.u32;
	v41 =	vld [tilespmem:s31+$0x420];
	v48 =	vperm.xlane v50, v16;
	v35 =	vperm.xlane v49, v16;
	v55, v56, _ =	vpop (xrf1);
	(xrf1) =	vsort.dscd.msk.f32 $0xffff, v63, v8  }
0x199: {  	v50 =	vld [tilespmem:s31+$0x440];
	vm2 =	vge.f32 v40, v32;
	v47 =	vperm.xlane v54, v16;
	(xrf1) =	vsort.dscd.msk.f32 $0xffff, v31, v17;
	v31, v57, _ =	vpop (xrf1)  }
0x19a: {  	v49 =	vperm.xlane v53, v16;
	vm3 =	vge.f32 v36, v35;
	v32 =	vsel vm2, v40, v32;
	v59, v60, _ =	vpop (xrf1)  }
0x19b: {  	v37 =	vsel vm2, v44, v37;
	v56 =	vperm.xlane v56, v16;
	(xrf1) =	vsort.dscd.msk.f32 $0xffff, v38, v9;
	v61, v62, _ =	vpop (xrf1)  }
0x19c: {  	v35 =	vsel vm3, v36, v35;
	v48 =	vsel vm3, v45, v48;
	(xrf1) =	vsort.dscd.msk.f32 $0xffff, v33, v12;
	v63, v0, _ =	vpop (xrf1)  }
0x19d: {  	v57 =	vperm.xlane v57, v16;
	(xrf1) =	vsort.dscd.msk.f32 $0xffff, v41, v1;
	v41 =	vperm.xlane v63, v16;
	v63, v1, _ =	vpop (xrf1)  }
0x19e: {  	v38 =	vperm.xlane v55, v16;
	v31 =	vperm.xlane v31, v16;
	(xrf1) =	vsort.dscd.msk.f32 $0xffff, v50, v2;
	_, v50, _ =	vpop (xrf1)  }
0x19f: {  	vm12 =	vge.f32 v42, v49;
	v55 =	vperm.xlane v60, v16;
	v33 =	vperm.xlane v59, v16;
	v2, v3, _ =	vpop (xrf1)  }
0x1a0: {  	v34 =	vld.idx.msk [tilespmem:v34+s9+$0x0], $0xffff;
	vm4 =	vge.f32 v51, v38;
	vm5 =	vge.f32 v61, v31;
	v0 =	vperm.xlane v0, v16;
	v40, v44, _ =	vpop (xrf1)  }
0x1a1: {  	v58 =	vld [tilespmem:s31+$0x40];
	v51 =	vsel vm4, v51, v38;
	v45 =	vsel vm4, v52, v56;
	(xrf1) =	vsort.dscd.msk.f32 $0xffff, v32, v37;
	v32, v37, _ =	vpop (xrf1)  }
0x1a2: {  	v54 =	vld [tilespmem:s31+$0x10];
	v31 =	vsel vm5, v61, v31;
	vm14 =	vge.f32 v2, v41;
	(xrf1) =	vsort.dscd.msk.f32 $0xffff, v35, v48;
	v35, v36, _ =	vpop (xrf1)  }
0x1a3: {  	v53 =	vld [tilespmem:s31+$0x20];
	v52 =	vsel vm14, v2, v41;
	v56 =	vsel vm14, v3, v0;
	(xrf1) =	vsort.dscd.msk.f32 $0xffff, v51, v45;
	v3, v38, _ =	vpop (xrf1)  }
0x1a4: {  	v60 =	vld [tilespmem:s31+$0x400];
	v62 =	vsel vm5, v62, v57;
	vm13 =	vge.f32 v63, v33;
	(xrf1) =	vsort.dscd.msk.f32 $0xffff, v52, v56;
	v0, v2, _ =	vpop (xrf1)  }
0x1a5: {  	v59 =	vld [tilespmem:s31+$0x0];
	[tilespmem:s14+$0x0] =	vst v34;
	v57 =	vsel vm13, v1, v55;
	v56 =	vsel vm13, v63, v33;
	(xrf1) =	vsort.dscd.msk.f32 $0xffff, v31, v62;
	v31, v34, _ =	vpop (xrf1)  }
0x1a6: {  	v42 =	vsel vm12, v42, v49;
	v61 =	vsel vm12, v46, v47;
	(xrf1) =	vsort.dscd.msk.f32 $0xffff, v56, v57;
	v1, v33, _ =	vpop (xrf1)  }
0x1a7: {  	v43 =	vperm.xlane v43, v16;
	v40 =	vperm.xlane v40, v16;
	v46, v47, _ =	vpop (xrf1);
	(xrf1) =	vsort.dscd.msk.f32 $0xffff, v42, v61  }
0x1a8: {  	v32 =	vperm.xlane v32, v16;
	vm15 =	vge.f32 v46, v39;
	(xrf1) =	vsort.dscd.msk.f32 $0xffff, v54, v15  }
0x1a9: {  	v63, v45, _ =	vpop (xrf1);
	v15 =	vsel vm15, v46, v39;
	v52 =	vsel vm15, v47, v43;
	(xrf1) =	vsort.dscd.msk.f32 $0xffff, v53, v4  }
0x1aa: {  	v37 =	vperm.xlane v37, v16;
	v35 =	vperm.xlane v35, v16;
	v54, v47, _ =	vpop (xrf1);
	(xrf1) =	vsort.dscd.msk.f32 $0xffff, v15, v52  }
0x1ab: {  	v36 =	vperm.xlane v36, v16;
	v62 =	vperm.xlane v44, v16  }
0x1ac: {  	v3 =	vperm.xlane v3, v16;
	vm4 =	vge.f32 v0, v40;
	v55, v56, _ =	vpop (xrf1);
	(xrf1) =	vsort.dscd.msk.f32 $0xffff, v58, v7  }
0x1ad: {  	v38 =	vperm.xlane v38, v16;
	v0 =	vsel vm4, v0, v40;
	v58, v57, _ =	vpop (xrf1);
	(xrf1) =	vsort.dscd.msk.f32 $0xffff, v60, v13  }
0x1ae: {  	v41 =	vld.idx.msk [tilespmem:v50+s9+$0x0], $0xffff;
	v2 =	vsel vm4, v2, v62;
	v34 =	vperm.xlane v34, v16;
	(xrf1) =	vsort.dscd.msk.f32 $0xffff, v59, v17  }
0x1af: {  	vm5 =	vge.f32 v63, v32;
	(xrf1) =	vsort.dscd.msk.f32 $0xffff, v0, v2;
	v0 =	vperm.xlane v31, v16;
	v61, v31, _ =	vpop (xrf1)  }
0x1b0: {  	v1 =	vperm.xlane v1, v16;
	v32 =	vsel vm5, v63, v32;
	v40 =	vperm.xlane v54, v16;
	v62, v63, _ =	vpop (xrf1)  }
0x1b1: {  	v37 =	vsel vm5, v45, v37;
	vm6 =	vge.f32 v55, v35;
	vm7 =	vge.f32 v58, v3;
	v51, v50, _ =	vpop (xrf1)  }
0x1b2: {  	s14 =	smov.u32 s15;
	s15 =	smov.u32 s16;
	s16 =	sadd.s32 $0x100, s16;
	v35 =	vsel vm6, v55, v35;
	v36 =	vsel vm6, v56, v36;
	v2 =	vperm.xlane v61, v16;
	v53, v52, _ =	vpop (xrf1)  }
0x1b3: {  	[tilespmem:s16+$0xFFFFFF80] =	vst v41;
	v3 =	vsel vm7, v58, v3;
	v39 =	vperm.xlane v51, v16;
	v41 =	vperm.xlane v53, v16;
	v55, v54, _ =	vpop (xrf1)  }
0x1b4: {  	v38 =	vsel vm7, v57, v38;
	v45 =	vperm.xlane v50, v16;
	v46 =	vperm.xlane v52, v16;
	v56, v50, _ =	vpop (xrf1)  }
0x1b5: {  	v43 =	vperm.xlane v55, v16;
	vm8 =	vge.f32 v62, v39;
	vm9 =	vge.f32 v56, v41;
	v57, v58, _ =	vpop (xrf1)  }
0x1b6: {  	v17 =	vsel vm8, v62, v39;
	v4 =	vsel vm9, v56, v41;
	v7 =	vsel vm9, v50, v46;
	v59, v50, _ =	vpop (xrf1)  }
0x1b7: {  	v13 =	vsel vm8, v63, v45;
	vm10 =	vge.f32 v57, v43;
	(xrf1) =	vsort.dscd.msk.f32 $0xffff, v4, v7;
	v60, v61, _ =	vpop (xrf1)  }
0x1b8: {  	v15 =	vperm.xlane v54, v16;
	v51 =	vsel vm10, v57, v43;
	v63, v62, _ =	vpop (xrf1);
	(xrf1) =	vsort.dscd.msk.f32 $0xffff, v17, v13  }
0x1b9: {  	v33 =	vperm.xlane v33, v16;
	v31 =	vperm.xlane v31, v16  }
0x1ba: {  	v53 =	vperm.xlane v47, v16;
	v4 =	vsel vm10, v58, v15;
	vm11 =	vge.f32 v63, v2  }
0x1bb: {  	(xrf1) =	vsort.dscd.msk.f32 $0xffff, v51, v4;
	v39, v42, _ =	vpop (xrf1);
	v4 =	vsel vm11, v63, v2;
	v7 =	vsel vm11, v62, v31  }
0x1bc: {  	v57 =	vperm.xlane v59, v16;
	vm12 =	vge.f32 v60, v0;
	v52, v51, _ =	vpop (xrf1);
	(xrf1) =	vsort.dscd.msk.f32 $0xffff, v4, v7  }
0x1bd: {  	v0 =	vsel vm12, v60, v0;
	v34 =	vsel vm12, v61, v34;
	v54, v55, _ =	vpop (xrf1);
	(xrf1) =	vsort.dscd.msk.f32 $0xffff, v32, v37  }
0x1be: {  	v60 =	vperm.xlane v50, v16;
	vm13 =	vge.f32 v39, v1;
	v31, v56, _ =	vpop (xrf1);
	(xrf1) =	vsort.dscd.msk.f32 $0xffff, v35, v36  }
0x1bf: {  	v1 =	vsel vm13, v39, v1;
	vm14 =	vge.f32 v52, v40;
	(xrf1) =	vsort.dscd.msk.f32 $0xffff, v3, v38  }
0x1c0: {  	s17 =	sadd.s32 $0x2, s17;
	v58 =	vsel vm14, v52, v40;
	v3 =	vsel vm13, v42, v33;
	(xrf1) =	vsort.dscd.msk.f32 $0xffff, v0, v34  }
0x1c1: {  	p0 =	slt.u32 s17, $0x7E;
	v59 =	vsel vm14, v51, v53;
	vm15 =	vge.f32 v54, v57;
	(xrf1) =	vsort.dscd.msk.f32 $0xffff, v1, v3  }
.Ltmp0:
0x1c2: {  	v61 =	vsel vm15, v54, v57;
	v62 =	vsel vm15, v55, v60;
	(xrf1) =	vsort.dscd.msk.f32 $0xffff, v58, v59;
	(pc) =	sbr.rel @p0 .LBB2_2-.Ltmp0, $4  }
0x1c3: {  	(xrf1) =	vsort.dscd.msk.f32 $0xffff, v61, v62  }
0x1c4: {  	(xrf1) =	vsort.dscd.msk.f32 $0xffff, v23, v24  }
0x1c5: {  	v31 =	vperm.xlane v31, v16;
	v63, v33, _ =	vpop (xrf1);
	(xrf1) =	vsort.dscd.msk.f32 $0xffff, v27, v29  }
0x1c6: {  	s18 =	sadd.s32 $0x100, s18;
	v32 =	vperm.xlane v56, v16;
	v23 =	vperm.xlane v63, v16;
	v27, v24, _ =	vpop (xrf1);
	(xrf1) =	vsort.dscd.msk.f32 $0xffff, v28, v30  }
0x1c7: {  	_ =	sdelay $0x1  }
0x1c8: {  	v0 =	vperm.xlane v33, v16;
	v3 =	vperm.xlane v27, v16;
	v1, v2, _ =	vpop (xrf1)  }
0x1c9: {  	(xrf1) =	vsort.dscd.msk.f32 $0xffff, v19, v21;
	v19 =	vperm.xlane v24, v16;
	vm0 =	vge.f32 v1, v23  }
0x1ca: {  	(xrf1) =	vsort.dscd.msk.f32 $0xffff, v25, v26;
	v58, v21, _ =	vpop (xrf1);
	v1 =	vsel vm0, v1, v23;
	v0 =	vsel vm0, v2, v0  }
0x1cb: {  	vm15 =	vge.f32 v58, v3;
	(xrf1) =	vsort.dscd.msk.f32 $0xffff, v1, v0  }
0x1cc: {  	v59 =	vsel vm15, v58, v3;
	v60 =	vsel vm15, v21, v19  }
0x1cd: {  	v2, v3, _ =	vpop (xrf1);
	(xrf1) =	vsort.dscd.msk.f32 $0xffff, v59, v60  }
0x1ce: {  	v0, v1, _ =	vpop (xrf1)  }
0x1cf: {  	v19, v21, _ =	vpop (xrf1)  }
0x1d0: {  	v23, v24, _ =	vpop (xrf1)  }
0x1d1: {  	v25, v26, _ =	vpop (xrf1)  }
0x1d2: {  	v27, v28, _ =	vpop (xrf1)  }
0x1d3: {  	v29, v30, _ =	vpop (xrf1)  }
0x1d4: {  	v61, v34, _ =	vpop (xrf1)  }
0x1d5: {  	v35, v36, _ =	vpop (xrf1)  }
0x1d6: {  	v37, v38, _ =	vpop (xrf1)  }
0x1d7: {  	v39, v40, _ =	vpop (xrf1)  }
0x1d8: {  	v2 =	vperm.xlane v2, v16;
	v3 =	vperm.xlane v3, v16;
	v41, v42, _ =	vpop (xrf1)  }
0x1d9: {  	v0 =	vperm.xlane v0, v16;
	v1 =	vperm.xlane v1, v16;
	v43, v44, _ =	vpop (xrf1)  }
0x1da: {  	(xrf1) =	vsort.dscd.msk.f32 $0xffff, v5, v18;
	vm4 =	vge.f32 v19, v31;
	v17 =	vperm.xlane v43, v16  }
0x1db: {  	v18 =	vsel vm4, v19, v31;
	v19 =	vsel vm4, v21, v32;
	v21 =	vperm.xlane v44, v16;
	v31, v62, _ =	vpop (xrf1)  }
0x1dc: {  	(xrf1) =	vsort.dscd.msk.f32 $0xffff, v20, v22;
	v20 =	vperm.xlane v23, v16;
	vm5 =	vge.f32 v31, v17  }
0x1dd: {  	vm1 =	vge.f32 v25, v2;
	v17 =	vsel vm5, v31, v17;
	v21 =	vsel vm5, v62, v21  }
0x1de: {  	v22 =	vperm.xlane v24, v16;
	v2 =	vsel vm1, v25, v2;
	(xrf1) =	vsort.dscd.msk.f32 $0xffff, v17, v21  }
0x1df: {  	vm6 =	vge.f32 v27, v0;
	v3 =	vsel vm1, v26, v3;
	(xrf1) =	vsort.dscd.msk.f32 $0xffff, v18, v19  }
0x1e0: {  	v0 =	vsel vm6, v27, v0;
	v1 =	vsel vm6, v28, v1;
	(xrf1) =	vsort.dscd.msk.f32 $0xffff, v2, v3  }
0x1e1: {  	vm7 =	vge.f32 v29, v20;
	(xrf1) =	vsort.dscd.msk.f32 $0xffff, v0, v1  }
0x1e2: {  	v63 =	vsel vm7, v29, v20;
	v32 =	vsel vm7, v30, v22  }
0x1e3: {  	(xrf1) =	vsort.dscd.msk.f32 $0xffff, v63, v32;
	_ =	sdelay $0x3  }
0x1e4: {  	v43 =	vperm.xlane v61, v16  }
0x1e5: {  	v45 =	vperm.xlane v34, v16;
	v44 =	vperm.xlane v35, v16  }
0x1e6: {  	v46 =	vperm.xlane v36, v16;
	vm8 =	vge.f32 v37, v43  }
0x1e7: {  	vm9 =	vge.f32 v39, v44;
	v19 =	vperm.xlane v41, v16;
	v17, v18, _ =	vpop (xrf1);
	v2 =	vsel vm8, v38, v45  }
0x1e8: {  	v22 =	vperm.xlane v42, v16;
	v3 =	vsel vm9, v40, v46;
	_, v20, _ =	vpop (xrf1);
	v0 =	vsel vm8, v37, v43  }
0x1e9: {  	v1 =	vsel vm9, v39, v44;
	vm10 =	vge.f32 v17, v19;
	_, v21, _ =	vpop (xrf1)  }
0x1ea: {  	v18 =	vsel vm10, v18, v22;
	v23, v24, _ =	vpop (xrf1)  }
0x1eb: {  	v17 =	vsel vm10, v17, v19;
	(xrf1) =	vsort.dscd.msk.f32 $0xffff, v0, v2;
	v0, v2, _ =	vpop (xrf1);
	v19 =	vperm.xlane v23, v16  }
0x1ec: {  	(xrf1) =	vsort.dscd.msk.f32 $0xffff, v1, v3;
	v22 =	vperm.xlane v24, v16;
	v1, v3, _ =	vpop (xrf1)  }
0x1ed: {  	(xrf1) =	vsort.dscd.msk.f32 $0xffff, v17, v18;
	v0 =	vperm.xlane v0, v16;
	vm11 =	vge.f32 v1, v19  }
0x1ee: {  	v2 =	vperm.xlane v2, v16;
	v17, v18, _ =	vpop (xrf1);
	v1 =	vsel vm11, v1, v19;
	v3 =	vsel vm11, v3, v22  }
0x1ef: {  	vm12 =	vge.f32 v17, v0;
	(xrf1) =	vsort.dscd.msk.f32 $0xffff, v1, v3  }
0x1f0: {  	v0 =	vsel vm12, v17, v0;
	v47 =	vsel vm12, v18, v2  }
0x1f1: {  	(xrf1) =	vsort.dscd.msk.f32 $0xffff, v0, v47;
	_ =	sdelay $0x8  }
0x1f2: {  	v0, v1, _ =	vpop (xrf1)  }
0x1f3: {  	v49, v48, _ =	vpop (xrf1)  }
0x1f4: {  	_, v17, _ =	vpop (xrf1)  }
0x1f5: {  	v0 =	vperm.xlane v0, v16;
	v18, v19, _ =	vpop (xrf1)  }
0x1f6: {  	v1 =	vperm.xlane v1, v16;
	v18 =	vperm.xlane v18, v16  }
0x1f7: {  	vm13 =	vge.f32 v49, v0;
	v22, v23, _ =	vpop (xrf1);
	v19 =	vperm.xlane v19, v16  }
0x1f8: {  	v0 =	vsel vm13, v49, v0;
	v1 =	vsel vm13, v48, v1;
	vm14 =	vge.f32 v22, v18  }
0x1f9: {  	(xrf1) =	vsort.dscd.msk.f32 $0xffff, v0, v1;
	v50 =	vsel vm14, v22, v18;
	v51 =	vsel vm14, v23, v19  }
0x1fa: {  	(xrf1) =	vsort.dscd.msk.f32 $0xffff, v50, v51;
	_ =	sdelay $0xc  }
0x1fb: {  	_, v52, _ =	vpop (xrf1)  }
0x1fc: {  	v53 =	vld.idx.msk [tilespmem:v20+s9+$0x0], $0xffff;
	_, v54, _ =	vpop (xrf1)  }
0x1fd: {  	v55 =	vld.idx.msk [tilespmem:v21+s9+$0x0], $0xffff  }
0x1fe: {  	v17 =	vld.idx.msk [tilespmem:v17+s9+$0x0], $0xffff  }
0x1ff: {  	v0 =	vld.idx.msk [tilespmem:v52+s9+$0x0], $0xffff  }
0x200: {  	v2 =	vld.idx.msk [tilespmem:v54+s9+$0x0], $0xffff  }
0x201: {  	s13 =	sadd.s32 $0x100, s16;
	[tilespmem:s14+$0x0] =	vst v53  }
0x202: {  	[tilespmem:s13+$0xFFFFFF80] =	vst v55  }
0x203: {  	[tilespmem:s15+$0x0] =	vst v17  }
0x204: {  	[tilespmem:s16+$0x0] =	vst v0  }
0x205: {  	s16 =	simm.s32 $0x0;
	[tilespmem:s13+$0x0] =	vst v2  }
0x206: {  	[hbm4b:s5+s16] =	stream.linear.scatter [tilespmem:s11], [sflag:$0x1], $0x4000, $0x38;
	[tilespmem:$0xC100] =	vst v63  }
0x207: {  	_ =	swait.ge [sflag:s10], $0x4000  }
0x208: {  	[sflag:s10] =	ssyncset.done $0x0  }
0x209: {  	[sflag:s10] =	ssyncadd.s32 $0xFFFFC000  }
0x20a: {  	[tilespmem:s16], [sflag:$0x1] =	stream.linear.gather [hbm4b:s6+s16], $0x8000, $0x38;
	[tilespmem:$0xC100] =	vst v63  }
0x20b: {  	_ =	swait.ge [sflag:s10], $0x8000  }
0x20c: {  	v45 =	vld [tilespmem:$0x1FFB0]  }
0x20d: {  	v61 =	vld [tilespmem:$0x1FFA0]  }
0x20e: {  	v60 =	vld [tilespmem:$0x1FF90]  }
0x20f: {  	v13 =	vld [tilespmem:$0x1FF80]  }
0x210: {  	s17 =	simm.s32 $0x0;
	v63 =	vld [tilespmem:$0x1FFC0]  }
0x211: {  	s14 =	sand.u32 $0x300, s17;
	s13 =	sand.u32 $0x7800, s16;
	[sflag:s10] =	ssyncset.done $0x0;
	v15 =	vld [tilespmem:$0x1FFF0]  }
0x212: {  	s14 =	sor.u32 s14, s13;
	v5 =	vld [tilespmem:$0x1FFD0];
	[sflag:s10] =	ssyncadd.s32 $0xFFFF8000  }
0x213: {  	v56 =	vld [tilespmem:s14+$0x10]  }
0x214: {  	v57 =	vld [tilespmem:s14+$0x20]  }
0x215: {  	v58 =	vld [tilespmem:s14+$0x40]  }
0x216: {  	v59 =	vld [tilespmem:s14+$0x400]  }
0x217: {  	v17 =	vld [tilespmem:s14+$0x30]  }
0x218: {  	v18 =	vld [tilespmem:s14+$0x50];
	(xrf1) =	vsort.dscd.msk.f32 $0xffff, v56, v45  }
0x219: {  	v32 =	vld [tilespmem:s14+$0x60];
	(xrf1) =	vsort.dscd.msk.f32 $0xffff, v57, v61  }
0x21a: {  	v33 =	vld [tilespmem:s14+$0x410];
	(xrf1) =	vsort.dscd.msk.f32 $0xffff, v58, v60  }
0x21b: {  	v62 =	vld [tilespmem:$0x1FFE0];
	(xrf1) =	vsort.dscd.msk.f32 $0xffff, v59, v13  }
0x21c: {  	v34 =	vld [tilespmem:s14+$0x70];
	(xrf1) =	vsort.dscd.msk.f32 $0xffff, v17, v6  }
0x21d: {  	v35 =	vld [tilespmem:s14+$0x430];
	(xrf1) =	vsort.dscd.msk.f32 $0xffff, v18, v8  }
0x21e: {  	v17 =	vld [tilespmem:s14+$0x450];
	(xrf1) =	vsort.dscd.msk.f32 $0xffff, v32, v9  }
0x21f: {  	v18 =	vld [tilespmem:s14+$0x420];
	(xrf1) =	vsort.dscd.msk.f32 $0xffff, v33, v12  }
0x220: {  	s18 =	simm.s32 $0x80;
	v36 =	vld [tilespmem:s14+$0x470]  }
0x221: {  	s15 =	sand.u32 $0x380, s18;
	v37 =	vld [tilespmem:s14+$0x440];
	(xrf1) =	vsort.dscd.msk.f32 $0xffff, v34, v10  }
0x222: {  	s13 =	sor.u32 s15, s13;
	v38 =	vld [tilespmem:s14+$0x460];
	(xrf1) =	vsort.dscd.msk.f32 $0xffff, v35, v14  }
0x223: {  	v39 =	vld [tilespmem:s13+$0x470];
	(xrf1) =	vsort.dscd.msk.f32 $0xffff, v17, v11  }
0x224: {  	v17 =	vld [tilespmem:s13+$0x70];
	(xrf1) =	vsort.dscd.msk.f32 $0xffff, v18, v63  }
0x225: {  	v40 =	vld [tilespmem:s13+$0x430];
	(xrf1) =	vsort.dscd.msk.f32 $0xffff, v36, v15  }
0x226: {  	v41 =	vld [tilespmem:s13+$0x450];
	(xrf1) =	vsort.dscd.msk.f32 $0xffff, v37, v5;
	v18, v19, _ =	vpop (xrf1)  }
0x227: {  	v42 =	vld [tilespmem:s13+$0x460];
	(xrf1) =	vsort.dscd.msk.f32 $0xffff, v38, v62;
	v20, v21, _ =	vpop (xrf1)  }
0x228: {  	v22 =	vld [tilespmem:s13+$0x30];
	(xrf1) =	vsort.dscd.msk.f32 $0xffff, v39, v15;
	v23, v24, _ =	vpop (xrf1)  }
0x229: {  	v43 =	vld [tilespmem:s13+$0x50];
	(xrf1) =	vsort.dscd.msk.f32 $0xffff, v17, v10;
	v25, v26, _ =	vpop (xrf1)  }
0x22a: {  	v17 =	vld [tilespmem:s14+$0x0];
	(xrf1) =	vsort.dscd.msk.f32 $0xffff, v40, v14;
	v27, v28, _ =	vpop (xrf1)  }
0x22b: {  	(xrf1) =	vsort.dscd.msk.f32 $0xffff, v41, v11;
	v29, v30, _ =	vpop (xrf1)  }
0x22c: {  	v44 =	vld [tilespmem:s13+$0x60];
	(xrf1) =	vsort.dscd.msk.f32 $0xffff, v42, v62;
	v28 =	vperm.xlane v28, v16;
	v27 =	vperm.xlane v27, v16;
	v31, v32, _ =	vpop (xrf1)  }
0x22d: {  	v30 =	vperm.xlane v30, v16;
	(xrf1) =	vsort.dscd.msk.f32 $0xffff, v22, v6;
	v3 =	vperm.xlane v29, v16;
	v52, v53, _ =	vpop (xrf1)  }
0x22e: {  	v46 =	vld [tilespmem:s13+$0x410];
	v56 =	vlaneseq.u32;
	(xrf1) =	vsort.dscd.msk.f32 $0xffff, v43, v8;
	vm15 =	vge.f32 v20, v27;
	v34 =	vperm.xlane v53, v16  }
0x22f: {  	v47 =	vld [tilespmem:s13+$0x420];
	v54, v55, _ =	vpop (xrf1);
	v29 =	vperm.xlane v52, v16;
	(xrf1) =	vsort.dscd.msk.f32 $0xffff, v17, v56;
	vm4 =	vge.f32 v23, v3  }
0x230: {  	v22 =	vld [tilespmem:s13+$0x440];
	v20 =	vsel vm15, v20, v27;
	v21 =	vsel vm15, v21, v28;
	v17, v33, _ =	vpop (xrf1);
	v36 =	vperm.xlane v55, v16  }
0x231: {  	(xrf1) =	vsort.dscd.msk.f32 $0xffff, v44, v9;
	v59 =	vperm.xlane v54, v16;
	v3 =	vsel vm4, v23, v3;
	v57, v58, _ =	vpop (xrf1)  }
0x232: {  	v23 =	vsel vm4, v24, v30;
	v33 =	vperm.xlane v33, v16;
	v49 =	vperm.xlane v17, v16;
	v48, v39, _ =	vpop (xrf1)  }
0x233: {  	(xrf1) =	vsort.dscd.msk.f32 $0xffff, v46, v12;
	v35 =	vperm.xlane v58, v16;
	v17 =	vperm.xlane v57, v16;
	v51, v50, _ =	vpop (xrf1)  }
0x234: {  	(xrf1) =	vsort.dscd.msk.f32 $0xffff, v47, v63;
	vm2 =	vge.f32 v31, v59;
	v52 =	vperm.xlane v51, v16;
	v55, v54, _ =	vpop (xrf1)  }
0x235: {  	(xrf1) =	vsort.dscd.msk.f32 $0xffff, v22, v5;
	v0 =	vsel vm2, v31, v59;
	v53 =	vperm.xlane v50, v16;
	v22, v56, _ =	vpop (xrf1)  }
0x236: {  	v30 =	vsel vm2, v32, v36;
	vm7 =	vge.f32 v48, v49;
	vm5 =	vge.f32 v22, v52;
	v28, v58, _ =	vpop (xrf1)  }
0x237: {  	(xrf1) =	vsort.dscd.msk.f32 $0xffff, v20, v21;
	v21, v24, _ =	vpop (xrf1);
	v2 =	vsel vm5, v22, v52;
	v22 =	vsel vm5, v56, v53  }
0x238: {  	v1 =	vsel vm7, v48, v49;
	vm8 =	vge.f32 v55, v17;
	(xrf1) =	vsort.dscd.msk.f32 $0xffff, v3, v23;
	v23, v31, _ =	vpop (xrf1)  }
0x239: {  	v17 =	vsel vm8, v55, v17;
	(xrf1) =	vsort.dscd.msk.f32 $0xffff, v0, v30;
	v30, v32, _ =	vpop (xrf1)  }
0x23a: {  	v47 =	vsel vm7, v39, v33;
	(xrf1) =	vsort.dscd.msk.f32 $0xffff, v2, v22;
	v22, v48, _ =	vpop (xrf1)  }
0x23b: {  	vm6 =	vge.f32 v25, v29;
	v35 =	vsel vm8, v54, v35;
	(xrf1) =	vsort.dscd.msk.f32 $0xffff, v1, v47;
	v1, v2, _ =	vpop (xrf1)  }
0x23c: {  	v18 =	vperm.xlane v18, v16;
	v57 =	vld [tilespmem:s13+$0x10];
	v25 =	vsel vm6, v25, v29;
	(xrf1) =	vsort.dscd.msk.f32 $0xffff, v17, v35;
	v17, v29, _ =	vpop (xrf1)  }
0x23d: {  	v19 =	vperm.xlane v19, v16;
	v27 =	vld [tilespmem:s13+$0x20];
	v49, v50, _ =	vpop (xrf1)  }
0x23e: {  	vm9 =	vge.f32 v49, v18  }
0x23f: {  	v26 =	vsel vm6, v26, v34;
	v19 =	vsel vm9, v50, v19  }
0x240: {  	(xrf1) =	vsort.dscd.msk.f32 $0xffff, v25, v26;
	v18 =	vsel vm9, v49, v18  }
0x241: {  	(xrf1) =	vsort.dscd.msk.f32 $0xffff, v57, v45  }
0x242: {  	(xrf1) =	vsort.dscd.msk.f32 $0xffff, v27, v61  }
0x243: {  	v20 =	vld [tilespmem:s13+$0x40];
	(xrf1) =	vsort.dscd.msk.f32 $0xffff, v18, v19;
	v18, v19, _ =	vpop (xrf1)  }
0x244: {  	v25, v26, _ =	vpop (xrf1)  }
0x245: {  	v27 =	vperm.xlane v28, v16;
	v28, v34, _ =	vpop (xrf1)  }
0x246: {  	v59 =	vld [tilespmem:s13+$0x400];
	v35, v36, _ =	vpop (xrf1)  }
0x247: {  	v46 =	vld [tilespmem:s13+$0x0];
	v51 =	vperm.xlane v58, v16;
	v52, v53, _ =	vpop (xrf1)  }
0x248: {  	(xrf1) =	vsort.dscd.msk.f32 $0xffff, v20, v60;
	v20, v40, _ =	vpop (xrf1)  }
0x249: {  	vm10 =	vge.f32 v22, v27;
	v54, v55, _ =	vpop (xrf1)  }
0x24a: {  	v22 =	vsel vm10, v22, v27;
	v57, v56, _ =	vpop (xrf1)  }
0x24b: {  	v7 =	vlaneseq.u32;
	v27 =	vsel vm10, v48, v51;
	(xrf1) =	vsort.dscd.msk.f32 $0xffff, v59, v13;
	v59 =	vperm.xlane v57, v16;
	v49, v48, _ =	vpop (xrf1)  }
0x24c: {  	(xrf1) =	vsort.dscd.msk.f32 $0xffff, v46, v7;
	v50, v51, _ =	vpop (xrf1)  }
0x24d: {  	(xrf1) =	vsort.dscd.msk.f32 $0xffff, v22, v27;
	v27 =	vperm.xlane v56, v16;
	vm12 =	vge.f32 v50, v59  }
0x24e: {  	v21 =	vperm.xlane v21, v16;
	v58 =	vperm.xlane v54, v16;
	v37 =	vsel vm12, v50, v59  }
0x24f: {  	v23 =	vperm.xlane v23, v16;
	v30 =	vperm.xlane v30, v16;
	v27 =	vsel vm12, v51, v27  }
0x250: {  	v33 =	vperm.xlane v53, v16;
	v3 =	vperm.xlane v52, v16;
	v52, v53, _ =	vpop (xrf1)  }
0x251: {  	v38 =	vperm.xlane v55, v16;
	v22 =	vperm.xlane v49, v16;
	v54, v55, _ =	vpop (xrf1)  }
0x252: {  	vm11 =	vge.f32 v20, v58;
	v42 =	vperm.xlane v48, v16;
	(xrf1) =	vsort.dscd.msk.f32 $0xffff, v37, v27;
	v27, v37, _ =	vpop (xrf1)  }
0x253: {  	v0 =	vsel vm11, v20, v58;
	v20 =	vsel vm11, v40, v38;
	vm13 =	vge.f32 v52, v22;
	v57, v58, _ =	vpop (xrf1)  }
0x254: {  	v22 =	vsel vm13, v52, v22;
	v56 =	vsel vm13, v53, v42;
	(xrf1) =	vsort.dscd.msk.f32 $0xffff, v0, v20  }
0x255: {  	v1 =	vperm.xlane v1, v16;
	vm14 =	vge.f32 v57, v3;
	(xrf1) =	vsort.dscd.msk.f32 $0xffff, v22, v56  }
0x256: {  	vm15 =	vge.f32 v18, v21;
	v3 =	vsel vm14, v57, v3;
	v22 =	vsel vm14, v58, v33  }
0x257: {  	v59 =	vperm.xlane v24, v16;
	v24 =	vperm.xlane v32, v16;
	(xrf1) =	vsort.dscd.msk.f32 $0xffff, v3, v22  }
0x258: {  	v2 =	vperm.xlane v2, v16;
	v43 =	vperm.xlane v17, v16;
	v17 =	vsel vm15, v18, v21  }
0x259: {  	v18 =	vperm.xlane v25, v16;
	v25 =	vperm.xlane v29, v16;
	vm5 =	vge.f32 v35, v30  }
0x25a: {  	v26 =	vperm.xlane v26, v16;
	vm4 =	vge.f32 v28, v23;
	v21 =	vsel vm5, v35, v30  }
0x25b: {  	v20 =	vperm.xlane v31, v16;
	v0 =	vsel vm15, v19, v59;
	v19 =	vsel vm4, v28, v23  }
0x25c: {  	v44 =	vperm.xlane v54, v16;
	vm6 =	vge.f32 v27, v1;
	v22 =	vsel vm5, v36, v24;
	v23, v24, _ =	vpop (xrf1)  }
0x25d: {  	v1 =	vsel vm6, v27, v1;
	v2 =	vsel vm6, v37, v2;
	v20 =	vsel vm4, v34, v20;
	v28, v29, _ =	vpop (xrf1)  }
0x25e: {  	vm7 =	vge.f32 v23, v43;
	(xrf1) =	vsort.dscd.msk.f32 $0xffff, v17, v0;
	vm8 =	vge.f32 v28, v18  }
0x25f: {  	(xrf1) =	vsort.dscd.msk.f32 $0xffff, v19, v20;
	v17, v19, _ =	vpop (xrf1);
	v3 =	vsel vm7, v23, v43;
	v20 =	vsel vm7, v24, v25  }
0x260: {  	(xrf1) =	vsort.dscd.msk.f32 $0xffff, v21, v22;
	v23, v30, _ =	vpop (xrf1);
	v18 =	vsel vm8, v28, v18;
	v21 =	vsel vm8, v29, v26  }
0x261: {  	v22 =	vperm.xlane v55, v16;
	vm9 =	vge.f32 v17, v44;
	(xrf1) =	vsort.dscd.msk.f32 $0xffff, v1, v2;
	v1, v2, _ =	vpop (xrf1)  }
0x262: {  	v0 =	vsel vm9, v17, v44;
	(xrf1) =	vsort.dscd.msk.f32 $0xffff, v3, v20;
	v1 =	vperm.xlane v1, v16;
	v46, v17, _ =	vpop (xrf1)  }
0x263: {  	s19 =	simm.s32 $0x100;
	s20 =	simm.s32 $0x200;
	v19 =	vsel vm9, v19, v22;
	(xrf1) =	vsort.dscd.msk.f32 $0xffff, v18, v21;
	v2 =	vperm.xlane v2, v16;
	v18, v20, _ =	vpop (xrf1)  }
0x264: {  	s21 =	sand.u32 $0x7800, s20;
	s13 =	sand.u32 $0x300, s19;
	(xrf1) =	vsort.dscd.msk.f32 $0xffff, v0, v19;
	v47 =	vperm.xlane v46, v16;
	vm10 =	vge.f32 v18, v1  }
0x265: {  	s14 =	sor.u32 s13, s21;
	v48 =	vperm.xlane v17, v16;
	v1 =	vsel vm10, v18, v1;
	v2 =	vsel vm10, v20, v2;
	v17, v18, _ =	vpop (xrf1)  }
0x266: {  	v19 =	vld [tilespmem:s14+$0x10];
	vm11 =	vge.f32 v17, v47;
	(xrf1) =	vsort.dscd.msk.f32 $0xffff, v1, v2  }
0x267: {  	v49 =	vld [tilespmem:s14+$0x20];
	v0 =	vsel vm11, v17, v47;
	v50 =	vsel vm11, v18, v48  }
0x268: {  	v51 =	vld [tilespmem:s14+$0x40];
	(xrf1) =	vsort.dscd.msk.f32 $0xffff, v0, v50  }
0x269: {  	v52 =	vld [tilespmem:s14+$0x400]  }
0x26a: {  	v53 =	vld [tilespmem:s14+$0x30]  }
0x26b: {  	v17 =	vld [tilespmem:s14+$0x50];
	(xrf1) =	vsort.dscd.msk.f32 $0xffff, v19, v45  }
0x26c: {  	v18 =	vld [tilespmem:s14+$0x60];
	(xrf1) =	vsort.dscd.msk.f32 $0xffff, v49, v61  }
0x26d: {  	v20 =	vld [tilespmem:s14+$0x410];
	v54, v24, _ =	vpop (xrf1);
	(xrf1) =	vsort.dscd.msk.f32 $0xffff, v51, v60  }
0x26e: {  	v26 =	vld [tilespmem:s14+$0x70];
	v55, v25, _ =	vpop (xrf1);
	(xrf1) =	vsort.dscd.msk.f32 $0xffff, v52, v13  }
0x26f: {  	v41 =	vld [tilespmem:s14+$0x430];
	v56, v31, _ =	vpop (xrf1);
	(xrf1) =	vsort.dscd.msk.f32 $0xffff, v53, v6  }
0x270: {  	v42 =	vld [tilespmem:s14+$0x450];
	v29, v28, _ =	vpop (xrf1);
	(xrf1) =	vsort.dscd.msk.f32 $0xffff, v17, v8  }
0x271: {  	v27, v21, _ =	vpop (xrf1);
	v17 =	vld [tilespmem:s14+$0x420];
	(xrf1) =	vsort.dscd.msk.f32 $0xffff, v18, v9  }
0x272: {  	v43 =	vld [tilespmem:s14+$0x470];
	v22, v19, _ =	vpop (xrf1);
	(xrf1) =	vsort.dscd.msk.f32 $0xffff, v20, v12  }
0x273: {  	v44 =	vld [tilespmem:s14+$0x440];
	v20, v18, _ =	vpop (xrf1);
	(xrf1) =	vsort.dscd.msk.f32 $0xffff, v26, v10  }
0x274: {  	s22 =	simm.s32 $0x180;
	v4 =	vmov v45;
	(xrf1) =	vsort.dscd.msk.f32 $0xffff, v41, v14;
	v26, v45, _ =	vpop (xrf1)  }
0x275: {  	s13 =	sand.u32 $0x380, s22;
	v46 =	vld [tilespmem:s14+$0x460];
	(xrf1) =	vsort.dscd.msk.f32 $0xffff, v42, v11;
	v47 =	vperm.xlane v26, v16  }
0x276: {  	s13 =	sor.u32 s13, s21;
	(xrf1) =	vsort.dscd.msk.f32 $0xffff, v17, v63;
	v17 =	vperm.xlane v45, v16;
	v26, v48, _ =	vpop (xrf1)  }
0x277: {  	v49 =	vld [tilespmem:s13+$0x470];
	(xrf1) =	vsort.dscd.msk.f32 $0xffff, v43, v15;
	vm12 =	vge.f32 v26, v47  }
0x278: {  	v50 =	vld [tilespmem:s13+$0x70];
	(xrf1) =	vsort.dscd.msk.f32 $0xffff, v44, v5;
	v2 =	vsel vm12, v26, v47;
	v17 =	vsel vm12, v48, v17  }
0x279: {  	v32, v34, _ =	vpop (xrf1);
	v26 =	vld [tilespmem:s13+$0x430];
	(xrf1) =	vsort.dscd.msk.f32 $0xffff, v2, v17  }
0x27a: {  	v51 =	vld [tilespmem:s13+$0x450];
	v37, v38, _ =	vpop (xrf1);
	(xrf1) =	vsort.dscd.msk.f32 $0xffff, v46, v62  }
0x27b: {  	v17 =	vld [tilespmem:s13+$0x460];
	v35, v39, _ =	vpop (xrf1)  }
0x27c: {  	v52 =	vperm.xlane v23, v16;
	v53 =	vld [tilespmem:s13+$0x30];
	v36, v42, _ =	vpop (xrf1);
	(xrf1) =	vsort.dscd.msk.f32 $0xffff, v49, v15  }
0x27d: {  	v1 =	vperm.xlane v54, v16;
	v54 =	vld [tilespmem:s13+$0x50];
	v23 =	vperm.xlane v24, v16;
	v58, v57, _ =	vpop (xrf1);
	(xrf1) =	vsort.dscd.msk.f32 $0xffff, v50, v10  }
0x27e: {  	v59 =	vld [tilespmem:s14+$0x0];
	v24 =	vperm.xlane v55, v16;
	vm13 =	vge.f32 v56, v52;
	v55, v46, _ =	vpop (xrf1);
	(xrf1) =	vsort.dscd.msk.f32 $0xffff, v26, v14  }
0x27f: {  	v26 =	vsel vm13, v56, v52;
	v56 =	vld [tilespmem:s13+$0x60];
	v2, v40, _ =	vpop (xrf1);
	(xrf1) =	vsort.dscd.msk.f32 $0xffff, v51, v11  }
0x280: {  	v30 =	vperm.xlane v30, v16;
	v47 =	vld [tilespmem:s13+$0x410];
	(xrf1) =	vsort.dscd.msk.f32 $0xffff, v17, v62;
	v17, v48, _ =	vpop (xrf1)  }
0x281: {  	v44 =	vperm.xlane v57, v16;
	v33 =	vperm.xlane v58, v16;
	(xrf1) =	vsort.dscd.msk.f32 $0xffff, v53, v6;
	v57, v50, _ =	vpop (xrf1)  }
0x282: {  	v49 =	vld [tilespmem:s13+$0x420];
	v46 =	vperm.xlane v46, v16;
	v45 =	vperm.xlane v17, v16;
	(xrf1) =	vsort.dscd.msk.f32 $0xffff, v54, v8;
	v17, v52, _ =	vpop (xrf1)  }
0x283: {  	v43 =	vperm.xlane v55, v16;
	v51 =	vld [tilespmem:s13+$0x440];
	vm14 =	vge.f32 v37, v33;
	(xrf1) =	vsort.dscd.msk.f32 $0xffff, v59, v7;
	v58, v53, _ =	vpop (xrf1)  }
0x284: {  	v41 =	vperm.xlane v48, v16;
	(xrf1) =	vsort.dscd.msk.f32 $0xffff, v56, v9;
	v48 =	vperm.xlane v53, v16;
	v53, v54, _ =	vpop (xrf1)  }
0x285: {  	vm15 =	vge.f32 v35, v43;
	(xrf1) =	vsort.dscd.msk.f32 $0xffff, v47, v12;
	v47 =	vperm.xlane v17, v16;
	v17, v55, _ =	vpop (xrf1)  }
0x286: {  	v33 =	vsel vm14, v37, v33;
	v35 =	vsel vm15, v35, v43;
	v0 =	vperm.xlane v57, v16;
	v56, v57, _ =	vpop (xrf1)  }
0x287: {  	v3 =	vperm.xlane v50, v16;
	(xrf1) =	vsort.dscd.msk.f32 $0xffff, v49, v63;
	v49 =	vperm.xlane v17, v16;
	_, v17, _ =	vpop (xrf1)  }
0x288: {  	v50 =	vperm.xlane v52, v16;
	v52 =	vperm.xlane v58, v16;
	(xrf1) =	vsort.dscd.msk.f32 $0xffff, v51, v5;
	v51, v58, _ =	vpop (xrf1)  }
0x289: {  	v30 =	vsel vm13, v31, v30;
	v39 =	vsel vm15, v39, v46;
	vm7 =	vge.f32 v51, v49  }
0x28a: {  	v59 =	vsel vm14, v38, v44;
	vm3 =	vge.f32 v2, v0;
	v38, v44, _ =	vpop (xrf1);
	v49 =	vsel vm7, v51, v49  }
0x28b: {  	v46 =	vsel vm3, v40, v3;
	v55 =	vperm.xlane v55, v16;
	(xrf1) =	vsort.dscd.msk.f32 $0xffff, v33, v59;
	v33, v37, _ =	vpop (xrf1)  }
0x28c: {  	v32 =	vperm.xlane v32, v16;
	v0 =	vsel vm3, v2, v0;
	(xrf1) =	vsort.dscd.msk.f32 $0xffff, v35, v39;
	v3, v35, _ =	vpop (xrf1)  }
0x28d: {  	vm4 =	vge.f32 v53, v47;
	(xrf1) =	vsort.dscd.msk.f32 $0xffff, v0, v46;
	v51 =	vsel vm7, v58, v55;
	v2, v43, _ =	vpop (xrf1)  }
0x28e: {  	vm8 =	vge.f32 v36, v45;
	v53 =	vsel vm4, v53, v47;
	(xrf1) =	vsort.dscd.msk.f32 $0xffff, v49, v51;
	v40, v49, _ =	vpop (xrf1)  }
0x28f: {  	v36 =	vsel vm8, v36, v45;
	vm5 =	vge.f32 v56, v52;
	[tilespmem:$0x1FE10] =	vst v17;
	v55 =	vsel vm4, v54, v50;
	v31, v46, _ =	vpop (xrf1)  }
0x290: {  	v59 =	vsel vm5, v56, v52;
	v48 =	vsel vm5, v57, v48;
	v0 =	vld [tilespmem:s13+$0x10];
	(xrf1) =	vsort.dscd.msk.f32 $0xffff, v53, v55;
	v52, v45, _ =	vpop (xrf1)  }
0x291: {  	v34 =	vperm.xlane v34, v16;
	v58 =	vld [tilespmem:s13+$0x20];
	(xrf1) =	vsort.dscd.msk.f32 $0xffff, v59, v48;
	v53, v54, _ =	vpop (xrf1)  }
0x292: {  	vm9 =	vge.f32 v53, v32  }
0x293: {  	v41 =	vsel vm8, v42, v41;
	v34 =	vsel vm9, v54, v34  }
0x294: {  	v55 =	vld [tilespmem:s13+$0x40];
	(xrf1) =	vsort.dscd.msk.f32 $0xffff, v36, v41;
	v32 =	vsel vm9, v53, v32  }
0x295: {  	v25 =	vperm.xlane v25, v16;
	v56 =	vld [tilespmem:s13+$0x400];
	v38 =	vperm.xlane v38, v16;
	(xrf1) =	vsort.dscd.msk.f32 $0xffff, v0, v4  }
0x296: {  	v29 =	vperm.xlane v29, v16;
	vm0 =	vge.f32 v27, v1;
	v57 =	vld [tilespmem:s13+$0x0];
	(xrf1) =	vsort.dscd.msk.f32 $0xffff, v58, v61;
	v58, v47, _ =	vpop (xrf1)  }
0x297: {  	v1 =	vsel vm0, v27, v1;
	vm10 =	vge.f32 v40, v38;
	(xrf1) =	vsort.dscd.msk.f32 $0xffff, v32, v34;
	v32, v34, _ =	vpop (xrf1)  }
0x298: {  	vm1 =	vge.f32 v22, v24;
	v27 =	vperm.xlane v44, v16;
	v38 =	vsel vm10, v40, v38;
	v44, v48, _ =	vpop (xrf1)  }
0x299: {  	v33 =	vperm.xlane v33, v16;
	v3 =	vperm.xlane v3, v16;
	(xrf1) =	vsort.dscd.msk.f32 $0xffff, v55, v60;
	v36, v50, _ =	vpop (xrf1)  }
0x29a: {  	v35 =	vperm.xlane v35, v16;
	v0 =	vperm.xlane v37, v16;
	(xrf1) =	vsort.dscd.msk.f32 $0xffff, v56, v13;
	v37, v59, _ =	vpop (xrf1)  }
0x29b: {  	v2 =	vperm.xlane v2, v16;
	v27 =	vsel vm10, v49, v27;
	(xrf1) =	vsort.dscd.msk.f32 $0xffff, v57, v7;
	v39, v49, _ =	vpop (xrf1)  }
0x29c: {  	v43 =	vperm.xlane v43, v16;
	(xrf1) =	vsort.dscd.msk.f32 $0xffff, v38, v27;
	v27 =	vperm.xlane v31, v16;
	v31, v38, _ =	vpop (xrf1)  }
0x29d: {  	v42 =	vperm.xlane v52, v16;
	vm11 =	vge.f32 v58, v33;
	v32 =	vperm.xlane v32, v16;
	v56, v57, _ =	vpop (xrf1)  }
0x29e: {  	v33 =	vsel vm11, v58, v33;
	v34 =	vperm.xlane v34, v16;
	v51 =	vperm.xlane v56, v16;
	v53, v54, _ =	vpop (xrf1)  }
0x29f: {  	v0 =	vsel vm11, v47, v0;
	v40 =	vperm.xlane v59, v16;
	v58 =	vperm.xlane v57, v16;
	v57, v59, _ =	vpop (xrf1)  }
0x2a0: {  	vm12 =	vge.f32 v44, v3;
	v31 =	vperm.xlane v31, v16;
	vm14 =	vge.f32 v57, v51  }
0x2a1: {  	vm13 =	vge.f32 v36, v2;
	v53 =	vperm.xlane v53, v16;
	v41 =	vsel vm14, v59, v58  }
0x2a2: {  	v37 =	vperm.xlane v37, v16;
	v38 =	vperm.xlane v38, v16;
	vm15 =	vge.f32 v39, v31  }
0x2a3: {  	v54 =	vperm.xlane v54, v16;
	v52, v55, _ =	vpop (xrf1);
	v31 =	vsel vm15, v39, v31;
	v51 =	vsel vm14, v57, v51  }
0x2a4: {  	v38 =	vsel vm15, v49, v38;
	v56, v57, _ =	vpop (xrf1);
	vm8 =	vge.f32 v52, v53;
	(xrf1) =	vsort.dscd.msk.f32 $0xffff, v51, v41  }
0x2a5: {  	v58 =	vsel vm8, v52, v53;
	v59 =	vsel vm8, v55, v54;
	(xrf1) =	vsort.dscd.msk.f32 $0xffff, v31, v38;
	v39, v41, _ =	vpop (xrf1)  }
0x2a6: {  	v3 =	vsel vm12, v44, v3;
	v35 =	vsel vm12, v48, v35;
	(xrf1) =	vsort.dscd.msk.f32 $0xffff, v58, v59;
	v52, v53, _ =	vpop (xrf1)  }
0x2a7: {  	v2 =	vsel vm13, v36, v2;
	v54 =	vperm.xlane v46, v16;
	vm9 =	vge.f32 v52, v37  }
0x2a8: {  	vm10 =	vge.f32 v39, v27;
	v31 =	vsel vm9, v52, v37;
	v53 =	vsel vm9, v53, v40  }
0x2a9: {  	v59 =	vperm.xlane v45, v16;
	v58, v55, _ =	vpop (xrf1);
	v27 =	vsel vm10, v39, v27;
	(xrf1) =	vsort.dscd.msk.f32 $0xffff, v31, v53  }
0x2aa: {  	v51 =	vsel vm10, v41, v54;
	v49, v48, _ =	vpop (xrf1);
	vm11 =	vge.f32 v58, v42;
	v31 =	vsel vm13, v50, v43  }
0x2ab: {  	vm12 =	vge.f32 v49, v32;
	v50 =	vperm.xlane v56, v16;
	(xrf1) =	vsort.dscd.msk.f32 $0xffff, v33, v0  }
0x2ac: {  	v52 =	vsel vm11, v58, v42;
	v53 =	vsel vm11, v55, v59;
	(xrf1) =	vsort.dscd.msk.f32 $0xffff, v3, v35  }
0x2ad: {  	v55 =	vperm.xlane v57, v16;
	v58 =	vsel vm0, v21, v23;
	(xrf1) =	vsort.dscd.msk.f32 $0xffff, v2, v31  }
0x2ae: {  	v21 =	vsel vm1, v22, v24;
	v32 =	vsel vm12, v49, v32;
	v31, v54, _ =	vpop (xrf1);
	(xrf1) =	vsort.dscd.msk.f32 $0xffff, v27, v51  }
0x2af: {  	v56 =	vsel vm12, v48, v34;
	vm13 =	vge.f32 v31, v50;
	(xrf1) =	vsort.dscd.msk.f32 $0xffff, v52, v53  }
0x2b0: {  	v0 =	vsel vm13, v31, v50;
	v57 =	vsel vm13, v54, v55;
	(xrf1) =	vsort.dscd.msk.f32 $0xffff, v32, v56  }
0x2b1: {  	v28 =	vperm.xlane v28, v16;
	vm14 =	vge.f32 v20, v29;
	v31, v59, _ =	vpop (xrf1);
	(xrf1) =	vsort.dscd.msk.f32 $0xffff, v0, v57  }
0x2b2: {  	v36 =	vsel vm1, v19, v25;
	v20 =	vsel vm14, v20, v29;
	v37, v19, _ =	vpop (xrf1);
	(xrf1) =	vsort.dscd.msk.f32 $0xffff, v26, v30  }
0x2b3: {  	v18 =	vsel vm14, v18, v28;
	v38 =	vperm.xlane v37, v16;
	v40, v39, _ =	vpop (xrf1);
	(xrf1) =	vsort.dscd.msk.f32 $0xffff, v1, v58  }
0x2b4: {  	s23 =	simm.s32 $0x200;
	s24 =	simm.s32 $0x400;
	v41 =	vperm.xlane v19, v16;
	v2 =	vperm.xlane v40, v16;
	(xrf1) =	vsort.dscd.msk.f32 $0xffff, v21, v36;
	v19, v21, _ =	vpop (xrf1)  }
0x2b5: {  	s25 =	sand.u32 $0x7800, s24;
	s13 =	sand.u32 $0x300, s23;
	(xrf1) =	vsort.dscd.msk.f32 $0xffff, v20, v18;
	vm15 =	vge.f32 v19, v38  }
0x2b6: {  	s14 =	sor.u32 s13, s25;
	v1 =	vsel vm15, v19, v38  }
0x2b7: {  	v3 =	vperm.xlane v39, v16;
	v20 =	vld [tilespmem:s14+$0x10];
	v0 =	vsel vm15, v21, v41;
	v18, v19, _ =	vpop (xrf1)  }
0x2b8: {  	v42 =	vld [tilespmem:s14+$0x20];
	(xrf1) =	vsort.dscd.msk.f32 $0xffff, v1, v0;
	vm4 =	vge.f32 v18, v2  }
0x2b9: {  	v45 =	vld [tilespmem:s14+$0x40];
	v43 =	vsel vm4, v18, v2;
	v44 =	vsel vm4, v19, v3;
	v1, v2, _ =	vpop (xrf1)  }
0x2ba: {  	v18 =	vld [tilespmem:s14+$0x400];
	(xrf1) =	vsort.dscd.msk.f32 $0xffff, v43, v44;
	v29, v30, _ =	vpop (xrf1)  }
0x2bb: {  	v21 =	vld [tilespmem:s14+$0x30];
	v33, v34, _ =	vpop (xrf1)  }
0x2bc: {  	v22 =	vld [tilespmem:s14+$0x50];
	(xrf1) =	vsort.dscd.msk.f32 $0xffff, v20, v4;
	v35, v37, _ =	vpop (xrf1)  }
0x2bd: {  	v24 =	vld [tilespmem:s14+$0x60];
	(xrf1) =	vsort.dscd.msk.f32 $0xffff, v42, v61;
	v0, v38, _ =	vpop (xrf1)  }
0x2be: {  	v47 =	vld [tilespmem:s14+$0x70];
	(xrf1) =	vsort.dscd.msk.f32 $0xffff, v45, v60;
	v3, v36, _ =	vpop (xrf1)  }
0x2bf: {  	v46 =	vld [tilespmem:s14+$0x410];
	(xrf1) =	vsort.dscd.msk.f32 $0xffff, v18, v13;
	v27, v17, _ =	vpop (xrf1)  }
0x2c0: {  	v20 =	vld [tilespmem:$0x1FFD0];
	(xrf1) =	vsort.dscd.msk.f32 $0xffff, v21, v6;
	[tilespmem:$0x1FD90] =	vst v17;
	v28, v23, _ =	vpop (xrf1)  }
0x2c1: {  	(xrf1) =	vsort.dscd.msk.f32 $0xffff, v22, v8;
	v18 =	vld [tilespmem:s14+$0x430];
	v26, v17, _ =	vpop (xrf1)  }
0x2c2: {  	v48 =	vld [tilespmem:s14+$0x450];
	(xrf1) =	vsort.dscd.msk.f32 $0xffff, v24, v9;
	[tilespmem:$0x1FDA0] =	vst v17;
	v25, v24, _ =	vpop (xrf1)  }
0x2c3: {  	v49 =	vld [tilespmem:s14+$0x420];
	v22, v17, _ =	vpop (xrf1)  }
0x2c4: {  	(xrf1) =	vsort.dscd.msk.f32 $0xffff, v46, v12;
	v50 =	vld [tilespmem:s14+$0x470];
	[tilespmem:$0x1FDB0] =	vst v17  }
0x2c5: {  	s26 =	simm.s32 $0x280;
	(xrf1) =	vsort.dscd.msk.f32 $0xffff, v47, v10;
	v51 =	vld [tilespmem:s14+$0x440]  }
0x2c6: {  	s13 =	sand.u32 $0x380, s26;
	v31 =	vperm.xlane v31, v16;
	v32 =	vperm.xlane v59, v16;
	(xrf1) =	vsort.dscd.msk.f32 $0xffff, v18, v14;
	v18, v52, _ =	vpop (xrf1)  }
0x2c7: {  	s13 =	sor.u32 s13, s25;
	v1 =	vperm.xlane v1, v16;
	v53 =	vld [tilespmem:s14+$0x460];
	(xrf1) =	vsort.dscd.msk.f32 $0xffff, v48, v11;
	v18 =	vperm.xlane v18, v16  }
0x2c8: {  	v2 =	vperm.xlane v2, v16;
	v54 =	vld [tilespmem:s13+$0x470];
	v40 =	vperm.xlane v52, v16;
	(xrf1) =	vsort.dscd.msk.f32 $0xffff, v49, v63;
	v56, v55, _ =	vpop (xrf1)  }
0x2c9: {  	vm6 =	vge.f32 v33, v31;
	v57 =	vld [tilespmem:s13+$0x70];
	(xrf1) =	vsort.dscd.msk.f32 $0xffff, v50, v15;
	vm5 =	vge.f32 v56, v18  }
0x2ca: {  	v43 =	vld [tilespmem:s13+$0x430];
	(xrf1) =	vsort.dscd.msk.f32 $0xffff, v51, v20;
	v18 =	vsel vm5, v56, v18;
	v58 =	vsel vm5, v55, v40  }
0x2cb: {  	v7 =	vmov v60;
	v39 =	vperm.xlane v30, v16;
	v30 =	vsel vm6, v34, v32;
	v59 =	vld [tilespmem:s13+$0x450];
	v60, v47, _ =	vpop (xrf1);
	(xrf1) =	vsort.dscd.msk.f32 $0xffff, v18, v58  }
0x2cc: {  	v32 =	vperm.xlane v35, v16;
	v35 =	vperm.xlane v37, v16;
	v48, v49, _ =	vpop (xrf1);
	v18 =	vld [tilespmem:s13+$0x460];
	(xrf1) =	vsort.dscd.msk.f32 $0xffff, v53, v62  }
0x2cd: {  	v5 =	vmov v61;
	vm7 =	vge.f32 v0, v1;
	v61 =	vld [tilespmem:s13+$0x30];
	v40 =	vperm.xlane v29, v16;
	v50, v51, _ =	vpop (xrf1);
	(xrf1) =	vsort.dscd.msk.f32 $0xffff, v54, v15  }
0x2ce: {  	v21 =	vsel vm7, v38, v2;
	v41 =	vld [tilespmem:s13+$0x50];
	v29 =	vsel vm6, v33, v31;
	v52, v53, _ =	vpop (xrf1);
	(xrf1) =	vsort.dscd.msk.f32 $0xffff, v57, v10  }
0x2cf: {  	v31 =	vsel vm7, v0, v1;
	v0 =	vld [tilespmem:s14+$0x0];
	vm8 =	vge.f32 v3, v40;
	v57, v56, _ =	vpop (xrf1);
	(xrf1) =	vsort.dscd.msk.f32 $0xffff, v43, v14  }
0x2d0: {  	v34 =	vsel vm8, v3, v40;
	v40 =	vperm.xlane v60, v16;
	v38, v58, _ =	vpop (xrf1);
	(xrf1) =	vsort.dscd.msk.f32 $0xffff, v59, v11  }
0x2d1: {  	v37 =	vperm.xlane v56, v16;
	v1 =	vperm.xlane v57, v16;
	v42, v45, _ =	vpop (xrf1);
	(xrf1) =	vsort.dscd.msk.f32 $0xffff, v18, v62  }
0x2d2: {  	v2 =	vld [tilespmem:s13+$0x60];
	v43 =	vperm.xlane v58, v16;
	v38 =	vperm.xlane v38, v16;
	v60, v59, _ =	vpop (xrf1);
	(xrf1) =	vsort.dscd.msk.f32 $0xffff, v61, v6  }
0x2d3: {  	v17 =	vlaneseq.u32;
	v3 =	vld [tilespmem:s13+$0x410];
	vm9 =	vge.f32 v48, v1;
	v54 =	vperm.xlane v59, v16;
	v55, v61, _ =	vpop (xrf1);
	(xrf1) =	vsort.dscd.msk.f32 $0xffff, v41, v8  }
0x2d4: {  	v33 =	vmov v62;
	v18 =	vld [tilespmem:s13+$0x420];
	vm10 =	vge.f32 v50, v38;
	v41 =	vperm.xlane v60, v16;
	(xrf1) =	vsort.dscd.msk.f32 $0xffff, v0, v17;
	v60, v62, _ =	vpop (xrf1)  }
0x2d5: {  	v44 =	vld [tilespmem:s13+$0x440];
	v1 =	vsel vm9, v48, v1;
	v56 =	vperm.xlane v61, v16;
	v46 =	vperm.xlane v62, v16;
	v62, v61, _ =	vpop (xrf1)  }
0x2d6: {  	v37 =	vsel vm9, v49, v37;
	v38 =	vsel vm10, v50, v38;
	v43 =	vsel vm10, v51, v43;
	v58, v59, _ =	vpop (xrf1)  }
0x2d7: {  	(xrf1) =	vsort.dscd.msk.f32 $0xffff, v2, v9;
	v2 =	vperm.xlane v55, v16;
	v0 =	vperm.xlane v60, v16;
	v57, v60, _ =	vpop (xrf1)  }
0x2d8: {  	v55 =	vperm.xlane v61, v16;
	(xrf1) =	vsort.dscd.msk.f32 $0xffff, v3, v12;
	v3 =	vperm.xlane v62, v16;
	v61, v62, _ =	vpop (xrf1)  }
0x2d9: {  	(xrf1) =	vsort.dscd.msk.f32 $0xffff, v18, v63;
	vm12 =	vge.f32 v42, v2;
	v57 =	vperm.xlane v57, v16;
	_, v18, _ =	vpop (xrf1)  }
0x2da: {  	v19 =	vmov v63;
	vm13 =	vge.f32 v58, v0;
	v60 =	vperm.xlane v60, v16;
	(xrf1) =	vsort.dscd.msk.f32 $0xffff, v44, v20;
	v44, v63, _ =	vpop (xrf1)  }
0x2db: {  	v2 =	vsel vm12, v42, v2;
	v56 =	vsel vm12, v45, v56;
	v48, v49, _ =	vpop (xrf1);
	vm15 =	vge.f32 v44, v57  }
0x2dc: {  	v46 =	vsel vm13, v59, v46;
	(xrf1) =	vsort.dscd.msk.f32 $0xffff, v1, v37;
	v1, v37, _ =	vpop (xrf1);
	v44 =	vsel vm15, v44, v57  }
0x2dd: {  	v0 =	vsel vm13, v58, v0;
	vm14 =	vge.f32 v61, v3;
	(xrf1) =	vsort.dscd.msk.f32 $0xffff, v38, v43;
	v38, v43, _ =	vpop (xrf1)  }
0x2de: {  	v3 =	vsel vm14, v61, v3;
	v60 =	vsel vm15, v63, v60;
	(xrf1) =	vsort.dscd.msk.f32 $0xffff, v2, v56;
	v2, v42, _ =	vpop (xrf1)  }
0x2df: {  	v55 =	vsel vm14, v62, v55;
	(xrf1) =	vsort.dscd.msk.f32 $0xffff, v44, v60;
	v44, v50, _ =	vpop (xrf1)  }
0x2e0: {  	vm11 =	vge.f32 v52, v41;
	[tilespmem:$0x1FE30] =	vst v18;
	(xrf1) =	vsort.dscd.msk.f32 $0xffff, v0, v46;
	v0, v46, _ =	vpop (xrf1)  }
0x2e1: {  	v45 =	vld [tilespmem:s13+$0x10];
	v63 =	vsel vm11, v53, v54;
	(xrf1) =	vsort.dscd.msk.f32 $0xffff, v3, v55;
	v3, v53, _ =	vpop (xrf1)  }
0x2e2: {  	v47 =	vperm.xlane v47, v16;
	v51 =	vld [tilespmem:s13+$0x20];
	v55, v56, _ =	vpop (xrf1)  }
0x2e3: {  	vm4 =	vge.f32 v55, v40  }
0x2e4: {  	v41 =	vsel vm11, v52, v41;
	v54 =	vld [tilespmem:s13+$0x40];
	v47 =	vsel vm4, v56, v47  }
0x2e5: {  	v48 =	vperm.xlane v48, v16;
	(xrf1) =	vsort.dscd.msk.f32 $0xffff, v41, v63;
	v41 =	vld [tilespmem:s13+$0x400];
	v40 =	vsel vm4, v55, v40  }
0x2e6: {  	v59 =	vld [tilespmem:s13+$0x0];
	(xrf1) =	vsort.dscd.msk.f32 $0xffff, v45, v4  }
0x2e7: {  	v57 =	vperm.xlane v49, v16;
	vm5 =	vge.f32 v44, v48;
	(xrf1) =	vsort.dscd.msk.f32 $0xffff, v51, v5  }
0x2e8: {  	v44 =	vsel vm5, v44, v48;
	(xrf1) =	vsort.dscd.msk.f32 $0xffff, v40, v47;
	v40, v47, _ =	vpop (xrf1)  }
0x2e9: {  	v36 =	vsel vm8, v36, v39;
	v39 =	vsel vm5, v50, v57;
	v58, v51, _ =	vpop (xrf1);
	(xrf1) =	vsort.dscd.msk.f32 $0xffff, v54, v7  }
0x2ea: {  	v48, v52, _ =	vpop (xrf1);
	(xrf1) =	vsort.dscd.msk.f32 $0xffff, v41, v13  }
0x2eb: {  	v41, v50, _ =	vpop (xrf1);
	(xrf1) =	vsort.dscd.msk.f32 $0xffff, v59, v17  }
0x2ec: {  	v26 =	vperm.xlane v26, v16;
	(xrf1) =	vsort.dscd.msk.f32 $0xffff, v44, v39;
	v39, v44, _ =	vpop (xrf1)  }
0x2ed: {  	v1 =	vperm.xlane v1, v16;
	v38 =	vperm.xlane v38, v16;
	v45, v54, _ =	vpop (xrf1)  }
0x2ee: {  	vm0 =	vge.f32 v27, v32;
	v37 =	vperm.xlane v37, v16;
	v43 =	vperm.xlane v43, v16;
	v60, v59, _ =	vpop (xrf1)  }
0x2ef: {  	v2 =	vperm.xlane v2, v16;
	vm6 =	vge.f32 v40, v1;
	vm7 =	vge.f32 v48, v38;
	v63, v56, _ =	vpop (xrf1)  }
0x2f0: {  	v38 =	vsel vm7, v48, v38;
	v48 =	vperm.xlane v60, v16;
	v49 =	vperm.xlane v63, v16;
	v63, v60, _ =	vpop (xrf1)  }
0x2f1: {  	v1 =	vsel vm6, v40, v1;
	v40 =	vperm.xlane v58, v16;
	v55 =	vperm.xlane v56, v16;
	v56, v58, _ =	vpop (xrf1)  }
0x2f2: {  	v42 =	vperm.xlane v42, v16;
	v0 =	vperm.xlane v0, v16;
	vm10 =	vge.f32 v56, v49  }
0x2f3: {  	v3 =	vperm.xlane v3, v16;
	v37 =	vsel vm6, v47, v37;
	v49 =	vsel vm10, v56, v49  }
0x2f4: {  	vm8 =	vge.f32 v41, v2;
	v43 =	vsel vm7, v52, v43;
	v47 =	vperm.xlane v59, v16  }
0x2f5: {  	v52 =	vperm.xlane v63, v16;
	v57 =	vperm.xlane v60, v16;
	v59, v60, _ =	vpop (xrf1);
	v55 =	vsel vm10, v58, v55  }
0x2f6: {  	v44 =	vperm.xlane v44, v16;
	vm9 =	vge.f32 v45, v48;
	v56, v58, _ =	vpop (xrf1);
	(xrf1) =	vsort.dscd.msk.f32 $0xffff, v49, v55  }
0x2f7: {  	v39 =	vperm.xlane v39, v16;
	v45 =	vsel vm9, v45, v48;
	vm11 =	vge.f32 v59, v52;
	v48, v49, _ =	vpop (xrf1)  }
0x2f8: {  	v2 =	vsel vm8, v41, v2;
	v47 =	vsel vm9, v54, v47;
	v54 =	vsel vm11, v60, v57;
	v60, v63, _ =	vpop (xrf1)  }
0x2f9: {  	v52 =	vsel vm11, v59, v52;
	(xrf1) =	vsort.dscd.msk.f32 $0xffff, v45, v47;
	vm12 =	vge.f32 v60, v39  }
0x2fa: {  	v57 =	vperm.xlane v46, v16;
	(xrf1) =	vsort.dscd.msk.f32 $0xffff, v52, v54;
	v39 =	vsel vm12, v60, v39  }
0x2fb: {  	v41 =	vsel vm8, v50, v42;
	v58 =	vperm.xlane v58, v16;
	v55 =	vsel vm12, v63, v44  }
0x2fc: {  	v52 =	vperm.xlane v51, v16;
	vm13 =	vge.f32 v48, v0;
	v59, v60, _ =	vpop (xrf1);
	(xrf1) =	vsort.dscd.msk.f32 $0xffff, v39, v55  }
0x2fd: {  	v0 =	vsel vm13, v48, v0;
	v63 =	vperm.xlane v53, v16;
	v39, v42, _ =	vpop (xrf1);
	(xrf1) =	vsort.dscd.msk.f32 $0xffff, v1, v37  }
0x2fe: {  	v61 =	vmovc v5;
	v54 =	vsel vm13, v49, v57;
	vm14 =	vge.f32 v59, v3;
	(xrf1) =	vsort.dscd.msk.f32 $0xffff, v38, v43  }
0x2ff: {  	v53 =	vperm.xlane v56, v16;
	v3 =	vsel vm14, v59, v3;
	v55 =	vsel vm14, v60, v63;
	v56, v57, _ =	vpop (xrf1)  }
0x300: {  	v18 =	vmov v7;
	v63 =	vsel vm0, v27, v32;
	vm15 =	vge.f32 v39, v40;
	(xrf1) =	vsort.dscd.msk.f32 $0xffff, v2, v41;
	v7, v5, _ =	vpop (xrf1)  }
0x301: {  	v37 =	vperm.xlane v28, v16;
	v39 =	vsel vm15, v39, v40;
	(xrf1) =	vsort.dscd.msk.f32 $0xffff, v0, v54;
	[tilespmem:$0x1FDD0] =	vst v5;
	v5 =	vld [tilespmem:$0x1FDA0]  }
0x302: {  	v59 =	vsel vm15, v42, v52;
	vm6 =	vge.f32 v56, v53;
	(xrf1) =	vsort.dscd.msk.f32 $0xffff, v3, v55  }
0x303: {  	v38 =	vld [tilespmem:$0x1FD90];
	v1 =	vsel vm6, v56, v53;
	v60 =	vsel vm6, v57, v58;
	(xrf1) =	vsort.dscd.msk.f32 $0xffff, v39, v59  }
0x304: {  	vm7 =	vge.f32 v25, v37;
	v39 =	vperm.xlane v23, v16;
	v27, v28, _ =	vpop (xrf1);
	(xrf1) =	vsort.dscd.msk.f32 $0xffff, v1, v60  }
0x305: {  	v3 =	vsel vm7, v25, v37;
	v25 =	vperm.xlane v27, v16;
	(xrf1) =	vsort.dscd.msk.f32 $0xffff, v29, v30  }
0x306: {  	v2 =	vsel vm7, v24, v39;
	v24 =	vperm.xlane v28, v16;
	v23 =	vperm.xlane v5, v16;
	v5 =	vld [tilespmem:$0x1FDB0]  }
0x307: {  	s28 =	simm.s32 $0x300;
	s13 =	simm.s32 $0x600;
	v27, v29, _ =	vpop (xrf1);
	(xrf1) =	vsort.dscd.msk.f32 $0xffff, v31, v21  }
0x308: {  	s14 =	sand.u32 $0x300, s28;
	s29 =	sand.u32 $0x7800, s13;
	vm10 =	vge.f32 v22, v26;
	v1 =	vsel vm0, v38, v35;
	v28, v30, _ =	vpop (xrf1);
	(xrf1) =	vsort.dscd.msk.f32 $0xffff, v34, v36  }
0x309: {  	s30 =	sor.u32 s14, s29;
	[tilespmem:$0x1FDC0] =	vst v7;
	v40 =	vperm.xlane v27, v16;
	vm8 =	vge.f32 v28, v25;
	(xrf1) =	vsort.dscd.msk.f32 $0xffff, v63, v1  }
0x30a: {  	v44 =	vld [tilespmem:s30+$0x20];
	v41 =	vperm.xlane v29, v16;
	v42 =	vsel vm8, v28, v25;
	v43 =	vsel vm8, v30, v24;
	v24, v25, _ =	vpop (xrf1)  }
0x30b: {  	v27 =	vld [tilespmem:s30+$0x10];
	(xrf1) =	vsort.dscd.msk.f32 $0xffff, v3, v2;
	v21 =	vsel vm10, v5, v23;
	v35, v5, _ =	vpop (xrf1)  }
0x30c: {  	v45 =	vld [tilespmem:s30+$0x40];
	(xrf1) =	vsort.dscd.msk.f32 $0xffff, v42, v43;
	vm9 =	vge.f32 v24, v40;
	[tilespmem:$0x1FDE0] =	vst v5;
	v5, v47, _ =	vpop (xrf1)  }
0x30d: {  	v0 =	vsel vm9, v24, v40;
	v1 =	vsel vm9, v25, v41;
	v46 =	vld [tilespmem:s30+$0x400];
	[tilespmem:$0x1FDF0] =	vst v5  }
0x30e: {  	v24 =	vsel vm10, v22, v26;
	(xrf1) =	vsort.dscd.msk.f32 $0xffff, v0, v1;
	[tilespmem:$0x1FE00] =	vst v47;
	v41, v28, _ =	vpop (xrf1)  }
0x30f: {  	v62 =	vmov v4;
	(xrf1) =	vsort.dscd.msk.f32 $0xffff, v24, v21;
	v1 =	vld [tilespmem:s30+$0x30];
	v32, v5, _ =	vpop (xrf1)  }
0x310: {  	v24 =	vld [tilespmem:s30+$0x50];
	(xrf1) =	vsort.dscd.msk.f32 $0xffff, v27, v62;
	[tilespmem:$0x1FE20] =	vst v5  }
0x311: {  	(xrf1) =	vsort.dscd.msk.f32 $0xffff, v44, v61;
	v42, v37, _ =	vpop (xrf1);
	v30 =	vld [tilespmem:s30+$0x60]  }
0x312: {  	v4 =	vmov v13;
	(xrf1) =	vsort.dscd.msk.f32 $0xffff, v45, v18;
	v38, v29, _ =	vpop (xrf1)  }
0x313: {  	v48 =	vld [tilespmem:s30+$0x410];
	v36, v50, _ =	vpop (xrf1);
	(xrf1) =	vsort.dscd.msk.f32 $0xffff, v46, v4  }
0x314: {  	v49 =	vld [tilespmem:s30+$0x70];
	[tilespmem:$0x1FE40] =	vst v50;
	v43, v27, _ =	vpop (xrf1);
	(xrf1) =	vsort.dscd.msk.f32 $0xffff, v1, v6  }
0x315: {  	v0 =	vld [tilespmem:s30+$0x430];
	v39, v17, _ =	vpop (xrf1);
	(xrf1) =	vsort.dscd.msk.f32 $0xffff, v24, v8  }
0x316: {  	v51 =	vld [tilespmem:s30+$0x450];
	[tilespmem:$0x1FE50] =	vst v17;
	(xrf1) =	vsort.dscd.msk.f32 $0xffff, v30, v9;
	v40, v30, _ =	vpop (xrf1)  }
0x317: {  	v52 =	vld [tilespmem:s30+$0x420];
	v31, v54, _ =	vpop (xrf1)  }
0x318: {  	v53 =	vld [tilespmem:s30+$0x470];
	(xrf1) =	vsort.dscd.msk.f32 $0xffff, v48, v12;
	[tilespmem:$0x1FE60] =	vst v54  }
0x319: {  	s31 =	simm.s32 $0x380;
	(xrf1) =	vsort.dscd.msk.f32 $0xffff, v49, v10;
	v44, v34, _ =	vpop (xrf1);
	v2 =	vld [tilespmem:s30+$0x440]  }
0x31a: {  	s14 =	sand.u32 $0x380, s31;
	(xrf1) =	vsort.dscd.msk.f32 $0xffff, v0, v14;
	v56, v55, _ =	vpop (xrf1)  }
0x31b: {  	s14 =	sor.u32 s14, s29;
	v57 =	vld [tilespmem:s30+$0x460];
	(xrf1) =	vsort.dscd.msk.f32 $0xffff, v51, v11;
	v0 =	vperm.xlane v56, v16  }
0x31c: {  	v58 =	vld [tilespmem:s14+$0x470];
	v3 =	vperm.xlane v55, v16;
	(xrf1) =	vsort.dscd.msk.f32 $0xffff, v52, v19;
	v59, v60, _ =	vpop (xrf1)  }
0x31d: {  	v7 =	vmov v61;
	v61 =	vld [tilespmem:s14+$0x70];
	(xrf1) =	vsort.dscd.msk.f32 $0xffff, v53, v15;
	vm11 =	vge.f32 v59, v0  }
0x31e: {  	v13 =	vmov v62;
	v62 =	vld [tilespmem:s14+$0x430];
	v46, v45, _ =	vpop (xrf1);
	v0 =	vsel vm11, v59, v0;
	v63 =	vsel vm11, v60, v3;
	(xrf1) =	vsort.dscd.msk.f32 $0xffff, v2, v20  }
0x31f: {  	v49 =	vld [tilespmem:s14+$0x450];
	v24, v48, _ =	vpop (xrf1);
	(xrf1) =	vsort.dscd.msk.f32 $0xffff, v0, v63  }
0x320: {  	v17, v23, _ =	vpop (xrf1);
	v0 =	vld [tilespmem:s14+$0x460];
	(xrf1) =	vsort.dscd.msk.f32 $0xffff, v57, v33  }
0x321: {  	v5 =	vmov v18;
	v54 =	vld [tilespmem:s14+$0x30];
	v18, v53, _ =	vpop (xrf1);
	(xrf1) =	vsort.dscd.msk.f32 $0xffff, v58, v15  }
0x322: {  	v47 =	vld [tilespmem:s14+$0x50];
	v55, v56, _ =	vpop (xrf1);
	(xrf1) =	vsort.dscd.msk.f32 $0xffff, v61, v10  }
0x323: {  	v58 =	vld [tilespmem:s30+$0x0];
	v50, v2, _ =	vpop (xrf1);
	(xrf1) =	vsort.dscd.msk.f32 $0xffff, v62, v14  }
0x324: {  	v51, v3, _ =	vpop (xrf1);
	(xrf1) =	vsort.dscd.msk.f32 $0xffff, v49, v11  }
0x325: {  	v60 =	vld [tilespmem:s14+$0x60];
	v49, v61, _ =	vpop (xrf1);
	(xrf1) =	vsort.dscd.msk.f32 $0xffff, v0, v33  }
0x326: {  	v62 =	vld [tilespmem:s14+$0x410];
	v50 =	vperm.xlane v50, v16;
	v57 =	vperm.xlane v3, v16;
	v33, v63, _ =	vpop (xrf1);
	(xrf1) =	vsort.dscd.msk.f32 $0xffff, v54, v6  }
0x327: {  	v15 =	vlaneseq.u32;
	v3 =	vld [tilespmem:s14+$0x420];
	v51 =	vperm.xlane v51, v16;
	v54 =	vperm.xlane v63, v16;
	v63, v1, _ =	vpop (xrf1);
	(xrf1) =	vsort.dscd.msk.f32 $0xffff, v47, v8  }
0x328: {  	v52 =	vperm.xlane v2, v16;
	v59 =	vperm.xlane v33, v16;
	v47, v33, _ =	vpop (xrf1);
	(xrf1) =	vsort.dscd.msk.f32 $0xffff, v58, v15  }
0x329: {  	v2 =	vld [tilespmem:s14+$0x440];
	vm12 =	vge.f32 v17, v50;
	vm13 =	vge.f32 v18, v51;
	v21 =	vperm.xlane v33, v16;
	v58, v33, _ =	vpop (xrf1)  }
0x32a: {  	v25 =	vmov v20;
	v17 =	vsel vm12, v17, v50;
	(xrf1) =	vsort.dscd.msk.f32 $0xffff, v60, v9;
	v60 =	vperm.xlane v63, v16;
	v63, v20, _ =	vpop (xrf1)  }
0x32b: {  	v23 =	vsel vm12, v23, v52;
	v22 =	vperm.xlane v33, v16;
	(xrf1) =	vsort.dscd.msk.f32 $0xffff, v62, v12;
	v33, v0, _ =	vpop (xrf1)  }
0x32c: {  	v1 =	vperm.xlane v1, v16;
	v62 =	vperm.xlane v47, v16;
	(xrf1) =	vsort.dscd.msk.f32 $0xffff, v3, v19;
	v47, v19, _ =	vpop (xrf1)  }
0x32d: {  	v18 =	vsel vm13, v18, v51;
	v58 =	vperm.xlane v58, v16;
	v3 =	vperm.xlane v33, v16;
	_, v26, _ =	vpop (xrf1)  }
0x32e: {  	v0 =	vperm.xlane v0, v16;
	vm14 =	vge.f32 v49, v60;
	(xrf1) =	vsort.dscd.msk.f32 $0xffff, v2, v25;
	v50, v51, _ =	vpop (xrf1)  }
0x32f: {  	v49 =	vsel vm14, v49, v60;
	(xrf1) =	vsort.dscd.msk.f32 $0xffff, v17, v23;
	vm6 =	vge.f32 v50, v3;
	v17, v23, _ =	vpop (xrf1)  }
0x330: {  	v33 =	vsel vm13, v53, v57;
	vm15 =	vge.f32 v63, v62;
	v53, v57, _ =	vpop (xrf1);
	v3 =	vsel vm6, v50, v3  }
0x331: {  	v1 =	vsel vm14, v61, v1;
	v20 =	vsel vm15, v20, v21;
	(xrf1) =	vsort.dscd.msk.f32 $0xffff, v18, v33;
	v25, v52, _ =	vpop (xrf1)  }
0x332: {  	vm7 =	vge.f32 v55, v59;
	v0 =	vsel vm6, v51, v0;
	(xrf1) =	vsort.dscd.msk.f32 $0xffff, v49, v1;
	v49, v50, _ =	vpop (xrf1)  }
0x333: {  	vm5 =	vge.f32 v47, v58;
	v63 =	vsel vm15, v63, v62;
	(xrf1) =	vsort.dscd.msk.f32 $0xffff, v3, v0;
	v3, v21, _ =	vpop (xrf1)  }
0x334: {  	v47 =	vsel vm5, v47, v58;
	v19 =	vsel vm5, v19, v22;
	v1 =	vld [tilespmem:s14+$0x10];
	(xrf1) =	vsort.dscd.msk.f32 $0xffff, v63, v20;
	v20, v22, _ =	vpop (xrf1)  }
0x335: {  	v60 =	vsel vm7, v56, v54;
	v33 =	vld [tilespmem:s14+$0x20];
	(xrf1) =	vsort.dscd.msk.f32 $0xffff, v47, v19;
	v19 =	vperm.xlane v24, v16;
	v51, v54, _ =	vpop (xrf1)  }
0x336: {  	v48 =	vperm.xlane v48, v16;
	v24 =	vsel vm7, v55, v59;
	v61, v62, _ =	vpop (xrf1)  }
0x337: {  	vm8 =	vge.f32 v61, v19  }
0x338: {  	(xrf1) =	vsort.dscd.msk.f32 $0xffff, v24, v60;
	v63 =	vsel vm8, v61, v19;
	v19 =	vsel vm8, v62, v48  }
0x339: {  	(xrf1) =	vsort.dscd.msk.f32 $0xffff, v1, v13  }
0x33a: {  	(xrf1) =	vsort.dscd.msk.f32 $0xffff, v33, v7;
	v18, v24, _ =	vpop (xrf1)  }
0x33b: {  	v1 =	vld [tilespmem:s14+$0x40];
	(xrf1) =	vsort.dscd.msk.f32 $0xffff, v63, v19;
	v19, v47, _ =	vpop (xrf1)  }
0x33c: {  	v33 =	vld [tilespmem:s14+$0x400];
	v55, v56, _ =	vpop (xrf1)  }
0x33d: {  	v58 =	vld [tilespmem:s14+$0x0];
	v17 =	vperm.xlane v17, v16;
	v59, v60, _ =	vpop (xrf1)  }
0x33e: {  	v23 =	vperm.xlane v23, v16;
	v61, v62, _ =	vpop (xrf1)  }
0x33f: {  	vm9 =	vge.f32 v3, v17;
	v63, v2, _ =	vpop (xrf1)  }
0x340: {  	v21 =	vsel vm9, v21, v23;
	(xrf1) =	vsort.dscd.msk.f32 $0xffff, v1, v5;
	v1, v0, _ =	vpop (xrf1)  }
0x341: {  	v3 =	vsel vm9, v3, v17;
	(xrf1) =	vsort.dscd.msk.f32 $0xffff, v33, v4;
	v17, v33, _ =	vpop (xrf1)  }
0x342: {  	(xrf1) =	vsort.dscd.msk.f32 $0xffff, v58, v15;
	v17 =	vperm.xlane v17, v16;
	v23, v58, _ =	vpop (xrf1)  }
0x343: {  	v1 =	vperm.xlane v1, v16;
	(xrf1) =	vsort.dscd.msk.f32 $0xffff, v3, v21;
	v3 =	vperm.xlane v33, v16;
	v21, v33, _ =	vpop (xrf1)  }
0x344: {  	v53 =	vperm.xlane v53, v16;
	vm10 =	vge.f32 v21, v17  }
0x345: {  	v0 =	vperm.xlane v0, v16;
	vm11 =	vge.f32 v63, v1;
	v17 =	vsel vm10, v21, v17  }
0x346: {  	v23 =	vperm.xlane v23, v16;
	v1 =	vsel vm11, v63, v1;
	v3 =	vsel vm10, v33, v3  }
0x347: {  	v20 =	vperm.xlane v20, v16;
	vm14 =	vge.f32 v18, v53;
	v0 =	vsel vm11, v2, v0;
	v21, v33, _ =	vpop (xrf1)  }
0x348: {  	v61 =	vperm.xlane v61, v16;
	v58 =	vperm.xlane v58, v16;
	v2, v63, _ =	vpop (xrf1);
	vm12 =	vge.f32 v21, v23  }
0x349: {  	(xrf1) =	vsort.dscd.msk.f32 $0xffff, v17, v3;
	v21 =	vsel vm12, v21, v23;
	v23 =	vperm.xlane v62, v16;
	v3, v17, _ =	vpop (xrf1)  }
0x34a: {  	v48 =	vsel vm12, v33, v58;
	v33 =	vsel vm14, v18, v53;
	(xrf1) =	vsort.dscd.msk.f32 $0xffff, v1, v0;
	v0, v1, _ =	vpop (xrf1)  }
0x34b: {  	(xrf1) =	vsort.dscd.msk.f32 $0xffff, v21, v48;
	v21 =	vperm.xlane v25, v16;
	vm13 =	vge.f32 v0, v61  }
0x34c: {  	v48 =	vperm.xlane v52, v16;
	vm5 =	vge.f32 v3, v20;
	v0 =	vsel vm13, v0, v61  }
0x34d: {  	v1 =	vsel vm13, v1, v23;
	v23 =	vperm.xlane v57, v16;
	vm15 =	vge.f32 v55, v21  }
0x34e: {  	v3 =	vsel vm5, v3, v20;
	(xrf1) =	vsort.dscd.msk.f32 $0xffff, v0, v1;
	v52 =	vsel vm15, v55, v21  }
0x34f: {  	v55 =	vperm.xlane v22, v16;
	v18 =	vsel vm14, v24, v23;
	v23 =	vperm.xlane v49, v16  }
0x350: {  	v1 =	vsel vm15, v56, v48;
	(xrf1) =	vsort.dscd.msk.f32 $0xffff, v33, v18;
	v18 =	vperm.xlane v50, v16  }
0x351: {  	v4 =	vld [tilespmem:$0x1FDC0];
	vm4 =	vge.f32 v59, v23;
	(xrf1) =	vsort.dscd.msk.f32 $0xffff, v52, v1;
	v1 =	vsel vm5, v17, v55  }
0x352: {  	v21 =	vperm.xlane v51, v16;
	v53 =	vsel vm4, v59, v23;
	v18 =	vsel vm4, v60, v18  }
0x353: {  	v56, v17, _ =	vpop (xrf1);
	(xrf1) =	vsort.dscd.msk.f32 $0xffff, v53, v18;
	v18 =	vperm.xlane v19, v16;
	v19 =	vperm.xlane v54, v16  }
0x354: {  	vm6 =	vge.f32 v56, v21;
	(xrf1) =	vsort.dscd.msk.f32 $0xffff, v3, v1;
	v1, v3, _ =	vpop (xrf1)  }
0x355: {  	v17 =	vsel vm6, v17, v19;
	vm7 =	vge.f32 v1, v18  }
0x356: {  	v0 =	vsel vm6, v56, v21;
	v1 =	vsel vm7, v1, v18;
	v18 =	vperm.xlane v4, v16;
	v4 =	vld [tilespmem:$0x1FDF0];
	_ =	sdelay $0x1  }
0x357: {  	v2 =	vperm.xlane v2, v16  }
0x358: {  	v19 =	vperm.xlane v63, v16;
	(xrf1) =	vsort.dscd.msk.f32 $0xffff, v0, v17;
	v0, v17, _ =	vpop (xrf1)  }
0x359: {  	vm8 =	vge.f32 v0, v2  }
0x35a: {  	v57 =	vsel vm8, v17, v19;
	v17 =	vperm.xlane v4, v16;
	v4 =	vld [tilespmem:$0x1FE00];
	_ =	sdelay $0x4  }
0x35b: {  	v19 =	vperm.xlane v4, v16;
	v4 =	vld [tilespmem:$0x1FE10]  }
0x35c: {  	v60 =	vld [tilespmem:$0x1FDD0];
	_ =	sdelay $0x1  }
0x35d: {  	v20 =	vperm.xlane v47, v16  }
0x35e: {  	vm9 =	vge.f32 v41, v18  }
0x35f: {  	v3 =	vsel vm7, v3, v20;
	v59 =	vsel vm9, v41, v18;
	v18 =	vperm.xlane v32, v16  }
0x360: {  	(xrf1) =	vsort.dscd.msk.f32 $0xffff, v1, v3;
	v1 =	vperm.xlane v60, v16  }
0x361: {  	vm12 =	vge.f32 v36, v18;
	vm11 =	vge.f32 v38, v17  }
0x362: {  	v1 =	vsel vm9, v28, v1;
	v28 =	vsel vm11, v29, v19;
	v19 =	vsel vm12, v36, v18;
	v18 =	vld.idx.msk [tilespmem:v4+s9+$0x0], $0xffff  }
0x363: {  	v4 =	vld [tilespmem:$0x1FE20];
	_ =	sdelay $0x4  }
0x364: {  	v20 =	vperm.xlane v4, v16;
	v4 =	vld [tilespmem:$0x1FE30];
	_ =	sdelay $0x7  }
0x365: {  	v22 =	vld.idx.msk [tilespmem:v4+s9+$0x0], $0xffff  }
0x366: {  	v4 =	vld [tilespmem:$0x1FE40];
	_ =	sdelay $0x2  }
0x367: {  	v61 =	vld [tilespmem:$0x1FDE0];
	_ =	sdelay $0x1  }
0x368: {  	v58 =	vperm.xlane v35, v16;
	v20 =	vsel vm12, v4, v20;
	v4 =	vld [tilespmem:$0x1FE50]  }
0x369: {  	v23 =	vperm.xlane v39, v16  }
0x36a: {  	vm10 =	vge.f32 v42, v58;
	v24 =	vsel vm11, v38, v17;
	v17 =	vperm.xlane v43, v16  }
0x36b: {  	s14 =	simm.s32 $0x8180;
	v62 =	vld.idx.msk [tilespmem:v26+s9+$0x0], $0xffff;
	v21 =	vperm.xlane v27, v16;
	vm14 =	vge.f32 v31, v23;
	v3 =	vperm.xlane v61, v16  }
0x36c: {  	v0 =	vsel vm8, v0, v2;
	v2 =	vsel vm10, v42, v58;
	vm13 =	vge.f32 v40, v17;
	[tilespmem:s14+$0xFFFFFF80] =	vst v18  }
0x36d: {  	(xrf1) =	vsort.dscd.msk.f32 $0xffff, v0, v57;
	v26 =	vsel vm13, v30, v21;
	v21 =	vperm.xlane v4, v16;
	v4 =	vld [tilespmem:$0x1FE60]  }
0x36e: {  	v3 =	vsel vm10, v37, v3;
	(xrf1) =	vsort.dscd.msk.f32 $0xffff, v59, v1;
	v29 =	vperm.xlane v44, v16  }
0x36f: {  	v0, v1, _ =	vpop (xrf1);
	v25 =	vsel vm13, v40, v17;
	v17 =	vsel vm14, v31, v23;
	v23 =	vperm.xlane v34, v16  }
0x370: {  	s15 =	simm.s32 $0x8280;
	(xrf1) =	vsort.dscd.msk.f32 $0xffff, v2, v3;
	v32 =	vperm.xlane v1, v16;
	vm15 =	vge.f32 v46, v29  }
0x371: {  	s16 =	simm.s32 $0x8380;
	v63, v33, _ =	vpop (xrf1);
	v31 =	vperm.xlane v0, v16;
	(xrf1) =	vsort.dscd.msk.f32 $0xffff, v24, v28;
	[tilespmem:s15+$0xFFFFFF80] =	vst v22;
	v22 =	vsel vm15, v45, v23  }
0x372: {  	s17 =	simm.s32 $0x6;
	s18 =	simm.s32 $0x480;
	v27, v24, _ =	vpop (xrf1);
	[tilespmem:s16+$0xFFFFFF80] =	vst v62;
	v23 =	vperm.xlane v63, v16;
	v18 =	vsel vm14, v4, v21;
	v21 =	vsel vm15, v46, v29  }
.LBB2_4:
0x373: {  	s19 =	sadd.s32 $0xFFFFFF80, s18;
	s13 =	sadd.s32 $0x200, s13;
	v15 =	vld [tilespmem:$0x1FFB0]  }
0x374: {  	v61 =	vld [tilespmem:$0x1FFC0];
	s22 =	sand.u32 $0x7800, s13;
	s19 =	sand.u32 $0x300, s19  }
0x375: {  	v62 =	vld [tilespmem:$0x1FFD0];
	v1, v2, _ =	vpop (xrf1);
	(xrf1) =	vsort.dscd.msk.f32 $0xffff, v19, v20;
	s20 =	sor.u32 s19, s22  }
0x376: {  	(xrf1) =	vsort.dscd.msk.f32 $0xffff, v25, v26;
	v25 =	vld [tilespmem:s20+$0x10]  }
0x377: {  	v0 =	vperm.xlane v33, v16;
	v13 =	vperm.xlane v27, v16;
	v26 =	vld [tilespmem:s20+$0x20]  }
0x378: {  	v5 =	vperm.xlane v24, v16;
	vm0 =	vge.f32 v1, v23;
	v36, v20, _ =	vpop (xrf1);
	v27 =	vld [tilespmem:s20+$0x40]  }
0x379: {  	v28 =	vld [tilespmem:s20+$0x400];
	v7 =	vsel vm0, v1, v23;
	v4 =	vsel vm0, v2, v0;
	vm4 =	vge.f32 v36, v13  }
0x37a: {  	v38, v37, _ =	vpop (xrf1);
	(xrf1) =	vsort.dscd.msk.f32 $0xffff, v7, v4;
	v7 =	vsel vm4, v36, v13;
	v4 =	vsel vm4, v20, v5;
	v13 =	vld [tilespmem:$0x1FFA0]  }
0x37b: {  	v0 =	vperm.xlane v38, v16;
	v19, v20, _ =	vpop (xrf1);
	(xrf1) =	vsort.dscd.msk.f32 $0xffff, v7, v4;
	v7 =	vld [tilespmem:$0x1FF90]  }
0x37c: {  	v1 =	vperm.xlane v37, v16;
	v19 =	vperm.xlane v19, v16;
	v39, v3, _ =	vpop (xrf1);
	v4 =	vld [tilespmem:$0x1FF80];
	(xrf1) =	vsort.dscd.msk.f32 $0xffff, v17, v18  }
0x37d: {  	v20 =	vperm.xlane v20, v16;
	vm5 =	vge.f32 v39, v31;
	v17 =	vld [tilespmem:s20+$0x30];
	v40, v41, _ =	vpop (xrf1);
	(xrf1) =	vsort.dscd.msk.f32 $0xffff, v21, v22  }
0x37e: {  	v18 =	vld [tilespmem:s20+$0x50];
	v23 =	vsel vm5, v39, v31;
	v24 =	vsel vm5, v3, v32;
	v21, v22, _ =	vpop (xrf1);
	(xrf1) =	vsort.dscd.msk.f32 $0xffff, v25, v15  }
0x37f: {  	v2 =	vperm.xlane v40, v16;
	v25 =	vld [tilespmem:s20+$0x60];
	vm6 =	vge.f32 v21, v0;
	(xrf1) =	vsort.dscd.msk.f32 $0xffff, v26, v13  }
0x380: {  	v3 =	vperm.xlane v41, v16;
	v31 =	vld [tilespmem:s20+$0x410];
	v26, v30, _ =	vpop (xrf1);
	v29 =	vsel vm6, v22, v1;
	(xrf1) =	vsort.dscd.msk.f32 $0xffff, v27, v7  }
0x381: {  	v42 =	vld [tilespmem:s20+$0x70];
	v27 =	vsel vm6, v21, v0;
	vm1 =	vge.f32 v26, v19;
	v0, v21, _ =	vpop (xrf1);
	(xrf1) =	vsort.dscd.msk.f32 $0xffff, v28, v4  }
0x382: {  	v34 =	vld [tilespmem:s20+$0x450];
	v28 =	vsel vm1, v26, v19;
	v1, v22, _ =	vpop (xrf1);
	vm7 =	vge.f32 v0, v2;
	(xrf1) =	vsort.dscd.msk.f32 $0xffff, v17, v6  }
0x383: {  	v26 =	vld [tilespmem:s20+$0x430];
	v30 =	vsel vm1, v30, v20;
	v17, v43, _ =	vpop (xrf1);
	v19 =	vsel vm7, v0, v2;
	(xrf1) =	vsort.dscd.msk.f32 $0xffff, v18, v8  }
0x384: {  	v44 =	vld [tilespmem:s20+$0x420];
	v20 =	vsel vm7, v21, v3;
	v1 =	vperm.xlane v1, v16;
	v0, v2, _ =	vpop (xrf1);
	(xrf1) =	vsort.dscd.msk.f32 $0xffff, v25, v9  }
0x385: {  	v35 =	vld [tilespmem:s20+$0x470];
	v18 =	vperm.xlane v22, v16;
	v17 =	vperm.xlane v17, v16;
	v21, v22, _ =	vpop (xrf1);
	(xrf1) =	vsort.dscd.msk.f32 $0xffff, v31, v12  }
0x386: {  	v25, v45, _ =	vpop (xrf1);
	(xrf1) =	vsort.dscd.msk.f32 $0xffff, v42, v10;
	v42 =	vld [tilespmem:$0x1FFF0]  }
0x387: {  	v36 =	vld [tilespmem:s20+$0x440];
	vm8 =	vge.f32 v0, v1;
	v31 =	vperm.xlane v43, v16;
	vm9 =	vge.f32 v21, v17  }
0x388: {  	s21 =	sand.u32 $0x380, s18;
	v47 =	vld [tilespmem:s20+$0x460];
	v46 =	vperm.xlane v25, v16;
	(xrf1) =	vsort.dscd.msk.f32 $0xffff, v26, v14;
	v25 =	vsel vm8, v0, v1;
	v38, v39, _ =	vpop (xrf1)  }
0x389: {  	s31 =	sor.u32 s21, s22;
	v5 =	vld [tilespmem:$0x1FFE0];
	v26 =	vsel vm8, v2, v18;
	(xrf1) =	vsort.dscd.msk.f32 $0xffff, v34, v11;
	v48 =	vperm.xlane v38, v16  }
0x38a: {  	v37 =	vld [tilespmem:s31+$0x470];
	v17 =	vsel vm9, v21, v17;
	(xrf1) =	vsort.dscd.msk.f32 $0xffff, v44, v61;
	v50 =	vperm.xlane v39, v16;
	v51, v52, _ =	vpop (xrf1)  }
0x38b: {  	v49 =	vld [tilespmem:s31+$0x70];
	v18 =	vsel vm9, v22, v31;
	v21, v22, _ =	vpop (xrf1);
	(xrf1) =	vsort.dscd.msk.f32 $0xffff, v35, v42;
	vm10 =	vge.f32 v51, v48  }
0x38c: {  	v53 =	vld [tilespmem:s31+$0x430];
	_, v34, _ =	vpop (xrf1);
	(xrf1) =	vsort.dscd.msk.f32 $0xffff, v36, v62;
	v1 =	vsel vm10, v51, v48;
	v3 =	vsel vm10, v52, v50  }
0x38d: {  	v31 =	vld [tilespmem:s31+$0x450];
	v55, v38, _ =	vpop (xrf1);
	(xrf1) =	vsort.dscd.msk.f32 $0xffff, v1, v3  }
0x38e: {  	v54 =	vld [tilespmem:s31+$0x460];
	v33, v40, _ =	vpop (xrf1);
	(xrf1) =	vsort.dscd.msk.f32 $0xffff, v47, v5  }
0x38f: {  	v57 =	vld [tilespmem:s31+$0x30];
	v32, v41, _ =	vpop (xrf1);
	(xrf1) =	vsort.dscd.msk.f32 $0xffff, v37, v42  }
0x390: {  	v58 =	vld [tilespmem:s31+$0x50];
	v37, v42, _ =	vpop (xrf1);
	(xrf1) =	vsort.dscd.msk.f32 $0xffff, v49, v10  }
0x391: {  	v59 =	vld [tilespmem:s20+$0x0];
	v56 =	vperm.xlane v45, v16;
	vm11 =	vge.f32 v21, v46;
	v43, v44, _ =	vpop (xrf1);
	(xrf1) =	vsort.dscd.msk.f32 $0xffff, v53, v14  }
0x392: {  	v21 =	vsel vm11, v21, v46;
	v45, v46, _ =	vpop (xrf1);
	(xrf1) =	vsort.dscd.msk.f32 $0xffff, v31, v11  }
0x393: {  	v22 =	vsel vm11, v22, v56;
	v1 =	vld [tilespmem:s31+$0x60];
	v35 =	vperm.xlane v44, v16;
	v47, v48, _ =	vpop (xrf1);
	(xrf1) =	vsort.dscd.msk.f32 $0xffff, v54, v5  }
0x394: {  	v60 =	vld [tilespmem:s31+$0x410];
	v3 =	vperm.xlane v43, v16;
	v31 =	vperm.xlane v55, v16;
	v49, v50, _ =	vpop (xrf1);
	(xrf1) =	vsort.dscd.msk.f32 $0xffff, v57, v6  }
0x395: {  	v36 =	vld [tilespmem:s31+$0x420];
	v44 =	vperm.xlane v46, v16;
	v0 =	vperm.xlane v45, v16;
	v5 =	vlaneseq.u32;
	v51, v52, _ =	vpop (xrf1);
	(xrf1) =	vsort.dscd.msk.f32 $0xffff, v58, v8  }
0x396: {  	v46 =	vld [tilespmem:s31+$0x440];
	vm2 =	vge.f32 v33, v3;
	v43 =	vperm.xlane v50, v16;
	v63, v53, _ =	vpop (xrf1);
	(xrf1) =	vsort.dscd.msk.f32 $0xffff, v59, v5  }
0x397: {  	v45 =	vperm.xlane v49, v16;
	vm3 =	vge.f32 v32, v0;
	v3 =	vsel vm2, v33, v3;
	v55, v56, _ =	vpop (xrf1)  }
0x398: {  	v33 =	vsel vm2, v40, v35;
	v52 =	vperm.xlane v52, v16;
	(xrf1) =	vsort.dscd.msk.f32 $0xffff, v1, v9;
	v57, v58, _ =	vpop (xrf1)  }
0x399: {  	v0 =	vsel vm3, v32, v0;
	v1 =	vperm.xlane v51, v16;
	(xrf1) =	vsort.dscd.msk.f32 $0xffff, v60, v12;
	v59, v60, _ =	vpop (xrf1)  }
0x39a: {  	(xrf1) =	vsort.dscd.msk.f32 $0xffff, v36, v61;
	v36 =	vperm.xlane v59, v16;
	v59 =	vperm.xlane v60, v16;
	v60, v61, _ =	vpop (xrf1)  }
0x39b: {  	v44 =	vsel vm3, v41, v44;
	v53 =	vperm.xlane v53, v16;
	(xrf1) =	vsort.dscd.msk.f32 $0xffff, v46, v62;
	_, v46, _ =	vpop (xrf1)  }
0x39c: {  	v2 =	vperm.xlane v63, v16;
	vm12 =	vge.f32 v37, v45;
	vm4 =	vge.f32 v47, v1;
	v62, v63, _ =	vpop (xrf1)  }
0x39d: {  	v51 =	vperm.xlane v56, v16;
	v1 =	vsel vm4, v47, v1;
	vm14 =	vge.f32 v62, v36;
	v35, v40, _ =	vpop (xrf1)  }
0x39e: {  	v34 =	vld.idx.msk [tilespmem:v34+s9+$0x0], $0xffff;
	v39 =	vperm.xlane v55, v16;
	(xrf1) =	vsort.dscd.msk.f32 $0xffff, v3, v33;
	v3, v33, _ =	vpop (xrf1);
	v36 =	vsel vm14, v62, v36  }
0x39f: {  	v54 =	vld [tilespmem:s31+$0x40];
	vm5 =	vge.f32 v57, v2;
	v52 =	vsel vm4, v48, v52;
	(xrf1) =	vsort.dscd.msk.f32 $0xffff, v0, v44;
	v0, v32, _ =	vpop (xrf1)  }
0x3a0: {  	v50 =	vld [tilespmem:s31+$0x10];
	v57 =	vsel vm5, v57, v2;
	v63 =	vsel vm14, v63, v59;
	(xrf1) =	vsort.dscd.msk.f32 $0xffff, v1, v52;
	v1, v41, _ =	vpop (xrf1)  }
0x3a1: {  	v49 =	vld [tilespmem:s31+$0x20];
	vm13 =	vge.f32 v60, v39;
	v59 =	vsel vm5, v58, v53;
	(xrf1) =	vsort.dscd.msk.f32 $0xffff, v36, v63;
	v36, v44, _ =	vpop (xrf1)  }
0x3a2: {  	v56 =	vld [tilespmem:s31+$0x400];
	v60 =	vsel vm13, v60, v39;
	v61 =	vsel vm13, v61, v51;
	(xrf1) =	vsort.dscd.msk.f32 $0xffff, v57, v59;
	v2, v47, _ =	vpop (xrf1)  }
0x3a3: {  	v55 =	vld [tilespmem:s31+$0x0];
	[tilespmem:s14+$0x0] =	vst v34;
	v37 =	vsel vm12, v37, v45;
	v62 =	vsel vm12, v42, v43;
	(xrf1) =	vsort.dscd.msk.f32 $0xffff, v60, v61;
	v34, v39, _ =	vpop (xrf1)  }
0x3a4: {  	v63 =	vperm.xlane v38, v16;
	v57, v53, _ =	vpop (xrf1);
	(xrf1) =	vsort.dscd.msk.f32 $0xffff, v37, v62  }
0x3a5: {  	v35 =	vperm.xlane v35, v16;
	vm15 =	vge.f32 v57, v31;
	(xrf1) =	vsort.dscd.msk.f32 $0xffff, v50, v15  }
0x3a6: {  	v60, v59, _ =	vpop (xrf1);
	v61 =	vsel vm15, v57, v31;
	v15 =	vsel vm15, v53, v63;
	(xrf1) =	vsort.dscd.msk.f32 $0xffff, v49, v13  }
0x3a7: {  	v58 =	vperm.xlane v40, v16;
	v3 =	vperm.xlane v3, v16;
	v62, v45, _ =	vpop (xrf1);
	(xrf1) =	vsort.dscd.msk.f32 $0xffff, v61, v15  }
0x3a8: {  	v33 =	vperm.xlane v33, v16;
	v0 =	vperm.xlane v0, v16  }
0x3a9: {  	v32 =	vperm.xlane v32, v16;
	v1 =	vperm.xlane v1, v16;
	vm4 =	vge.f32 v36, v35  }
0x3aa: {  	v35 =	vsel vm4, v36, v35;
	v2 =	vperm.xlane v2, v16;
	v31, v63, _ =	vpop (xrf1);
	(xrf1) =	vsort.dscd.msk.f32 $0xffff, v54, v7  }
0x3ab: {  	v34 =	vperm.xlane v34, v16;
	v39 =	vperm.xlane v39, v16;
	v53, v52, _ =	vpop (xrf1);
	(xrf1) =	vsort.dscd.msk.f32 $0xffff, v56, v4  }
0x3ac: {  	vm5 =	vge.f32 v60, v3;
	v7 =	vsel vm4, v44, v58;
	(xrf1) =	vsort.dscd.msk.f32 $0xffff, v55, v5;
	v55, v36, _ =	vpop (xrf1)  }
0x3ad: {  	v46 =	vld.idx.msk [tilespmem:v46+s9+$0x0], $0xffff;
	v54 =	vperm.xlane v41, v16;
	vm6 =	vge.f32 v31, v0;
	(xrf1) =	vsort.dscd.msk.f32 $0xffff, v35, v7;
	v41, v43, _ =	vpop (xrf1)  }
0x3ae: {  	v3 =	vsel vm5, v60, v3;
	v40 =	vperm.xlane v62, v16;
	v0 =	vsel vm6, v31, v0;
	v31, v56, _ =	vpop (xrf1)  }
0x3af: {  	v33 =	vsel vm5, v59, v33;
	v45 =	vperm.xlane v45, v16;
	vm7 =	vge.f32 v53, v1;
	v58, v57, _ =	vpop (xrf1)  }
0x3b0: {  	v32 =	vsel vm6, v63, v32;
	v35 =	vperm.xlane v55, v16;
	v38 =	vperm.xlane v58, v16;
	v60, v59, _ =	vpop (xrf1)  }
0x3b1: {  	s14 =	smov.u32 s15;
	s15 =	smov.u32 s16;
	s16 =	sadd.s32 $0x100, s16;
	v1 =	vsel vm7, v53, v1;
	v31 =	vperm.xlane v31, v16;
	v44 =	vperm.xlane v57, v16;
	v62, v61, _ =	vpop (xrf1)  }
0x3b2: {  	[tilespmem:s16+$0xFFFFFF80] =	vst v46;
	v42 =	vperm.xlane v56, v16;
	v46 =	vperm.xlane v60, v16;
	vm9 =	vge.f32 v62, v38;
	v51, v63, _ =	vpop (xrf1)  }
0x3b3: {  	vm8 =	vge.f32 v41, v31;
	v4 =	vsel vm9, v62, v38;
	v44 =	vsel vm9, v61, v44;
	v56, v50, _ =	vpop (xrf1)  }
0x3b4: {  	v31 =	vsel vm8, v41, v31;
	v5 =	vsel vm8, v43, v42;
	(xrf1) =	vsort.dscd.msk.f32 $0xffff, v4, v44;
	v57, v58, _ =	vpop (xrf1)  }
0x3b5: {  	v49 =	vperm.xlane v59, v16;
	vm10 =	vge.f32 v51, v46;
	v60, v61, _ =	vpop (xrf1);
	(xrf1) =	vsort.dscd.msk.f32 $0xffff, v31, v5  }
0x3b6: {  	v37 =	vsel vm7, v52, v54;
	v36 =	vperm.xlane v36, v16;
	v4 =	vsel vm10, v51, v46  }
0x3b7: {  	v59 =	vsel vm10, v63, v49;
	v54 =	vperm.xlane v56, v16;
	vm11 =	vge.f32 v60, v35  }
0x3b8: {  	(xrf1) =	vsort.dscd.msk.f32 $0xffff, v4, v59;
	v62, v63, _ =	vpop (xrf1);
	v5 =	vsel vm11, v60, v35;
	v4 =	vsel vm11, v61, v36  }
0x3b9: {  	v31 =	vperm.xlane v47, v16;
	vm12 =	vge.f32 v57, v2;
	v49, v51, _ =	vpop (xrf1);
	(xrf1) =	vsort.dscd.msk.f32 $0xffff, v5, v4  }
0x3ba: {  	v2 =	vsel vm12, v57, v2;
	vm13 =	vge.f32 v62, v34;
	v52, v53, _ =	vpop (xrf1);
	(xrf1) =	vsort.dscd.msk.f32 $0xffff, v3, v33  }
0x3bb: {  	v55 =	vsel vm12, v58, v31;
	v60 =	vperm.xlane v50, v16;
	v3, v33, _ =	vpop (xrf1);
	(xrf1) =	vsort.dscd.msk.f32 $0xffff, v0, v32  }
0x3bc: {  	vm14 =	vge.f32 v49, v40;
	v56 =	vsel vm13, v62, v34;
	(xrf1) =	vsort.dscd.msk.f32 $0xffff, v1, v37  }
0x3bd: {  	s17 =	sadd.s32 $0x2, s17;
	v57 =	vsel vm13, v63, v39;
	v58 =	vsel vm14, v49, v40;
	(xrf1) =	vsort.dscd.msk.f32 $0xffff, v2, v55  }
0x3be: {  	p0 =	slt.u32 s17, $0x7E;
	v59 =	vsel vm14, v51, v45;
	vm15 =	vge.f32 v52, v54;
	(xrf1) =	vsort.dscd.msk.f32 $0xffff, v56, v57  }
.Ltmp1:
0x3bf: {  	v61 =	vsel vm15, v52, v54;
	v62 =	vsel vm15, v53, v60;
	(xrf1) =	vsort.dscd.msk.f32 $0xffff, v58, v59;
	(pc) =	sbr.rel @p0 .LBB2_4-.Ltmp1, $4  }
0x3c0: {  	(xrf1) =	vsort.dscd.msk.f32 $0xffff, v61, v62  }
0x3c1: {  	(xrf1) =	vsort.dscd.msk.f32 $0xffff, v23, v24  }
0x3c2: {  	v32 =	vperm.xlane v33, v16;
	v63, v33, _ =	vpop (xrf1);
	(xrf1) =	vsort.dscd.msk.f32 $0xffff, v27, v29  }
0x3c3: {  	s18 =	sadd.s32 $0x100, s18;
	v31 =	vperm.xlane v3, v16;
	v23 =	vperm.xlane v63, v16;
	v27, v24, _ =	vpop (xrf1);
	(xrf1) =	vsort.dscd.msk.f32 $0xffff, v28, v30  }
0x3c4: {  	_ =	sdelay $0x1  }
0x3c5: {  	v0 =	vperm.xlane v33, v16;
	v1, v2, _ =	vpop (xrf1)  }
0x3c6: {  	v3 =	vperm.xlane v27, v16;
	vm0 =	vge.f32 v1, v23  }
0x3c7: {  	(xrf1) =	vsort.dscd.msk.f32 $0xffff, v19, v20;
	v19 =	vperm.xlane v24, v16;
	v0 =	vsel vm0, v2, v0;
	v2, v51, _ =	vpop (xrf1)  }
0x3c8: {  	(xrf1) =	vsort.dscd.msk.f32 $0xffff, v25, v26;
	v1 =	vsel vm0, v1, v23;
	vm4 =	vge.f32 v2, v3  }
0x3c9: {  	(xrf1) =	vsort.dscd.msk.f32 $0xffff, v1, v0;
	v1 =	vsel vm4, v51, v19  }
0x3ca: {  	v0 =	vsel vm4, v2, v3;
	_ =	sdelay $0x1  }
0x3cb: {  	v2, v3, _ =	vpop (xrf1);
	(xrf1) =	vsort.dscd.msk.f32 $0xffff, v0, v1  }
0x3cc: {  	v0, v1, _ =	vpop (xrf1)  }
0x3cd: {  	v19, v20, _ =	vpop (xrf1)  }
0x3ce: {  	v53, v52, _ =	vpop (xrf1)  }
0x3cf: {  	v25, v26, _ =	vpop (xrf1)  }
0x3d0: {  	v54, v28, _ =	vpop (xrf1)  }
0x3d1: {  	v29, v30, _ =	vpop (xrf1)  }
0x3d2: {  	v55, v34, _ =	vpop (xrf1)  }
0x3d3: {  	v35, v36, _ =	vpop (xrf1)  }
0x3d4: {  	v37, v38, _ =	vpop (xrf1)  }
0x3d5: {  	v39, v40, _ =	vpop (xrf1)  }
0x3d6: {  	v2 =	vperm.xlane v2, v16;
	v3 =	vperm.xlane v3, v16;
	v41, v42, _ =	vpop (xrf1)  }
0x3d7: {  	v0 =	vperm.xlane v0, v16;
	v1 =	vperm.xlane v1, v16;
	v43, v44, _ =	vpop (xrf1)  }
0x3d8: {  	vm6 =	vge.f32 v19, v31;
	vm7 =	vge.f32 v25, v2;
	v43 =	vperm.xlane v43, v16  }
0x3d9: {  	v2 =	vsel vm7, v25, v2;
	v3 =	vsel vm7, v26, v3;
	v44 =	vperm.xlane v44, v16;
	v45, v46, _ =	vpop (xrf1)  }
0x3da: {  	vm8 =	vge.f32 v54, v0;
	(xrf1) =	vsort.dscd.msk.f32 $0xffff, v17, v18;
	vm5 =	vge.f32 v45, v43  }
0x3db: {  	(xrf1) =	vsort.dscd.msk.f32 $0xffff, v21, v22;
	v17 =	vsel vm5, v45, v43;
	v18 =	vsel vm5, v46, v44  }
0x3dc: {  	(xrf1) =	vsort.dscd.msk.f32 $0xffff, v17, v18;
	v17 =	vsel vm6, v19, v31;
	v18 =	vsel vm6, v20, v32  }
0x3dd: {  	v0 =	vsel vm8, v54, v0;
	(xrf1) =	vsort.dscd.msk.f32 $0xffff, v17, v18;
	v17 =	vperm.xlane v53, v16  }
0x3de: {  	v1 =	vsel vm8, v28, v1;
	v18 =	vperm.xlane v52, v16;
	(xrf1) =	vsort.dscd.msk.f32 $0xffff, v2, v3  }
0x3df: {  	vm9 =	vge.f32 v29, v17;
	(xrf1) =	vsort.dscd.msk.f32 $0xffff, v0, v1  }
0x3e0: {  	v0 =	vsel vm9, v29, v17;
	v1 =	vsel vm9, v30, v18  }
0x3e1: {  	(xrf1) =	vsort.dscd.msk.f32 $0xffff, v0, v1;
	_ =	sdelay $0x3  }
0x3e2: {  	v0 =	vperm.xlane v55, v16  }
0x3e3: {  	v2 =	vperm.xlane v34, v16;
	v1 =	vperm.xlane v35, v16  }
0x3e4: {  	v3 =	vperm.xlane v36, v16;
	vm10 =	vge.f32 v37, v0  }
0x3e5: {  	v19 =	vperm.xlane v41, v16;
	vm1 =	vge.f32 v39, v1;
	v2 =	vsel vm10, v38, v2;
	v17, v18, _ =	vpop (xrf1)  }
0x3e6: {  	v58 =	vperm.xlane v42, v16;
	v0 =	vsel vm10, v37, v0;
	v3 =	vsel vm1, v40, v3;
	_, v56, _ =	vpop (xrf1)  }
0x3e7: {  	v1 =	vsel vm1, v39, v1;
	vm11 =	vge.f32 v17, v19;
	_, v57, _ =	vpop (xrf1)  }
0x3e8: {  	v18 =	vsel vm11, v18, v58;
	v59, v60, _ =	vpop (xrf1)  }
0x3e9: {  	(xrf1) =	vsort.dscd.msk.f32 $0xffff, v0, v2;
	v17 =	vsel vm11, v17, v19;
	v0, v2, _ =	vpop (xrf1);
	v19 =	vperm.xlane v59, v16  }
0x3ea: {  	(xrf1) =	vsort.dscd.msk.f32 $0xffff, v1, v3;
	v61 =	vperm.xlane v60, v16;
	v1, v3, _ =	vpop (xrf1)  }
0x3eb: {  	(xrf1) =	vsort.dscd.msk.f32 $0xffff, v17, v18;
	v0 =	vperm.xlane v0, v16;
	vm12 =	vge.f32 v1, v19  }
0x3ec: {  	v2 =	vperm.xlane v2, v16;
	v17, v18, _ =	vpop (xrf1);
	v1 =	vsel vm12, v1, v19;
	v3 =	vsel vm12, v3, v61  }
0x3ed: {  	vm13 =	vge.f32 v17, v0;
	(xrf1) =	vsort.dscd.msk.f32 $0xffff, v1, v3  }
0x3ee: {  	v0 =	vsel vm13, v17, v0;
	v1 =	vsel vm13, v18, v2  }
0x3ef: {  	(xrf1) =	vsort.dscd.msk.f32 $0xffff, v0, v1;
	_ =	sdelay $0x8  }
0x3f0: {  	v0, v1, _ =	vpop (xrf1)  }
0x3f1: {  	v2, v3, _ =	vpop (xrf1)  }
0x3f2: {  	_, v17, _ =	vpop (xrf1)  }
0x3f3: {  	v0 =	vperm.xlane v0, v16;
	v18, v19, _ =	vpop (xrf1)  }
0x3f4: {  	v1 =	vperm.xlane v1, v16;
	v18 =	vperm.xlane v18, v16  }
0x3f5: {  	vm14 =	vge.f32 v2, v0;
	v19 =	vperm.xlane v19, v16;
	v63, v62, _ =	vpop (xrf1)  }
0x3f6: {  	v0 =	vsel vm14, v2, v0;
	v1 =	vsel vm14, v3, v1;
	vm15 =	vge.f32 v63, v18  }
0x3f7: {  	(xrf1) =	vsort.dscd.msk.f32 $0xffff, v0, v1;
	v0 =	vsel vm15, v63, v18;
	v1 =	vsel vm15, v62, v19  }
0x3f8: {  	(xrf1) =	vsort.dscd.msk.f32 $0xffff, v0, v1;
	_ =	sdelay $0xc  }
0x3f9: {  	_, v0, _ =	vpop (xrf1)  }
0x3fa: {  	v3 =	vld.idx.msk [tilespmem:v57+s9+$0x0], $0xffff;
	_, v2, _ =	vpop (xrf1)  }
0x3fb: {  	v17 =	vld.idx.msk [tilespmem:v17+s9+$0x0], $0xffff  }
0x3fc: {  	v1 =	vld.idx.msk [tilespmem:v56+s9+$0x0], $0xffff  }
0x3fd: {  	v0 =	vld.idx.msk [tilespmem:v0+s9+$0x0], $0xffff  }
0x3fe: {  	s13 =	sadd.s32 $0x100, s16;
	v2 =	vld.idx.msk [tilespmem:v2+s9+$0x0], $0xffff  }
0x3ff: {  	[tilespmem:s13+$0xFFFFFF80] =	vst v3  }
0x400: {  	[tilespmem:s15+$0x0] =	vst v17  }
0x401: {  	[tilespmem:s14+$0x0] =	vst v1  }
0x402: {  	[tilespmem:s16+$0x0] =	vst v0  }
0x403: {  	[tilespmem:s13+$0x0] =	vst v2  }
0x404: {  	[hbm4b:s7+s2] =	stream.linear.scatter [tilespmem:s11], [sflag:$0x1], $0x4000, $0x38;
	[tilespmem:$0xC100] =	vst v63  }
0x405: {  	_ =	swait.ge [sflag:s10], $0x4000  }
0x406: {  	v4 =	vld [tilespmem:$0x1FFB0]  }
0x407: {  	s12 =	sadd.s32 $0x1, s12;
	v3 =	vld [tilespmem:$0x1FFA0]  }
0x408: {  	p0 =	sne.s32 s12, s8;
	v2 =	vld [tilespmem:$0x1FF90]  }
.Ltmp2:
0x409: {  	v1 =	vld [tilespmem:$0x1FF80];
	(pc) =	sbr.rel @p0 .LBB2_1-.Ltmp2, $4  }
0x40a: {  	v15 =	vld [tilespmem:$0x1FFC0]  }
0x40b: {  	v5 =	vld [tilespmem:$0x1FFD0]  }
0x40c: {  	[sflag:s10] =	ssyncset.done $0x0;
	v7 =	vld [tilespmem:$0x1FFE0]  }
0x40d: {  	v0 =	vlaneseq.u32;
	v13 =	vld [tilespmem:$0x1FFF0];
	[sflag:s10] =	ssyncadd.s32 $0xFFFFC000  }
0x40e: {  	_ =	sfence.sel $0x180000  }
0x40f: {  	[bflag:$0x0] =	sbarrier.arrive $0xFFFF  }
0x410: {  	p0 =	sne.s32 s1, $0x0;
	_ =	strace $0x90000047  }
0x411: {  	s0 =	sadd.s32 @!p0 $0x100000, s0;
	[bflag:$0x2] =	sbarrier.arrive $0xFFFF  }
0x412: {  	[sflag:s0] =	ssyncadd.tile.s32 @!p0 $0x1;
	_ =	shalt  }
.Lfunc_end2:
_tile_overlayer_lowered:
.L_overlay_start_2:
0x413: {  	(tag) =	ssettag $0x2  }
0x414: {  	s0 =	rddreg [dreg:$0x0];
	s2 =	stileid.u32  }
0x415: {  	s1 =	rddreg [dreg:$0x1];
	p0 =	sne.s32 s2, $0x0  }
0x416: {  	s3 =	rddreg [dreg:$0x2];
	[bflag:$0x3] =	sbarrier.arrive $0xFFFF;
	s2 =	simm.s32 @!p0 $0x1C01  }
0x417: {  	[timem:s3], [sflag:s2] =	dma.local @!p0 [hbm:s0], s1  }
0x418: {  	s0 =	simm.s32 @!p0 $0x1  }
0x419: {  	_ =	swait.ge @!p0 [sflag:s0], s1  }
0x41a: {  	s1 =	ssub.s32 @!p0 $0x0, s1;
	[sflag:s0] =	ssyncset.done @!p0 $0x0  }
0x41b: {  	[sflag:s0] =	ssyncadd.s32 @!p0 s1  }
0x41c: {  	[bflag:$0x3] =	sbarrier.arrive $0xFFFF  }
0x41d: {  	_ =	shalt  }

</sc_bundles>
